<compile_context>
chip_gen: v7x
topology: tpu7x:2x2x1
jax: 0.10.2.dev20260603
libtpu: 0.0.44.dev20260713+nightly
codegen_flags: <defaults>
</compile_context>

<pallas_src>
import functools

import jax
import jax.numpy as jnp
from jax import lax
from jax.experimental import pallas as pl
from jax.experimental.pallas import tpu as pltpu
from jax.experimental.pallas import tpu_sc as plsc

N = 10000
E = 160000
NC, NS = 2, 16
NW = NC * NS
C = 128
K = 40
EW = K * C
EP = NW * EW
KG0, KG1 = 56, 24
GCH = NS * (KG0 + KG1)
GPADROWS = GCH + (KG0 - KG1)


def _sc_mesh():
    return plsc.VectorSubcoreMesh(
        core_axis_name="c", subcore_axis_name="s", num_cores=NC, num_subcores=NS)


@functools.cache
def _make_sc_gather():
    @functools.partial(
        pl.kernel,
        mesh=_sc_mesh(),
        out_type=[jax.ShapeDtypeStruct((EP, 128), jnp.float32),
                  jax.ShapeDtypeStruct((EP, 128), jnp.float32)],
        scratch_types=[
            pltpu.VMEM((KG0, C), jnp.int32),
            pltpu.VMEM((KG0, C), jnp.int32),
            pltpu.VMEM((2, C, 128), jnp.float32),
            pltpu.VMEM((2, C, 128), jnp.float32),
            pltpu.SemaphoreType.DMA,
            pltpu.SemaphoreType.DMA,
            pltpu.SemaphoreType.DMA,
            pltpu.SemaphoreType.DMA,
            pltpu.SemaphoreType.DMA,
            pltpu.SemaphoreType.DMA,
            pltpu.SemaphoreType.DMA,
            pltpu.SemaphoreType.DMA,
        ],
        name="sc_gather_packed",
    )
    def k(p_hbm, dsti_hbm, srci_hbm, pd_out, ps_out,
          dv, sv, bufd, bufs, gd0, gs0, gd1, gs1, wd0, ws0, wd1, ws1):
        cid = lax.axis_index("c")
        sid = lax.axis_index("s")
        start = (KG0 + KG1) * sid + cid * KG0
        nch = jnp.where(cid == 0, KG0, KG1)
        base = start * C
        pltpu.sync_copy(dsti_hbm.at[pl.ds(start, KG0)], dv)
        pltpu.sync_copy(srci_hbm.at[pl.ds(start, KG0)], sv)
        gsem = ((gd0, gs0), (gd1, gs1))
        wsem = ((wd0, ws0), (wd1, ws1))

        def fire(j, slot):
            pltpu.async_copy(p_hbm.at[dv.at[j]], bufd.at[slot], gsem[slot][0])
            pltpu.async_copy(p_hbm.at[sv.at[j]], bufs.at[slot], gsem[slot][1])

        def wait_gather(j, slot):
            pltpu.make_async_copy(
                p_hbm.at[dv.at[j]], bufd.at[slot], gsem[slot][0]).wait()
            pltpu.make_async_copy(
                p_hbm.at[sv.at[j]], bufs.at[slot], gsem[slot][1]).wait()

        def write_start(j, slot):
            rows = pl.ds(base + j * C, C)
            pltpu.async_copy(bufd.at[slot], pd_out.at[rows], wsem[slot][0])
            pltpu.async_copy(bufs.at[slot], ps_out.at[rows], wsem[slot][1])

        def write_wait(j, slot):
            rows = pl.ds(base + j * C, C)
            pltpu.make_async_copy(
                bufd.at[slot], pd_out.at[rows], wsem[slot][0]).wait()
            pltpu.make_async_copy(
                bufs.at[slot], ps_out.at[rows], wsem[slot][1]).wait()

        fire(0, 0)
        fire(1, 1)

        def body(t, _):
            g = t * 2
            for slot in (0, 1):
                j = g + slot
                wait_gather(j, slot)
                write_start(j, slot)
            for slot in (0, 1):
                write_wait(g + slot, slot)
                fire(g + 2 + slot, slot)
            return 0

        lax.fori_loop(0, nch // 2 - 1, body, 0)
        for slot in (0, 1):
            j = nch - 2 + slot
            wait_gather(j, slot)
            write_start(j, slot)
        for slot in (0, 1):
            write_wait(nch - 2 + slot, slot)

    return k


def _sc_gather(P, dst_g, src_g):
    return _make_sc_gather()(P, dst_g, src_g)


_BN = 400
_BE = 1600


def _full(shape):
    return pl.BlockSpec(shape, lambda i: tuple(0 for _ in shape))


def _init_body(nf_ref, wi1, bi1, wi2, bi2, h_ref, p_ref):
    nf = nf_ref[...]
    t = jnp.maximum(
        jnp.dot(nf, wi1[...], preferred_element_type=jnp.float32) + bi1[...], 0.0)
    h = jnp.maximum(
        jnp.dot(t, wi2[...], preferred_element_type=jnp.float32) + bi2[...], 0.0)
    h_ref[...] = h
    p_ref[...] = jnp.concatenate(
        [nf, h, jnp.zeros((nf.shape[0], 62), jnp.float32)], axis=1)


def _tc_init(nf, wi1, bi1, wi2, bi2):
    blk = lambda c: pl.BlockSpec((_BN, c), lambda i: (i, 0))
    return pl.pallas_call(
        _init_body,
        grid=(N // _BN,),
        in_specs=[blk(2), _full((2, 128)), _full((1, 128)),
                  _full((128, 64)), _full((1, 64))],
        out_specs=[blk(64), blk(128)],
        out_shape=[jax.ShapeDtypeStruct((N, 64), jnp.float32),
                   jax.ShapeDtypeStruct((N, 128), jnp.float32)],
    )(nf, wi1, bi1, wi2, bi2)


def _edge_body(pd_ref, ps_ref, d_ref, we1, be1, we2, be2, out_ref):
    e_in = jnp.concatenate(
        [pd_ref[:, 0:66], ps_ref[:, 0:66], d_ref[...]], axis=1)
    h1 = jnp.maximum(
        jnp.dot(e_in, we1[...], preferred_element_type=jnp.float32) + be1[...],
        0.0)
    out_ref[...] = jnp.maximum(
        jnp.dot(h1, we2[...], preferred_element_type=jnp.float32) + be2[...],
        0.0)


def _tc_edge(pd, ps, d2, we1, be1, we2, be2):
    return pl.pallas_call(
        _edge_body,
        grid=(E // _BE,),
        in_specs=[pl.BlockSpec((_BE, 128), lambda i: (i, 0)),
                  pl.BlockSpec((_BE, 128), lambda i: (i, 0)),
                  pl.BlockSpec((_BE, 1), lambda i: (i, 0)),
                  _full((133, 128)), _full((1, 128)),
                  _full((128, 64)), _full((1, 64))],
        out_specs=pl.BlockSpec((_BE, 64), lambda i: (i, 0)),
        out_shape=jax.ShapeDtypeStruct((E, 64), jnp.float32),
    )(pd, ps, d2, we1, be1, we2, be2)


def _node_body(h_ref, nf_ref, agg_ref, wn1, bn1, wn2, bn2, h_out, p_out):
    nf = nf_ref[...]
    n_in = jnp.concatenate([h_ref[...], nf, agg_ref[...]], axis=1)
    t = jnp.maximum(
        jnp.dot(n_in, wn1[...], preferred_element_type=jnp.float32) + bn1[...],
        0.0)
    hn = jnp.maximum(
        jnp.dot(t, wn2[...], preferred_element_type=jnp.float32) + bn2[...],
        0.0)
    h_out[...] = hn
    p_out[...] = jnp.concatenate(
        [nf, hn, jnp.zeros((nf.shape[0], 62), jnp.float32)], axis=1)


def _tc_node(h, nf, agg, wn1, bn1, wn2, bn2):
    blk = lambda c: pl.BlockSpec((_BN, c), lambda i: (i, 0))
    return pl.pallas_call(
        _node_body,
        grid=(N // _BN,),
        in_specs=[blk(64), blk(2), blk(64), _full((130, 128)),
                  _full((1, 128)), _full((128, 64)), _full((1, 64))],
        out_specs=[blk(64), blk(128)],
        out_shape=[jax.ShapeDtypeStruct((N, 64), jnp.float32),
                   jax.ShapeDtypeStruct((N, 128), jnp.float32)],
    )(h, nf, agg, wn1, bn1, wn2, bn2)


def _head_body(pd_ref, ps_ref, d_ref, wc1, bc1, wc2, bc2, out_ref):
    c_in = jnp.concatenate(
        [pd_ref[:, 0:66], ps_ref[:, 0:66], d_ref[...]], axis=1)
    c_hid = jnp.maximum(
        jnp.dot(c_in, wc1[...], preferred_element_type=jnp.float32) + bc1[...],
        0.0)
    z = jnp.dot(c_hid, wc2[...], preferred_element_type=jnp.float32) + bc2[...]
    out_ref[...] = jax.nn.sigmoid(z)


def _tc_head(pd, ps, d2, wc1, bc1, wc2, bc2):
    return pl.pallas_call(
        _head_body,
        grid=(E // _BE,),
        in_specs=[pl.BlockSpec((_BE, 128), lambda i: (i, 0)),
                  pl.BlockSpec((_BE, 128), lambda i: (i, 0)),
                  pl.BlockSpec((_BE, 1), lambda i: (i, 0)),
                  _full((133, 64)), _full((1, 64)),
                  _full((64, 1)), _full((1, 1))],
        out_specs=pl.BlockSpec((_BE, 1), lambda i: (i, 0)),
        out_shape=jax.ShapeDtypeStruct((E, 1), jnp.float32),
    )(pd, ps, d2, wc1, bc1, wc2, bc2)


def kernel(node_features, edge_index, distance, Wi1, bi1, Wi2, bi2,
           We1, be1, We2, be2, Wn1, bn1, Wn2, bn2, Wc1, bc1, Wc2, bc2):
    src = edge_index[0].astype(jnp.int32)
    dst = edge_index[1].astype(jnp.int32)
    pad = EP - E
    gpad = ((0, GPADROWS - GCH), (0, 0))
    src_g = jnp.pad(jnp.concatenate(
        [src, jnp.zeros((pad,), jnp.int32)]).reshape(GCH, C), gpad)
    dst_g = jnp.pad(jnp.concatenate(
        [dst, jnp.zeros((pad,), jnp.int32)]).reshape(GCH, C), gpad)
    d2 = distance[:, None]
    bi1r, bi2r = bi1[None, :], bi2[None, :]
    be1r, be2r = be1[None, :], be2[None, :]
    bn1r, bn2r = bn1[None, :], bn2[None, :]
    bc1r, bc2r = bc1[None, :], bc2[None, :]

    h, P = _tc_init(node_features, Wi1, bi1r, Wi2, bi2r)

    def it(_, carry):
        h, P = carry
        pd, ps = _sc_gather(P, dst_g, src_g)
        ehid = _tc_edge(pd, ps, d2, We1, be1r, We2, be2r)
        agg = jax.ops.segment_sum(ehid, dst, num_segments=N)
        h, P = _tc_node(h, node_features, agg, Wn1, bn1r, Wn2, bn2r)
        return (h, P)

    h, P = lax.fori_loop(0, 16, it, (h, P))

    pd, ps = _sc_gather(P, dst_g, src_g)
    return _tc_head(pd, ps, d2, Wc1, bc1r, Wc2, bc2r)

# --- scband reference (transcript-rebuilt; emitter-appended) ---
"""Pipeline reference for scband-classifier-5403068859070 (READ-ONLY COPY).

The authoritative reference and input builder live on the scoring server;
editing this copy changes nothing except your own understanding.
"""

import jax, jax.numpy as jnp
import numpy as np

N_NODES = 10000
N_EDGES = 160000
NODEMB = 64
EDGEMB = 64
NODEFEAT = 2


def _lin_init(key, fan_in, fan_out):
    kw, kb = jax.random.split(key)
    W = jax.random.normal(kw, (fan_in, fan_out), dtype=jnp.float32) / np.sqrt(fan_in)
    b = jnp.zeros((fan_out,), dtype=jnp.float32)
    return W, b


def setup_inputs(seed: int = 0) -> dict:
    key = jax.random.key(seed)
    ks = jax.random.split(key, 12)
    node_features = jax.random.normal(ks[0], (N_NODES, NODEFEAT), dtype=jnp.float32)
    edge_index = jax.random.randint(ks[1], (2, N_EDGES), 0, N_NODES, dtype=jnp.int64)
    distance = jax.random.uniform(ks[2], (N_EDGES,), dtype=jnp.float32)
    # node_init: Linear(2,128) -> ReLU -> Linear(128,64) -> ReLU
    Wi1, bi1 = _lin_init(ks[3], NODEFEAT, 128)
    Wi2, bi2 = _lin_init(ks[4], 128, NODEMB)
    # edge_network: Linear(64*2+2*2+1=133,128) -> ReLU -> Linear(128,64) -> ReLU
    We1, be1 = _lin_init(ks[5], NODEMB * 2 + NODEFEAT * 2 + 1, 128)
    We2, be2 = _lin_init(ks[6], 128, EDGEMB)
    # node_network: Linear(64+2+64=130,128) -> ReLU -> Linear(128,64) -> ReLU
    Wn1, bn1 = _lin_init(ks[7], NODEMB + NODEFEAT + EDGEMB, 128)
    Wn2, bn2 = _lin_init(ks[8], 128, NODEMB)
    # edge_classifier: Linear(133,64) -> ReLU -> Linear(64,1) -> Sigmoid
    Wc1, bc1 = _lin_init(ks[9], NODEMB * 2 + NODEFEAT * 2 + 1, NODEMB)
    Wc2, bc2 = _lin_init(ks[10], NODEMB, 1)
    return {
        'node_features': node_features, 'edge_index': edge_index, 'distance': distance,
        'Wi1': Wi1, 'bi1': bi1, 'Wi2': Wi2, 'bi2': bi2,
        'We1': We1, 'be1': be1, 'We2': We2, 'be2': be2,
        'Wn1': Wn1, 'bn1': bn1, 'Wn2': Wn2, 'bn2': bn2,
        'Wc1': Wc1, 'bc1': bc1, 'Wc2': Wc2, 'bc2': bc2,
    }


def _mlp2_relu(x, W1, b1, W2, b2):
    h = jax.nn.relu(jnp.dot(x, W1) + b1)
    return jax.nn.relu(jnp.dot(h, W2) + b2)


def reference(node_features, edge_index, distance,
              Wi1, bi1, Wi2, bi2,
              We1, be1, We2, be2,
              Wn1, bn1, Wn2, bn2,
              Wc1, bc1, Wc2, bc2):
    n_nodes = node_features.shape[0]
    src = edge_index[0]
    dst = edge_index[1]
    d = distance[:, None]
    nf_src = jnp.take(node_features, src, axis=0)
    nf_dst = jnp.take(node_features, dst, axis=0)
    # node_init
    h = _mlp2_relu(node_features, Wi1, bi1, Wi2, bi2)
    for _ in range(16):
        h_src = jnp.take(h, src, axis=0)
        h_dst = jnp.take(h, dst, axis=0)
        e_in = jnp.concatenate([nf_dst, h_dst, nf_src, h_src, d], axis=1)
        e_hid = _mlp2_relu(e_in, We1, be1, We2, be2)
        # mailbox sum at destination nodes (DGL update_all with sum over incoming edges)
        agg = jax.ops.segment_sum(e_hid, dst, num_segments=n_nodes)
        n_in = jnp.concatenate([h, node_features, agg], axis=1)
        h = _mlp2_relu(n_in, Wn1, bn1, Wn2, bn2)
    # apply_edges with EdgeClassifier
    h_src = jnp.take(h, src, axis=0)
    h_dst = jnp.take(h, dst, axis=0)
    c_in = jnp.concatenate([nf_dst, h_dst, nf_src, h_src, d], axis=1)
    c_hid = jax.nn.relu(jnp.dot(c_in, Wc1) + bc1)
    out = jax.nn.sigmoid(jnp.dot(c_hid, Wc2) + bc2)
    return out

if __name__ == "__main__":
    import jax
    _d = setup_inputs()
    print(jax.jit(kernel)(*tuple(_d.values())))

</pallas_src>

<mosaic_0001>
#map = affine_map<(d0, d1) -> (0, 0)>
module attributes {stable_mosaic.version = 14 : i64} {
  func.func @sc_gather_packed(%arg0: i32, %arg1: i32, %arg2: memref<10000x128xf32, #tpu.memory_space<hbm>>, %arg3: memref<1312x128xi32, #tpu.memory_space<hbm>>, %arg4: memref<1312x128xi32, #tpu.memory_space<hbm>>, %arg5: memref<163840x128xf32, #tpu.memory_space<hbm>>, %arg6: memref<163840x128xf32, #tpu.memory_space<hbm>>, %arg7: memref<56x128xi32, #tpu.memory_space<vmem>>, %arg8: memref<56x128xi32, #tpu.memory_space<vmem>>, %arg9: memref<2x128x128xf32, #tpu.memory_space<vmem>>, %arg10: memref<2x128x128xf32, #tpu.memory_space<vmem>>, %arg11: memref<!tpu.dma_semaphore, #tpu.memory_space<semaphore_mem>>, %arg12: memref<!tpu.dma_semaphore, #tpu.memory_space<semaphore_mem>>, %arg13: memref<!tpu.dma_semaphore, #tpu.memory_space<semaphore_mem>>, %arg14: memref<!tpu.dma_semaphore, #tpu.memory_space<semaphore_mem>>, %arg15: memref<!tpu.dma_semaphore, #tpu.memory_space<semaphore_mem>>, %arg16: memref<!tpu.dma_semaphore, #tpu.memory_space<semaphore_mem>>, %arg17: memref<!tpu.dma_semaphore, #tpu.memory_space<semaphore_mem>>, %arg18: memref<!tpu.dma_semaphore, #tpu.memory_space<semaphore_mem>>) attributes {dimension_semantics = [#tpu.dimension_semantics<core_parallel>, #tpu.dimension_semantics<subcore_parallel>], iteration_bounds = array<i64: 2, 16>, scalar_prefetch = 0 : i64, scratch_operands = 12 : i64, tpu.core_type = #tpu.core_type<sc_vector_subcore>, window_params = [{transform_indices = #map}, {transform_indices = #map}, {transform_indices = #map}, {transform_indices = #map}, {transform_indices = #map}]} {
    %mul3A = arith.constant 80 : i32
    %mul3A_0 = arith.muli %mul3A, %arg1 : i32
    %mul3A_1 = arith.constant 56 : i32
    %mul3A_2 = arith.muli %arg0, %mul3A_1 : i32
    %add3A = arith.addi %mul3A_0, %mul3A_2 : i32
    %eq3A = arith.constant 0 : i32
    %eq3A_3 = arith.cmpi eq, %arg0, %eq3A : i32
    %jit3A = arith.constant 56 : i32
    %jit3A_4 = arith.constant 24 : i32
    %select_n3A = arith.select %eq3A_3, %jit3A, %jit3A_4 : i32
    %mul3A_5 = arith.constant 128 : i32
    %mul3A_6 = arith.muli %add3A, %mul3A_5 : i32
    "tpu.region"() ({
      %run_scoped3A = tpu.sem_alloc : memref<!tpu.dma_semaphore, #tpu.memory_space<semaphore_mem>>
      %dma_start3A_260 = arith.constant 0 : i32
      %dma_start3A_261 = tpu.memref_slice %arg3[%add3A, %dma_start3A_260] : memref<1312x128xi32, #tpu.memory_space<hbm>> -> memref<56x128xi32, #tpu.memory_space<hbm>>
      %dma_start3A_262 = arith.constant 0 : i32
      %dma_start3A_263 = tpu.memref_slice %arg3[%add3A, %dma_start3A_262] : memref<1312x128xi32, #tpu.memory_space<hbm>> -> memref<56x128xi32, #tpu.memory_space<hbm>>
      tpu.enqueue_dma source(%dma_start3A_263 : memref<56x128xi32, #tpu.memory_space<hbm>>) target(%arg7 : memref<56x128xi32, #tpu.memory_space<vmem>>) target_semaphore(%run_scoped3A : memref<!tpu.dma_semaphore, #tpu.memory_space<semaphore_mem>>)
      %dma_wait3A_264 = arith.constant 0 : i32
      %dma_wait3A_265 = tpu.memref_slice %arg3[%add3A, %dma_wait3A_264] : memref<1312x128xi32, #tpu.memory_space<hbm>> -> memref<56x128xi32, #tpu.memory_space<hbm>>
      %dma_wait3A_266 = arith.constant 0 : i32
      %dma_wait3A_267 = tpu.memref_slice %arg3[%add3A, %dma_wait3A_266] : memref<1312x128xi32, #tpu.memory_space<hbm>> -> memref<56x128xi32, #tpu.memory_space<hbm>>
      tpu.wait_dma2 semaphore(%run_scoped3A : memref<!tpu.dma_semaphore, #tpu.memory_space<semaphore_mem>>) src(%dma_wait3A_267 : memref<56x128xi32, #tpu.memory_space<hbm>>) dst(%arg7 : memref<56x128xi32, #tpu.memory_space<vmem>>)
      tpu.yield
    }) : () -> ()
    "tpu.region"() ({
      %run_scoped3A = tpu.sem_alloc : memref<!tpu.dma_semaphore, #tpu.memory_space<semaphore_mem>>
      %dma_start3A_260 = arith.constant 0 : i32
      %dma_start3A_261 = tpu.memref_slice %arg4[%add3A, %dma_start3A_260] : memref<1312x128xi32, #tpu.memory_space<hbm>> -> memref<56x128xi32, #tpu.memory_space<hbm>>
      %dma_start3A_262 = arith.constant 0 : i32
      %dma_start3A_263 = tpu.memref_slice %arg4[%add3A, %dma_start3A_262] : memref<1312x128xi32, #tpu.memory_space<hbm>> -> memref<56x128xi32, #tpu.memory_space<hbm>>
      tpu.enqueue_dma source(%dma_start3A_263 : memref<56x128xi32, #tpu.memory_space<hbm>>) target(%arg8 : memref<56x128xi32, #tpu.memory_space<vmem>>) target_semaphore(%run_scoped3A : memref<!tpu.dma_semaphore, #tpu.memory_space<semaphore_mem>>)
      %dma_wait3A_264 = arith.constant 0 : i32
      %dma_wait3A_265 = tpu.memref_slice %arg4[%add3A, %dma_wait3A_264] : memref<1312x128xi32, #tpu.memory_space<hbm>> -> memref<56x128xi32, #tpu.memory_space<hbm>>
      %dma_wait3A_266 = arith.constant 0 : i32
      %dma_wait3A_267 = tpu.memref_slice %arg4[%add3A, %dma_wait3A_266] : memref<1312x128xi32, #tpu.memory_space<hbm>> -> memref<56x128xi32, #tpu.memory_space<hbm>>
      tpu.wait_dma2 semaphore(%run_scoped3A : memref<!tpu.dma_semaphore, #tpu.memory_space<semaphore_mem>>) src(%dma_wait3A_267 : memref<56x128xi32, #tpu.memory_space<hbm>>) dst(%arg8 : memref<56x128xi32, #tpu.memory_space<vmem>>)
      tpu.yield
    }) : () -> ()
    %dma_start3A = arith.constant 0 : i32
    %dma_start3A_7 = arith.constant 0 : i32
    %dma_start3A_8 = arith.constant 0 : i32
    %dma_start3A_9 = arith.constant 0 : i32
    %dma_start3A_10 = tpu.memref_slice %arg9[%dma_start3A_7, %dma_start3A_8, %dma_start3A_9] : memref<2x128x128xf32, #tpu.memory_space<vmem>> -> memref<1x128x128xf32, #tpu.memory_space<vmem>>
    %dma_start3A_11 = tpu.memref_squeeze %dma_start3A_10 : memref<1x128x128xf32, #tpu.memory_space<vmem>> -> memref<128x128xf32, #tpu.memory_space<vmem>>
    %dma_start3A_12 = arith.constant 0 : i32
    %dma_start3A_13 = tpu.memref_slice %arg7[%dma_start3A, %dma_start3A_12] : memref<56x128xi32, #tpu.memory_space<vmem>> -> memref<1x128xi32, #tpu.memory_space<vmem>>
    %dma_start3A_14 = tpu.memref_squeeze %dma_start3A_13 : memref<1x128xi32, #tpu.memory_space<vmem>> -> memref<128xi32, #tpu.memory_space<vmem>>
    %dma_start3A_15 = arith.constant 0 : i32
    %dma_start3A_16 = arith.constant 0 : i32
    %dma_start3A_17 = tpu.memref_slice %arg2[%dma_start3A_15, %dma_start3A_16] : memref<10000x128xf32, #tpu.memory_space<hbm>> -> memref<10000x128xf32, #tpu.memory_space<hbm>>
    tpu.enqueue_indirect_dma source(%dma_start3A_17 : memref<10000x128xf32, #tpu.memory_space<hbm>>) target(%dma_start3A_11 : memref<128x128xf32, #tpu.memory_space<vmem>>) offsets(%dma_start3A_14 : memref<128xi32, #tpu.memory_space<vmem>>) semaphore(%arg11 : memref<!tpu.dma_semaphore, #tpu.memory_space<semaphore_mem>>)
    %dma_start3A_18 = arith.constant 0 : i32
    %dma_start3A_19 = arith.constant 0 : i32
    %dma_start3A_20 = arith.constant 0 : i32
    %dma_start3A_21 = arith.constant 0 : i32
    %dma_start3A_22 = tpu.memref_slice %arg10[%dma_start3A_19, %dma_start3A_20, %dma_start3A_21] : memref<2x128x128xf32, #tpu.memory_space<vmem>> -> memref<1x128x128xf32, #tpu.memory_space<vmem>>
    %dma_start3A_23 = tpu.memref_squeeze %dma_start3A_22 : memref<1x128x128xf32, #tpu.memory_space<vmem>> -> memref<128x128xf32, #tpu.memory_space<vmem>>
    %dma_start3A_24 = arith.constant 0 : i32
    %dma_start3A_25 = tpu.memref_slice %arg8[%dma_start3A_18, %dma_start3A_24] : memref<56x128xi32, #tpu.memory_space<vmem>> -> memref<1x128xi32, #tpu.memory_space<vmem>>
    %dma_start3A_26 = tpu.memref_squeeze %dma_start3A_25 : memref<1x128xi32, #tpu.memory_space<vmem>> -> memref<128xi32, #tpu.memory_space<vmem>>
    %dma_start3A_27 = arith.constant 0 : i32
    %dma_start3A_28 = arith.constant 0 : i32
    %dma_start3A_29 = tpu.memref_slice %arg2[%dma_start3A_27, %dma_start3A_28] : memref<10000x128xf32, #tpu.memory_space<hbm>> -> memref<10000x128xf32, #tpu.memory_space<hbm>>
    tpu.enqueue_indirect_dma source(%dma_start3A_29 : memref<10000x128xf32, #tpu.memory_space<hbm>>) target(%dma_start3A_23 : memref<128x128xf32, #tpu.memory_space<vmem>>) offsets(%dma_start3A_26 : memref<128xi32, #tpu.memory_space<vmem>>) semaphore(%arg12 : memref<!tpu.dma_semaphore, #tpu.memory_space<semaphore_mem>>)
    %dma_start3A_30 = arith.constant 1 : i32
    %dma_start3A_31 = arith.constant 1 : i32
    %dma_start3A_32 = arith.constant 0 : i32
    %dma_start3A_33 = arith.constant 0 : i32
    %dma_start3A_34 = tpu.memref_slice %arg9[%dma_start3A_31, %dma_start3A_32, %dma_start3A_33] : memref<2x128x128xf32, #tpu.memory_space<vmem>> -> memref<1x128x128xf32, #tpu.memory_space<vmem>>
    %dma_start3A_35 = tpu.memref_squeeze %dma_start3A_34 : memref<1x128x128xf32, #tpu.memory_space<vmem>> -> memref<128x128xf32, #tpu.memory_space<vmem>>
    %dma_start3A_36 = arith.constant 0 : i32
    %dma_start3A_37 = tpu.memref_slice %arg7[%dma_start3A_30, %dma_start3A_36] : memref<56x128xi32, #tpu.memory_space<vmem>> -> memref<1x128xi32, #tpu.memory_space<vmem>>
    %dma_start3A_38 = tpu.memref_squeeze %dma_start3A_37 : memref<1x128xi32, #tpu.memory_space<vmem>> -> memref<128xi32, #tpu.memory_space<vmem>>
    %dma_start3A_39 = arith.constant 0 : i32
    %dma_start3A_40 = arith.constant 0 : i32
    %dma_start3A_41 = tpu.memref_slice %arg2[%dma_start3A_39, %dma_start3A_40] : memref<10000x128xf32, #tpu.memory_space<hbm>> -> memref<10000x128xf32, #tpu.memory_space<hbm>>
    tpu.enqueue_indirect_dma source(%dma_start3A_41 : memref<10000x128xf32, #tpu.memory_space<hbm>>) target(%dma_start3A_35 : memref<128x128xf32, #tpu.memory_space<vmem>>) offsets(%dma_start3A_38 : memref<128xi32, #tpu.memory_space<vmem>>) semaphore(%arg13 : memref<!tpu.dma_semaphore, #tpu.memory_space<semaphore_mem>>)
    %dma_start3A_42 = arith.constant 1 : i32
    %dma_start3A_43 = arith.constant 1 : i32
    %dma_start3A_44 = arith.constant 0 : i32
    %dma_start3A_45 = arith.constant 0 : i32
    %dma_start3A_46 = tpu.memref_slice %arg10[%dma_start3A_43, %dma_start3A_44, %dma_start3A_45] : memref<2x128x128xf32, #tpu.memory_space<vmem>> -> memref<1x128x128xf32, #tpu.memory_space<vmem>>
    %dma_start3A_47 = tpu.memref_squeeze %dma_start3A_46 : memref<1x128x128xf32, #tpu.memory_space<vmem>> -> memref<128x128xf32, #tpu.memory_space<vmem>>
    %dma_start3A_48 = arith.constant 0 : i32
    %dma_start3A_49 = tpu.memref_slice %arg8[%dma_start3A_42, %dma_start3A_48] : memref<56x128xi32, #tpu.memory_space<vmem>> -> memref<1x128xi32, #tpu.memory_space<vmem>>
    %dma_start3A_50 = tpu.memref_squeeze %dma_start3A_49 : memref<1x128xi32, #tpu.memory_space<vmem>> -> memref<128xi32, #tpu.memory_space<vmem>>
    %dma_start3A_51 = arith.constant 0 : i32
    %dma_start3A_52 = arith.constant 0 : i32
    %dma_start3A_53 = tpu.memref_slice %arg2[%dma_start3A_51, %dma_start3A_52] : memref<10000x128xf32, #tpu.memory_space<hbm>> -> memref<10000x128xf32, #tpu.memory_space<hbm>>
    tpu.enqueue_indirect_dma source(%dma_start3A_53 : memref<10000x128xf32, #tpu.memory_space<hbm>>) target(%dma_start3A_47 : memref<128x128xf32, #tpu.memory_space<vmem>>) offsets(%dma_start3A_50 : memref<128xi32, #tpu.memory_space<vmem>>) semaphore(%arg14 : memref<!tpu.dma_semaphore, #tpu.memory_space<semaphore_mem>>)
    %jit3A_54 = arith.constant 2 : i32
    %div3A = arith.divsi %select_n3A, %jit3A_54 : i32
    %sign3A = arith.constant 0 : i32
    %sign3A_55 = arith.cmpi sgt, %select_n3A, %sign3A : i32
    %sign3A_56 = arith.extui %sign3A_55 : i1 to i32
    %sign3A_57 = arith.constant 0 : i32
    %sign3A_58 = arith.cmpi slt, %select_n3A, %sign3A_57 : i32
    %sign3A_59 = arith.extui %sign3A_58 : i1 to i32
    %sign3A_60 = arith.subi %sign3A_56, %sign3A_59 : i32
    %sign3A_61 = arith.constant 0 : i32
    %sign3A_62 = arith.cmpi sgt, %jit3A_54, %sign3A_61 : i32
    %sign3A_63 = arith.extui %sign3A_62 : i1 to i32
    %sign3A_64 = arith.constant 0 : i32
    %sign3A_65 = arith.cmpi slt, %jit3A_54, %sign3A_64 : i32
    %sign3A_66 = arith.extui %sign3A_65 : i1 to i32
    %sign3A_67 = arith.subi %sign3A_63, %sign3A_66 : i32
    %ne3A = arith.cmpi ne, %sign3A_60, %sign3A_67 : i32
    %rem3A = arith.remsi %select_n3A, %jit3A_54 : i32
    %ne3A_68 = arith.constant 0 : i32
    %ne3A_69 = arith.cmpi ne, %rem3A, %ne3A_68 : i32
    %and3A = arith.andi %ne3A, %ne3A_69 : i1
    %sub3A = arith.constant 1 : i32
    %sub3A_70 = arith.subi %div3A, %sub3A : i32
    %select_n3A_71 = arith.select %and3A, %sub3A_70, %div3A : i32
    %sub3A_72 = arith.constant 1 : i32
    %sub3A_73 = arith.subi %select_n3A_71, %sub3A_72 : i32
    %while3A = arith.constant 0 : i32
    %while3A_74 = arith.constant 0 : i32
    %while3A_75 = arith.subi %sub3A_73, %while3A : i32
    %while3A_76 = arith.addi %while3A, %while3A_75 : i32
    %while3A_77 = arith.constant 1 : i32
    %while3A_78 = arith.divsi %while3A_75, %while3A_77 : i32
    %while3A_79 = arith.muli %while3A_78, %while3A_77 : i32
    %while3A_80 = arith.addi %while3A, %while3A_79 : i32
    %while3A_81 = arith.constant 1 : i32
    %while3A_82 = scf.for %while3A_260 = %while3A to %while3A_80 step %while3A_81 iter_args(%while3A_261 = %while3A_74) -> (i32)  : i32 {
      %mul3A_262 = arith.constant 2 : i32
      %mul3A_263 = arith.muli %while3A_260, %mul3A_262 : i32
      %add3A_264 = arith.constant 0 : i32
      %add3A_265 = arith.addi %mul3A_263, %add3A_264 : i32
      %dma_wait3A_266 = arith.constant 0 : i32
      %dma_wait3A_267 = arith.constant 0 : i32
      %dma_wait3A_268 = arith.constant 0 : i32
      %dma_wait3A_269 = tpu.memref_slice %arg9[%dma_wait3A_266, %dma_wait3A_267, %dma_wait3A_268] : memref<2x128x128xf32, #tpu.memory_space<vmem>> -> memref<1x128x128xf32, #tpu.memory_space<vmem>>
      %dma_wait3A_270 = tpu.memref_squeeze %dma_wait3A_269 : memref<1x128x128xf32, #tpu.memory_space<vmem>> -> memref<128x128xf32, #tpu.memory_space<vmem>>
      %dma_wait3A_271 = arith.constant 0 : i32
      %dma_wait3A_272 = tpu.memref_slice %arg7[%add3A_265, %dma_wait3A_271] : memref<56x128xi32, #tpu.memory_space<vmem>> -> memref<1x128xi32, #tpu.memory_space<vmem>>
      %dma_wait3A_273 = tpu.memref_squeeze %dma_wait3A_272 : memref<1x128xi32, #tpu.memory_space<vmem>> -> memref<128xi32, #tpu.memory_space<vmem>>
      %dma_wait3A_274 = arith.constant 0 : i32
      %dma_wait3A_275 = arith.constant 0 : i32
      %dma_wait3A_276 = tpu.memref_slice %arg2[%dma_wait3A_274, %dma_wait3A_275] : memref<10000x128xf32, #tpu.memory_space<hbm>> -> memref<10000x128xf32, #tpu.memory_space<hbm>>
      tpu.wait_indirect_dma semaphore(%arg11 : memref<!tpu.dma_semaphore, #tpu.memory_space<semaphore_mem>>) src(%dma_wait3A_276 : memref<10000x128xf32, #tpu.memory_space<hbm>>) dst(%dma_wait3A_270 : memref<128x128xf32, #tpu.memory_space<vmem>>)
      %dma_wait3A_277 = arith.constant 0 : i32
      %dma_wait3A_278 = arith.constant 0 : i32
      %dma_wait3A_279 = arith.constant 0 : i32
      %dma_wait3A_280 = tpu.memref_slice %arg10[%dma_wait3A_277, %dma_wait3A_278, %dma_wait3A_279] : memref<2x128x128xf32, #tpu.memory_space<vmem>> -> memref<1x128x128xf32, #tpu.memory_space<vmem>>
      %dma_wait3A_281 = tpu.memref_squeeze %dma_wait3A_280 : memref<1x128x128xf32, #tpu.memory_space<vmem>> -> memref<128x128xf32, #tpu.memory_space<vmem>>
      %dma_wait3A_282 = arith.constant 0 : i32
      %dma_wait3A_283 = tpu.memref_slice %arg8[%add3A_265, %dma_wait3A_282] : memref<56x128xi32, #tpu.memory_space<vmem>> -> memref<1x128xi32, #tpu.memory_space<vmem>>
      %dma_wait3A_284 = tpu.memref_squeeze %dma_wait3A_283 : memref<1x128xi32, #tpu.memory_space<vmem>> -> memref<128xi32, #tpu.memory_space<vmem>>
      %dma_wait3A_285 = arith.constant 0 : i32
      %dma_wait3A_286 = arith.constant 0 : i32
      %dma_wait3A_287 = tpu.memref_slice %arg2[%dma_wait3A_285, %dma_wait3A_286] : memref<10000x128xf32, #tpu.memory_space<hbm>> -> memref<10000x128xf32, #tpu.memory_space<hbm>>
      tpu.wait_indirect_dma semaphore(%arg12 : memref<!tpu.dma_semaphore, #tpu.memory_space<semaphore_mem>>) src(%dma_wait3A_287 : memref<10000x128xf32, #tpu.memory_space<hbm>>) dst(%dma_wait3A_281 : memref<128x128xf32, #tpu.memory_space<vmem>>)
      %mul3A_288 = arith.constant 128 : i32
      %mul3A_289 = arith.muli %add3A_265, %mul3A_288 : i32
      %add3A_290 = arith.addi %mul3A_6, %mul3A_289 : i32
      %dma_start3A_291 = arith.constant 0 : i32
      %dma_start3A_292 = arith.constant 0 : i32
      %dma_start3A_293 = arith.constant 0 : i32
      %dma_start3A_294 = tpu.memref_slice %arg9[%dma_start3A_291, %dma_start3A_292, %dma_start3A_293] : memref<2x128x128xf32, #tpu.memory_space<vmem>> -> memref<1x128x128xf32, #tpu.memory_space<vmem>>
      %dma_start3A_295 = tpu.memref_squeeze %dma_start3A_294 : memref<1x128x128xf32, #tpu.memory_space<vmem>> -> memref<128x128xf32, #tpu.memory_space<vmem>>
      %dma_start3A_296 = arith.constant 0 : i32
      %dma_start3A_297 = tpu.memref_slice %arg5[%add3A_290, %dma_start3A_296] : memref<163840x128xf32, #tpu.memory_space<hbm>> -> memref<128x128xf32, #tpu.memory_space<hbm>>
      %dma_start3A_298 = arith.constant 0 : i32
      %dma_start3A_299 = tpu.memref_slice %arg5[%add3A_290, %dma_start3A_298] : memref<163840x128xf32, #tpu.memory_space<hbm>> -> memref<128x128xf32, #tpu.memory_space<hbm>>
      %dma_start3A_300 = arith.constant 0 : i32
      %dma_start3A_301 = arith.constant 0 : i32
      %dma_start3A_302 = tpu.memref_slice %arg9[%dma_start3A_291, %dma_start3A_300, %dma_start3A_301] : memref<2x128x128xf32, #tpu.memory_space<vmem>> -> memref<1x128x128xf32, #tpu.memory_space<vmem>>
      %dma_start3A_303 = tpu.memref_squeeze %dma_start3A_302 : memref<1x128x128xf32, #tpu.memory_space<vmem>> -> memref<128x128xf32, #tpu.memory_space<vmem>>
      tpu.enqueue_dma source(%dma_start3A_303 : memref<128x128xf32, #tpu.memory_space<vmem>>) target(%dma_start3A_299 : memref<128x128xf32, #tpu.memory_space<hbm>>) target_semaphore(%arg15 : memref<!tpu.dma_semaphore, #tpu.memory_space<semaphore_mem>>)
      %dma_start3A_304 = arith.constant 0 : i32
      %dma_start3A_305 = arith.constant 0 : i32
      %dma_start3A_306 = arith.constant 0 : i32
      %dma_start3A_307 = tpu.memref_slice %arg10[%dma_start3A_304, %dma_start3A_305, %dma_start3A_306] : memref<2x128x128xf32, #tpu.memory_space<vmem>> -> memref<1x128x128xf32, #tpu.memory_space<vmem>>
      %dma_start3A_308 = tpu.memref_squeeze %dma_start3A_307 : memref<1x128x128xf32, #tpu.memory_space<vmem>> -> memref<128x128xf32, #tpu.memory_space<vmem>>
      %dma_start3A_309 = arith.constant 0 : i32
      %dma_start3A_310 = tpu.memref_slice %arg6[%add3A_290, %dma_start3A_309] : memref<163840x128xf32, #tpu.memory_space<hbm>> -> memref<128x128xf32, #tpu.memory_space<hbm>>
      %dma_start3A_311 = arith.constant 0 : i32
      %dma_start3A_312 = tpu.memref_slice %arg6[%add3A_290, %dma_start3A_311] : memref<163840x128xf32, #tpu.memory_space<hbm>> -> memref<128x128xf32, #tpu.memory_space<hbm>>
      %dma_start3A_313 = arith.constant 0 : i32
      %dma_start3A_314 = arith.constant 0 : i32
      %dma_start3A_315 = tpu.memref_slice %arg10[%dma_start3A_304, %dma_start3A_313, %dma_start3A_314] : memref<2x128x128xf32, #tpu.memory_space<vmem>> -> memref<1x128x128xf32, #tpu.memory_space<vmem>>
      %dma_start3A_316 = tpu.memref_squeeze %dma_start3A_315 : memref<1x128x128xf32, #tpu.memory_space<vmem>> -> memref<128x128xf32, #tpu.memory_space<vmem>>
      tpu.enqueue_dma source(%dma_start3A_316 : memref<128x128xf32, #tpu.memory_space<vmem>>) target(%dma_start3A_312 : memref<128x128xf32, #tpu.memory_space<hbm>>) target_semaphore(%arg16 : memref<!tpu.dma_semaphore, #tpu.memory_space<semaphore_mem>>)
      %add3A_317 = arith.constant 1 : i32
      %add3A_318 = arith.addi %mul3A_263, %add3A_317 : i32
      %dma_wait3A_319 = arith.constant 1 : i32
      %dma_wait3A_320 = arith.constant 0 : i32
      %dma_wait3A_321 = arith.constant 0 : i32
      %dma_wait3A_322 = tpu.memref_slice %arg9[%dma_wait3A_319, %dma_wait3A_320, %dma_wait3A_321] : memref<2x128x128xf32, #tpu.memory_space<vmem>> -> memref<1x128x128xf32, #tpu.memory_space<vmem>>
      %dma_wait3A_323 = tpu.memref_squeeze %dma_wait3A_322 : memref<1x128x128xf32, #tpu.memory_space<vmem>> -> memref<128x128xf32, #tpu.memory_space<vmem>>
      %dma_wait3A_324 = arith.constant 0 : i32
      %dma_wait3A_325 = tpu.memref_slice %arg7[%add3A_318, %dma_wait3A_324] : memref<56x128xi32, #tpu.memory_space<vmem>> -> memref<1x128xi32, #tpu.memory_space<vmem>>
      %dma_wait3A_326 = tpu.memref_squeeze %dma_wait3A_325 : memref<1x128xi32, #tpu.memory_space<vmem>> -> memref<128xi32, #tpu.memory_space<vmem>>
      %dma_wait3A_327 = arith.constant 0 : i32
      %dma_wait3A_328 = arith.constant 0 : i32
      %dma_wait3A_329 = tpu.memref_slice %arg2[%dma_wait3A_327, %dma_wait3A_328] : memref<10000x128xf32, #tpu.memory_space<hbm>> -> memref<10000x128xf32, #tpu.memory_space<hbm>>
      tpu.wait_indirect_dma semaphore(%arg13 : memref<!tpu.dma_semaphore, #tpu.memory_space<semaphore_mem>>) src(%dma_wait3A_329 : memref<10000x128xf32, #tpu.memory_space<hbm>>) dst(%dma_wait3A_323 : memref<128x128xf32, #tpu.memory_space<vmem>>)
      %dma_wait3A_330 = arith.constant 1 : i32
      %dma_wait3A_331 = arith.constant 0 : i32
      %dma_wait3A_332 = arith.constant 0 : i32
      %dma_wait3A_333 = tpu.memref_slice %arg10[%dma_wait3A_330, %dma_wait3A_331, %dma_wait3A_332] : memref<2x128x128xf32, #tpu.memory_space<vmem>> -> memref<1x128x128xf32, #tpu.memory_space<vmem>>
      %dma_wait3A_334 = tpu.memref_squeeze %dma_wait3A_333 : memref<1x128x128xf32, #tpu.memory_space<vmem>> -> memref<128x128xf32, #tpu.memory_space<vmem>>
      %dma_wait3A_335 = arith.constant 0 : i32
      %dma_wait3A_336 = tpu.memref_slice %arg8[%add3A_318, %dma_wait3A_335] : memref<56x128xi32, #tpu.memory_space<vmem>> -> memref<1x128xi32, #tpu.memory_space<vmem>>
      %dma_wait3A_337 = tpu.memref_squeeze %dma_wait3A_336 : memref<1x128xi32, #tpu.memory_space<vmem>> -> memref<128xi32, #tpu.memory_space<vmem>>
      %dma_wait3A_338 = arith.constant 0 : i32
      %dma_wait3A_339 = arith.constant 0 : i32
      %dma_wait3A_340 = tpu.memref_slice %arg2[%dma_wait3A_338, %dma_wait3A_339] : memref<10000x128xf32, #tpu.memory_space<hbm>> -> memref<10000x128xf32, #tpu.memory_space<hbm>>
      tpu.wait_indirect_dma semaphore(%arg14 : memref<!tpu.dma_semaphore, #tpu.memory_space<semaphore_mem>>) src(%dma_wait3A_340 : memref<10000x128xf32, #tpu.memory_space<hbm>>) dst(%dma_wait3A_334 : memref<128x128xf32, #tpu.memory_space<vmem>>)
      %mul3A_341 = arith.constant 128 : i32
      %mul3A_342 = arith.muli %add3A_318, %mul3A_341 : i32
      %add3A_343 = arith.addi %mul3A_6, %mul3A_342 : i32
      %dma_start3A_344 = arith.constant 1 : i32
      %dma_start3A_345 = arith.constant 0 : i32
      %dma_start3A_346 = arith.constant 0 : i32
      %dma_start3A_347 = tpu.memref_slice %arg9[%dma_start3A_344, %dma_start3A_345, %dma_start3A_346] : memref<2x128x128xf32, #tpu.memory_space<vmem>> -> memref<1x128x128xf32, #tpu.memory_space<vmem>>
      %dma_start3A_348 = tpu.memref_squeeze %dma_start3A_347 : memref<1x128x128xf32, #tpu.memory_space<vmem>> -> memref<128x128xf32, #tpu.memory_space<vmem>>
      %dma_start3A_349 = arith.constant 0 : i32
      %dma_start3A_350 = tpu.memref_slice %arg5[%add3A_343, %dma_start3A_349] : memref<163840x128xf32, #tpu.memory_space<hbm>> -> memref<128x128xf32, #tpu.memory_space<hbm>>
      %dma_start3A_351 = arith.constant 0 : i32
      %dma_start3A_352 = tpu.memref_slice %arg5[%add3A_343, %dma_start3A_351] : memref<163840x128xf32, #tpu.memory_space<hbm>> -> memref<128x128xf32, #tpu.memory_space<hbm>>
      %dma_start3A_353 = arith.constant 0 : i32
      %dma_start3A_354 = arith.constant 0 : i32
      %dma_start3A_355 = tpu.memref_slice %arg9[%dma_start3A_344, %dma_start3A_353, %dma_start3A_354] : memref<2x128x128xf32, #tpu.memory_space<vmem>> -> memref<1x128x128xf32, #tpu.memory_space<vmem>>
      %dma_start3A_356 = tpu.memref_squeeze %dma_start3A_355 : memref<1x128x128xf32, #tpu.memory_space<vmem>> -> memref<128x128xf32, #tpu.memory_space<vmem>>
      tpu.enqueue_dma source(%dma_start3A_356 : memref<128x128xf32, #tpu.memory_space<vmem>>) target(%dma_start3A_352 : memref<128x128xf32, #tpu.memory_space<hbm>>) target_semaphore(%arg17 : memref<!tpu.dma_semaphore, #tpu.memory_space<semaphore_mem>>)
      %dma_start3A_357 = arith.constant 1 : i32
      %dma_start3A_358 = arith.constant 0 : i32
      %dma_start3A_359 = arith.constant 0 : i32
      %dma_start3A_360 = tpu.memref_slice %arg10[%dma_start3A_357, %dma_start3A_358, %dma_start3A_359] : memref<2x128x128xf32, #tpu.memory_space<vmem>> -> memref<1x128x128xf32, #tpu.memory_space<vmem>>
      %dma_start3A_361 = tpu.memref_squeeze %dma_start3A_360 : memref<1x128x128xf32, #tpu.memory_space<vmem>> -> memref<128x128xf32, #tpu.memory_space<vmem>>
      %dma_start3A_362 = arith.constant 0 : i32
      %dma_start3A_363 = tpu.memref_slice %arg6[%add3A_343, %dma_start3A_362] : memref<163840x128xf32, #tpu.memory_space<hbm>> -> memref<128x128xf32, #tpu.memory_space<hbm>>
      %dma_start3A_364 = arith.constant 0 : i32
      %dma_start3A_365 = tpu.memref_slice %arg6[%add3A_343, %dma_start3A_364] : memref<163840x128xf32, #tpu.memory_space<hbm>> -> memref<128x128xf32, #tpu.memory_space<hbm>>
      %dma_start3A_366 = arith.constant 0 : i32
      %dma_start3A_367 = arith.constant 0 : i32
      %dma_start3A_368 = tpu.memref_slice %arg10[%dma_start3A_357, %dma_start3A_366, %dma_start3A_367] : memref<2x128x128xf32, #tpu.memory_space<vmem>> -> memref<1x128x128xf32, #tpu.memory_space<vmem>>
      %dma_start3A_369 = tpu.memref_squeeze %dma_start3A_368 : memref<1x128x128xf32, #tpu.memory_space<vmem>> -> memref<128x128xf32, #tpu.memory_space<vmem>>
      tpu.enqueue_dma source(%dma_start3A_369 : memref<128x128xf32, #tpu.memory_space<vmem>>) target(%dma_start3A_365 : memref<128x128xf32, #tpu.memory_space<hbm>>) target_semaphore(%arg18 : memref<!tpu.dma_semaphore, #tpu.memory_space<semaphore_mem>>)
      %add3A_370 = arith.constant 0 : i32
      %add3A_371 = arith.addi %mul3A_263, %add3A_370 : i32
      %mul3A_372 = arith.constant 128 : i32
      %mul3A_373 = arith.muli %add3A_371, %mul3A_372 : i32
      %add3A_374 = arith.addi %mul3A_6, %mul3A_373 : i32
      %dma_wait3A_375 = arith.constant 0 : i32
      %dma_wait3A_376 = arith.constant 0 : i32
      %dma_wait3A_377 = arith.constant 0 : i32
      %dma_wait3A_378 = tpu.memref_slice %arg9[%dma_wait3A_375, %dma_wait3A_376, %dma_wait3A_377] : memref<2x128x128xf32, #tpu.memory_space<vmem>> -> memref<1x128x128xf32, #tpu.memory_space<vmem>>
      %dma_wait3A_379 = tpu.memref_squeeze %dma_wait3A_378 : memref<1x128x128xf32, #tpu.memory_space<vmem>> -> memref<128x128xf32, #tpu.memory_space<vmem>>
      %dma_wait3A_380 = arith.constant 0 : i32
      %dma_wait3A_381 = tpu.memref_slice %arg5[%add3A_374, %dma_wait3A_380] : memref<163840x128xf32, #tpu.memory_space<hbm>> -> memref<128x128xf32, #tpu.memory_space<hbm>>
      %dma_wait3A_382 = arith.constant 0 : i32
      %dma_wait3A_383 = tpu.memref_slice %arg5[%add3A_374, %dma_wait3A_382] : memref<163840x128xf32, #tpu.memory_space<hbm>> -> memref<128x128xf32, #tpu.memory_space<hbm>>
      %dma_wait3A_384 = arith.constant 0 : i32
      %dma_wait3A_385 = arith.constant 0 : i32
      %dma_wait3A_386 = tpu.memref_slice %arg9[%dma_wait3A_375, %dma_wait3A_384, %dma_wait3A_385] : memref<2x128x128xf32, #tpu.memory_space<vmem>> -> memref<1x128x128xf32, #tpu.memory_space<vmem>>
      %dma_wait3A_387 = tpu.memref_squeeze %dma_wait3A_386 : memref<1x128x128xf32, #tpu.memory_space<vmem>> -> memref<128x128xf32, #tpu.memory_space<vmem>>
      tpu.wait_dma2 semaphore(%arg15 : memref<!tpu.dma_semaphore, #tpu.memory_space<semaphore_mem>>) src(%dma_wait3A_387 : memref<128x128xf32, #tpu.memory_space<vmem>>) dst(%dma_wait3A_383 : memref<128x128xf32, #tpu.memory_space<hbm>>)
      %dma_wait3A_388 = arith.constant 0 : i32
      %dma_wait3A_389 = arith.constant 0 : i32
      %dma_wait3A_390 = arith.constant 0 : i32
      %dma_wait3A_391 = tpu.memref_slice %arg10[%dma_wait3A_388, %dma_wait3A_389, %dma_wait3A_390] : memref<2x128x128xf32, #tpu.memory_space<vmem>> -> memref<1x128x128xf32, #tpu.memory_space<vmem>>
      %dma_wait3A_392 = tpu.memref_squeeze %dma_wait3A_391 : memref<1x128x128xf32, #tpu.memory_space<vmem>> -> memref<128x128xf32, #tpu.memory_space<vmem>>
      %dma_wait3A_393 = arith.constant 0 : i32
      %dma_wait3A_394 = tpu.memref_slice %arg6[%add3A_374, %dma_wait3A_393] : memref<163840x128xf32, #tpu.memory_space<hbm>> -> memref<128x128xf32, #tpu.memory_space<hbm>>
      %dma_wait3A_395 = arith.constant 0 : i32
      %dma_wait3A_396 = tpu.memref_slice %arg6[%add3A_374, %dma_wait3A_395] : memref<163840x128xf32, #tpu.memory_space<hbm>> -> memref<128x128xf32, #tpu.memory_space<hbm>>
      %dma_wait3A_397 = arith.constant 0 : i32
      %dma_wait3A_398 = arith.constant 0 : i32
      %dma_wait3A_399 = tpu.memref_slice %arg10[%dma_wait3A_388, %dma_wait3A_397, %dma_wait3A_398] : memref<2x128x128xf32, #tpu.memory_space<vmem>> -> memref<1x128x128xf32, #tpu.memory_space<vmem>>
      %dma_wait3A_400 = tpu.memref_squeeze %dma_wait3A_399 : memref<1x128x128xf32, #tpu.memory_space<vmem>> -> memref<128x128xf32, #tpu.memory_space<vmem>>
      tpu.wait_dma2 semaphore(%arg16 : memref<!tpu.dma_semaphore, #tpu.memory_space<semaphore_mem>>) src(%dma_wait3A_400 : memref<128x128xf32, #tpu.memory_space<vmem>>) dst(%dma_wait3A_396 : memref<128x128xf32, #tpu.memory_space<hbm>>)
      %add3A_401 = arith.constant 2 : i32
      %add3A_402 = arith.addi %mul3A_263, %add3A_401 : i32
      %add3A_403 = arith.constant 0 : i32
      %add3A_404 = arith.addi %add3A_402, %add3A_403 : i32
      %dma_start3A_405 = arith.constant 0 : i32
      %dma_start3A_406 = arith.constant 0 : i32
      %dma_start3A_407 = arith.constant 0 : i32
      %dma_start3A_408 = tpu.memref_slice %arg9[%dma_start3A_405, %dma_start3A_406, %dma_start3A_407] : memref<2x128x128xf32, #tpu.memory_space<vmem>> -> memref<1x128x128xf32, #tpu.memory_space<vmem>>
      %dma_start3A_409 = tpu.memref_squeeze %dma_start3A_408 : memref<1x128x128xf32, #tpu.memory_space<vmem>> -> memref<128x128xf32, #tpu.memory_space<vmem>>
      %dma_start3A_410 = arith.constant 0 : i32
      %dma_start3A_411 = tpu.memref_slice %arg7[%add3A_404, %dma_start3A_410] : memref<56x128xi32, #tpu.memory_space<vmem>> -> memref<1x128xi32, #tpu.memory_space<vmem>>
      %dma_start3A_412 = tpu.memref_squeeze %dma_start3A_411 : memref<1x128xi32, #tpu.memory_space<vmem>> -> memref<128xi32, #tpu.memory_space<vmem>>
      %dma_start3A_413 = arith.constant 0 : i32
      %dma_start3A_414 = arith.constant 0 : i32
      %dma_start3A_415 = tpu.memref_slice %arg2[%dma_start3A_413, %dma_start3A_414] : memref<10000x128xf32, #tpu.memory_space<hbm>> -> memref<10000x128xf32, #tpu.memory_space<hbm>>
      tpu.enqueue_indirect_dma source(%dma_start3A_415 : memref<10000x128xf32, #tpu.memory_space<hbm>>) target(%dma_start3A_409 : memref<128x128xf32, #tpu.memory_space<vmem>>) offsets(%dma_start3A_412 : memref<128xi32, #tpu.memory_space<vmem>>) semaphore(%arg11 : memref<!tpu.dma_semaphore, #tpu.memory_space<semaphore_mem>>)
      %dma_start3A_416 = arith.constant 0 : i32
      %dma_start3A_417 = arith.constant 0 : i32
      %dma_start3A_418 = arith.constant 0 : i32
      %dma_start3A_419 = tpu.memref_slice %arg10[%dma_start3A_416, %dma_start3A_417, %dma_start3A_418] : memref<2x128x128xf32, #tpu.memory_space<vmem>> -> memref<1x128x128xf32, #tpu.memory_space<vmem>>
      %dma_start3A_420 = tpu.memref_squeeze %dma_start3A_419 : memref<1x128x128xf32, #tpu.memory_space<vmem>> -> memref<128x128xf32, #tpu.memory_space<vmem>>
      %dma_start3A_421 = arith.constant 0 : i32
      %dma_start3A_422 = tpu.memref_slice %arg8[%add3A_404, %dma_start3A_421] : memref<56x128xi32, #tpu.memory_space<vmem>> -> memref<1x128xi32, #tpu.memory_space<vmem>>
      %dma_start3A_423 = tpu.memref_squeeze %dma_start3A_422 : memref<1x128xi32, #tpu.memory_space<vmem>> -> memref<128xi32, #tpu.memory_space<vmem>>
      %dma_start3A_424 = arith.constant 0 : i32
      %dma_start3A_425 = arith.constant 0 : i32
      %dma_start3A_426 = tpu.memref_slice %arg2[%dma_start3A_424, %dma_start3A_425] : memref<10000x128xf32, #tpu.memory_space<hbm>> -> memref<10000x128xf32, #tpu.memory_space<hbm>>
      tpu.enqueue_indirect_dma source(%dma_start3A_426 : memref<10000x128xf32, #tpu.memory_space<hbm>>) target(%dma_start3A_420 : memref<128x128xf32, #tpu.memory_space<vmem>>) offsets(%dma_start3A_423 : memref<128xi32, #tpu.memory_space<vmem>>) semaphore(%arg12 : memref<!tpu.dma_semaphore, #tpu.memory_space<semaphore_mem>>)
      %add3A_427 = arith.constant 1 : i32
      %add3A_428 = arith.addi %mul3A_263, %add3A_427 : i32
      %mul3A_429 = arith.constant 128 : i32
      %mul3A_430 = arith.muli %add3A_428, %mul3A_429 : i32
      %add3A_431 = arith.addi %mul3A_6, %mul3A_430 : i32
      %dma_wait3A_432 = arith.constant 1 : i32
      %dma_wait3A_433 = arith.constant 0 : i32
      %dma_wait3A_434 = arith.constant 0 : i32
      %dma_wait3A_435 = tpu.memref_slice %arg9[%dma_wait3A_432, %dma_wait3A_433, %dma_wait3A_434] : memref<2x128x128xf32, #tpu.memory_space<vmem>> -> memref<1x128x128xf32, #tpu.memory_space<vmem>>
      %dma_wait3A_436 = tpu.memref_squeeze %dma_wait3A_435 : memref<1x128x128xf32, #tpu.memory_space<vmem>> -> memref<128x128xf32, #tpu.memory_space<vmem>>
      %dma_wait3A_437 = arith.constant 0 : i32
      %dma_wait3A_438 = tpu.memref_slice %arg5[%add3A_431, %dma_wait3A_437] : memref<163840x128xf32, #tpu.memory_space<hbm>> -> memref<128x128xf32, #tpu.memory_space<hbm>>
      %dma_wait3A_439 = arith.constant 0 : i32
      %dma_wait3A_440 = tpu.memref_slice %arg5[%add3A_431, %dma_wait3A_439] : memref<163840x128xf32, #tpu.memory_space<hbm>> -> memref<128x128xf32, #tpu.memory_space<hbm>>
      %dma_wait3A_441 = arith.constant 0 : i32
      %dma_wait3A_442 = arith.constant 0 : i32
      %dma_wait3A_443 = tpu.memref_slice %arg9[%dma_wait3A_432, %dma_wait3A_441, %dma_wait3A_442] : memref<2x128x128xf32, #tpu.memory_space<vmem>> -> memref<1x128x128xf32, #tpu.memory_space<vmem>>
      %dma_wait3A_444 = tpu.memref_squeeze %dma_wait3A_443 : memref<1x128x128xf32, #tpu.memory_space<vmem>> -> memref<128x128xf32, #tpu.memory_space<vmem>>
      tpu.wait_dma2 semaphore(%arg17 : memref<!tpu.dma_semaphore, #tpu.memory_space<semaphore_mem>>) src(%dma_wait3A_444 : memref<128x128xf32, #tpu.memory_space<vmem>>) dst(%dma_wait3A_440 : memref<128x128xf32, #tpu.memory_space<hbm>>)
      %dma_wait3A_445 = arith.constant 1 : i32
      %dma_wait3A_446 = arith.constant 0 : i32
      %dma_wait3A_447 = arith.constant 0 : i32
      %dma_wait3A_448 = tpu.memref_slice %arg10[%dma_wait3A_445, %dma_wait3A_446, %dma_wait3A_447] : memref<2x128x128xf32, #tpu.memory_space<vmem>> -> memref<1x128x128xf32, #tpu.memory_space<vmem>>
      %dma_wait3A_449 = tpu.memref_squeeze %dma_wait3A_448 : memref<1x128x128xf32, #tpu.memory_space<vmem>> -> memref<128x128xf32, #tpu.memory_space<vmem>>
      %dma_wait3A_450 = arith.constant 0 : i32
      %dma_wait3A_451 = tpu.memref_slice %arg6[%add3A_431, %dma_wait3A_450] : memref<163840x128xf32, #tpu.memory_space<hbm>> -> memref<128x128xf32, #tpu.memory_space<hbm>>
      %dma_wait3A_452 = arith.constant 0 : i32
      %dma_wait3A_453 = tpu.memref_slice %arg6[%add3A_431, %dma_wait3A_452] : memref<163840x128xf32, #tpu.memory_space<hbm>> -> memref<128x128xf32, #tpu.memory_space<hbm>>
      %dma_wait3A_454 = arith.constant 0 : i32
      %dma_wait3A_455 = arith.constant 0 : i32
      %dma_wait3A_456 = tpu.memref_slice %arg10[%dma_wait3A_445, %dma_wait3A_454, %dma_wait3A_455] : memref<2x128x128xf32, #tpu.memory_space<vmem>> -> memref<1x128x128xf32, #tpu.memory_space<vmem>>
      %dma_wait3A_457 = tpu.memref_squeeze %dma_wait3A_456 : memref<1x128x128xf32, #tpu.memory_space<vmem>> -> memref<128x128xf32, #tpu.memory_space<vmem>>
      tpu.wait_dma2 semaphore(%arg18 : memref<!tpu.dma_semaphore, #tpu.memory_space<semaphore_mem>>) src(%dma_wait3A_457 : memref<128x128xf32, #tpu.memory_space<vmem>>) dst(%dma_wait3A_453 : memref<128x128xf32, #tpu.memory_space<hbm>>)
      %add3A_458 = arith.constant 2 : i32
      %add3A_459 = arith.addi %mul3A_263, %add3A_458 : i32
      %add3A_460 = arith.constant 1 : i32
      %add3A_461 = arith.addi %add3A_459, %add3A_460 : i32
      %dma_start3A_462 = arith.constant 1 : i32
      %dma_start3A_463 = arith.constant 0 : i32
      %dma_start3A_464 = arith.constant 0 : i32
      %dma_start3A_465 = tpu.memref_slice %arg9[%dma_start3A_462, %dma_start3A_463, %dma_start3A_464] : memref<2x128x128xf32, #tpu.memory_space<vmem>> -> memref<1x128x128xf32, #tpu.memory_space<vmem>>
      %dma_start3A_466 = tpu.memref_squeeze %dma_start3A_465 : memref<1x128x128xf32, #tpu.memory_space<vmem>> -> memref<128x128xf32, #tpu.memory_space<vmem>>
      %dma_start3A_467 = arith.constant 0 : i32
      %dma_start3A_468 = tpu.memref_slice %arg7[%add3A_461, %dma_start3A_467] : memref<56x128xi32, #tpu.memory_space<vmem>> -> memref<1x128xi32, #tpu.memory_space<vmem>>
      %dma_start3A_469 = tpu.memref_squeeze %dma_start3A_468 : memref<1x128xi32, #tpu.memory_space<vmem>> -> memref<128xi32, #tpu.memory_space<vmem>>
      %dma_start3A_470 = arith.constant 0 : i32
      %dma_start3A_471 = arith.constant 0 : i32
      %dma_start3A_472 = tpu.memref_slice %arg2[%dma_start3A_470, %dma_start3A_471] : memref<10000x128xf32, #tpu.memory_space<hbm>> -> memref<10000x128xf32, #tpu.memory_space<hbm>>
      tpu.enqueue_indirect_dma source(%dma_start3A_472 : memref<10000x128xf32, #tpu.memory_space<hbm>>) target(%dma_start3A_466 : memref<128x128xf32, #tpu.memory_space<vmem>>) offsets(%dma_start3A_469 : memref<128xi32, #tpu.memory_space<vmem>>) semaphore(%arg13 : memref<!tpu.dma_semaphore, #tpu.memory_space<semaphore_mem>>)
      %dma_start3A_473 = arith.constant 1 : i32
      %dma_start3A_474 = arith.constant 0 : i32
      %dma_start3A_475 = arith.constant 0 : i32
      %dma_start3A_476 = tpu.memref_slice %arg10[%dma_start3A_473, %dma_start3A_474, %dma_start3A_475] : memref<2x128x128xf32, #tpu.memory_space<vmem>> -> memref<1x128x128xf32, #tpu.memory_space<vmem>>
      %dma_start3A_477 = tpu.memref_squeeze %dma_start3A_476 : memref<1x128x128xf32, #tpu.memory_space<vmem>> -> memref<128x128xf32, #tpu.memory_space<vmem>>
      %dma_start3A_478 = arith.constant 0 : i32
      %dma_start3A_479 = tpu.memref_slice %arg8[%add3A_461, %dma_start3A_478] : memref<56x128xi32, #tpu.memory_space<vmem>> -> memref<1x128xi32, #tpu.memory_space<vmem>>
      %dma_start3A_480 = tpu.memref_squeeze %dma_start3A_479 : memref<1x128xi32, #tpu.memory_space<vmem>> -> memref<128xi32, #tpu.memory_space<vmem>>
      %dma_start3A_481 = arith.constant 0 : i32
      %dma_start3A_482 = arith.constant 0 : i32
      %dma_start3A_483 = tpu.memref_slice %arg2[%dma_start3A_481, %dma_start3A_482] : memref<10000x128xf32, #tpu.memory_space<hbm>> -> memref<10000x128xf32, #tpu.memory_space<hbm>>
      tpu.enqueue_indirect_dma source(%dma_start3A_483 : memref<10000x128xf32, #tpu.memory_space<hbm>>) target(%dma_start3A_477 : memref<128x128xf32, #tpu.memory_space<vmem>>) offsets(%dma_start3A_480 : memref<128xi32, #tpu.memory_space<vmem>>) semaphore(%arg14 : memref<!tpu.dma_semaphore, #tpu.memory_space<semaphore_mem>>)
      %while3A_484 = arith.constant 0 : i32
      scf.yield %while3A_484 : i32
    }
    %while3A_83 = arith.constant 1 : i32
    %while3A_84 = scf.for %while3A_260 = %while3A_80 to %while3A_76 step %while3A_83 iter_args(%while3A_261 = %while3A_82) -> (i32)  : i32 {
      %mul3A_262 = arith.constant 2 : i32
      %mul3A_263 = arith.muli %while3A_260, %mul3A_262 : i32
      %add3A_264 = arith.constant 0 : i32
      %add3A_265 = arith.addi %mul3A_263, %add3A_264 : i32
      %dma_wait3A_266 = arith.constant 0 : i32
      %dma_wait3A_267 = arith.constant 0 : i32
      %dma_wait3A_268 = arith.constant 0 : i32
      %dma_wait3A_269 = tpu.memref_slice %arg9[%dma_wait3A_266, %dma_wait3A_267, %dma_wait3A_268] : memref<2x128x128xf32, #tpu.memory_space<vmem>> -> memref<1x128x128xf32, #tpu.memory_space<vmem>>
      %dma_wait3A_270 = tpu.memref_squeeze %dma_wait3A_269 : memref<1x128x128xf32, #tpu.memory_space<vmem>> -> memref<128x128xf32, #tpu.memory_space<vmem>>
      %dma_wait3A_271 = arith.constant 0 : i32
      %dma_wait3A_272 = tpu.memref_slice %arg7[%add3A_265, %dma_wait3A_271] : memref<56x128xi32, #tpu.memory_space<vmem>> -> memref<1x128xi32, #tpu.memory_space<vmem>>
      %dma_wait3A_273 = tpu.memref_squeeze %dma_wait3A_272 : memref<1x128xi32, #tpu.memory_space<vmem>> -> memref<128xi32, #tpu.memory_space<vmem>>
      %dma_wait3A_274 = arith.constant 0 : i32
      %dma_wait3A_275 = arith.constant 0 : i32
      %dma_wait3A_276 = tpu.memref_slice %arg2[%dma_wait3A_274, %dma_wait3A_275] : memref<10000x128xf32, #tpu.memory_space<hbm>> -> memref<10000x128xf32, #tpu.memory_space<hbm>>
      tpu.wait_indirect_dma semaphore(%arg11 : memref<!tpu.dma_semaphore, #tpu.memory_space<semaphore_mem>>) src(%dma_wait3A_276 : memref<10000x128xf32, #tpu.memory_space<hbm>>) dst(%dma_wait3A_270 : memref<128x128xf32, #tpu.memory_space<vmem>>)
      %dma_wait3A_277 = arith.constant 0 : i32
      %dma_wait3A_278 = arith.constant 0 : i32
      %dma_wait3A_279 = arith.constant 0 : i32
      %dma_wait3A_280 = tpu.memref_slice %arg10[%dma_wait3A_277, %dma_wait3A_278, %dma_wait3A_279] : memref<2x128x128xf32, #tpu.memory_space<vmem>> -> memref<1x128x128xf32, #tpu.memory_space<vmem>>
      %dma_wait3A_281 = tpu.memref_squeeze %dma_wait3A_280 : memref<1x128x128xf32, #tpu.memory_space<vmem>> -> memref<128x128xf32, #tpu.memory_space<vmem>>
      %dma_wait3A_282 = arith.constant 0 : i32
      %dma_wait3A_283 = tpu.memref_slice %arg8[%add3A_265, %dma_wait3A_282] : memref<56x128xi32, #tpu.memory_space<vmem>> -> memref<1x128xi32, #tpu.memory_space<vmem>>
      %dma_wait3A_284 = tpu.memref_squeeze %dma_wait3A_283 : memref<1x128xi32, #tpu.memory_space<vmem>> -> memref<128xi32, #tpu.memory_space<vmem>>
      %dma_wait3A_285 = arith.constant 0 : i32
      %dma_wait3A_286 = arith.constant 0 : i32
      %dma_wait3A_287 = tpu.memref_slice %arg2[%dma_wait3A_285, %dma_wait3A_286] : memref<10000x128xf32, #tpu.memory_space<hbm>> -> memref<10000x128xf32, #tpu.memory_space<hbm>>
      tpu.wait_indirect_dma semaphore(%arg12 : memref<!tpu.dma_semaphore, #tpu.memory_space<semaphore_mem>>) src(%dma_wait3A_287 : memref<10000x128xf32, #tpu.memory_space<hbm>>) dst(%dma_wait3A_281 : memref<128x128xf32, #tpu.memory_space<vmem>>)
      %mul3A_288 = arith.constant 128 : i32
      %mul3A_289 = arith.muli %add3A_265, %mul3A_288 : i32
      %add3A_290 = arith.addi %mul3A_6, %mul3A_289 : i32
      %dma_start3A_291 = arith.constant 0 : i32
      %dma_start3A_292 = arith.constant 0 : i32
      %dma_start3A_293 = arith.constant 0 : i32
      %dma_start3A_294 = tpu.memref_slice %arg9[%dma_start3A_291, %dma_start3A_292, %dma_start3A_293] : memref<2x128x128xf32, #tpu.memory_space<vmem>> -> memref<1x128x128xf32, #tpu.memory_space<vmem>>
      %dma_start3A_295 = tpu.memref_squeeze %dma_start3A_294 : memref<1x128x128xf32, #tpu.memory_space<vmem>> -> memref<128x128xf32, #tpu.memory_space<vmem>>
      %dma_start3A_296 = arith.constant 0 : i32
      %dma_start3A_297 = tpu.memref_slice %arg5[%add3A_290, %dma_start3A_296] : memref<163840x128xf32, #tpu.memory_space<hbm>> -> memref<128x128xf32, #tpu.memory_space<hbm>>
      %dma_start3A_298 = arith.constant 0 : i32
      %dma_start3A_299 = tpu.memref_slice %arg5[%add3A_290, %dma_start3A_298] : memref<163840x128xf32, #tpu.memory_space<hbm>> -> memref<128x128xf32, #tpu.memory_space<hbm>>
      %dma_start3A_300 = arith.constant 0 : i32
      %dma_start3A_301 = arith.constant 0 : i32
      %dma_start3A_302 = tpu.memref_slice %arg9[%dma_start3A_291, %dma_start3A_300, %dma_start3A_301] : memref<2x128x128xf32, #tpu.memory_space<vmem>> -> memref<1x128x128xf32, #tpu.memory_space<vmem>>
      %dma_start3A_303 = tpu.memref_squeeze %dma_start3A_302 : memref<1x128x128xf32, #tpu.memory_space<vmem>> -> memref<128x128xf32, #tpu.memory_space<vmem>>
      tpu.enqueue_dma source(%dma_start3A_303 : memref<128x128xf32, #tpu.memory_space<vmem>>) target(%dma_start3A_299 : memref<128x128xf32, #tpu.memory_space<hbm>>) target_semaphore(%arg15 : memref<!tpu.dma_semaphore, #tpu.memory_space<semaphore_mem>>)
      %dma_start3A_304 = arith.constant 0 : i32
      %dma_start3A_305 = arith.constant 0 : i32
      %dma_start3A_306 = arith.constant 0 : i32
      %dma_start3A_307 = tpu.memref_slice %arg10[%dma_start3A_304, %dma_start3A_305, %dma_start3A_306] : memref<2x128x128xf32, #tpu.memory_space<vmem>> -> memref<1x128x128xf32, #tpu.memory_space<vmem>>
      %dma_start3A_308 = tpu.memref_squeeze %dma_start3A_307 : memref<1x128x128xf32, #tpu.memory_space<vmem>> -> memref<128x128xf32, #tpu.memory_space<vmem>>
      %dma_start3A_309 = arith.constant 0 : i32
      %dma_start3A_310 = tpu.memref_slice %arg6[%add3A_290, %dma_start3A_309] : memref<163840x128xf32, #tpu.memory_space<hbm>> -> memref<128x128xf32, #tpu.memory_space<hbm>>
      %dma_start3A_311 = arith.constant 0 : i32
      %dma_start3A_312 = tpu.memref_slice %arg6[%add3A_290, %dma_start3A_311] : memref<163840x128xf32, #tpu.memory_space<hbm>> -> memref<128x128xf32, #tpu.memory_space<hbm>>
      %dma_start3A_313 = arith.constant 0 : i32
      %dma_start3A_314 = arith.constant 0 : i32
      %dma_start3A_315 = tpu.memref_slice %arg10[%dma_start3A_304, %dma_start3A_313, %dma_start3A_314] : memref<2x128x128xf32, #tpu.memory_space<vmem>> -> memref<1x128x128xf32, #tpu.memory_space<vmem>>
      %dma_start3A_316 = tpu.memref_squeeze %dma_start3A_315 : memref<1x128x128xf32, #tpu.memory_space<vmem>> -> memref<128x128xf32, #tpu.memory_space<vmem>>
      tpu.enqueue_dma source(%dma_start3A_316 : memref<128x128xf32, #tpu.memory_space<vmem>>) target(%dma_start3A_312 : memref<128x128xf32, #tpu.memory_space<hbm>>) target_semaphore(%arg16 : memref<!tpu.dma_semaphore, #tpu.memory_space<semaphore_mem>>)
      %add3A_317 = arith.constant 1 : i32
      %add3A_318 = arith.addi %mul3A_263, %add3A_317 : i32
      %dma_wait3A_319 = arith.constant 1 : i32
      %dma_wait3A_320 = arith.constant 0 : i32
      %dma_wait3A_321 = arith.constant 0 : i32
      %dma_wait3A_322 = tpu.memref_slice %arg9[%dma_wait3A_319, %dma_wait3A_320, %dma_wait3A_321] : memref<2x128x128xf32, #tpu.memory_space<vmem>> -> memref<1x128x128xf32, #tpu.memory_space<vmem>>
      %dma_wait3A_323 = tpu.memref_squeeze %dma_wait3A_322 : memref<1x128x128xf32, #tpu.memory_space<vmem>> -> memref<128x128xf32, #tpu.memory_space<vmem>>
      %dma_wait3A_324 = arith.constant 0 : i32
      %dma_wait3A_325 = tpu.memref_slice %arg7[%add3A_318, %dma_wait3A_324] : memref<56x128xi32, #tpu.memory_space<vmem>> -> memref<1x128xi32, #tpu.memory_space<vmem>>
      %dma_wait3A_326 = tpu.memref_squeeze %dma_wait3A_325 : memref<1x128xi32, #tpu.memory_space<vmem>> -> memref<128xi32, #tpu.memory_space<vmem>>
      %dma_wait3A_327 = arith.constant 0 : i32
      %dma_wait3A_328 = arith.constant 0 : i32
      %dma_wait3A_329 = tpu.memref_slice %arg2[%dma_wait3A_327, %dma_wait3A_328] : memref<10000x128xf32, #tpu.memory_space<hbm>> -> memref<10000x128xf32, #tpu.memory_space<hbm>>
      tpu.wait_indirect_dma semaphore(%arg13 : memref<!tpu.dma_semaphore, #tpu.memory_space<semaphore_mem>>) src(%dma_wait3A_329 : memref<10000x128xf32, #tpu.memory_space<hbm>>) dst(%dma_wait3A_323 : memref<128x128xf32, #tpu.memory_space<vmem>>)
      %dma_wait3A_330 = arith.constant 1 : i32
      %dma_wait3A_331 = arith.constant 0 : i32
      %dma_wait3A_332 = arith.constant 0 : i32
      %dma_wait3A_333 = tpu.memref_slice %arg10[%dma_wait3A_330, %dma_wait3A_331, %dma_wait3A_332] : memref<2x128x128xf32, #tpu.memory_space<vmem>> -> memref<1x128x128xf32, #tpu.memory_space<vmem>>
      %dma_wait3A_334 = tpu.memref_squeeze %dma_wait3A_333 : memref<1x128x128xf32, #tpu.memory_space<vmem>> -> memref<128x128xf32, #tpu.memory_space<vmem>>
      %dma_wait3A_335 = arith.constant 0 : i32
      %dma_wait3A_336 = tpu.memref_slice %arg8[%add3A_318, %dma_wait3A_335] : memref<56x128xi32, #tpu.memory_space<vmem>> -> memref<1x128xi32, #tpu.memory_space<vmem>>
      %dma_wait3A_337 = tpu.memref_squeeze %dma_wait3A_336 : memref<1x128xi32, #tpu.memory_space<vmem>> -> memref<128xi32, #tpu.memory_space<vmem>>
      %dma_wait3A_338 = arith.constant 0 : i32
      %dma_wait3A_339 = arith.constant 0 : i32
      %dma_wait3A_340 = tpu.memref_slice %arg2[%dma_wait3A_338, %dma_wait3A_339] : memref<10000x128xf32, #tpu.memory_space<hbm>> -> memref<10000x128xf32, #tpu.memory_space<hbm>>
      tpu.wait_indirect_dma semaphore(%arg14 : memref<!tpu.dma_semaphore, #tpu.memory_space<semaphore_mem>>) src(%dma_wait3A_340 : memref<10000x128xf32, #tpu.memory_space<hbm>>) dst(%dma_wait3A_334 : memref<128x128xf32, #tpu.memory_space<vmem>>)
      %mul3A_341 = arith.constant 128 : i32
      %mul3A_342 = arith.muli %add3A_318, %mul3A_341 : i32
      %add3A_343 = arith.addi %mul3A_6, %mul3A_342 : i32
      %dma_start3A_344 = arith.constant 1 : i32
      %dma_start3A_345 = arith.constant 0 : i32
      %dma_start3A_346 = arith.constant 0 : i32
      %dma_start3A_347 = tpu.memref_slice %arg9[%dma_start3A_344, %dma_start3A_345, %dma_start3A_346] : memref<2x128x128xf32, #tpu.memory_space<vmem>> -> memref<1x128x128xf32, #tpu.memory_space<vmem>>
      %dma_start3A_348 = tpu.memref_squeeze %dma_start3A_347 : memref<1x128x128xf32, #tpu.memory_space<vmem>> -> memref<128x128xf32, #tpu.memory_space<vmem>>
      %dma_start3A_349 = arith.constant 0 : i32
      %dma_start3A_350 = tpu.memref_slice %arg5[%add3A_343, %dma_start3A_349] : memref<163840x128xf32, #tpu.memory_space<hbm>> -> memref<128x128xf32, #tpu.memory_space<hbm>>
      %dma_start3A_351 = arith.constant 0 : i32
      %dma_start3A_352 = tpu.memref_slice %arg5[%add3A_343, %dma_start3A_351] : memref<163840x128xf32, #tpu.memory_space<hbm>> -> memref<128x128xf32, #tpu.memory_space<hbm>>
      %dma_start3A_353 = arith.constant 0 : i32
      %dma_start3A_354 = arith.constant 0 : i32
      %dma_start3A_355 = tpu.memref_slice %arg9[%dma_start3A_344, %dma_start3A_353, %dma_start3A_354] : memref<2x128x128xf32, #tpu.memory_space<vmem>> -> memref<1x128x128xf32, #tpu.memory_space<vmem>>
      %dma_start3A_356 = tpu.memref_squeeze %dma_start3A_355 : memref<1x128x128xf32, #tpu.memory_space<vmem>> -> memref<128x128xf32, #tpu.memory_space<vmem>>
      tpu.enqueue_dma source(%dma_start3A_356 : memref<128x128xf32, #tpu.memory_space<vmem>>) target(%dma_start3A_352 : memref<128x128xf32, #tpu.memory_space<hbm>>) target_semaphore(%arg17 : memref<!tpu.dma_semaphore, #tpu.memory_space<semaphore_mem>>)
      %dma_start3A_357 = arith.constant 1 : i32
      %dma_start3A_358 = arith.constant 0 : i32
      %dma_start3A_359 = arith.constant 0 : i32
      %dma_start3A_360 = tpu.memref_slice %arg10[%dma_start3A_357, %dma_start3A_358, %dma_start3A_359] : memref<2x128x128xf32, #tpu.memory_space<vmem>> -> memref<1x128x128xf32, #tpu.memory_space<vmem>>
      %dma_start3A_361 = tpu.memref_squeeze %dma_start3A_360 : memref<1x128x128xf32, #tpu.memory_space<vmem>> -> memref<128x128xf32, #tpu.memory_space<vmem>>
      %dma_start3A_362 = arith.constant 0 : i32
      %dma_start3A_363 = tpu.memref_slice %arg6[%add3A_343, %dma_start3A_362] : memref<163840x128xf32, #tpu.memory_space<hbm>> -> memref<128x128xf32, #tpu.memory_space<hbm>>
      %dma_start3A_364 = arith.constant 0 : i32
      %dma_start3A_365 = tpu.memref_slice %arg6[%add3A_343, %dma_start3A_364] : memref<163840x128xf32, #tpu.memory_space<hbm>> -> memref<128x128xf32, #tpu.memory_space<hbm>>
      %dma_start3A_366 = arith.constant 0 : i32
      %dma_start3A_367 = arith.constant 0 : i32
      %dma_start3A_368 = tpu.memref_slice %arg10[%dma_start3A_357, %dma_start3A_366, %dma_start3A_367] : memref<2x128x128xf32, #tpu.memory_space<vmem>> -> memref<1x128x128xf32, #tpu.memory_space<vmem>>
      %dma_start3A_369 = tpu.memref_squeeze %dma_start3A_368 : memref<1x128x128xf32, #tpu.memory_space<vmem>> -> memref<128x128xf32, #tpu.memory_space<vmem>>
      tpu.enqueue_dma source(%dma_start3A_369 : memref<128x128xf32, #tpu.memory_space<vmem>>) target(%dma_start3A_365 : memref<128x128xf32, #tpu.memory_space<hbm>>) target_semaphore(%arg18 : memref<!tpu.dma_semaphore, #tpu.memory_space<semaphore_mem>>)
      %add3A_370 = arith.constant 0 : i32
      %add3A_371 = arith.addi %mul3A_263, %add3A_370 : i32
      %mul3A_372 = arith.constant 128 : i32
      %mul3A_373 = arith.muli %add3A_371, %mul3A_372 : i32
      %add3A_374 = arith.addi %mul3A_6, %mul3A_373 : i32
      %dma_wait3A_375 = arith.constant 0 : i32
      %dma_wait3A_376 = arith.constant 0 : i32
      %dma_wait3A_377 = arith.constant 0 : i32
      %dma_wait3A_378 = tpu.memref_slice %arg9[%dma_wait3A_375, %dma_wait3A_376, %dma_wait3A_377] : memref<2x128x128xf32, #tpu.memory_space<vmem>> -> memref<1x128x128xf32, #tpu.memory_space<vmem>>
      %dma_wait3A_379 = tpu.memref_squeeze %dma_wait3A_378 : memref<1x128x128xf32, #tpu.memory_space<vmem>> -> memref<128x128xf32, #tpu.memory_space<vmem>>
      %dma_wait3A_380 = arith.constant 0 : i32
      %dma_wait3A_381 = tpu.memref_slice %arg5[%add3A_374, %dma_wait3A_380] : memref<163840x128xf32, #tpu.memory_space<hbm>> -> memref<128x128xf32, #tpu.memory_space<hbm>>
      %dma_wait3A_382 = arith.constant 0 : i32
      %dma_wait3A_383 = tpu.memref_slice %arg5[%add3A_374, %dma_wait3A_382] : memref<163840x128xf32, #tpu.memory_space<hbm>> -> memref<128x128xf32, #tpu.memory_space<hbm>>
      %dma_wait3A_384 = arith.constant 0 : i32
      %dma_wait3A_385 = arith.constant 0 : i32
      %dma_wait3A_386 = tpu.memref_slice %arg9[%dma_wait3A_375, %dma_wait3A_384, %dma_wait3A_385] : memref<2x128x128xf32, #tpu.memory_space<vmem>> -> memref<1x128x128xf32, #tpu.memory_space<vmem>>
      %dma_wait3A_387 = tpu.memref_squeeze %dma_wait3A_386 : memref<1x128x128xf32, #tpu.memory_space<vmem>> -> memref<128x128xf32, #tpu.memory_space<vmem>>
      tpu.wait_dma2 semaphore(%arg15 : memref<!tpu.dma_semaphore, #tpu.memory_space<semaphore_mem>>) src(%dma_wait3A_387 : memref<128x128xf32, #tpu.memory_space<vmem>>) dst(%dma_wait3A_383 : memref<128x128xf32, #tpu.memory_space<hbm>>)
      %dma_wait3A_388 = arith.constant 0 : i32
      %dma_wait3A_389 = arith.constant 0 : i32
      %dma_wait3A_390 = arith.constant 0 : i32
      %dma_wait3A_391 = tpu.memref_slice %arg10[%dma_wait3A_388, %dma_wait3A_389, %dma_wait3A_390] : memref<2x128x128xf32, #tpu.memory_space<vmem>> -> memref<1x128x128xf32, #tpu.memory_space<vmem>>
      %dma_wait3A_392 = tpu.memref_squeeze %dma_wait3A_391 : memref<1x128x128xf32, #tpu.memory_space<vmem>> -> memref<128x128xf32, #tpu.memory_space<vmem>>
      %dma_wait3A_393 = arith.constant 0 : i32
      %dma_wait3A_394 = tpu.memref_slice %arg6[%add3A_374, %dma_wait3A_393] : memref<163840x128xf32, #tpu.memory_space<hbm>> -> memref<128x128xf32, #tpu.memory_space<hbm>>
      %dma_wait3A_395 = arith.constant 0 : i32
      %dma_wait3A_396 = tpu.memref_slice %arg6[%add3A_374, %dma_wait3A_395] : memref<163840x128xf32, #tpu.memory_space<hbm>> -> memref<128x128xf32, #tpu.memory_space<hbm>>
      %dma_wait3A_397 = arith.constant 0 : i32
      %dma_wait3A_398 = arith.constant 0 : i32
      %dma_wait3A_399 = tpu.memref_slice %arg10[%dma_wait3A_388, %dma_wait3A_397, %dma_wait3A_398] : memref<2x128x128xf32, #tpu.memory_space<vmem>> -> memref<1x128x128xf32, #tpu.memory_space<vmem>>
      %dma_wait3A_400 = tpu.memref_squeeze %dma_wait3A_399 : memref<1x128x128xf32, #tpu.memory_space<vmem>> -> memref<128x128xf32, #tpu.memory_space<vmem>>
      tpu.wait_dma2 semaphore(%arg16 : memref<!tpu.dma_semaphore, #tpu.memory_space<semaphore_mem>>) src(%dma_wait3A_400 : memref<128x128xf32, #tpu.memory_space<vmem>>) dst(%dma_wait3A_396 : memref<128x128xf32, #tpu.memory_space<hbm>>)
      %add3A_401 = arith.constant 2 : i32
      %add3A_402 = arith.addi %mul3A_263, %add3A_401 : i32
      %add3A_403 = arith.constant 0 : i32
      %add3A_404 = arith.addi %add3A_402, %add3A_403 : i32
      %dma_start3A_405 = arith.constant 0 : i32
      %dma_start3A_406 = arith.constant 0 : i32
      %dma_start3A_407 = arith.constant 0 : i32
      %dma_start3A_408 = tpu.memref_slice %arg9[%dma_start3A_405, %dma_start3A_406, %dma_start3A_407] : memref<2x128x128xf32, #tpu.memory_space<vmem>> -> memref<1x128x128xf32, #tpu.memory_space<vmem>>
      %dma_start3A_409 = tpu.memref_squeeze %dma_start3A_408 : memref<1x128x128xf32, #tpu.memory_space<vmem>> -> memref<128x128xf32, #tpu.memory_space<vmem>>
      %dma_start3A_410 = arith.constant 0 : i32
      %dma_start3A_411 = tpu.memref_slice %arg7[%add3A_404, %dma_start3A_410] : memref<56x128xi32, #tpu.memory_space<vmem>> -> memref<1x128xi32, #tpu.memory_space<vmem>>
      %dma_start3A_412 = tpu.memref_squeeze %dma_start3A_411 : memref<1x128xi32, #tpu.memory_space<vmem>> -> memref<128xi32, #tpu.memory_space<vmem>>
      %dma_start3A_413 = arith.constant 0 : i32
      %dma_start3A_414 = arith.constant 0 : i32
      %dma_start3A_415 = tpu.memref_slice %arg2[%dma_start3A_413, %dma_start3A_414] : memref<10000x128xf32, #tpu.memory_space<hbm>> -> memref<10000x128xf32, #tpu.memory_space<hbm>>
      tpu.enqueue_indirect_dma source(%dma_start3A_415 : memref<10000x128xf32, #tpu.memory_space<hbm>>) target(%dma_start3A_409 : memref<128x128xf32, #tpu.memory_space<vmem>>) offsets(%dma_start3A_412 : memref<128xi32, #tpu.memory_space<vmem>>) semaphore(%arg11 : memref<!tpu.dma_semaphore, #tpu.memory_space<semaphore_mem>>)
      %dma_start3A_416 = arith.constant 0 : i32
      %dma_start3A_417 = arith.constant 0 : i32
      %dma_start3A_418 = arith.constant 0 : i32
      %dma_start3A_419 = tpu.memref_slice %arg10[%dma_start3A_416, %dma_start3A_417, %dma_start3A_418] : memref<2x128x128xf32, #tpu.memory_space<vmem>> -> memref<1x128x128xf32, #tpu.memory_space<vmem>>
      %dma_start3A_420 = tpu.memref_squeeze %dma_start3A_419 : memref<1x128x128xf32, #tpu.memory_space<vmem>> -> memref<128x128xf32, #tpu.memory_space<vmem>>
      %dma_start3A_421 = arith.constant 0 : i32
      %dma_start3A_422 = tpu.memref_slice %arg8[%add3A_404, %dma_start3A_421] : memref<56x128xi32, #tpu.memory_space<vmem>> -> memref<1x128xi32, #tpu.memory_space<vmem>>
      %dma_start3A_423 = tpu.memref_squeeze %dma_start3A_422 : memref<1x128xi32, #tpu.memory_space<vmem>> -> memref<128xi32, #tpu.memory_space<vmem>>
      %dma_start3A_424 = arith.constant 0 : i32
      %dma_start3A_425 = arith.constant 0 : i32
      %dma_start3A_426 = tpu.memref_slice %arg2[%dma_start3A_424, %dma_start3A_425] : memref<10000x128xf32, #tpu.memory_space<hbm>> -> memref<10000x128xf32, #tpu.memory_space<hbm>>
      tpu.enqueue_indirect_dma source(%dma_start3A_426 : memref<10000x128xf32, #tpu.memory_space<hbm>>) target(%dma_start3A_420 : memref<128x128xf32, #tpu.memory_space<vmem>>) offsets(%dma_start3A_423 : memref<128xi32, #tpu.memory_space<vmem>>) semaphore(%arg12 : memref<!tpu.dma_semaphore, #tpu.memory_space<semaphore_mem>>)
      %add3A_427 = arith.constant 1 : i32
      %add3A_428 = arith.addi %mul3A_263, %add3A_427 : i32
      %mul3A_429 = arith.constant 128 : i32
      %mul3A_430 = arith.muli %add3A_428, %mul3A_429 : i32
      %add3A_431 = arith.addi %mul3A_6, %mul3A_430 : i32
      %dma_wait3A_432 = arith.constant 1 : i32
      %dma_wait3A_433 = arith.constant 0 : i32
      %dma_wait3A_434 = arith.constant 0 : i32
      %dma_wait3A_435 = tpu.memref_slice %arg9[%dma_wait3A_432, %dma_wait3A_433, %dma_wait3A_434] : memref<2x128x128xf32, #tpu.memory_space<vmem>> -> memref<1x128x128xf32, #tpu.memory_space<vmem>>
      %dma_wait3A_436 = tpu.memref_squeeze %dma_wait3A_435 : memref<1x128x128xf32, #tpu.memory_space<vmem>> -> memref<128x128xf32, #tpu.memory_space<vmem>>
      %dma_wait3A_437 = arith.constant 0 : i32
      %dma_wait3A_438 = tpu.memref_slice %arg5[%add3A_431, %dma_wait3A_437] : memref<163840x128xf32, #tpu.memory_space<hbm>> -> memref<128x128xf32, #tpu.memory_space<hbm>>
      %dma_wait3A_439 = arith.constant 0 : i32
      %dma_wait3A_440 = tpu.memref_slice %arg5[%add3A_431, %dma_wait3A_439] : memref<163840x128xf32, #tpu.memory_space<hbm>> -> memref<128x128xf32, #tpu.memory_space<hbm>>
      %dma_wait3A_441 = arith.constant 0 : i32
      %dma_wait3A_442 = arith.constant 0 : i32
      %dma_wait3A_443 = tpu.memref_slice %arg9[%dma_wait3A_432, %dma_wait3A_441, %dma_wait3A_442] : memref<2x128x128xf32, #tpu.memory_space<vmem>> -> memref<1x128x128xf32, #tpu.memory_space<vmem>>
      %dma_wait3A_444 = tpu.memref_squeeze %dma_wait3A_443 : memref<1x128x128xf32, #tpu.memory_space<vmem>> -> memref<128x128xf32, #tpu.memory_space<vmem>>
      tpu.wait_dma2 semaphore(%arg17 : memref<!tpu.dma_semaphore, #tpu.memory_space<semaphore_mem>>) src(%dma_wait3A_444 : memref<128x128xf32, #tpu.memory_space<vmem>>) dst(%dma_wait3A_440 : memref<128x128xf32, #tpu.memory_space<hbm>>)
      %dma_wait3A_445 = arith.constant 1 : i32
      %dma_wait3A_446 = arith.constant 0 : i32
      %dma_wait3A_447 = arith.constant 0 : i32
      %dma_wait3A_448 = tpu.memref_slice %arg10[%dma_wait3A_445, %dma_wait3A_446, %dma_wait3A_447] : memref<2x128x128xf32, #tpu.memory_space<vmem>> -> memref<1x128x128xf32, #tpu.memory_space<vmem>>
      %dma_wait3A_449 = tpu.memref_squeeze %dma_wait3A_448 : memref<1x128x128xf32, #tpu.memory_space<vmem>> -> memref<128x128xf32, #tpu.memory_space<vmem>>
      %dma_wait3A_450 = arith.constant 0 : i32
      %dma_wait3A_451 = tpu.memref_slice %arg6[%add3A_431, %dma_wait3A_450] : memref<163840x128xf32, #tpu.memory_space<hbm>> -> memref<128x128xf32, #tpu.memory_space<hbm>>
      %dma_wait3A_452 = arith.constant 0 : i32
      %dma_wait3A_453 = tpu.memref_slice %arg6[%add3A_431, %dma_wait3A_452] : memref<163840x128xf32, #tpu.memory_space<hbm>> -> memref<128x128xf32, #tpu.memory_space<hbm>>
      %dma_wait3A_454 = arith.constant 0 : i32
      %dma_wait3A_455 = arith.constant 0 : i32
      %dma_wait3A_456 = tpu.memref_slice %arg10[%dma_wait3A_445, %dma_wait3A_454, %dma_wait3A_455] : memref<2x128x128xf32, #tpu.memory_space<vmem>> -> memref<1x128x128xf32, #tpu.memory_space<vmem>>
      %dma_wait3A_457 = tpu.memref_squeeze %dma_wait3A_456 : memref<1x128x128xf32, #tpu.memory_space<vmem>> -> memref<128x128xf32, #tpu.memory_space<vmem>>
      tpu.wait_dma2 semaphore(%arg18 : memref<!tpu.dma_semaphore, #tpu.memory_space<semaphore_mem>>) src(%dma_wait3A_457 : memref<128x128xf32, #tpu.memory_space<vmem>>) dst(%dma_wait3A_453 : memref<128x128xf32, #tpu.memory_space<hbm>>)
      %add3A_458 = arith.constant 2 : i32
      %add3A_459 = arith.addi %mul3A_263, %add3A_458 : i32
      %add3A_460 = arith.constant 1 : i32
      %add3A_461 = arith.addi %add3A_459, %add3A_460 : i32
      %dma_start3A_462 = arith.constant 1 : i32
      %dma_start3A_463 = arith.constant 0 : i32
      %dma_start3A_464 = arith.constant 0 : i32
      %dma_start3A_465 = tpu.memref_slice %arg9[%dma_start3A_462, %dma_start3A_463, %dma_start3A_464] : memref<2x128x128xf32, #tpu.memory_space<vmem>> -> memref<1x128x128xf32, #tpu.memory_space<vmem>>
      %dma_start3A_466 = tpu.memref_squeeze %dma_start3A_465 : memref<1x128x128xf32, #tpu.memory_space<vmem>> -> memref<128x128xf32, #tpu.memory_space<vmem>>
      %dma_start3A_467 = arith.constant 0 : i32
      %dma_start3A_468 = tpu.memref_slice %arg7[%add3A_461, %dma_start3A_467] : memref<56x128xi32, #tpu.memory_space<vmem>> -> memref<1x128xi32, #tpu.memory_space<vmem>>
      %dma_start3A_469 = tpu.memref_squeeze %dma_start3A_468 : memref<1x128xi32, #tpu.memory_space<vmem>> -> memref<128xi32, #tpu.memory_space<vmem>>
      %dma_start3A_470 = arith.constant 0 : i32
      %dma_start3A_471 = arith.constant 0 : i32
      %dma_start3A_472 = tpu.memref_slice %arg2[%dma_start3A_470, %dma_start3A_471] : memref<10000x128xf32, #tpu.memory_space<hbm>> -> memref<10000x128xf32, #tpu.memory_space<hbm>>
      tpu.enqueue_indirect_dma source(%dma_start3A_472 : memref<10000x128xf32, #tpu.memory_space<hbm>>) target(%dma_start3A_466 : memref<128x128xf32, #tpu.memory_space<vmem>>) offsets(%dma_start3A_469 : memref<128xi32, #tpu.memory_space<vmem>>) semaphore(%arg13 : memref<!tpu.dma_semaphore, #tpu.memory_space<semaphore_mem>>)
      %dma_start3A_473 = arith.constant 1 : i32
      %dma_start3A_474 = arith.constant 0 : i32
      %dma_start3A_475 = arith.constant 0 : i32
      %dma_start3A_476 = tpu.memref_slice %arg10[%dma_start3A_473, %dma_start3A_474, %dma_start3A_475] : memref<2x128x128xf32, #tpu.memory_space<vmem>> -> memref<1x128x128xf32, #tpu.memory_space<vmem>>
      %dma_start3A_477 = tpu.memref_squeeze %dma_start3A_476 : memref<1x128x128xf32, #tpu.memory_space<vmem>> -> memref<128x128xf32, #tpu.memory_space<vmem>>
      %dma_start3A_478 = arith.constant 0 : i32
      %dma_start3A_479 = tpu.memref_slice %arg8[%add3A_461, %dma_start3A_478] : memref<56x128xi32, #tpu.memory_space<vmem>> -> memref<1x128xi32, #tpu.memory_space<vmem>>
      %dma_start3A_480 = tpu.memref_squeeze %dma_start3A_479 : memref<1x128xi32, #tpu.memory_space<vmem>> -> memref<128xi32, #tpu.memory_space<vmem>>
      %dma_start3A_481 = arith.constant 0 : i32
      %dma_start3A_482 = arith.constant 0 : i32
      %dma_start3A_483 = tpu.memref_slice %arg2[%dma_start3A_481, %dma_start3A_482] : memref<10000x128xf32, #tpu.memory_space<hbm>> -> memref<10000x128xf32, #tpu.memory_space<hbm>>
      tpu.enqueue_indirect_dma source(%dma_start3A_483 : memref<10000x128xf32, #tpu.memory_space<hbm>>) target(%dma_start3A_477 : memref<128x128xf32, #tpu.memory_space<vmem>>) offsets(%dma_start3A_480 : memref<128xi32, #tpu.memory_space<vmem>>) semaphore(%arg14 : memref<!tpu.dma_semaphore, #tpu.memory_space<semaphore_mem>>)
      %while3A_484 = arith.constant 0 : i32
      scf.yield %while3A_484 : i32
    }
    %sub3A_85 = arith.constant 2 : i32
    %sub3A_86 = arith.subi %select_n3A, %sub3A_85 : i32
    %add3A_87 = arith.constant 0 : i32
    %add3A_88 = arith.addi %sub3A_86, %add3A_87 : i32
    %dma_wait3A = arith.constant 0 : i32
    %dma_wait3A_89 = arith.constant 0 : i32
    %dma_wait3A_90 = arith.constant 0 : i32
    %dma_wait3A_91 = tpu.memref_slice %arg9[%dma_wait3A, %dma_wait3A_89, %dma_wait3A_90] : memref<2x128x128xf32, #tpu.memory_space<vmem>> -> memref<1x128x128xf32, #tpu.memory_space<vmem>>
    %dma_wait3A_92 = tpu.memref_squeeze %dma_wait3A_91 : memref<1x128x128xf32, #tpu.memory_space<vmem>> -> memref<128x128xf32, #tpu.memory_space<vmem>>
    %dma_wait3A_93 = arith.constant 0 : i32
    %dma_wait3A_94 = tpu.memref_slice %arg7[%add3A_88, %dma_wait3A_93] : memref<56x128xi32, #tpu.memory_space<vmem>> -> memref<1x128xi32, #tpu.memory_space<vmem>>
    %dma_wait3A_95 = tpu.memref_squeeze %dma_wait3A_94 : memref<1x128xi32, #tpu.memory_space<vmem>> -> memref<128xi32, #tpu.memory_space<vmem>>
    %dma_wait3A_96 = arith.constant 0 : i32
    %dma_wait3A_97 = arith.constant 0 : i32
    %dma_wait3A_98 = tpu.memref_slice %arg2[%dma_wait3A_96, %dma_wait3A_97] : memref<10000x128xf32, #tpu.memory_space<hbm>> -> memref<10000x128xf32, #tpu.memory_space<hbm>>
    tpu.wait_indirect_dma semaphore(%arg11 : memref<!tpu.dma_semaphore, #tpu.memory_space<semaphore_mem>>) src(%dma_wait3A_98 : memref<10000x128xf32, #tpu.memory_space<hbm>>) dst(%dma_wait3A_92 : memref<128x128xf32, #tpu.memory_space<vmem>>)
    %dma_wait3A_99 = arith.constant 0 : i32
    %dma_wait3A_100 = arith.constant 0 : i32
    %dma_wait3A_101 = arith.constant 0 : i32
    %dma_wait3A_102 = tpu.memref_slice %arg10[%dma_wait3A_99, %dma_wait3A_100, %dma_wait3A_101] : memref<2x128x128xf32, #tpu.memory_space<vmem>> -> memref<1x128x128xf32, #tpu.memory_space<vmem>>
    %dma_wait3A_103 = tpu.memref_squeeze %dma_wait3A_102 : memref<1x128x128xf32, #tpu.memory_space<vmem>> -> memref<128x128xf32, #tpu.memory_space<vmem>>
    %dma_wait3A_104 = arith.constant 0 : i32
    %dma_wait3A_105 = tpu.memref_slice %arg8[%add3A_88, %dma_wait3A_104] : memref<56x128xi32, #tpu.memory_space<vmem>> -> memref<1x128xi32, #tpu.memory_space<vmem>>
    %dma_wait3A_106 = tpu.memref_squeeze %dma_wait3A_105 : memref<1x128xi32, #tpu.memory_space<vmem>> -> memref<128xi32, #tpu.memory_space<vmem>>
    %dma_wait3A_107 = arith.constant 0 : i32
    %dma_wait3A_108 = arith.constant 0 : i32
    %dma_wait3A_109 = tpu.memref_slice %arg2[%dma_wait3A_107, %dma_wait3A_108] : memref<10000x128xf32, #tpu.memory_space<hbm>> -> memref<10000x128xf32, #tpu.memory_space<hbm>>
    tpu.wait_indirect_dma semaphore(%arg12 : memref<!tpu.dma_semaphore, #tpu.memory_space<semaphore_mem>>) src(%dma_wait3A_109 : memref<10000x128xf32, #tpu.memory_space<hbm>>) dst(%dma_wait3A_103 : memref<128x128xf32, #tpu.memory_space<vmem>>)
    %mul3A_110 = arith.constant 128 : i32
    %mul3A_111 = arith.muli %add3A_88, %mul3A_110 : i32
    %add3A_112 = arith.addi %mul3A_6, %mul3A_111 : i32
    %dma_start3A_113 = arith.constant 0 : i32
    %dma_start3A_114 = arith.constant 0 : i32
    %dma_start3A_115 = arith.constant 0 : i32
    %dma_start3A_116 = tpu.memref_slice %arg9[%dma_start3A_113, %dma_start3A_114, %dma_start3A_115] : memref<2x128x128xf32, #tpu.memory_space<vmem>> -> memref<1x128x128xf32, #tpu.memory_space<vmem>>
    %dma_start3A_117 = tpu.memref_squeeze %dma_start3A_116 : memref<1x128x128xf32, #tpu.memory_space<vmem>> -> memref<128x128xf32, #tpu.memory_space<vmem>>
    %dma_start3A_118 = arith.constant 0 : i32
    %dma_start3A_119 = tpu.memref_slice %arg5[%add3A_112, %dma_start3A_118] : memref<163840x128xf32, #tpu.memory_space<hbm>> -> memref<128x128xf32, #tpu.memory_space<hbm>>
    %dma_start3A_120 = arith.constant 0 : i32
    %dma_start3A_121 = tpu.memref_slice %arg5[%add3A_112, %dma_start3A_120] : memref<163840x128xf32, #tpu.memory_space<hbm>> -> memref<128x128xf32, #tpu.memory_space<hbm>>
    %dma_start3A_122 = arith.constant 0 : i32
    %dma_start3A_123 = arith.constant 0 : i32
    %dma_start3A_124 = tpu.memref_slice %arg9[%dma_start3A_113, %dma_start3A_122, %dma_start3A_123] : memref<2x128x128xf32, #tpu.memory_space<vmem>> -> memref<1x128x128xf32, #tpu.memory_space<vmem>>
    %dma_start3A_125 = tpu.memref_squeeze %dma_start3A_124 : memref<1x128x128xf32, #tpu.memory_space<vmem>> -> memref<128x128xf32, #tpu.memory_space<vmem>>
    tpu.enqueue_dma source(%dma_start3A_125 : memref<128x128xf32, #tpu.memory_space<vmem>>) target(%dma_start3A_121 : memref<128x128xf32, #tpu.memory_space<hbm>>) target_semaphore(%arg15 : memref<!tpu.dma_semaphore, #tpu.memory_space<semaphore_mem>>)
    %dma_start3A_126 = arith.constant 0 : i32
    %dma_start3A_127 = arith.constant 0 : i32
    %dma_start3A_128 = arith.constant 0 : i32
    %dma_start3A_129 = tpu.memref_slice %arg10[%dma_start3A_126, %dma_start3A_127, %dma_start3A_128] : memref<2x128x128xf32, #tpu.memory_space<vmem>> -> memref<1x128x128xf32, #tpu.memory_space<vmem>>
    %dma_start3A_130 = tpu.memref_squeeze %dma_start3A_129 : memref<1x128x128xf32, #tpu.memory_space<vmem>> -> memref<128x128xf32, #tpu.memory_space<vmem>>
    %dma_start3A_131 = arith.constant 0 : i32
    %dma_start3A_132 = tpu.memref_slice %arg6[%add3A_112, %dma_start3A_131] : memref<163840x128xf32, #tpu.memory_space<hbm>> -> memref<128x128xf32, #tpu.memory_space<hbm>>
    %dma_start3A_133 = arith.constant 0 : i32
    %dma_start3A_134 = tpu.memref_slice %arg6[%add3A_112, %dma_start3A_133] : memref<163840x128xf32, #tpu.memory_space<hbm>> -> memref<128x128xf32, #tpu.memory_space<hbm>>
    %dma_start3A_135 = arith.constant 0 : i32
    %dma_start3A_136 = arith.constant 0 : i32
    %dma_start3A_137 = tpu.memref_slice %arg10[%dma_start3A_126, %dma_start3A_135, %dma_start3A_136] : memref<2x128x128xf32, #tpu.memory_space<vmem>> -> memref<1x128x128xf32, #tpu.memory_space<vmem>>
    %dma_start3A_138 = tpu.memref_squeeze %dma_start3A_137 : memref<1x128x128xf32, #tpu.memory_space<vmem>> -> memref<128x128xf32, #tpu.memory_space<vmem>>
    tpu.enqueue_dma source(%dma_start3A_138 : memref<128x128xf32, #tpu.memory_space<vmem>>) target(%dma_start3A_134 : memref<128x128xf32, #tpu.memory_space<hbm>>) target_semaphore(%arg16 : memref<!tpu.dma_semaphore, #tpu.memory_space<semaphore_mem>>)
    %sub3A_139 = arith.constant 2 : i32
    %sub3A_140 = arith.subi %select_n3A, %sub3A_139 : i32
    %add3A_141 = arith.constant 1 : i32
    %add3A_142 = arith.addi %sub3A_140, %add3A_141 : i32
    %dma_wait3A_143 = arith.constant 1 : i32
    %dma_wait3A_144 = arith.constant 0 : i32
    %dma_wait3A_145 = arith.constant 0 : i32
    %dma_wait3A_146 = tpu.memref_slice %arg9[%dma_wait3A_143, %dma_wait3A_144, %dma_wait3A_145] : memref<2x128x128xf32, #tpu.memory_space<vmem>> -> memref<1x128x128xf32, #tpu.memory_space<vmem>>
    %dma_wait3A_147 = tpu.memref_squeeze %dma_wait3A_146 : memref<1x128x128xf32, #tpu.memory_space<vmem>> -> memref<128x128xf32, #tpu.memory_space<vmem>>
    %dma_wait3A_148 = arith.constant 0 : i32
    %dma_wait3A_149 = tpu.memref_slice %arg7[%add3A_142, %dma_wait3A_148] : memref<56x128xi32, #tpu.memory_space<vmem>> -> memref<1x128xi32, #tpu.memory_space<vmem>>
    %dma_wait3A_150 = tpu.memref_squeeze %dma_wait3A_149 : memref<1x128xi32, #tpu.memory_space<vmem>> -> memref<128xi32, #tpu.memory_space<vmem>>
    %dma_wait3A_151 = arith.constant 0 : i32
    %dma_wait3A_152 = arith.constant 0 : i32
    %dma_wait3A_153 = tpu.memref_slice %arg2[%dma_wait3A_151, %dma_wait3A_152] : memref<10000x128xf32, #tpu.memory_space<hbm>> -> memref<10000x128xf32, #tpu.memory_space<hbm>>
    tpu.wait_indirect_dma semaphore(%arg13 : memref<!tpu.dma_semaphore, #tpu.memory_space<semaphore_mem>>) src(%dma_wait3A_153 : memref<10000x128xf32, #tpu.memory_space<hbm>>) dst(%dma_wait3A_147 : memref<128x128xf32, #tpu.memory_space<vmem>>)
    %dma_wait3A_154 = arith.constant 1 : i32
    %dma_wait3A_155 = arith.constant 0 : i32
    %dma_wait3A_156 = arith.constant 0 : i32
    %dma_wait3A_157 = tpu.memref_slice %arg10[%dma_wait3A_154, %dma_wait3A_155, %dma_wait3A_156] : memref<2x128x128xf32, #tpu.memory_space<vmem>> -> memref<1x128x128xf32, #tpu.memory_space<vmem>>
    %dma_wait3A_158 = tpu.memref_squeeze %dma_wait3A_157 : memref<1x128x128xf32, #tpu.memory_space<vmem>> -> memref<128x128xf32, #tpu.memory_space<vmem>>
    %dma_wait3A_159 = arith.constant 0 : i32
    %dma_wait3A_160 = tpu.memref_slice %arg8[%add3A_142, %dma_wait3A_159] : memref<56x128xi32, #tpu.memory_space<vmem>> -> memref<1x128xi32, #tpu.memory_space<vmem>>
    %dma_wait3A_161 = tpu.memref_squeeze %dma_wait3A_160 : memref<1x128xi32, #tpu.memory_space<vmem>> -> memref<128xi32, #tpu.memory_space<vmem>>
    %dma_wait3A_162 = arith.constant 0 : i32
    %dma_wait3A_163 = arith.constant 0 : i32
    %dma_wait3A_164 = tpu.memref_slice %arg2[%dma_wait3A_162, %dma_wait3A_163] : memref<10000x128xf32, #tpu.memory_space<hbm>> -> memref<10000x128xf32, #tpu.memory_space<hbm>>
    tpu.wait_indirect_dma semaphore(%arg14 : memref<!tpu.dma_semaphore, #tpu.memory_space<semaphore_mem>>) src(%dma_wait3A_164 : memref<10000x128xf32, #tpu.memory_space<hbm>>) dst(%dma_wait3A_158 : memref<128x128xf32, #tpu.memory_space<vmem>>)
    %mul3A_165 = arith.constant 128 : i32
    %mul3A_166 = arith.muli %add3A_142, %mul3A_165 : i32
    %add3A_167 = arith.addi %mul3A_6, %mul3A_166 : i32
    %dma_start3A_168 = arith.constant 1 : i32
    %dma_start3A_169 = arith.constant 0 : i32
    %dma_start3A_170 = arith.constant 0 : i32
    %dma_start3A_171 = tpu.memref_slice %arg9[%dma_start3A_168, %dma_start3A_169, %dma_start3A_170] : memref<2x128x128xf32, #tpu.memory_space<vmem>> -> memref<1x128x128xf32, #tpu.memory_space<vmem>>
    %dma_start3A_172 = tpu.memref_squeeze %dma_start3A_171 : memref<1x128x128xf32, #tpu.memory_space<vmem>> -> memref<128x128xf32, #tpu.memory_space<vmem>>
    %dma_start3A_173 = arith.constant 0 : i32
    %dma_start3A_174 = tpu.memref_slice %arg5[%add3A_167, %dma_start3A_173] : memref<163840x128xf32, #tpu.memory_space<hbm>> -> memref<128x128xf32, #tpu.memory_space<hbm>>
    %dma_start3A_175 = arith.constant 0 : i32
    %dma_start3A_176 = tpu.memref_slice %arg5[%add3A_167, %dma_start3A_175] : memref<163840x128xf32, #tpu.memory_space<hbm>> -> memref<128x128xf32, #tpu.memory_space<hbm>>
    %dma_start3A_177 = arith.constant 0 : i32
    %dma_start3A_178 = arith.constant 0 : i32
    %dma_start3A_179 = tpu.memref_slice %arg9[%dma_start3A_168, %dma_start3A_177, %dma_start3A_178] : memref<2x128x128xf32, #tpu.memory_space<vmem>> -> memref<1x128x128xf32, #tpu.memory_space<vmem>>
    %dma_start3A_180 = tpu.memref_squeeze %dma_start3A_179 : memref<1x128x128xf32, #tpu.memory_space<vmem>> -> memref<128x128xf32, #tpu.memory_space<vmem>>
    tpu.enqueue_dma source(%dma_start3A_180 : memref<128x128xf32, #tpu.memory_space<vmem>>) target(%dma_start3A_176 : memref<128x128xf32, #tpu.memory_space<hbm>>) target_semaphore(%arg17 : memref<!tpu.dma_semaphore, #tpu.memory_space<semaphore_mem>>)
    %dma_start3A_181 = arith.constant 1 : i32
    %dma_start3A_182 = arith.constant 0 : i32
    %dma_start3A_183 = arith.constant 0 : i32
    %dma_start3A_184 = tpu.memref_slice %arg10[%dma_start3A_181, %dma_start3A_182, %dma_start3A_183] : memref<2x128x128xf32, #tpu.memory_space<vmem>> -> memref<1x128x128xf32, #tpu.memory_space<vmem>>
    %dma_start3A_185 = tpu.memref_squeeze %dma_start3A_184 : memref<1x128x128xf32, #tpu.memory_space<vmem>> -> memref<128x128xf32, #tpu.memory_space<vmem>>
    %dma_start3A_186 = arith.constant 0 : i32
    %dma_start3A_187 = tpu.memref_slice %arg6[%add3A_167, %dma_start3A_186] : memref<163840x128xf32, #tpu.memory_space<hbm>> -> memref<128x128xf32, #tpu.memory_space<hbm>>
    %dma_start3A_188 = arith.constant 0 : i32
    %dma_start3A_189 = tpu.memref_slice %arg6[%add3A_167, %dma_start3A_188] : memref<163840x128xf32, #tpu.memory_space<hbm>> -> memref<128x128xf32, #tpu.memory_space<hbm>>
    %dma_start3A_190 = arith.constant 0 : i32
    %dma_start3A_191 = arith.constant 0 : i32
    %dma_start3A_192 = tpu.memref_slice %arg10[%dma_start3A_181, %dma_start3A_190, %dma_start3A_191] : memref<2x128x128xf32, #tpu.memory_space<vmem>> -> memref<1x128x128xf32, #tpu.memory_space<vmem>>
    %dma_start3A_193 = tpu.memref_squeeze %dma_start3A_192 : memref<1x128x128xf32, #tpu.memory_space<vmem>> -> memref<128x128xf32, #tpu.memory_space<vmem>>
    tpu.enqueue_dma source(%dma_start3A_193 : memref<128x128xf32, #tpu.memory_space<vmem>>) target(%dma_start3A_189 : memref<128x128xf32, #tpu.memory_space<hbm>>) target_semaphore(%arg18 : memref<!tpu.dma_semaphore, #tpu.memory_space<semaphore_mem>>)
    %sub3A_194 = arith.constant 2 : i32
    %sub3A_195 = arith.subi %select_n3A, %sub3A_194 : i32
    %add3A_196 = arith.constant 0 : i32
    %add3A_197 = arith.addi %sub3A_195, %add3A_196 : i32
    %mul3A_198 = arith.constant 128 : i32
    %mul3A_199 = arith.muli %add3A_197, %mul3A_198 : i32
    %add3A_200 = arith.addi %mul3A_6, %mul3A_199 : i32
    %dma_wait3A_201 = arith.constant 0 : i32
    %dma_wait3A_202 = arith.constant 0 : i32
    %dma_wait3A_203 = arith.constant 0 : i32
    %dma_wait3A_204 = tpu.memref_slice %arg9[%dma_wait3A_201, %dma_wait3A_202, %dma_wait3A_203] : memref<2x128x128xf32, #tpu.memory_space<vmem>> -> memref<1x128x128xf32, #tpu.memory_space<vmem>>
    %dma_wait3A_205 = tpu.memref_squeeze %dma_wait3A_204 : memref<1x128x128xf32, #tpu.memory_space<vmem>> -> memref<128x128xf32, #tpu.memory_space<vmem>>
    %dma_wait3A_206 = arith.constant 0 : i32
    %dma_wait3A_207 = tpu.memref_slice %arg5[%add3A_200, %dma_wait3A_206] : memref<163840x128xf32, #tpu.memory_space<hbm>> -> memref<128x128xf32, #tpu.memory_space<hbm>>
    %dma_wait3A_208 = arith.constant 0 : i32
    %dma_wait3A_209 = tpu.memref_slice %arg5[%add3A_200, %dma_wait3A_208] : memref<163840x128xf32, #tpu.memory_space<hbm>> -> memref<128x128xf32, #tpu.memory_space<hbm>>
    %dma_wait3A_210 = arith.constant 0 : i32
    %dma_wait3A_211 = arith.constant 0 : i32
    %dma_wait3A_212 = tpu.memref_slice %arg9[%dma_wait3A_201, %dma_wait3A_210, %dma_wait3A_211] : memref<2x128x128xf32, #tpu.memory_space<vmem>> -> memref<1x128x128xf32, #tpu.memory_space<vmem>>
    %dma_wait3A_213 = tpu.memref_squeeze %dma_wait3A_212 : memref<1x128x128xf32, #tpu.memory_space<vmem>> -> memref<128x128xf32, #tpu.memory_space<vmem>>
    tpu.wait_dma2 semaphore(%arg15 : memref<!tpu.dma_semaphore, #tpu.memory_space<semaphore_mem>>) src(%dma_wait3A_213 : memref<128x128xf32, #tpu.memory_space<vmem>>) dst(%dma_wait3A_209 : memref<128x128xf32, #tpu.memory_space<hbm>>)
    %dma_wait3A_214 = arith.constant 0 : i32
    %dma_wait3A_215 = arith.constant 0 : i32
    %dma_wait3A_216 = arith.constant 0 : i32
    %dma_wait3A_217 = tpu.memref_slice %arg10[%dma_wait3A_214, %dma_wait3A_215, %dma_wait3A_216] : memref<2x128x128xf32, #tpu.memory_space<vmem>> -> memref<1x128x128xf32, #tpu.memory_space<vmem>>
    %dma_wait3A_218 = tpu.memref_squeeze %dma_wait3A_217 : memref<1x128x128xf32, #tpu.memory_space<vmem>> -> memref<128x128xf32, #tpu.memory_space<vmem>>
    %dma_wait3A_219 = arith.constant 0 : i32
    %dma_wait3A_220 = tpu.memref_slice %arg6[%add3A_200, %dma_wait3A_219] : memref<163840x128xf32, #tpu.memory_space<hbm>> -> memref<128x128xf32, #tpu.memory_space<hbm>>
    %dma_wait3A_221 = arith.constant 0 : i32
    %dma_wait3A_222 = tpu.memref_slice %arg6[%add3A_200, %dma_wait3A_221] : memref<163840x128xf32, #tpu.memory_space<hbm>> -> memref<128x128xf32, #tpu.memory_space<hbm>>
    %dma_wait3A_223 = arith.constant 0 : i32
    %dma_wait3A_224 = arith.constant 0 : i32
    %dma_wait3A_225 = tpu.memref_slice %arg10[%dma_wait3A_214, %dma_wait3A_223, %dma_wait3A_224] : memref<2x128x128xf32, #tpu.memory_space<vmem>> -> memref<1x128x128xf32, #tpu.memory_space<vmem>>
    %dma_wait3A_226 = tpu.memref_squeeze %dma_wait3A_225 : memref<1x128x128xf32, #tpu.memory_space<vmem>> -> memref<128x128xf32, #tpu.memory_space<vmem>>
    tpu.wait_dma2 semaphore(%arg16 : memref<!tpu.dma_semaphore, #tpu.memory_space<semaphore_mem>>) src(%dma_wait3A_226 : memref<128x128xf32, #tpu.memory_space<vmem>>) dst(%dma_wait3A_222 : memref<128x128xf32, #tpu.memory_space<hbm>>)
    %sub3A_227 = arith.constant 2 : i32
    %sub3A_228 = arith.subi %select_n3A, %sub3A_227 : i32
    %add3A_229 = arith.constant 1 : i32
    %add3A_230 = arith.addi %sub3A_228, %add3A_229 : i32
    %mul3A_231 = arith.constant 128 : i32
    %mul3A_232 = arith.muli %add3A_230, %mul3A_231 : i32
    %add3A_233 = arith.addi %mul3A_6, %mul3A_232 : i32
    %dma_wait3A_234 = arith.constant 1 : i32
    %dma_wait3A_235 = arith.constant 0 : i32
    %dma_wait3A_236 = arith.constant 0 : i32
    %dma_wait3A_237 = tpu.memref_slice %arg9[%dma_wait3A_234, %dma_wait3A_235, %dma_wait3A_236] : memref<2x128x128xf32, #tpu.memory_space<vmem>> -> memref<1x128x128xf32, #tpu.memory_space<vmem>>
    %dma_wait3A_238 = tpu.memref_squeeze %dma_wait3A_237 : memref<1x128x128xf32, #tpu.memory_space<vmem>> -> memref<128x128xf32, #tpu.memory_space<vmem>>
    %dma_wait3A_239 = arith.constant 0 : i32
    %dma_wait3A_240 = tpu.memref_slice %arg5[%add3A_233, %dma_wait3A_239] : memref<163840x128xf32, #tpu.memory_space<hbm>> -> memref<128x128xf32, #tpu.memory_space<hbm>>
    %dma_wait3A_241 = arith.constant 0 : i32
    %dma_wait3A_242 = tpu.memref_slice %arg5[%add3A_233, %dma_wait3A_241] : memref<163840x128xf32, #tpu.memory_space<hbm>> -> memref<128x128xf32, #tpu.memory_space<hbm>>
    %dma_wait3A_243 = arith.constant 0 : i32
    %dma_wait3A_244 = arith.constant 0 : i32
    %dma_wait3A_245 = tpu.memref_slice %arg9[%dma_wait3A_234, %dma_wait3A_243, %dma_wait3A_244] : memref<2x128x128xf32, #tpu.memory_space<vmem>> -> memref<1x128x128xf32, #tpu.memory_space<vmem>>
    %dma_wait3A_246 = tpu.memref_squeeze %dma_wait3A_245 : memref<1x128x128xf32, #tpu.memory_space<vmem>> -> memref<128x128xf32, #tpu.memory_space<vmem>>
    tpu.wait_dma2 semaphore(%arg17 : memref<!tpu.dma_semaphore, #tpu.memory_space<semaphore_mem>>) src(%dma_wait3A_246 : memref<128x128xf32, #tpu.memory_space<vmem>>) dst(%dma_wait3A_242 : memref<128x128xf32, #tpu.memory_space<hbm>>)
    %dma_wait3A_247 = arith.constant 1 : i32
    %dma_wait3A_248 = arith.constant 0 : i32
    %dma_wait3A_249 = arith.constant 0 : i32
    %dma_wait3A_250 = tpu.memref_slice %arg10[%dma_wait3A_247, %dma_wait3A_248, %dma_wait3A_249] : memref<2x128x128xf32, #tpu.memory_space<vmem>> -> memref<1x128x128xf32, #tpu.memory_space<vmem>>
    %dma_wait3A_251 = tpu.memref_squeeze %dma_wait3A_250 : memref<1x128x128xf32, #tpu.memory_space<vmem>> -> memref<128x128xf32, #tpu.memory_space<vmem>>
    %dma_wait3A_252 = arith.constant 0 : i32
    %dma_wait3A_253 = tpu.memref_slice %arg6[%add3A_233, %dma_wait3A_252] : memref<163840x128xf32, #tpu.memory_space<hbm>> -> memref<128x128xf32, #tpu.memory_space<hbm>>
    %dma_wait3A_254 = arith.constant 0 : i32
    %dma_wait3A_255 = tpu.memref_slice %arg6[%add3A_233, %dma_wait3A_254] : memref<163840x128xf32, #tpu.memory_space<hbm>> -> memref<128x128xf32, #tpu.memory_space<hbm>>
    %dma_wait3A_256 = arith.constant 0 : i32
    %dma_wait3A_257 = arith.constant 0 : i32
    %dma_wait3A_258 = tpu.memref_slice %arg10[%dma_wait3A_247, %dma_wait3A_256, %dma_wait3A_257] : memref<2x128x128xf32, #tpu.memory_space<vmem>> -> memref<1x128x128xf32, #tpu.memory_space<vmem>>
    %dma_wait3A_259 = tpu.memref_squeeze %dma_wait3A_258 : memref<1x128x128xf32, #tpu.memory_space<vmem>> -> memref<128x128xf32, #tpu.memory_space<vmem>>
    tpu.wait_dma2 semaphore(%arg18 : memref<!tpu.dma_semaphore, #tpu.memory_space<semaphore_mem>>) src(%dma_wait3A_259 : memref<128x128xf32, #tpu.memory_space<vmem>>) dst(%dma_wait3A_255 : memref<128x128xf32, #tpu.memory_space<hbm>>)
    return
  }
}

#map = affine_map<(d0, d1) -> (0, 0)>
module attributes {stable_mosaic.version = 14 : i64} {
  func.func @sc_gather_packed(%arg0: i32, %arg1: i32, %arg2: memref<10000x128xf32, #tpu.memory_space<hbm>>, %arg3: memref<1312x128xi32, #tpu.memory_space<hbm>>, %arg4: memref<1312x128xi32, #tpu.memory_space<hbm>>, %arg5: memref<163840x128xf32, #tpu.memory_space<hbm>>, %arg6: memref<163840x128xf32, #tpu.memory_space<hbm>>, %arg7: memref<56x128xi32, #tpu.memory_space<vmem>>, %arg8: memref<56x128xi32, #tpu.memory_space<vmem>>, %arg9: memref<2x128x128xf32, #tpu.memory_space<vmem>>, %arg10: memref<2x128x128xf32, #tpu.memory_space<vmem>>, %arg11: memref<!tpu.dma_semaphore, #tpu.memory_space<semaphore_mem>>, %arg12: memref<!tpu.dma_semaphore, #tpu.memory_space<semaphore_mem>>, %arg13: memref<!tpu.dma_semaphore, #tpu.memory_space<semaphore_mem>>, %arg14: memref<!tpu.dma_semaphore, #tpu.memory_space<semaphore_mem>>, %arg15: memref<!tpu.dma_semaphore, #tpu.memory_space<semaphore_mem>>, %arg16: memref<!tpu.dma_semaphore, #tpu.memory_space<semaphore_mem>>, %arg17: memref<!tpu.dma_semaphore, #tpu.memory_space<semaphore_mem>>, %arg18: memref<!tpu.dma_semaphore, #tpu.memory_space<semaphore_mem>>) attributes {dimension_semantics = [#tpu.dimension_semantics<core_parallel>, #tpu.dimension_semantics<subcore_parallel>], iteration_bounds = array<i64: 2, 16>, scalar_prefetch = 0 : i64, scratch_operands = 12 : i64, tpu.core_type = #tpu.core_type<sc_vector_subcore>, window_params = [{transform_indices = #map}, {transform_indices = #map}, {transform_indices = #map}, {transform_indices = #map}, {transform_indices = #map}]} {
    %mul3A = arith.constant 80 : i32
    %mul3A_0 = arith.muli %mul3A, %arg1 : i32
    %mul3A_1 = arith.constant 56 : i32
    %mul3A_2 = arith.muli %arg0, %mul3A_1 : i32
    %add3A = arith.addi %mul3A_0, %mul3A_2 : i32
    %eq3A = arith.constant 0 : i32
    %eq3A_3 = arith.cmpi eq, %arg0, %eq3A : i32
    %jit3A = arith.constant 56 : i32
    %jit3A_4 = arith.constant 24 : i32
    %select_n3A = arith.select %eq3A_3, %jit3A, %jit3A_4 : i32
    %mul3A_5 = arith.constant 128 : i32
    %mul3A_6 = arith.muli %add3A, %mul3A_5 : i32
    "tpu.region"() ({
      %run_scoped3A = tpu.sem_alloc : memref<!tpu.dma_semaphore, #tpu.memory_space<semaphore_mem>>
      %dma_start3A_260 = arith.constant 0 : i32
      %dma_start3A_261 = tpu.memref_slice %arg3[%add3A, %dma_start3A_260] : memref<1312x128xi32, #tpu.memory_space<hbm>> -> memref<56x128xi32, #tpu.memory_space<hbm>>
      %dma_start3A_262 = arith.constant 0 : i32
      %dma_start3A_263 = tpu.memref_slice %arg3[%add3A, %dma_start3A_262] : memref<1312x128xi32, #tpu.memory_space<hbm>> -> memref<56x128xi32, #tpu.memory_space<hbm>>
      tpu.enqueue_dma source(%dma_start3A_263 : memref<56x128xi32, #tpu.memory_space<hbm>>) target(%arg7 : memref<56x128xi32, #tpu.memory_space<vmem>>) target_semaphore(%run_scoped3A : memref<!tpu.dma_semaphore, #tpu.memory_space<semaphore_mem>>)
      %dma_wait3A_264 = arith.constant 0 : i32
      %dma_wait3A_265 = tpu.memref_slice %arg3[%add3A, %dma_wait3A_264] : memref<1312x128xi32, #tpu.memory_space<hbm>> -> memref<56x128xi32, #tpu.memory_space<hbm>>
      %dma_wait3A_266 = arith.constant 0 : i32
      %dma_wait3A_267 = tpu.memref_slice %arg3[%add3A, %dma_wait3A_266] : memref<1312x128xi32, #tpu.memory_space<hbm>> -> memref<56x128xi32, #tpu.memory_space<hbm>>
      tpu.wait_dma2 semaphore(%run_scoped3A : memref<!tpu.dma_semaphore, #tpu.memory_space<semaphore_mem>>) src(%dma_wait3A_267 : memref<56x128xi32, #tpu.memory_space<hbm>>) dst(%arg7 : memref<56x128xi32, #tpu.memory_space<vmem>>)
      tpu.yield
    }) : () -> ()
    "tpu.region"() ({
      %run_scoped3A = tpu.sem_alloc : memref<!tpu.dma_semaphore, #tpu.memory_space<semaphore_mem>>
      %dma_start3A_260 = arith.constant 0 : i32
      %dma_start3A_261 = tpu.memref_slice %arg4[%add3A, %dma_start3A_260] : memref<1312x128xi32, #tpu.memory_space<hbm>> -> memref<56x128xi32, #tpu.memory_space<hbm>>
      %dma_start3A_262 = arith.constant 0 : i32
      %dma_start3A_263 = tpu.memref_slice %arg4[%add3A, %dma_start3A_262] : memref<1312x128xi32, #tpu.memory_space<hbm>> -> memref<56x128xi32, #tpu.memory_space<hbm>>
      tpu.enqueue_dma source(%dma_start3A_263 : memref<56x128xi32, #tpu.memory_space<hbm>>) target(%arg8 : memref<56x128xi32, #tpu.memory_space<vmem>>) target_semaphore(%run_scoped3A : memref<!tpu.dma_semaphore, #tpu.memory_space<semaphore_mem>>)
      %dma_wait3A_264 = arith.constant 0 : i32
      %dma_wait3A_265 = tpu.memref_slice %arg4[%add3A, %dma_wait3A_264] : memref<1312x128xi32, #tpu.memory_space<hbm>> -> memref<56x128xi32, #tpu.memory_space<hbm>>
      %dma_wait3A_266 = arith.constant 0 : i32
      %dma_wait3A_267 = tpu.memref_slice %arg4[%add3A, %dma_wait3A_266] : memref<1312x128xi32, #tpu.memory_space<hbm>> -> memref<56x128xi32, #tpu.memory_space<hbm>>
      tpu.wait_dma2 semaphore(%run_scoped3A : memref<!tpu.dma_semaphore, #tpu.memory_space<semaphore_mem>>) src(%dma_wait3A_267 : memref<56x128xi32, #tpu.memory_space<hbm>>) dst(%arg8 : memref<56x128xi32, #tpu.memory_space<vmem>>)
      tpu.yield
    }) : () -> ()
    %dma_start3A = arith.constant 0 : i32
    %dma_start3A_7 = arith.constant 0 : i32
    %dma_start3A_8 = arith.constant 0 : i32
    %dma_start3A_9 = arith.constant 0 : i32
    %dma_start3A_10 = tpu.memref_slice %arg9[%dma_start3A_7, %dma_start3A_8, %dma_start3A_9] : memref<2x128x128xf32, #tpu.memory_space<vmem>> -> memref<1x128x128xf32, #tpu.memory_space<vmem>>
    %dma_start3A_11 = tpu.memref_squeeze %dma_start3A_10 : memref<1x128x128xf32, #tpu.memory_space<vmem>> -> memref<128x128xf32, #tpu.memory_space<vmem>>
    %dma_start3A_12 = arith.constant 0 : i32
    %dma_start3A_13 = tpu.memref_slice %arg7[%dma_start3A, %dma_start3A_12] : memref<56x128xi32, #tpu.memory_space<vmem>> -> memref<1x128xi32, #tpu.memory_space<vmem>>
    %dma_start3A_14 = tpu.memref_squeeze %dma_start3A_13 : memref<1x128xi32, #tpu.memory_space<vmem>> -> memref<128xi32, #tpu.memory_space<vmem>>
    %dma_start3A_15 = arith.constant 0 : i32
    %dma_start3A_16 = arith.constant 0 : i32
    %dma_start3A_17 = tpu.memref_slice %arg2[%dma_start3A_15, %dma_start3A_16] : memref<10000x128xf32, #tpu.memory_space<hbm>> -> memref<10000x128xf32, #tpu.memory_space<hbm>>
    tpu.enqueue_indirect_dma source(%dma_start3A_17 : memref<10000x128xf32, #tpu.memory_space<hbm>>) target(%dma_start3A_11 : memref<128x128xf32, #tpu.memory_space<vmem>>) offsets(%dma_start3A_14 : memref<128xi32, #tpu.memory_space<vmem>>) semaphore(%arg11 : memref<!tpu.dma_semaphore, #tpu.memory_space<semaphore_mem>>)
    %dma_start3A_18 = arith.constant 0 : i32
    %dma_start3A_19 = arith.constant 0 : i32
    %dma_start3A_20 = arith.constant 0 : i32
    %dma_start3A_21 = arith.constant 0 : i32
    %dma_start3A_22 = tpu.memref_slice %arg10[%dma_start3A_19, %dma_start3A_20, %dma_start3A_21] : memref<2x128x128xf32, #tpu.memory_space<vmem>> -> memref<1x128x128xf32, #tpu.memory_space<vmem>>
    %dma_start3A_23 = tpu.memref_squeeze %dma_start3A_22 : memref<1x128x128xf32, #tpu.memory_space<vmem>> -> memref<128x128xf32, #tpu.memory_space<vmem>>
    %dma_start3A_24 = arith.constant 0 : i32
    %dma_start3A_25 = tpu.memref_slice %arg8[%dma_start3A_18, %dma_start3A_24] : memref<56x128xi32, #tpu.memory_space<vmem>> -> memref<1x128xi32, #tpu.memory_space<vmem>>
    %dma_start3A_26 = tpu.memref_squeeze %dma_start3A_25 : memref<1x128xi32, #tpu.memory_space<vmem>> -> memref<128xi32, #tpu.memory_space<vmem>>
    %dma_start3A_27 = arith.constant 0 : i32
    %dma_start3A_28 = arith.constant 0 : i32
    %dma_start3A_29 = tpu.memref_slice %arg2[%dma_start3A_27, %dma_start3A_28] : memref<10000x128xf32, #tpu.memory_space<hbm>> -> memref<10000x128xf32, #tpu.memory_space<hbm>>
    tpu.enqueue_indirect_dma source(%dma_start3A_29 : memref<10000x128xf32, #tpu.memory_space<hbm>>) target(%dma_start3A_23 : memref<128x128xf32, #tpu.memory_space<vmem>>) offsets(%dma_start3A_26 : memref<128xi32, #tpu.memory_space<vmem>>) semaphore(%arg12 : memref<!tpu.dma_semaphore, #tpu.memory_space<semaphore_mem>>)
    %dma_start3A_30 = arith.constant 1 : i32
    %dma_start3A_31 = arith.constant 1 : i32
    %dma_start3A_32 = arith.constant 0 : i32
    %dma_start3A_33 = arith.constant 0 : i32
    %dma_start3A_34 = tpu.memref_slice %arg9[%dma_start3A_31, %dma_start3A_32, %dma_start3A_33] : memref<2x128x128xf32, #tpu.memory_space<vmem>> -> memref<1x128x128xf32, #tpu.memory_space<vmem>>
    %dma_start3A_35 = tpu.memref_squeeze %dma_start3A_34 : memref<1x128x128xf32, #tpu.memory_space<vmem>> -> memref<128x128xf32, #tpu.memory_space<vmem>>
    %dma_start3A_36 = arith.constant 0 : i32
    %dma_start3A_37 = tpu.memref_slice %arg7[%dma_start3A_30, %dma_start3A_36] : memref<56x128xi32, #tpu.memory_space<vmem>> -> memref<1x128xi32, #tpu.memory_space<vmem>>
    %dma_start3A_38 = tpu.memref_squeeze %dma_start3A_37 : memref<1x128xi32, #tpu.memory_space<vmem>> -> memref<128xi32, #tpu.memory_space<vmem>>
    %dma_start3A_39 = arith.constant 0 : i32
    %dma_start3A_40 = arith.constant 0 : i32
    %dma_start3A_41 = tpu.memref_slice %arg2[%dma_start3A_39, %dma_start3A_40] : memref<10000x128xf32, #tpu.memory_space<hbm>> -> memref<10000x128xf32, #tpu.memory_space<hbm>>
    tpu.enqueue_indirect_dma source(%dma_start3A_41 : memref<10000x128xf32, #tpu.memory_space<hbm>>) target(%dma_start3A_35 : memref<128x128xf32, #tpu.memory_space<vmem>>) offsets(%dma_start3A_38 : memref<128xi32, #tpu.memory_space<vmem>>) semaphore(%arg13 : memref<!tpu.dma_semaphore, #tpu.memory_space<semaphore_mem>>)
    %dma_start3A_42 = arith.constant 1 : i32
    %dma_start3A_43 = arith.constant 1 : i32
    %dma_start3A_44 = arith.constant 0 : i32
    %dma_start3A_45 = arith.constant 0 : i32
    %dma_start3A_46 = tpu.memref_slice %arg10[%dma_start3A_43, %dma_start3A_44, %dma_start3A_45] : memref<2x128x128xf32, #tpu.memory_space<vmem>> -> memref<1x128x128xf32, #tpu.memory_space<vmem>>
    %dma_start3A_47 = tpu.memref_squeeze %dma_start3A_46 : memref<1x128x128xf32, #tpu.memory_space<vmem>> -> memref<128x128xf32, #tpu.memory_space<vmem>>
    %dma_start3A_48 = arith.constant 0 : i32
    %dma_start3A_49 = tpu.memref_slice %arg8[%dma_start3A_42, %dma_start3A_48] : memref<56x128xi32, #tpu.memory_space<vmem>> -> memref<1x128xi32, #tpu.memory_space<vmem>>
    %dma_start3A_50 = tpu.memref_squeeze %dma_start3A_49 : memref<1x128xi32, #tpu.memory_space<vmem>> -> memref<128xi32, #tpu.memory_space<vmem>>
    %dma_start3A_51 = arith.constant 0 : i32
    %dma_start3A_52 = arith.constant 0 : i32
    %dma_start3A_53 = tpu.memref_slice %arg2[%dma_start3A_51, %dma_start3A_52] : memref<10000x128xf32, #tpu.memory_space<hbm>> -> memref<10000x128xf32, #tpu.memory_space<hbm>>
    tpu.enqueue_indirect_dma source(%dma_start3A_53 : memref<10000x128xf32, #tpu.memory_space<hbm>>) target(%dma_start3A_47 : memref<128x128xf32, #tpu.memory_space<vmem>>) offsets(%dma_start3A_50 : memref<128xi32, #tpu.memory_space<vmem>>) semaphore(%arg14 : memref<!tpu.dma_semaphore, #tpu.memory_space<semaphore_mem>>)
    %jit3A_54 = arith.constant 2 : i32
    %div3A = arith.divsi %select_n3A, %jit3A_54 : i32
    %sign3A = arith.constant 0 : i32
    %sign3A_55 = arith.cmpi sgt, %select_n3A, %sign3A : i32
    %sign3A_56 = arith.extui %sign3A_55 : i1 to i32
    %sign3A_57 = arith.constant 0 : i32
    %sign3A_58 = arith.cmpi slt, %select_n3A, %sign3A_57 : i32
    %sign3A_59 = arith.extui %sign3A_58 : i1 to i32
    %sign3A_60 = arith.subi %sign3A_56, %sign3A_59 : i32
    %sign3A_61 = arith.constant 0 : i32
    %sign3A_62 = arith.cmpi sgt, %jit3A_54, %sign3A_61 : i32
    %sign3A_63 = arith.extui %sign3A_62 : i1 to i32
    %sign3A_64 = arith.constant 0 : i32
    %sign3A_65 = arith.cmpi slt, %jit3A_54, %sign3A_64 : i32
    %sign3A_66 = arith.extui %sign3A_65 : i1 to i32
    %sign3A_67 = arith.subi %sign3A_63, %sign3A_66 : i32
    %ne3A = arith.cmpi ne, %sign3A_60, %sign3A_67 : i32
    %rem3A = arith.remsi %select_n3A, %jit3A_54 : i32
    %ne3A_68 = arith.constant 0 : i32
    %ne3A_69 = arith.cmpi ne, %rem3A, %ne3A_68 : i32
    %and3A = arith.andi %ne3A, %ne3A_69 : i1
    %sub3A = arith.constant 1 : i32
    %sub3A_70 = arith.subi %div3A, %sub3A : i32
    %select_n3A_71 = arith.select %and3A, %sub3A_70, %div3A : i32
    %sub3A_72 = arith.constant 1 : i32
    %sub3A_73 = arith.subi %select_n3A_71, %sub3A_72 : i32
    %while3A = arith.constant 0 : i32
    %while3A_74 = arith.constant 0 : i32
    %while3A_75 = arith.subi %sub3A_73, %while3A : i32
    %while3A_76 = arith.addi %while3A, %while3A_75 : i32
    %while3A_77 = arith.constant 1 : i32
    %while3A_78 = arith.divsi %while3A_75, %while3A_77 : i32
    %while3A_79 = arith.muli %while3A_78, %while3A_77 : i32
    %while3A_80 = arith.addi %while3A, %while3A_79 : i32
    %while3A_81 = arith.constant 1 : i32
    %while3A_82 = scf.for %while3A_260 = %while3A to %while3A_80 step %while3A_81 iter_args(%while3A_261 = %while3A_74) -> (i32)  : i32 {
      %mul3A_262 = arith.constant 2 : i32
      %mul3A_263 = arith.muli %while3A_260, %mul3A_262 : i32
      %add3A_264 = arith.constant 0 : i32
      %add3A_265 = arith.addi %mul3A_263, %add3A_264 : i32
      %dma_wait3A_266 = arith.constant 0 : i32
      %dma_wait3A_267 = arith.constant 0 : i32
      %dma_wait3A_268 = arith.constant 0 : i32
      %dma_wait3A_269 = tpu.memref_slice %arg9[%dma_wait3A_266, %dma_wait3A_267, %dma_wait3A_268] : memref<2x128x128xf32, #tpu.memory_space<vmem>> -> memref<1x128x128xf32, #tpu.memory_space<vmem>>
      %dma_wait3A_270 = tpu.memref_squeeze %dma_wait3A_269 : memref<1x128x128xf32, #tpu.memory_space<vmem>> -> memref<128x128xf32, #tpu.memory_space<vmem>>
      %dma_wait3A_271 = arith.constant 0 : i32
      %dma_wait3A_272 = tpu.memref_slice %arg7[%add3A_265, %dma_wait3A_271] : memref<56x128xi32, #tpu.memory_space<vmem>> -> memref<1x128xi32, #tpu.memory_space<vmem>>
      %dma_wait3A_273 = tpu.memref_squeeze %dma_wait3A_272 : memref<1x128xi32, #tpu.memory_space<vmem>> -> memref<128xi32, #tpu.memory_space<vmem>>
      %dma_wait3A_274 = arith.constant 0 : i32
      %dma_wait3A_275 = arith.constant 0 : i32
      %dma_wait3A_276 = tpu.memref_slice %arg2[%dma_wait3A_274, %dma_wait3A_275] : memref<10000x128xf32, #tpu.memory_space<hbm>> -> memref<10000x128xf32, #tpu.memory_space<hbm>>
      tpu.wait_indirect_dma semaphore(%arg11 : memref<!tpu.dma_semaphore, #tpu.memory_space<semaphore_mem>>) src(%dma_wait3A_276 : memref<10000x128xf32, #tpu.memory_space<hbm>>) dst(%dma_wait3A_270 : memref<128x128xf32, #tpu.memory_space<vmem>>)
      %dma_wait3A_277 = arith.constant 0 : i32
      %dma_wait3A_278 = arith.constant 0 : i32
      %dma_wait3A_279 = arith.constant 0 : i32
      %dma_wait3A_280 = tpu.memref_slice %arg10[%dma_wait3A_277, %dma_wait3A_278, %dma_wait3A_279] : memref<2x128x128xf32, #tpu.memory_space<vmem>> -> memref<1x128x128xf32, #tpu.memory_space<vmem>>
      %dma_wait3A_281 = tpu.memref_squeeze %dma_wait3A_280 : memref<1x128x128xf32, #tpu.memory_space<vmem>> -> memref<128x128xf32, #tpu.memory_space<vmem>>
      %dma_wait3A_282 = arith.constant 0 : i32
      %dma_wait3A_283 = tpu.memref_slice %arg8[%add3A_265, %dma_wait3A_282] : memref<56x128xi32, #tpu.memory_space<vmem>> -> memref<1x128xi32, #tpu.memory_space<vmem>>
      %dma_wait3A_284 = tpu.memref_squeeze %dma_wait3A_283 : memref<1x128xi32, #tpu.memory_space<vmem>> -> memref<128xi32, #tpu.memory_space<vmem>>
      %dma_wait3A_285 = arith.constant 0 : i32
      %dma_wait3A_286 = arith.constant 0 : i32
      %dma_wait3A_287 = tpu.memref_slice %arg2[%dma_wait3A_285, %dma_wait3A_286] : memref<10000x128xf32, #tpu.memory_space<hbm>> -> memref<10000x128xf32, #tpu.memory_space<hbm>>
      tpu.wait_indirect_dma semaphore(%arg12 : memref<!tpu.dma_semaphore, #tpu.memory_space<semaphore_mem>>) src(%dma_wait3A_287 : memref<10000x128xf32, #tpu.memory_space<hbm>>) dst(%dma_wait3A_281 : memref<128x128xf32, #tpu.memory_space<vmem>>)
      %mul3A_288 = arith.constant 128 : i32
      %mul3A_289 = arith.muli %add3A_265, %mul3A_288 : i32
      %add3A_290 = arith.addi %mul3A_6, %mul3A_289 : i32
      %dma_start3A_291 = arith.constant 0 : i32
      %dma_start3A_292 = arith.constant 0 : i32
      %dma_start3A_293 = arith.constant 0 : i32
      %dma_start3A_294 = tpu.memref_slice %arg9[%dma_start3A_291, %dma_start3A_292, %dma_start3A_293] : memref<2x128x128xf32, #tpu.memory_space<vmem>> -> memref<1x128x128xf32, #tpu.memory_space<vmem>>
      %dma_start3A_295 = tpu.memref_squeeze %dma_start3A_294 : memref<1x128x128xf32, #tpu.memory_space<vmem>> -> memref<128x128xf32, #tpu.memory_space<vmem>>
      %dma_start3A_296 = arith.constant 0 : i32
      %dma_start3A_297 = tpu.memref_slice %arg5[%add3A_290, %dma_start3A_296] : memref<163840x128xf32, #tpu.memory_space<hbm>> -> memref<128x128xf32, #tpu.memory_space<hbm>>
      %dma_start3A_298 = arith.constant 0 : i32
      %dma_start3A_299 = tpu.memref_slice %arg5[%add3A_290, %dma_start3A_298] : memref<163840x128xf32, #tpu.memory_space<hbm>> -> memref<128x128xf32, #tpu.memory_space<hbm>>
      %dma_start3A_300 = arith.constant 0 : i32
      %dma_start3A_301 = arith.constant 0 : i32
      %dma_start3A_302 = tpu.memref_slice %arg9[%dma_start3A_291, %dma_start3A_300, %dma_start3A_301] : memref<2x128x128xf32, #tpu.memory_space<vmem>> -> memref<1x128x128xf32, #tpu.memory_space<vmem>>
      %dma_start3A_303 = tpu.memref_squeeze %dma_start3A_302 : memref<1x128x128xf32, #tpu.memory_space<vmem>> -> memref<128x128xf32, #tpu.memory_space<vmem>>
      tpu.enqueue_dma source(%dma_start3A_303 : memref<128x128xf32, #tpu.memory_space<vmem>>) target(%dma_start3A_299 : memref<128x128xf32, #tpu.memory_space<hbm>>) target_semaphore(%arg15 : memref<!tpu.dma_semaphore, #tpu.memory_space<semaphore_mem>>)
      %dma_start3A_304 = arith.constant 0 : i32
      %dma_start3A_305 = arith.constant 0 : i32
      %dma_start3A_306 = arith.constant 0 : i32
      %dma_start3A_307 = tpu.memref_slice %arg10[%dma_start3A_304, %dma_start3A_305, %dma_start3A_306] : memref<2x128x128xf32, #tpu.memory_space<vmem>> -> memref<1x128x128xf32, #tpu.memory_space<vmem>>
      %dma_start3A_308 = tpu.memref_squeeze %dma_start3A_307 : memref<1x128x128xf32, #tpu.memory_space<vmem>> -> memref<128x128xf32, #tpu.memory_space<vmem>>
      %dma_start3A_309 = arith.constant 0 : i32
      %dma_start3A_310 = tpu.memref_slice %arg6[%add3A_290, %dma_start3A_309] : memref<163840x128xf32, #tpu.memory_space<hbm>> -> memref<128x128xf32, #tpu.memory_space<hbm>>
      %dma_start3A_311 = arith.constant 0 : i32
      %dma_start3A_312 = tpu.memref_slice %arg6[%add3A_290, %dma_start3A_311] : memref<163840x128xf32, #tpu.memory_space<hbm>> -> memref<128x128xf32, #tpu.memory_space<hbm>>
      %dma_start3A_313 = arith.constant 0 : i32
      %dma_start3A_314 = arith.constant 0 : i32
      %dma_start3A_315 = tpu.memref_slice %arg10[%dma_start3A_304, %dma_start3A_313, %dma_start3A_314] : memref<2x128x128xf32, #tpu.memory_space<vmem>> -> memref<1x128x128xf32, #tpu.memory_space<vmem>>
      %dma_start3A_316 = tpu.memref_squeeze %dma_start3A_315 : memref<1x128x128xf32, #tpu.memory_space<vmem>> -> memref<128x128xf32, #tpu.memory_space<vmem>>
      tpu.enqueue_dma source(%dma_start3A_316 : memref<128x128xf32, #tpu.memory_space<vmem>>) target(%dma_start3A_312 : memref<128x128xf32, #tpu.memory_space<hbm>>) target_semaphore(%arg16 : memref<!tpu.dma_semaphore, #tpu.memory_space<semaphore_mem>>)
      %add3A_317 = arith.constant 1 : i32
      %add3A_318 = arith.addi %mul3A_263, %add3A_317 : i32
      %dma_wait3A_319 = arith.constant 1 : i32
      %dma_wait3A_320 = arith.constant 0 : i32
      %dma_wait3A_321 = arith.constant 0 : i32
      %dma_wait3A_322 = tpu.memref_slice %arg9[%dma_wait3A_319, %dma_wait3A_320, %dma_wait3A_321] : memref<2x128x128xf32, #tpu.memory_space<vmem>> -> memref<1x128x128xf32, #tpu.memory_space<vmem>>
      %dma_wait3A_323 = tpu.memref_squeeze %dma_wait3A_322 : memref<1x128x128xf32, #tpu.memory_space<vmem>> -> memref<128x128xf32, #tpu.memory_space<vmem>>
      %dma_wait3A_324 = arith.constant 0 : i32
      %dma_wait3A_325 = tpu.memref_slice %arg7[%add3A_318, %dma_wait3A_324] : memref<56x128xi32, #tpu.memory_space<vmem>> -> memref<1x128xi32, #tpu.memory_space<vmem>>
      %dma_wait3A_326 = tpu.memref_squeeze %dma_wait3A_325 : memref<1x128xi32, #tpu.memory_space<vmem>> -> memref<128xi32, #tpu.memory_space<vmem>>
      %dma_wait3A_327 = arith.constant 0 : i32
      %dma_wait3A_328 = arith.constant 0 : i32
      %dma_wait3A_329 = tpu.memref_slice %arg2[%dma_wait3A_327, %dma_wait3A_328] : memref<10000x128xf32, #tpu.memory_space<hbm>> -> memref<10000x128xf32, #tpu.memory_space<hbm>>
      tpu.wait_indirect_dma semaphore(%arg13 : memref<!tpu.dma_semaphore, #tpu.memory_space<semaphore_mem>>) src(%dma_wait3A_329 : memref<10000x128xf32, #tpu.memory_space<hbm>>) dst(%dma_wait3A_323 : memref<128x128xf32, #tpu.memory_space<vmem>>)
      %dma_wait3A_330 = arith.constant 1 : i32
      %dma_wait3A_331 = arith.constant 0 : i32
      %dma_wait3A_332 = arith.constant 0 : i32
      %dma_wait3A_333 = tpu.memref_slice %arg10[%dma_wait3A_330, %dma_wait3A_331, %dma_wait3A_332] : memref<2x128x128xf32, #tpu.memory_space<vmem>> -> memref<1x128x128xf32, #tpu.memory_space<vmem>>
      %dma_wait3A_334 = tpu.memref_squeeze %dma_wait3A_333 : memref<1x128x128xf32, #tpu.memory_space<vmem>> -> memref<128x128xf32, #tpu.memory_space<vmem>>
      %dma_wait3A_335 = arith.constant 0 : i32
      %dma_wait3A_336 = tpu.memref_slice %arg8[%add3A_318, %dma_wait3A_335] : memref<56x128xi32, #tpu.memory_space<vmem>> -> memref<1x128xi32, #tpu.memory_space<vmem>>
      %dma_wait3A_337 = tpu.memref_squeeze %dma_wait3A_336 : memref<1x128xi32, #tpu.memory_space<vmem>> -> memref<128xi32, #tpu.memory_space<vmem>>
      %dma_wait3A_338 = arith.constant 0 : i32
      %dma_wait3A_339 = arith.constant 0 : i32
      %dma_wait3A_340 = tpu.memref_slice %arg2[%dma_wait3A_338, %dma_wait3A_339] : memref<10000x128xf32, #tpu.memory_space<hbm>> -> memref<10000x128xf32, #tpu.memory_space<hbm>>
      tpu.wait_indirect_dma semaphore(%arg14 : memref<!tpu.dma_semaphore, #tpu.memory_space<semaphore_mem>>) src(%dma_wait3A_340 : memref<10000x128xf32, #tpu.memory_space<hbm>>) dst(%dma_wait3A_334 : memref<128x128xf32, #tpu.memory_space<vmem>>)
      %mul3A_341 = arith.constant 128 : i32
      %mul3A_342 = arith.muli %add3A_318, %mul3A_341 : i32
      %add3A_343 = arith.addi %mul3A_6, %mul3A_342 : i32
      %dma_start3A_344 = arith.constant 1 : i32
      %dma_start3A_345 = arith.constant 0 : i32
      %dma_start3A_346 = arith.constant 0 : i32
      %dma_start3A_347 = tpu.memref_slice %arg9[%dma_start3A_344, %dma_start3A_345, %dma_start3A_346] : memref<2x128x128xf32, #tpu.memory_space<vmem>> -> memref<1x128x128xf32, #tpu.memory_space<vmem>>
      %dma_start3A_348 = tpu.memref_squeeze %dma_start3A_347 : memref<1x128x128xf32, #tpu.memory_space<vmem>> -> memref<128x128xf32, #tpu.memory_space<vmem>>
      %dma_start3A_349 = arith.constant 0 : i32
      %dma_start3A_350 = tpu.memref_slice %arg5[%add3A_343, %dma_start3A_349] : memref<163840x128xf32, #tpu.memory_space<hbm>> -> memref<128x128xf32, #tpu.memory_space<hbm>>
      %dma_start3A_351 = arith.constant 0 : i32
      %dma_start3A_352 = tpu.memref_slice %arg5[%add3A_343, %dma_start3A_351] : memref<163840x128xf32, #tpu.memory_space<hbm>> -> memref<128x128xf32, #tpu.memory_space<hbm>>
      %dma_start3A_353 = arith.constant 0 : i32
      %dma_start3A_354 = arith.constant 0 : i32
      %dma_start3A_355 = tpu.memref_slice %arg9[%dma_start3A_344, %dma_start3A_353, %dma_start3A_354] : memref<2x128x128xf32, #tpu.memory_space<vmem>> -> memref<1x128x128xf32, #tpu.memory_space<vmem>>
      %dma_start3A_356 = tpu.memref_squeeze %dma_start3A_355 : memref<1x128x128xf32, #tpu.memory_space<vmem>> -> memref<128x128xf32, #tpu.memory_space<vmem>>
      tpu.enqueue_dma source(%dma_start3A_356 : memref<128x128xf32, #tpu.memory_space<vmem>>) target(%dma_start3A_352 : memref<128x128xf32, #tpu.memory_space<hbm>>) target_semaphore(%arg17 : memref<!tpu.dma_semaphore, #tpu.memory_space<semaphore_mem>>)
      %dma_start3A_357 = arith.constant 1 : i32
      %dma_start3A_358 = arith.constant 0 : i32
      %dma_start3A_359 = arith.constant 0 : i32
      %dma_start3A_360 = tpu.memref_slice %arg10[%dma_start3A_357, %dma_start3A_358, %dma_start3A_359] : memref<2x128x128xf32, #tpu.memory_space<vmem>> -> memref<1x128x128xf32, #tpu.memory_space<vmem>>
      %dma_start3A_361 = tpu.memref_squeeze %dma_start3A_360 : memref<1x128x128xf32, #tpu.memory_space<vmem>> -> memref<128x128xf32, #tpu.memory_space<vmem>>
      %dma_start3A_362 = arith.constant 0 : i32
      %dma_start3A_363 = tpu.memref_slice %arg6[%add3A_343, %dma_start3A_362] : memref<163840x128xf32, #tpu.memory_space<hbm>> -> memref<128x128xf32, #tpu.memory_space<hbm>>
      %dma_start3A_364 = arith.constant 0 : i32
      %dma_start3A_365 = tpu.memref_slice %arg6[%add3A_343, %dma_start3A_364] : memref<163840x128xf32, #tpu.memory_space<hbm>> -> memref<128x128xf32, #tpu.memory_space<hbm>>
      %dma_start3A_366 = arith.constant 0 : i32
      %dma_start3A_367 = arith.constant 0 : i32
      %dma_start3A_368 = tpu.memref_slice %arg10[%dma_start3A_357, %dma_start3A_366, %dma_start3A_367] : memref<2x128x128xf32, #tpu.memory_space<vmem>> -> memref<1x128x128xf32, #tpu.memory_space<vmem>>
      %dma_start3A_369 = tpu.memref_squeeze %dma_start3A_368 : memref<1x128x128xf32, #tpu.memory_space<vmem>> -> memref<128x128xf32, #tpu.memory_space<vmem>>
      tpu.enqueue_dma source(%dma_start3A_369 : memref<128x128xf32, #tpu.memory_space<vmem>>) target(%dma_start3A_365 : memref<128x128xf32, #tpu.memory_space<hbm>>) target_semaphore(%arg18 : memref<!tpu.dma_semaphore, #tpu.memory_space<semaphore_mem>>)
      %add3A_370 = arith.constant 0 : i32
      %add3A_371 = arith.addi %mul3A_263, %add3A_370 : i32
      %mul3A_372 = arith.constant 128 : i32
      %mul3A_373 = arith.muli %add3A_371, %mul3A_372 : i32
      %add3A_374 = arith.addi %mul3A_6, %mul3A_373 : i32
      %dma_wait3A_375 = arith.constant 0 : i32
      %dma_wait3A_376 = arith.constant 0 : i32
      %dma_wait3A_377 = arith.constant 0 : i32
      %dma_wait3A_378 = tpu.memref_slice %arg9[%dma_wait3A_375, %dma_wait3A_376, %dma_wait3A_377] : memref<2x128x128xf32, #tpu.memory_space<vmem>> -> memref<1x128x128xf32, #tpu.memory_space<vmem>>
      %dma_wait3A_379 = tpu.memref_squeeze %dma_wait3A_378 : memref<1x128x128xf32, #tpu.memory_space<vmem>> -> memref<128x128xf32, #tpu.memory_space<vmem>>
      %dma_wait3A_380 = arith.constant 0 : i32
      %dma_wait3A_381 = tpu.memref_slice %arg5[%add3A_374, %dma_wait3A_380] : memref<163840x128xf32, #tpu.memory_space<hbm>> -> memref<128x128xf32, #tpu.memory_space<hbm>>
      %dma_wait3A_382 = arith.constant 0 : i32
      %dma_wait3A_383 = tpu.memref_slice %arg5[%add3A_374, %dma_wait3A_382] : memref<163840x128xf32, #tpu.memory_space<hbm>> -> memref<128x128xf32, #tpu.memory_space<hbm>>
      %dma_wait3A_384 = arith.constant 0 : i32
      %dma_wait3A_385 = arith.constant 0 : i32
      %dma_wait3A_386 = tpu.memref_slice %arg9[%dma_wait3A_375, %dma_wait3A_384, %dma_wait3A_385] : memref<2x128x128xf32, #tpu.memory_space<vmem>> -> memref<1x128x128xf32, #tpu.memory_space<vmem>>
      %dma_wait3A_387 = tpu.memref_squeeze %dma_wait3A_386 : memref<1x128x128xf32, #tpu.memory_space<vmem>> -> memref<128x128xf32, #tpu.memory_space<vmem>>
      tpu.wait_dma2 semaphore(%arg15 : memref<!tpu.dma_semaphore, #tpu.memory_space<semaphore_mem>>) src(%dma_wait3A_387 : memref<128x128xf32, #tpu.memory_space<vmem>>) dst(%dma_wait3A_383 : memref<128x128xf32, #tpu.memory_space<hbm>>)
      %dma_wait3A_388 = arith.constant 0 : i32
      %dma_wait3A_389 = arith.constant 0 : i32
      %dma_wait3A_390 = arith.constant 0 : i32
      %dma_wait3A_391 = tpu.memref_slice %arg10[%dma_wait3A_388, %dma_wait3A_389, %dma_wait3A_390] : memref<2x128x128xf32, #tpu.memory_space<vmem>> -> memref<1x128x128xf32, #tpu.memory_space<vmem>>
      %dma_wait3A_392 = tpu.memref_squeeze %dma_wait3A_391 : memref<1x128x128xf32, #tpu.memory_space<vmem>> -> memref<128x128xf32, #tpu.memory_space<vmem>>
      %dma_wait3A_393 = arith.constant 0 : i32
      %dma_wait3A_394 = tpu.memref_slice %arg6[%add3A_374, %dma_wait3A_393] : memref<163840x128xf32, #tpu.memory_space<hbm>> -> memref<128x128xf32, #tpu.memory_space<hbm>>
      %dma_wait3A_395 = arith.constant 0 : i32
      %dma_wait3A_396 = tpu.memref_slice %arg6[%add3A_374, %dma_wait3A_395] : memref<163840x128xf32, #tpu.memory_space<hbm>> -> memref<128x128xf32, #tpu.memory_space<hbm>>
      %dma_wait3A_397 = arith.constant 0 : i32
      %dma_wait3A_398 = arith.constant 0 : i32
      %dma_wait3A_399 = tpu.memref_slice %arg10[%dma_wait3A_388, %dma_wait3A_397, %dma_wait3A_398] : memref<2x128x128xf32, #tpu.memory_space<vmem>> -> memref<1x128x128xf32, #tpu.memory_space<vmem>>
      %dma_wait3A_400 = tpu.memref_squeeze %dma_wait3A_399 : memref<1x128x128xf32, #tpu.memory_space<vmem>> -> memref<128x128xf32, #tpu.memory_space<vmem>>
      tpu.wait_dma2 semaphore(%arg16 : memref<!tpu.dma_semaphore, #tpu.memory_space<semaphore_mem>>) src(%dma_wait3A_400 : memref<128x128xf32, #tpu.memory_space<vmem>>) dst(%dma_wait3A_396 : memref<128x128xf32, #tpu.memory_space<hbm>>)
      %add3A_401 = arith.constant 2 : i32
      %add3A_402 = arith.addi %mul3A_263, %add3A_401 : i32
      %add3A_403 = arith.constant 0 : i32
      %add3A_404 = arith.addi %add3A_402, %add3A_403 : i32
      %dma_start3A_405 = arith.constant 0 : i32
      %dma_start3A_406 = arith.constant 0 : i32
      %dma_start3A_407 = arith.constant 0 : i32
      %dma_start3A_408 = tpu.memref_slice %arg9[%dma_start3A_405, %dma_start3A_406, %dma_start3A_407] : memref<2x128x128xf32, #tpu.memory_space<vmem>> -> memref<1x128x128xf32, #tpu.memory_space<vmem>>
      %dma_start3A_409 = tpu.memref_squeeze %dma_start3A_408 : memref<1x128x128xf32, #tpu.memory_space<vmem>> -> memref<128x128xf32, #tpu.memory_space<vmem>>
      %dma_start3A_410 = arith.constant 0 : i32
      %dma_start3A_411 = tpu.memref_slice %arg7[%add3A_404, %dma_start3A_410] : memref<56x128xi32, #tpu.memory_space<vmem>> -> memref<1x128xi32, #tpu.memory_space<vmem>>
      %dma_start3A_412 = tpu.memref_squeeze %dma_start3A_411 : memref<1x128xi32, #tpu.memory_space<vmem>> -> memref<128xi32, #tpu.memory_space<vmem>>
      %dma_start3A_413 = arith.constant 0 : i32
      %dma_start3A_414 = arith.constant 0 : i32
      %dma_start3A_415 = tpu.memref_slice %arg2[%dma_start3A_413, %dma_start3A_414] : memref<10000x128xf32, #tpu.memory_space<hbm>> -> memref<10000x128xf32, #tpu.memory_space<hbm>>
      tpu.enqueue_indirect_dma source(%dma_start3A_415 : memref<10000x128xf32, #tpu.memory_space<hbm>>) target(%dma_start3A_409 : memref<128x128xf32, #tpu.memory_space<vmem>>) offsets(%dma_start3A_412 : memref<128xi32, #tpu.memory_space<vmem>>) semaphore(%arg11 : memref<!tpu.dma_semaphore, #tpu.memory_space<semaphore_mem>>)
      %dma_start3A_416 = arith.constant 0 : i32
      %dma_start3A_417 = arith.constant 0 : i32
      %dma_start3A_418 = arith.constant 0 : i32
      %dma_start3A_419 = tpu.memref_slice %arg10[%dma_start3A_416, %dma_start3A_417, %dma_start3A_418] : memref<2x128x128xf32, #tpu.memory_space<vmem>> -> memref<1x128x128xf32, #tpu.memory_space<vmem>>
      %dma_start3A_420 = tpu.memref_squeeze %dma_start3A_419 : memref<1x128x128xf32, #tpu.memory_space<vmem>> -> memref<128x128xf32, #tpu.memory_space<vmem>>
      %dma_start3A_421 = arith.constant 0 : i32
      %dma_start3A_422 = tpu.memref_slice %arg8[%add3A_404, %dma_start3A_421] : memref<56x128xi32, #tpu.memory_space<vmem>> -> memref<1x128xi32, #tpu.memory_space<vmem>>
      %dma_start3A_423 = tpu.memref_squeeze %dma_start3A_422 : memref<1x128xi32, #tpu.memory_space<vmem>> -> memref<128xi32, #tpu.memory_space<vmem>>
      %dma_start3A_424 = arith.constant 0 : i32
      %dma_start3A_425 = arith.constant 0 : i32
      %dma_start3A_426 = tpu.memref_slice %arg2[%dma_start3A_424, %dma_start3A_425] : memref<10000x128xf32, #tpu.memory_space<hbm>> -> memref<10000x128xf32, #tpu.memory_space<hbm>>
      tpu.enqueue_indirect_dma source(%dma_start3A_426 : memref<10000x128xf32, #tpu.memory_space<hbm>>) target(%dma_start3A_420 : memref<128x128xf32, #tpu.memory_space<vmem>>) offsets(%dma_start3A_423 : memref<128xi32, #tpu.memory_space<vmem>>) semaphore(%arg12 : memref<!tpu.dma_semaphore, #tpu.memory_space<semaphore_mem>>)
      %add3A_427 = arith.constant 1 : i32
      %add3A_428 = arith.addi %mul3A_263, %add3A_427 : i32
      %mul3A_429 = arith.constant 128 : i32
      %mul3A_430 = arith.muli %add3A_428, %mul3A_429 : i32
      %add3A_431 = arith.addi %mul3A_6, %mul3A_430 : i32
      %dma_wait3A_432 = arith.constant 1 : i32
      %dma_wait3A_433 = arith.constant 0 : i32
      %dma_wait3A_434 = arith.constant 0 : i32
      %dma_wait3A_435 = tpu.memref_slice %arg9[%dma_wait3A_432, %dma_wait3A_433, %dma_wait3A_434] : memref<2x128x128xf32, #tpu.memory_space<vmem>> -> memref<1x128x128xf32, #tpu.memory_space<vmem>>
      %dma_wait3A_436 = tpu.memref_squeeze %dma_wait3A_435 : memref<1x128x128xf32, #tpu.memory_space<vmem>> -> memref<128x128xf32, #tpu.memory_space<vmem>>
      %dma_wait3A_437 = arith.constant 0 : i32
      %dma_wait3A_438 = tpu.memref_slice %arg5[%add3A_431, %dma_wait3A_437] : memref<163840x128xf32, #tpu.memory_space<hbm>> -> memref<128x128xf32, #tpu.memory_space<hbm>>
      %dma_wait3A_439 = arith.constant 0 : i32
      %dma_wait3A_440 = tpu.memref_slice %arg5[%add3A_431, %dma_wait3A_439] : memref<163840x128xf32, #tpu.memory_space<hbm>> -> memref<128x128xf32, #tpu.memory_space<hbm>>
      %dma_wait3A_441 = arith.constant 0 : i32
      %dma_wait3A_442 = arith.constant 0 : i32
      %dma_wait3A_443 = tpu.memref_slice %arg9[%dma_wait3A_432, %dma_wait3A_441, %dma_wait3A_442] : memref<2x128x128xf32, #tpu.memory_space<vmem>> -> memref<1x128x128xf32, #tpu.memory_space<vmem>>
      %dma_wait3A_444 = tpu.memref_squeeze %dma_wait3A_443 : memref<1x128x128xf32, #tpu.memory_space<vmem>> -> memref<128x128xf32, #tpu.memory_space<vmem>>
      tpu.wait_dma2 semaphore(%arg17 : memref<!tpu.dma_semaphore, #tpu.memory_space<semaphore_mem>>) src(%dma_wait3A_444 : memref<128x128xf32, #tpu.memory_space<vmem>>) dst(%dma_wait3A_440 : memref<128x128xf32, #tpu.memory_space<hbm>>)
      %dma_wait3A_445 = arith.constant 1 : i32
      %dma_wait3A_446 = arith.constant 0 : i32
      %dma_wait3A_447 = arith.constant 0 : i32
      %dma_wait3A_448 = tpu.memref_slice %arg10[%dma_wait3A_445, %dma_wait3A_446, %dma_wait3A_447] : memref<2x128x128xf32, #tpu.memory_space<vmem>> -> memref<1x128x128xf32, #tpu.memory_space<vmem>>
      %dma_wait3A_449 = tpu.memref_squeeze %dma_wait3A_448 : memref<1x128x128xf32, #tpu.memory_space<vmem>> -> memref<128x128xf32, #tpu.memory_space<vmem>>
      %dma_wait3A_450 = arith.constant 0 : i32
      %dma_wait3A_451 = tpu.memref_slice %arg6[%add3A_431, %dma_wait3A_450] : memref<163840x128xf32, #tpu.memory_space<hbm>> -> memref<128x128xf32, #tpu.memory_space<hbm>>
      %dma_wait3A_452 = arith.constant 0 : i32
      %dma_wait3A_453 = tpu.memref_slice %arg6[%add3A_431, %dma_wait3A_452] : memref<163840x128xf32, #tpu.memory_space<hbm>> -> memref<128x128xf32, #tpu.memory_space<hbm>>
      %dma_wait3A_454 = arith.constant 0 : i32
      %dma_wait3A_455 = arith.constant 0 : i32
      %dma_wait3A_456 = tpu.memref_slice %arg10[%dma_wait3A_445, %dma_wait3A_454, %dma_wait3A_455] : memref<2x128x128xf32, #tpu.memory_space<vmem>> -> memref<1x128x128xf32, #tpu.memory_space<vmem>>
      %dma_wait3A_457 = tpu.memref_squeeze %dma_wait3A_456 : memref<1x128x128xf32, #tpu.memory_space<vmem>> -> memref<128x128xf32, #tpu.memory_space<vmem>>
      tpu.wait_dma2 semaphore(%arg18 : memref<!tpu.dma_semaphore, #tpu.memory_space<semaphore_mem>>) src(%dma_wait3A_457 : memref<128x128xf32, #tpu.memory_space<vmem>>) dst(%dma_wait3A_453 : memref<128x128xf32, #tpu.memory_space<hbm>>)
      %add3A_458 = arith.constant 2 : i32
      %add3A_459 = arith.addi %mul3A_263, %add3A_458 : i32
      %add3A_460 = arith.constant 1 : i32
      %add3A_461 = arith.addi %add3A_459, %add3A_460 : i32
      %dma_start3A_462 = arith.constant 1 : i32
      %dma_start3A_463 = arith.constant 0 : i32
      %dma_start3A_464 = arith.constant 0 : i32
      %dma_start3A_465 = tpu.memref_slice %arg9[%dma_start3A_462, %dma_start3A_463, %dma_start3A_464] : memref<2x128x128xf32, #tpu.memory_space<vmem>> -> memref<1x128x128xf32, #tpu.memory_space<vmem>>
      %dma_start3A_466 = tpu.memref_squeeze %dma_start3A_465 : memref<1x128x128xf32, #tpu.memory_space<vmem>> -> memref<128x128xf32, #tpu.memory_space<vmem>>
      %dma_start3A_467 = arith.constant 0 : i32
      %dma_start3A_468 = tpu.memref_slice %arg7[%add3A_461, %dma_start3A_467] : memref<56x128xi32, #tpu.memory_space<vmem>> -> memref<1x128xi32, #tpu.memory_space<vmem>>
      %dma_start3A_469 = tpu.memref_squeeze %dma_start3A_468 : memref<1x128xi32, #tpu.memory_space<vmem>> -> memref<128xi32, #tpu.memory_space<vmem>>
      %dma_start3A_470 = arith.constant 0 : i32
      %dma_start3A_471 = arith.constant 0 : i32
      %dma_start3A_472 = tpu.memref_slice %arg2[%dma_start3A_470, %dma_start3A_471] : memref<10000x128xf32, #tpu.memory_space<hbm>> -> memref<10000x128xf32, #tpu.memory_space<hbm>>
      tpu.enqueue_indirect_dma source(%dma_start3A_472 : memref<10000x128xf32, #tpu.memory_space<hbm>>) target(%dma_start3A_466 : memref<128x128xf32, #tpu.memory_space<vmem>>) offsets(%dma_start3A_469 : memref<128xi32, #tpu.memory_space<vmem>>) semaphore(%arg13 : memref<!tpu.dma_semaphore, #tpu.memory_space<semaphore_mem>>)
      %dma_start3A_473 = arith.constant 1 : i32
      %dma_start3A_474 = arith.constant 0 : i32
      %dma_start3A_475 = arith.constant 0 : i32
      %dma_start3A_476 = tpu.memref_slice %arg10[%dma_start3A_473, %dma_start3A_474, %dma_start3A_475] : memref<2x128x128xf32, #tpu.memory_space<vmem>> -> memref<1x128x128xf32, #tpu.memory_space<vmem>>
      %dma_start3A_477 = tpu.memref_squeeze %dma_start3A_476 : memref<1x128x128xf32, #tpu.memory_space<vmem>> -> memref<128x128xf32, #tpu.memory_space<vmem>>
      %dma_start3A_478 = arith.constant 0 : i32
      %dma_start3A_479 = tpu.memref_slice %arg8[%add3A_461, %dma_start3A_478] : memref<56x128xi32, #tpu.memory_space<vmem>> -> memref<1x128xi32, #tpu.memory_space<vmem>>
      %dma_start3A_480 = tpu.memref_squeeze %dma_start3A_479 : memref<1x128xi32, #tpu.memory_space<vmem>> -> memref<128xi32, #tpu.memory_space<vmem>>
      %dma_start3A_481 = arith.constant 0 : i32
      %dma_start3A_482 = arith.constant 0 : i32
      %dma_start3A_483 = tpu.memref_slice %arg2[%dma_start3A_481, %dma_start3A_482] : memref<10000x128xf32, #tpu.memory_space<hbm>> -> memref<10000x128xf32, #tpu.memory_space<hbm>>
      tpu.enqueue_indirect_dma source(%dma_start3A_483 : memref<10000x128xf32, #tpu.memory_space<hbm>>) target(%dma_start3A_477 : memref<128x128xf32, #tpu.memory_space<vmem>>) offsets(%dma_start3A_480 : memref<128xi32, #tpu.memory_space<vmem>>) semaphore(%arg14 : memref<!tpu.dma_semaphore, #tpu.memory_space<semaphore_mem>>)
      %while3A_484 = arith.constant 0 : i32
      scf.yield %while3A_484 : i32
    }
    %while3A_83 = arith.constant 1 : i32
    %while3A_84 = scf.for %while3A_260 = %while3A_80 to %while3A_76 step %while3A_83 iter_args(%while3A_261 = %while3A_82) -> (i32)  : i32 {
      %mul3A_262 = arith.constant 2 : i32
      %mul3A_263 = arith.muli %while3A_260, %mul3A_262 : i32
      %add3A_264 = arith.constant 0 : i32
      %add3A_265 = arith.addi %mul3A_263, %add3A_264 : i32
      %dma_wait3A_266 = arith.constant 0 : i32
      %dma_wait3A_267 = arith.constant 0 : i32
      %dma_wait3A_268 = arith.constant 0 : i32
      %dma_wait3A_269 = tpu.memref_slice %arg9[%dma_wait3A_266, %dma_wait3A_267, %dma_wait3A_268] : memref<2x128x128xf32, #tpu.memory_space<vmem>> -> memref<1x128x128xf32, #tpu.memory_space<vmem>>
      %dma_wait3A_270 = tpu.memref_squeeze %dma_wait3A_269 : memref<1x128x128xf32, #tpu.memory_space<vmem>> -> memref<128x128xf32, #tpu.memory_space<vmem>>
      %dma_wait3A_271 = arith.constant 0 : i32
      %dma_wait3A_272 = tpu.memref_slice %arg7[%add3A_265, %dma_wait3A_271] : memref<56x128xi32, #tpu.memory_space<vmem>> -> memref<1x128xi32, #tpu.memory_space<vmem>>
      %dma_wait3A_273 = tpu.memref_squeeze %dma_wait3A_272 : memref<1x128xi32, #tpu.memory_space<vmem>> -> memref<128xi32, #tpu.memory_space<vmem>>
      %dma_wait3A_274 = arith.constant 0 : i32
      %dma_wait3A_275 = arith.constant 0 : i32
      %dma_wait3A_276 = tpu.memref_slice %arg2[%dma_wait3A_274, %dma_wait3A_275] : memref<10000x128xf32, #tpu.memory_space<hbm>> -> memref<10000x128xf32, #tpu.memory_space<hbm>>
      tpu.wait_indirect_dma semaphore(%arg11 : memref<!tpu.dma_semaphore, #tpu.memory_space<semaphore_mem>>) src(%dma_wait3A_276 : memref<10000x128xf32, #tpu.memory_space<hbm>>) dst(%dma_wait3A_270 : memref<128x128xf32, #tpu.memory_space<vmem>>)
      %dma_wait3A_277 = arith.constant 0 : i32
      %dma_wait3A_278 = arith.constant 0 : i32
      %dma_wait3A_279 = arith.constant 0 : i32
      %dma_wait3A_280 = tpu.memref_slice %arg10[%dma_wait3A_277, %dma_wait3A_278, %dma_wait3A_279] : memref<2x128x128xf32, #tpu.memory_space<vmem>> -> memref<1x128x128xf32, #tpu.memory_space<vmem>>
      %dma_wait3A_281 = tpu.memref_squeeze %dma_wait3A_280 : memref<1x128x128xf32, #tpu.memory_space<vmem>> -> memref<128x128xf32, #tpu.memory_space<vmem>>
      %dma_wait3A_282 = arith.constant 0 : i32
      %dma_wait3A_283 = tpu.memref_slice %arg8[%add3A_265, %dma_wait3A_282] : memref<56x128xi32, #tpu.memory_space<vmem>> -> memref<1x128xi32, #tpu.memory_space<vmem>>
      %dma_wait3A_284 = tpu.memref_squeeze %dma_wait3A_283 : memref<1x128xi32, #tpu.memory_space<vmem>> -> memref<128xi32, #tpu.memory_space<vmem>>
      %dma_wait3A_285 = arith.constant 0 : i32
      %dma_wait3A_286 = arith.constant 0 : i32
      %dma_wait3A_287 = tpu.memref_slice %arg2[%dma_wait3A_285, %dma_wait3A_286] : memref<10000x128xf32, #tpu.memory_space<hbm>> -> memref<10000x128xf32, #tpu.memory_space<hbm>>
      tpu.wait_indirect_dma semaphore(%arg12 : memref<!tpu.dma_semaphore, #tpu.memory_space<semaphore_mem>>) src(%dma_wait3A_287 : memref<10000x128xf32, #tpu.memory_space<hbm>>) dst(%dma_wait3A_281 : memref<128x128xf32, #tpu.memory_space<vmem>>)
      %mul3A_288 = arith.constant 128 : i32
      %mul3A_289 = arith.muli %add3A_265, %mul3A_288 : i32
      %add3A_290 = arith.addi %mul3A_6, %mul3A_289 : i32
      %dma_start3A_291 = arith.constant 0 : i32
      %dma_start3A_292 = arith.constant 0 : i32
      %dma_start3A_293 = arith.constant 0 : i32
      %dma_start3A_294 = tpu.memref_slice %arg9[%dma_start3A_291, %dma_start3A_292, %dma_start3A_293] : memref<2x128x128xf32, #tpu.memory_space<vmem>> -> memref<1x128x128xf32, #tpu.memory_space<vmem>>
      %dma_start3A_295 = tpu.memref_squeeze %dma_start3A_294 : memref<1x128x128xf32, #tpu.memory_space<vmem>> -> memref<128x128xf32, #tpu.memory_space<vmem>>
      %dma_start3A_296 = arith.constant 0 : i32
      %dma_start3A_297 = tpu.memref_slice %arg5[%add3A_290, %dma_start3A_296] : memref<163840x128xf32, #tpu.memory_space<hbm>> -> memref<128x128xf32, #tpu.memory_space<hbm>>
      %dma_start3A_298 = arith.constant 0 : i32
      %dma_start3A_299 = tpu.memref_slice %arg5[%add3A_290, %dma_start3A_298] : memref<163840x128xf32, #tpu.memory_space<hbm>> -> memref<128x128xf32, #tpu.memory_space<hbm>>
      %dma_start3A_300 = arith.constant 0 : i32
      %dma_start3A_301 = arith.constant 0 : i32
      %dma_start3A_302 = tpu.memref_slice %arg9[%dma_start3A_291, %dma_start3A_300, %dma_start3A_301] : memref<2x128x128xf32, #tpu.memory_space<vmem>> -> memref<1x128x128xf32, #tpu.memory_space<vmem>>
      %dma_start3A_303 = tpu.memref_squeeze %dma_start3A_302 : memref<1x128x128xf32, #tpu.memory_space<vmem>> -> memref<128x128xf32, #tpu.memory_space<vmem>>
      tpu.enqueue_dma source(%dma_start3A_303 : memref<128x128xf32, #tpu.memory_space<vmem>>) target(%dma_start3A_299 : memref<128x128xf32, #tpu.memory_space<hbm>>) target_semaphore(%arg15 : memref<!tpu.dma_semaphore, #tpu.memory_space<semaphore_mem>>)
      %dma_start3A_304 = arith.constant 0 : i32
      %dma_start3A_305 = arith.constant 0 : i32
      %dma_start3A_306 = arith.constant 0 : i32
      %dma_start3A_307 = tpu.memref_slice %arg10[%dma_start3A_304, %dma_start3A_305, %dma_start3A_306] : memref<2x128x128xf32, #tpu.memory_space<vmem>> -> memref<1x128x128xf32, #tpu.memory_space<vmem>>
      %dma_start3A_308 = tpu.memref_squeeze %dma_start3A_307 : memref<1x128x128xf32, #tpu.memory_space<vmem>> -> memref<128x128xf32, #tpu.memory_space<vmem>>
      %dma_start3A_309 = arith.constant 0 : i32
      %dma_start3A_310 = tpu.memref_slice %arg6[%add3A_290, %dma_start3A_309] : memref<163840x128xf32, #tpu.memory_space<hbm>> -> memref<128x128xf32, #tpu.memory_space<hbm>>
      %dma_start3A_311 = arith.constant 0 : i32
      %dma_start3A_312 = tpu.memref_slice %arg6[%add3A_290, %dma_start3A_311] : memref<163840x128xf32, #tpu.memory_space<hbm>> -> memref<128x128xf32, #tpu.memory_space<hbm>>
      %dma_start3A_313 = arith.constant 0 : i32
      %dma_start3A_314 = arith.constant 0 : i32
      %dma_start3A_315 = tpu.memref_slice %arg10[%dma_start3A_304, %dma_start3A_313, %dma_start3A_314] : memref<2x128x128xf32, #tpu.memory_space<vmem>> -> memref<1x128x128xf32, #tpu.memory_space<vmem>>
      %dma_start3A_316 = tpu.memref_squeeze %dma_start3A_315 : memref<1x128x128xf32, #tpu.memory_space<vmem>> -> memref<128x128xf32, #tpu.memory_space<vmem>>
      tpu.enqueue_dma source(%dma_start3A_316 : memref<128x128xf32, #tpu.memory_space<vmem>>) target(%dma_start3A_312 : memref<128x128xf32, #tpu.memory_space<hbm>>) target_semaphore(%arg16 : memref<!tpu.dma_semaphore, #tpu.memory_space<semaphore_mem>>)
      %add3A_317 = arith.constant 1 : i32
      %add3A_318 = arith.addi %mul3A_263, %add3A_317 : i32
      %dma_wait3A_319 = arith.constant 1 : i32
      %dma_wait3A_320 = arith.constant 0 : i32
      %dma_wait3A_321 = arith.constant 0 : i32
      %dma_wait3A_322 = tpu.memref_slice %arg9[%dma_wait3A_319, %dma_wait3A_320, %dma_wait3A_321] : memref<2x128x128xf32, #tpu.memory_space<vmem>> -> memref<1x128x128xf32, #tpu.memory_space<vmem>>
      %dma_wait3A_323 = tpu.memref_squeeze %dma_wait3A_322 : memref<1x128x128xf32, #tpu.memory_space<vmem>> -> memref<128x128xf32, #tpu.memory_space<vmem>>
      %dma_wait3A_324 = arith.constant 0 : i32
      %dma_wait3A_325 = tpu.memref_slice %arg7[%add3A_318, %dma_wait3A_324] : memref<56x128xi32, #tpu.memory_space<vmem>> -> memref<1x128xi32, #tpu.memory_space<vmem>>
      %dma_wait3A_326 = tpu.memref_squeeze %dma_wait3A_325 : memref<1x128xi32, #tpu.memory_space<vmem>> -> memref<128xi32, #tpu.memory_space<vmem>>
      %dma_wait3A_327 = arith.constant 0 : i32
      %dma_wait3A_328 = arith.constant 0 : i32
      %dma_wait3A_329 = tpu.memref_slice %arg2[%dma_wait3A_327, %dma_wait3A_328] : memref<10000x128xf32, #tpu.memory_space<hbm>> -> memref<10000x128xf32, #tpu.memory_space<hbm>>
      tpu.wait_indirect_dma semaphore(%arg13 : memref<!tpu.dma_semaphore, #tpu.memory_space<semaphore_mem>>) src(%dma_wait3A_329 : memref<10000x128xf32, #tpu.memory_space<hbm>>) dst(%dma_wait3A_323 : memref<128x128xf32, #tpu.memory_space<vmem>>)
      %dma_wait3A_330 = arith.constant 1 : i32
      %dma_wait3A_331 = arith.constant 0 : i32
      %dma_wait3A_332 = arith.constant 0 : i32
      %dma_wait3A_333 = tpu.memref_slice %arg10[%dma_wait3A_330, %dma_wait3A_331, %dma_wait3A_332] : memref<2x128x128xf32, #tpu.memory_space<vmem>> -> memref<1x128x128xf32, #tpu.memory_space<vmem>>
      %dma_wait3A_334 = tpu.memref_squeeze %dma_wait3A_333 : memref<1x128x128xf32, #tpu.memory_space<vmem>> -> memref<128x128xf32, #tpu.memory_space<vmem>>
      %dma_wait3A_335 = arith.constant 0 : i32
      %dma_wait3A_336 = tpu.memref_slice %arg8[%add3A_318, %dma_wait3A_335] : memref<56x128xi32, #tpu.memory_space<vmem>> -> memref<1x128xi32, #tpu.memory_space<vmem>>
      %dma_wait3A_337 = tpu.memref_squeeze %dma_wait3A_336 : memref<1x128xi32, #tpu.memory_space<vmem>> -> memref<128xi32, #tpu.memory_space<vmem>>
      %dma_wait3A_338 = arith.constant 0 : i32
      %dma_wait3A_339 = arith.constant 0 : i32
      %dma_wait3A_340 = tpu.memref_slice %arg2[%dma_wait3A_338, %dma_wait3A_339] : memref<10000x128xf32, #tpu.memory_space<hbm>> -> memref<10000x128xf32, #tpu.memory_space<hbm>>
      tpu.wait_indirect_dma semaphore(%arg14 : memref<!tpu.dma_semaphore, #tpu.memory_space<semaphore_mem>>) src(%dma_wait3A_340 : memref<10000x128xf32, #tpu.memory_space<hbm>>) dst(%dma_wait3A_334 : memref<128x128xf32, #tpu.memory_space<vmem>>)
      %mul3A_341 = arith.constant 128 : i32
      %mul3A_342 = arith.muli %add3A_318, %mul3A_341 : i32
      %add3A_343 = arith.addi %mul3A_6, %mul3A_342 : i32
      %dma_start3A_344 = arith.constant 1 : i32
      %dma_start3A_345 = arith.constant 0 : i32
      %dma_start3A_346 = arith.constant 0 : i32
      %dma_start3A_347 = tpu.memref_slice %arg9[%dma_start3A_344, %dma_start3A_345, %dma_start3A_346] : memref<2x128x128xf32, #tpu.memory_space<vmem>> -> memref<1x128x128xf32, #tpu.memory_space<vmem>>
      %dma_start3A_348 = tpu.memref_squeeze %dma_start3A_347 : memref<1x128x128xf32, #tpu.memory_space<vmem>> -> memref<128x128xf32, #tpu.memory_space<vmem>>
      %dma_start3A_349 = arith.constant 0 : i32
      %dma_start3A_350 = tpu.memref_slice %arg5[%add3A_343, %dma_start3A_349] : memref<163840x128xf32, #tpu.memory_space<hbm>> -> memref<128x128xf32, #tpu.memory_space<hbm>>
      %dma_start3A_351 = arith.constant 0 : i32
      %dma_start3A_352 = tpu.memref_slice %arg5[%add3A_343, %dma_start3A_351] : memref<163840x128xf32, #tpu.memory_space<hbm>> -> memref<128x128xf32, #tpu.memory_space<hbm>>
      %dma_start3A_353 = arith.constant 0 : i32
      %dma_start3A_354 = arith.constant 0 : i32
      %dma_start3A_355 = tpu.memref_slice %arg9[%dma_start3A_344, %dma_start3A_353, %dma_start3A_354] : memref<2x128x128xf32, #tpu.memory_space<vmem>> -> memref<1x128x128xf32, #tpu.memory_space<vmem>>
      %dma_start3A_356 = tpu.memref_squeeze %dma_start3A_355 : memref<1x128x128xf32, #tpu.memory_space<vmem>> -> memref<128x128xf32, #tpu.memory_space<vmem>>
      tpu.enqueue_dma source(%dma_start3A_356 : memref<128x128xf32, #tpu.memory_space<vmem>>) target(%dma_start3A_352 : memref<128x128xf32, #tpu.memory_space<hbm>>) target_semaphore(%arg17 : memref<!tpu.dma_semaphore, #tpu.memory_space<semaphore_mem>>)
      %dma_start3A_357 = arith.constant 1 : i32
      %dma_start3A_358 = arith.constant 0 : i32
      %dma_start3A_359 = arith.constant 0 : i32
      %dma_start3A_360 = tpu.memref_slice %arg10[%dma_start3A_357, %dma_start3A_358, %dma_start3A_359] : memref<2x128x128xf32, #tpu.memory_space<vmem>> -> memref<1x128x128xf32, #tpu.memory_space<vmem>>
      %dma_start3A_361 = tpu.memref_squeeze %dma_start3A_360 : memref<1x128x128xf32, #tpu.memory_space<vmem>> -> memref<128x128xf32, #tpu.memory_space<vmem>>
      %dma_start3A_362 = arith.constant 0 : i32
      %dma_start3A_363 = tpu.memref_slice %arg6[%add3A_343, %dma_start3A_362] : memref<163840x128xf32, #tpu.memory_space<hbm>> -> memref<128x128xf32, #tpu.memory_space<hbm>>
      %dma_start3A_364 = arith.constant 0 : i32
      %dma_start3A_365 = tpu.memref_slice %arg6[%add3A_343, %dma_start3A_364] : memref<163840x128xf32, #tpu.memory_space<hbm>> -> memref<128x128xf32, #tpu.memory_space<hbm>>
      %dma_start3A_366 = arith.constant 0 : i32
      %dma_start3A_367 = arith.constant 0 : i32
      %dma_start3A_368 = tpu.memref_slice %arg10[%dma_start3A_357, %dma_start3A_366, %dma_start3A_367] : memref<2x128x128xf32, #tpu.memory_space<vmem>> -> memref<1x128x128xf32, #tpu.memory_space<vmem>>
      %dma_start3A_369 = tpu.memref_squeeze %dma_start3A_368 : memref<1x128x128xf32, #tpu.memory_space<vmem>> -> memref<128x128xf32, #tpu.memory_space<vmem>>
      tpu.enqueue_dma source(%dma_start3A_369 : memref<128x128xf32, #tpu.memory_space<vmem>>) target(%dma_start3A_365 : memref<128x128xf32, #tpu.memory_space<hbm>>) target_semaphore(%arg18 : memref<!tpu.dma_semaphore, #tpu.memory_space<semaphore_mem>>)
      %add3A_370 = arith.constant 0 : i32
      %add3A_371 = arith.addi %mul3A_263, %add3A_370 : i32
      %mul3A_372 = arith.constant 128 : i32
      %mul3A_373 = arith.muli %add3A_371, %mul3A_372 : i32
      %add3A_374 = arith.addi %mul3A_6, %mul3A_373 : i32
      %dma_wait3A_375 = arith.constant 0 : i32
      %dma_wait3A_376 = arith.constant 0 : i32
      %dma_wait3A_377 = arith.constant 0 : i32
      %dma_wait3A_378 = tpu.memref_slice %arg9[%dma_wait3A_375, %dma_wait3A_376, %dma_wait3A_377] : memref<2x128x128xf32, #tpu.memory_space<vmem>> -> memref<1x128x128xf32, #tpu.memory_space<vmem>>
      %dma_wait3A_379 = tpu.memref_squeeze %dma_wait3A_378 : memref<1x128x128xf32, #tpu.memory_space<vmem>> -> memref<128x128xf32, #tpu.memory_space<vmem>>
      %dma_wait3A_380 = arith.constant 0 : i32
      %dma_wait3A_381 = tpu.memref_slice %arg5[%add3A_374, %dma_wait3A_380] : memref<163840x128xf32, #tpu.memory_space<hbm>> -> memref<128x128xf32, #tpu.memory_space<hbm>>
      %dma_wait3A_382 = arith.constant 0 : i32
      %dma_wait3A_383 = tpu.memref_slice %arg5[%add3A_374, %dma_wait3A_382] : memref<163840x128xf32, #tpu.memory_space<hbm>> -> memref<128x128xf32, #tpu.memory_space<hbm>>
      %dma_wait3A_384 = arith.constant 0 : i32
      %dma_wait3A_385 = arith.constant 0 : i32
      %dma_wait3A_386 = tpu.memref_slice %arg9[%dma_wait3A_375, %dma_wait3A_384, %dma_wait3A_385] : memref<2x128x128xf32, #tpu.memory_space<vmem>> -> memref<1x128x128xf32, #tpu.memory_space<vmem>>
      %dma_wait3A_387 = tpu.memref_squeeze %dma_wait3A_386 : memref<1x128x128xf32, #tpu.memory_space<vmem>> -> memref<128x128xf32, #tpu.memory_space<vmem>>
      tpu.wait_dma2 semaphore(%arg15 : memref<!tpu.dma_semaphore, #tpu.memory_space<semaphore_mem>>) src(%dma_wait3A_387 : memref<128x128xf32, #tpu.memory_space<vmem>>) dst(%dma_wait3A_383 : memref<128x128xf32, #tpu.memory_space<hbm>>)
      %dma_wait3A_388 = arith.constant 0 : i32
      %dma_wait3A_389 = arith.constant 0 : i32
      %dma_wait3A_390 = arith.constant 0 : i32
      %dma_wait3A_391 = tpu.memref_slice %arg10[%dma_wait3A_388, %dma_wait3A_389, %dma_wait3A_390] : memref<2x128x128xf32, #tpu.memory_space<vmem>> -> memref<1x128x128xf32, #tpu.memory_space<vmem>>
      %dma_wait3A_392 = tpu.memref_squeeze %dma_wait3A_391 : memref<1x128x128xf32, #tpu.memory_space<vmem>> -> memref<128x128xf32, #tpu.memory_space<vmem>>
      %dma_wait3A_393 = arith.constant 0 : i32
      %dma_wait3A_394 = tpu.memref_slice %arg6[%add3A_374, %dma_wait3A_393] : memref<163840x128xf32, #tpu.memory_space<hbm>> -> memref<128x128xf32, #tpu.memory_space<hbm>>
      %dma_wait3A_395 = arith.constant 0 : i32
      %dma_wait3A_396 = tpu.memref_slice %arg6[%add3A_374, %dma_wait3A_395] : memref<163840x128xf32, #tpu.memory_space<hbm>> -> memref<128x128xf32, #tpu.memory_space<hbm>>
      %dma_wait3A_397 = arith.constant 0 : i32
      %dma_wait3A_398 = arith.constant 0 : i32
      %dma_wait3A_399 = tpu.memref_slice %arg10[%dma_wait3A_388, %dma_wait3A_397, %dma_wait3A_398] : memref<2x128x128xf32, #tpu.memory_space<vmem>> -> memref<1x128x128xf32, #tpu.memory_space<vmem>>
      %dma_wait3A_400 = tpu.memref_squeeze %dma_wait3A_399 : memref<1x128x128xf32, #tpu.memory_space<vmem>> -> memref<128x128xf32, #tpu.memory_space<vmem>>
      tpu.wait_dma2 semaphore(%arg16 : memref<!tpu.dma_semaphore, #tpu.memory_space<semaphore_mem>>) src(%dma_wait3A_400 : memref<128x128xf32, #tpu.memory_space<vmem>>) dst(%dma_wait3A_396 : memref<128x128xf32, #tpu.memory_space<hbm>>)
      %add3A_401 = arith.constant 2 : i32
      %add3A_402 = arith.addi %mul3A_263, %add3A_401 : i32
      %add3A_403 = arith.constant 0 : i32
      %add3A_404 = arith.addi %add3A_402, %add3A_403 : i32
      %dma_start3A_405 = arith.constant 0 : i32
      %dma_start3A_406 = arith.constant 0 : i32
      %dma_start3A_407 = arith.constant 0 : i32
      %dma_start3A_408 = tpu.memref_slice %arg9[%dma_start3A_405, %dma_start3A_406, %dma_start3A_407] : memref<2x128x128xf32, #tpu.memory_space<vmem>> -> memref<1x128x128xf32, #tpu.memory_space<vmem>>
      %dma_start3A_409 = tpu.memref_squeeze %dma_start3A_408 : memref<1x128x128xf32, #tpu.memory_space<vmem>> -> memref<128x128xf32, #tpu.memory_space<vmem>>
      %dma_start3A_410 = arith.constant 0 : i32
      %dma_start3A_411 = tpu.memref_slice %arg7[%add3A_404, %dma_start3A_410] : memref<56x128xi32, #tpu.memory_space<vmem>> -> memref<1x128xi32, #tpu.memory_space<vmem>>
      %dma_start3A_412 = tpu.memref_squeeze %dma_start3A_411 : memref<1x128xi32, #tpu.memory_space<vmem>> -> memref<128xi32, #tpu.memory_space<vmem>>
      %dma_start3A_413 = arith.constant 0 : i32
      %dma_start3A_414 = arith.constant 0 : i32
      %dma_start3A_415 = tpu.memref_slice %arg2[%dma_start3A_413, %dma_start3A_414] : memref<10000x128xf32, #tpu.memory_space<hbm>> -> memref<10000x128xf32, #tpu.memory_space<hbm>>
      tpu.enqueue_indirect_dma source(%dma_start3A_415 : memref<10000x128xf32, #tpu.memory_space<hbm>>) target(%dma_start3A_409 : memref<128x128xf32, #tpu.memory_space<vmem>>) offsets(%dma_start3A_412 : memref<128xi32, #tpu.memory_space<vmem>>) semaphore(%arg11 : memref<!tpu.dma_semaphore, #tpu.memory_space<semaphore_mem>>)
      %dma_start3A_416 = arith.constant 0 : i32
      %dma_start3A_417 = arith.constant 0 : i32
      %dma_start3A_418 = arith.constant 0 : i32
      %dma_start3A_419 = tpu.memref_slice %arg10[%dma_start3A_416, %dma_start3A_417, %dma_start3A_418] : memref<2x128x128xf32, #tpu.memory_space<vmem>> -> memref<1x128x128xf32, #tpu.memory_space<vmem>>
      %dma_start3A_420 = tpu.memref_squeeze %dma_start3A_419 : memref<1x128x128xf32, #tpu.memory_space<vmem>> -> memref<128x128xf32, #tpu.memory_space<vmem>>
      %dma_start3A_421 = arith.constant 0 : i32
      %dma_start3A_422 = tpu.memref_slice %arg8[%add3A_404, %dma_start3A_421] : memref<56x128xi32, #tpu.memory_space<vmem>> -> memref<1x128xi32, #tpu.memory_space<vmem>>
      %dma_start3A_423 = tpu.memref_squeeze %dma_start3A_422 : memref<1x128xi32, #tpu.memory_space<vmem>> -> memref<128xi32, #tpu.memory_space<vmem>>
      %dma_start3A_424 = arith.constant 0 : i32
      %dma_start3A_425 = arith.constant 0 : i32
      %dma_start3A_426 = tpu.memref_slice %arg2[%dma_start3A_424, %dma_start3A_425] : memref<10000x128xf32, #tpu.memory_space<hbm>> -> memref<10000x128xf32, #tpu.memory_space<hbm>>
      tpu.enqueue_indirect_dma source(%dma_start3A_426 : memref<10000x128xf32, #tpu.memory_space<hbm>>) target(%dma_start3A_420 : memref<128x128xf32, #tpu.memory_space<vmem>>) offsets(%dma_start3A_423 : memref<128xi32, #tpu.memory_space<vmem>>) semaphore(%arg12 : memref<!tpu.dma_semaphore, #tpu.memory_space<semaphore_mem>>)
      %add3A_427 = arith.constant 1 : i32
      %add3A_428 = arith.addi %mul3A_263, %add3A_427 : i32
      %mul3A_429 = arith.constant 128 : i32
      %mul3A_430 = arith.muli %add3A_428, %mul3A_429 : i32
      %add3A_431 = arith.addi %mul3A_6, %mul3A_430 : i32
      %dma_wait3A_432 = arith.constant 1 : i32
      %dma_wait3A_433 = arith.constant 0 : i32
      %dma_wait3A_434 = arith.constant 0 : i32
      %dma_wait3A_435 = tpu.memref_slice %arg9[%dma_wait3A_432, %dma_wait3A_433, %dma_wait3A_434] : memref<2x128x128xf32, #tpu.memory_space<vmem>> -> memref<1x128x128xf32, #tpu.memory_space<vmem>>
      %dma_wait3A_436 = tpu.memref_squeeze %dma_wait3A_435 : memref<1x128x128xf32, #tpu.memory_space<vmem>> -> memref<128x128xf32, #tpu.memory_space<vmem>>
      %dma_wait3A_437 = arith.constant 0 : i32
      %dma_wait3A_438 = tpu.memref_slice %arg5[%add3A_431, %dma_wait3A_437] : memref<163840x128xf32, #tpu.memory_space<hbm>> -> memref<128x128xf32, #tpu.memory_space<hbm>>
      %dma_wait3A_439 = arith.constant 0 : i32
      %dma_wait3A_440 = tpu.memref_slice %arg5[%add3A_431, %dma_wait3A_439] : memref<163840x128xf32, #tpu.memory_space<hbm>> -> memref<128x128xf32, #tpu.memory_space<hbm>>
      %dma_wait3A_441 = arith.constant 0 : i32
      %dma_wait3A_442 = arith.constant 0 : i32
      %dma_wait3A_443 = tpu.memref_slice %arg9[%dma_wait3A_432, %dma_wait3A_441, %dma_wait3A_442] : memref<2x128x128xf32, #tpu.memory_space<vmem>> -> memref<1x128x128xf32, #tpu.memory_space<vmem>>
      %dma_wait3A_444 = tpu.memref_squeeze %dma_wait3A_443 : memref<1x128x128xf32, #tpu.memory_space<vmem>> -> memref<128x128xf32, #tpu.memory_space<vmem>>
      tpu.wait_dma2 semaphore(%arg17 : memref<!tpu.dma_semaphore, #tpu.memory_space<semaphore_mem>>) src(%dma_wait3A_444 : memref<128x128xf32, #tpu.memory_space<vmem>>) dst(%dma_wait3A_440 : memref<128x128xf32, #tpu.memory_space<hbm>>)
      %dma_wait3A_445 = arith.constant 1 : i32
      %dma_wait3A_446 = arith.constant 0 : i32
      %dma_wait3A_447 = arith.constant 0 : i32
      %dma_wait3A_448 = tpu.memref_slice %arg10[%dma_wait3A_445, %dma_wait3A_446, %dma_wait3A_447] : memref<2x128x128xf32, #tpu.memory_space<vmem>> -> memref<1x128x128xf32, #tpu.memory_space<vmem>>
      %dma_wait3A_449 = tpu.memref_squeeze %dma_wait3A_448 : memref<1x128x128xf32, #tpu.memory_space<vmem>> -> memref<128x128xf32, #tpu.memory_space<vmem>>
      %dma_wait3A_450 = arith.constant 0 : i32
      %dma_wait3A_451 = tpu.memref_slice %arg6[%add3A_431, %dma_wait3A_450] : memref<163840x128xf32, #tpu.memory_space<hbm>> -> memref<128x128xf32, #tpu.memory_space<hbm>>
      %dma_wait3A_452 = arith.constant 0 : i32
      %dma_wait3A_453 = tpu.memref_slice %arg6[%add3A_431, %dma_wait3A_452] : memref<163840x128xf32, #tpu.memory_space<hbm>> -> memref<128x128xf32, #tpu.memory_space<hbm>>
      %dma_wait3A_454 = arith.constant 0 : i32
      %dma_wait3A_455 = arith.constant 0 : i32
      %dma_wait3A_456 = tpu.memref_slice %arg10[%dma_wait3A_445, %dma_wait3A_454, %dma_wait3A_455] : memref<2x128x128xf32, #tpu.memory_space<vmem>> -> memref<1x128x128xf32, #tpu.memory_space<vmem>>
      %dma_wait3A_457 = tpu.memref_squeeze %dma_wait3A_456 : memref<1x128x128xf32, #tpu.memory_space<vmem>> -> memref<128x128xf32, #tpu.memory_space<vmem>>
      tpu.wait_dma2 semaphore(%arg18 : memref<!tpu.dma_semaphore, #tpu.memory_space<semaphore_mem>>) src(%dma_wait3A_457 : memref<128x128xf32, #tpu.memory_space<vmem>>) dst(%dma_wait3A_453 : memref<128x128xf32, #tpu.memory_space<hbm>>)
      %add3A_458 = arith.constant 2 : i32
      %add3A_459 = arith.addi %mul3A_263, %add3A_458 : i32
      %add3A_460 = arith.constant 1 : i32
      %add3A_461 = arith.addi %add3A_459, %add3A_460 : i32
      %dma_start3A_462 = arith.constant 1 : i32
      %dma_start3A_463 = arith.constant 0 : i32
      %dma_start3A_464 = arith.constant 0 : i32
      %dma_start3A_465 = tpu.memref_slice %arg9[%dma_start3A_462, %dma_start3A_463, %dma_start3A_464] : memref<2x128x128xf32, #tpu.memory_space<vmem>> -> memref<1x128x128xf32, #tpu.memory_space<vmem>>
      %dma_start3A_466 = tpu.memref_squeeze %dma_start3A_465 : memref<1x128x128xf32, #tpu.memory_space<vmem>> -> memref<128x128xf32, #tpu.memory_space<vmem>>
      %dma_start3A_467 = arith.constant 0 : i32
      %dma_start3A_468 = tpu.memref_slice %arg7[%add3A_461, %dma_start3A_467] : memref<56x128xi32, #tpu.memory_space<vmem>> -> memref<1x128xi32, #tpu.memory_space<vmem>>
      %dma_start3A_469 = tpu.memref_squeeze %dma_start3A_468 : memref<1x128xi32, #tpu.memory_space<vmem>> -> memref<128xi32, #tpu.memory_space<vmem>>
      %dma_start3A_470 = arith.constant 0 : i32
      %dma_start3A_471 = arith.constant 0 : i32
      %dma_start3A_472 = tpu.memref_slice %arg2[%dma_start3A_470, %dma_start3A_471] : memref<10000x128xf32, #tpu.memory_space<hbm>> -> memref<10000x128xf32, #tpu.memory_space<hbm>>
      tpu.enqueue_indirect_dma source(%dma_start3A_472 : memref<10000x128xf32, #tpu.memory_space<hbm>>) target(%dma_start3A_466 : memref<128x128xf32, #tpu.memory_space<vmem>>) offsets(%dma_start3A_469 : memref<128xi32, #tpu.memory_space<vmem>>) semaphore(%arg13 : memref<!tpu.dma_semaphore, #tpu.memory_space<semaphore_mem>>)
      %dma_start3A_473 = arith.constant 1 : i32
      %dma_start3A_474 = arith.constant 0 : i32
      %dma_start3A_475 = arith.constant 0 : i32
      %dma_start3A_476 = tpu.memref_slice %arg10[%dma_start3A_473, %dma_start3A_474, %dma_start3A_475] : memref<2x128x128xf32, #tpu.memory_space<vmem>> -> memref<1x128x128xf32, #tpu.memory_space<vmem>>
      %dma_start3A_477 = tpu.memref_squeeze %dma_start3A_476 : memref<1x128x128xf32, #tpu.memory_space<vmem>> -> memref<128x128xf32, #tpu.memory_space<vmem>>
      %dma_start3A_478 = arith.constant 0 : i32
      %dma_start3A_479 = tpu.memref_slice %arg8[%add3A_461, %dma_start3A_478] : memref<56x128xi32, #tpu.memory_space<vmem>> -> memref<1x128xi32, #tpu.memory_space<vmem>>
      %dma_start3A_480 = tpu.memref_squeeze %dma_start3A_479 : memref<1x128xi32, #tpu.memory_space<vmem>> -> memref<128xi32, #tpu.memory_space<vmem>>
      %dma_start3A_481 = arith.constant 0 : i32
      %dma_start3A_482 = arith.constant 0 : i32
      %dma_start3A_483 = tpu.memref_slice %arg2[%dma_start3A_481, %dma_start3A_482] : memref<10000x128xf32, #tpu.memory_space<hbm>> -> memref<10000x128xf32, #tpu.memory_space<hbm>>
      tpu.enqueue_indirect_dma source(%dma_start3A_483 : memref<10000x128xf32, #tpu.memory_space<hbm>>) target(%dma_start3A_477 : memref<128x128xf32, #tpu.memory_space<vmem>>) offsets(%dma_start3A_480 : memref<128xi32, #tpu.memory_space<vmem>>) semaphore(%arg14 : memref<!tpu.dma_semaphore, #tpu.memory_space<semaphore_mem>>)
      %while3A_484 = arith.constant 0 : i32
      scf.yield %while3A_484 : i32
    }
    %sub3A_85 = arith.constant 2 : i32
    %sub3A_86 = arith.subi %select_n3A, %sub3A_85 : i32
    %add3A_87 = arith.constant 0 : i32
    %add3A_88 = arith.addi %sub3A_86, %add3A_87 : i32
    %dma_wait3A = arith.constant 0 : i32
    %dma_wait3A_89 = arith.constant 0 : i32
    %dma_wait3A_90 = arith.constant 0 : i32
    %dma_wait3A_91 = tpu.memref_slice %arg9[%dma_wait3A, %dma_wait3A_89, %dma_wait3A_90] : memref<2x128x128xf32, #tpu.memory_space<vmem>> -> memref<1x128x128xf32, #tpu.memory_space<vmem>>
    %dma_wait3A_92 = tpu.memref_squeeze %dma_wait3A_91 : memref<1x128x128xf32, #tpu.memory_space<vmem>> -> memref<128x128xf32, #tpu.memory_space<vmem>>
    %dma_wait3A_93 = arith.constant 0 : i32
    %dma_wait3A_94 = tpu.memref_slice %arg7[%add3A_88, %dma_wait3A_93] : memref<56x128xi32, #tpu.memory_space<vmem>> -> memref<1x128xi32, #tpu.memory_space<vmem>>
    %dma_wait3A_95 = tpu.memref_squeeze %dma_wait3A_94 : memref<1x128xi32, #tpu.memory_space<vmem>> -> memref<128xi32, #tpu.memory_space<vmem>>
    %dma_wait3A_96 = arith.constant 0 : i32
    %dma_wait3A_97 = arith.constant 0 : i32
    %dma_wait3A_98 = tpu.memref_slice %arg2[%dma_wait3A_96, %dma_wait3A_97] : memref<10000x128xf32, #tpu.memory_space<hbm>> -> memref<10000x128xf32, #tpu.memory_space<hbm>>
    tpu.wait_indirect_dma semaphore(%arg11 : memref<!tpu.dma_semaphore, #tpu.memory_space<semaphore_mem>>) src(%dma_wait3A_98 : memref<10000x128xf32, #tpu.memory_space<hbm>>) dst(%dma_wait3A_92 : memref<128x128xf32, #tpu.memory_space<vmem>>)
    %dma_wait3A_99 = arith.constant 0 : i32
    %dma_wait3A_100 = arith.constant 0 : i32
    %dma_wait3A_101 = arith.constant 0 : i32
    %dma_wait3A_102 = tpu.memref_slice %arg10[%dma_wait3A_99, %dma_wait3A_100, %dma_wait3A_101] : memref<2x128x128xf32, #tpu.memory_space<vmem>> -> memref<1x128x128xf32, #tpu.memory_space<vmem>>
    %dma_wait3A_103 = tpu.memref_squeeze %dma_wait3A_102 : memref<1x128x128xf32, #tpu.memory_space<vmem>> -> memref<128x128xf32, #tpu.memory_space<vmem>>
    %dma_wait3A_104 = arith.constant 0 : i32
    %dma_wait3A_105 = tpu.memref_slice %arg8[%add3A_88, %dma_wait3A_104] : memref<56x128xi32, #tpu.memory_space<vmem>> -> memref<1x128xi32, #tpu.memory_space<vmem>>
    %dma_wait3A_106 = tpu.memref_squeeze %dma_wait3A_105 : memref<1x128xi32, #tpu.memory_space<vmem>> -> memref<128xi32, #tpu.memory_space<vmem>>
    %dma_wait3A_107 = arith.constant 0 : i32
    %dma_wait3A_108 = arith.constant 0 : i32
    %dma_wait3A_109 = tpu.memref_slice %arg2[%dma_wait3A_107, %dma_wait3A_108] : memref<10000x128xf32, #tpu.memory_space<hbm>> -> memref<10000x128xf32, #tpu.memory_space<hbm>>
    tpu.wait_indirect_dma semaphore(%arg12 : memref<!tpu.dma_semaphore, #tpu.memory_space<semaphore_mem>>) src(%dma_wait3A_109 : memref<10000x128xf32, #tpu.memory_space<hbm>>) dst(%dma_wait3A_103 : memref<128x128xf32, #tpu.memory_space<vmem>>)
    %mul3A_110 = arith.constant 128 : i32
    %mul3A_111 = arith.muli %add3A_88, %mul3A_110 : i32
    %add3A_112 = arith.addi %mul3A_6, %mul3A_111 : i32
    %dma_start3A_113 = arith.constant 0 : i32
    %dma_start3A_114 = arith.constant 0 : i32
    %dma_start3A_115 = arith.constant 0 : i32
    %dma_start3A_116 = tpu.memref_slice %arg9[%dma_start3A_113, %dma_start3A_114, %dma_start3A_115] : memref<2x128x128xf32, #tpu.memory_space<vmem>> -> memref<1x128x128xf32, #tpu.memory_space<vmem>>
    %dma_start3A_117 = tpu.memref_squeeze %dma_start3A_116 : memref<1x128x128xf32, #tpu.memory_space<vmem>> -> memref<128x128xf32, #tpu.memory_space<vmem>>
    %dma_start3A_118 = arith.constant 0 : i32
    %dma_start3A_119 = tpu.memref_slice %arg5[%add3A_112, %dma_start3A_118] : memref<163840x128xf32, #tpu.memory_space<hbm>> -> memref<128x128xf32, #tpu.memory_space<hbm>>
    %dma_start3A_120 = arith.constant 0 : i32
    %dma_start3A_121 = tpu.memref_slice %arg5[%add3A_112, %dma_start3A_120] : memref<163840x128xf32, #tpu.memory_space<hbm>> -> memref<128x128xf32, #tpu.memory_space<hbm>>
    %dma_start3A_122 = arith.constant 0 : i32
    %dma_start3A_123 = arith.constant 0 : i32
    %dma_start3A_124 = tpu.memref_slice %arg9[%dma_start3A_113, %dma_start3A_122, %dma_start3A_123] : memref<2x128x128xf32, #tpu.memory_space<vmem>> -> memref<1x128x128xf32, #tpu.memory_space<vmem>>
    %dma_start3A_125 = tpu.memref_squeeze %dma_start3A_124 : memref<1x128x128xf32, #tpu.memory_space<vmem>> -> memref<128x128xf32, #tpu.memory_space<vmem>>
    tpu.enqueue_dma source(%dma_start3A_125 : memref<128x128xf32, #tpu.memory_space<vmem>>) target(%dma_start3A_121 : memref<128x128xf32, #tpu.memory_space<hbm>>) target_semaphore(%arg15 : memref<!tpu.dma_semaphore, #tpu.memory_space<semaphore_mem>>)
    %dma_start3A_126 = arith.constant 0 : i32
    %dma_start3A_127 = arith.constant 0 : i32
    %dma_start3A_128 = arith.constant 0 : i32
    %dma_start3A_129 = tpu.memref_slice %arg10[%dma_start3A_126, %dma_start3A_127, %dma_start3A_128] : memref<2x128x128xf32, #tpu.memory_space<vmem>> -> memref<1x128x128xf32, #tpu.memory_space<vmem>>
    %dma_start3A_130 = tpu.memref_squeeze %dma_start3A_129 : memref<1x128x128xf32, #tpu.memory_space<vmem>> -> memref<128x128xf32, #tpu.memory_space<vmem>>
    %dma_start3A_131 = arith.constant 0 : i32
    %dma_start3A_132 = tpu.memref_slice %arg6[%add3A_112, %dma_start3A_131] : memref<163840x128xf32, #tpu.memory_space<hbm>> -> memref<128x128xf32, #tpu.memory_space<hbm>>
    %dma_start3A_133 = arith.constant 0 : i32
    %dma_start3A_134 = tpu.memref_slice %arg6[%add3A_112, %dma_start3A_133] : memref<163840x128xf32, #tpu.memory_space<hbm>> -> memref<128x128xf32, #tpu.memory_space<hbm>>
    %dma_start3A_135 = arith.constant 0 : i32
    %dma_start3A_136 = arith.constant 0 : i32
    %dma_start3A_137 = tpu.memref_slice %arg10[%dma_start3A_126, %dma_start3A_135, %dma_start3A_136] : memref<2x128x128xf32, #tpu.memory_space<vmem>> -> memref<1x128x128xf32, #tpu.memory_space<vmem>>
    %dma_start3A_138 = tpu.memref_squeeze %dma_start3A_137 : memref<1x128x128xf32, #tpu.memory_space<vmem>> -> memref<128x128xf32, #tpu.memory_space<vmem>>
    tpu.enqueue_dma source(%dma_start3A_138 : memref<128x128xf32, #tpu.memory_space<vmem>>) target(%dma_start3A_134 : memref<128x128xf32, #tpu.memory_space<hbm>>) target_semaphore(%arg16 : memref<!tpu.dma_semaphore, #tpu.memory_space<semaphore_mem>>)
    %sub3A_139 = arith.constant 2 : i32
    %sub3A_140 = arith.subi %select_n3A, %sub3A_139 : i32
    %add3A_141 = arith.constant 1 : i32
    %add3A_142 = arith.addi %sub3A_140, %add3A_141 : i32
    %dma_wait3A_143 = arith.constant 1 : i32
    %dma_wait3A_144 = arith.constant 0 : i32
    %dma_wait3A_145 = arith.constant 0 : i32
    %dma_wait3A_146 = tpu.memref_slice %arg9[%dma_wait3A_143, %dma_wait3A_144, %dma_wait3A_145] : memref<2x128x128xf32, #tpu.memory_space<vmem>> -> memref<1x128x128xf32, #tpu.memory_space<vmem>>
    %dma_wait3A_147 = tpu.memref_squeeze %dma_wait3A_146 : memref<1x128x128xf32, #tpu.memory_space<vmem>> -> memref<128x128xf32, #tpu.memory_space<vmem>>
    %dma_wait3A_148 = arith.constant 0 : i32
    %dma_wait3A_149 = tpu.memref_slice %arg7[%add3A_142, %dma_wait3A_148] : memref<56x128xi32, #tpu.memory_space<vmem>> -> memref<1x128xi32, #tpu.memory_space<vmem>>
    %dma_wait3A_150 = tpu.memref_squeeze %dma_wait3A_149 : memref<1x128xi32, #tpu.memory_space<vmem>> -> memref<128xi32, #tpu.memory_space<vmem>>
    %dma_wait3A_151 = arith.constant 0 : i32
    %dma_wait3A_152 = arith.constant 0 : i32
    %dma_wait3A_153 = tpu.memref_slice %arg2[%dma_wait3A_151, %dma_wait3A_152] : memref<10000x128xf32, #tpu.memory_space<hbm>> -> memref<10000x128xf32, #tpu.memory_space<hbm>>
    tpu.wait_indirect_dma semaphore(%arg13 : memref<!tpu.dma_semaphore, #tpu.memory_space<semaphore_mem>>) src(%dma_wait3A_153 : memref<10000x128xf32, #tpu.memory_space<hbm>>) dst(%dma_wait3A_147 : memref<128x128xf32, #tpu.memory_space<vmem>>)
    %dma_wait3A_154 = arith.constant 1 : i32
    %dma_wait3A_155 = arith.constant 0 : i32
    %dma_wait3A_156 = arith.constant 0 : i32
    %dma_wait3A_157 = tpu.memref_slice %arg10[%dma_wait3A_154, %dma_wait3A_155, %dma_wait3A_156] : memref<2x128x128xf32, #tpu.memory_space<vmem>> -> memref<1x128x128xf32, #tpu.memory_space<vmem>>
    %dma_wait3A_158 = tpu.memref_squeeze %dma_wait3A_157 : memref<1x128x128xf32, #tpu.memory_space<vmem>> -> memref<128x128xf32, #tpu.memory_space<vmem>>
    %dma_wait3A_159 = arith.constant 0 : i32
    %dma_wait3A_160 = tpu.memref_slice %arg8[%add3A_142, %dma_wait3A_159] : memref<56x128xi32, #tpu.memory_space<vmem>> -> memref<1x128xi32, #tpu.memory_space<vmem>>
    %dma_wait3A_161 = tpu.memref_squeeze %dma_wait3A_160 : memref<1x128xi32, #tpu.memory_space<vmem>> -> memref<128xi32, #tpu.memory_space<vmem>>
    %dma_wait3A_162 = arith.constant 0 : i32
    %dma_wait3A_163 = arith.constant 0 : i32
    %dma_wait3A_164 = tpu.memref_slice %arg2[%dma_wait3A_162, %dma_wait3A_163] : memref<10000x128xf32, #tpu.memory_space<hbm>> -> memref<10000x128xf32, #tpu.memory_space<hbm>>
    tpu.wait_indirect_dma semaphore(%arg14 : memref<!tpu.dma_semaphore, #tpu.memory_space<semaphore_mem>>) src(%dma_wait3A_164 : memref<10000x128xf32, #tpu.memory_space<hbm>>) dst(%dma_wait3A_158 : memref<128x128xf32, #tpu.memory_space<vmem>>)
    %mul3A_165 = arith.constant 128 : i32
    %mul3A_166 = arith.muli %add3A_142, %mul3A_165 : i32
    %add3A_167 = arith.addi %mul3A_6, %mul3A_166 : i32
    %dma_start3A_168 = arith.constant 1 : i32
    %dma_start3A_169 = arith.constant 0 : i32
    %dma_start3A_170 = arith.constant 0 : i32
    %dma_start3A_171 = tpu.memref_slice %arg9[%dma_start3A_168, %dma_start3A_169, %dma_start3A_170] : memref<2x128x128xf32, #tpu.memory_space<vmem>> -> memref<1x128x128xf32, #tpu.memory_space<vmem>>
    %dma_start3A_172 = tpu.memref_squeeze %dma_start3A_171 : memref<1x128x128xf32, #tpu.memory_space<vmem>> -> memref<128x128xf32, #tpu.memory_space<vmem>>
    %dma_start3A_173 = arith.constant 0 : i32
    %dma_start3A_174 = tpu.memref_slice %arg5[%add3A_167, %dma_start3A_173] : memref<163840x128xf32, #tpu.memory_space<hbm>> -> memref<128x128xf32, #tpu.memory_space<hbm>>
    %dma_start3A_175 = arith.constant 0 : i32
    %dma_start3A_176 = tpu.memref_slice %arg5[%add3A_167, %dma_start3A_175] : memref<163840x128xf32, #tpu.memory_space<hbm>> -> memref<128x128xf32, #tpu.memory_space<hbm>>
    %dma_start3A_177 = arith.constant 0 : i32
    %dma_start3A_178 = arith.constant 0 : i32
    %dma_start3A_179 = tpu.memref_slice %arg9[%dma_start3A_168, %dma_start3A_177, %dma_start3A_178] : memref<2x128x128xf32, #tpu.memory_space<vmem>> -> memref<1x128x128xf32, #tpu.memory_space<vmem>>
    %dma_start3A_180 = tpu.memref_squeeze %dma_start3A_179 : memref<1x128x128xf32, #tpu.memory_space<vmem>> -> memref<128x128xf32, #tpu.memory_space<vmem>>
    tpu.enqueue_dma source(%dma_start3A_180 : memref<128x128xf32, #tpu.memory_space<vmem>>) target(%dma_start3A_176 : memref<128x128xf32, #tpu.memory_space<hbm>>) target_semaphore(%arg17 : memref<!tpu.dma_semaphore, #tpu.memory_space<semaphore_mem>>)
    %dma_start3A_181 = arith.constant 1 : i32
    %dma_start3A_182 = arith.constant 0 : i32
    %dma_start3A_183 = arith.constant 0 : i32
    %dma_start3A_184 = tpu.memref_slice %arg10[%dma_start3A_181, %dma_start3A_182, %dma_start3A_183] : memref<2x128x128xf32, #tpu.memory_space<vmem>> -> memref<1x128x128xf32, #tpu.memory_space<vmem>>
    %dma_start3A_185 = tpu.memref_squeeze %dma_start3A_184 : memref<1x128x128xf32, #tpu.memory_space<vmem>> -> memref<128x128xf32, #tpu.memory_space<vmem>>
    %dma_start3A_186 = arith.constant 0 : i32
    %dma_start3A_187 = tpu.memref_slice %arg6[%add3A_167, %dma_start3A_186] : memref<163840x128xf32, #tpu.memory_space<hbm>> -> memref<128x128xf32, #tpu.memory_space<hbm>>
    %dma_start3A_188 = arith.constant 0 : i32
    %dma_start3A_189 = tpu.memref_slice %arg6[%add3A_167, %dma_start3A_188] : memref<163840x128xf32, #tpu.memory_space<hbm>> -> memref<128x128xf32, #tpu.memory_space<hbm>>
    %dma_start3A_190 = arith.constant 0 : i32
    %dma_start3A_191 = arith.constant 0 : i32
    %dma_start3A_192 = tpu.memref_slice %arg10[%dma_start3A_181, %dma_start3A_190, %dma_start3A_191] : memref<2x128x128xf32, #tpu.memory_space<vmem>> -> memref<1x128x128xf32, #tpu.memory_space<vmem>>
    %dma_start3A_193 = tpu.memref_squeeze %dma_start3A_192 : memref<1x128x128xf32, #tpu.memory_space<vmem>> -> memref<128x128xf32, #tpu.memory_space<vmem>>
    tpu.enqueue_dma source(%dma_start3A_193 : memref<128x128xf32, #tpu.memory_space<vmem>>) target(%dma_start3A_189 : memref<128x128xf32, #tpu.memory_space<hbm>>) target_semaphore(%arg18 : memref<!tpu.dma_semaphore, #tpu.memory_space<semaphore_mem>>)
    %sub3A_194 = arith.constant 2 : i32
    %sub3A_195 = arith.subi %select_n3A, %sub3A_194 : i32
    %add3A_196 = arith.constant 0 : i32
    %add3A_197 = arith.addi %sub3A_195, %add3A_196 : i32
    %mul3A_198 = arith.constant 128 : i32
    %mul3A_199 = arith.muli %add3A_197, %mul3A_198 : i32
    %add3A_200 = arith.addi %mul3A_6, %mul3A_199 : i32
    %dma_wait3A_201 = arith.constant 0 : i32
    %dma_wait3A_202 = arith.constant 0 : i32
    %dma_wait3A_203 = arith.constant 0 : i32
    %dma_wait3A_204 = tpu.memref_slice %arg9[%dma_wait3A_201, %dma_wait3A_202, %dma_wait3A_203] : memref<2x128x128xf32, #tpu.memory_space<vmem>> -> memref<1x128x128xf32, #tpu.memory_space<vmem>>
    %dma_wait3A_205 = tpu.memref_squeeze %dma_wait3A_204 : memref<1x128x128xf32, #tpu.memory_space<vmem>> -> memref<128x128xf32, #tpu.memory_space<vmem>>
    %dma_wait3A_206 = arith.constant 0 : i32
    %dma_wait3A_207 = tpu.memref_slice %arg5[%add3A_200, %dma_wait3A_206] : memref<163840x128xf32, #tpu.memory_space<hbm>> -> memref<128x128xf32, #tpu.memory_space<hbm>>
    %dma_wait3A_208 = arith.constant 0 : i32
    %dma_wait3A_209 = tpu.memref_slice %arg5[%add3A_200, %dma_wait3A_208] : memref<163840x128xf32, #tpu.memory_space<hbm>> -> memref<128x128xf32, #tpu.memory_space<hbm>>
    %dma_wait3A_210 = arith.constant 0 : i32
    %dma_wait3A_211 = arith.constant 0 : i32
    %dma_wait3A_212 = tpu.memref_slice %arg9[%dma_wait3A_201, %dma_wait3A_210, %dma_wait3A_211] : memref<2x128x128xf32, #tpu.memory_space<vmem>> -> memref<1x128x128xf32, #tpu.memory_space<vmem>>
    %dma_wait3A_213 = tpu.memref_squeeze %dma_wait3A_212 : memref<1x128x128xf32, #tpu.memory_space<vmem>> -> memref<128x128xf32, #tpu.memory_space<vmem>>
    tpu.wait_dma2 semaphore(%arg15 : memref<!tpu.dma_semaphore, #tpu.memory_space<semaphore_mem>>) src(%dma_wait3A_213 : memref<128x128xf32, #tpu.memory_space<vmem>>) dst(%dma_wait3A_209 : memref<128x128xf32, #tpu.memory_space<hbm>>)
    %dma_wait3A_214 = arith.constant 0 : i32
    %dma_wait3A_215 = arith.constant 0 : i32
    %dma_wait3A_216 = arith.constant 0 : i32
    %dma_wait3A_217 = tpu.memref_slice %arg10[%dma_wait3A_214, %dma_wait3A_215, %dma_wait3A_216] : memref<2x128x128xf32, #tpu.memory_space<vmem>> -> memref<1x128x128xf32, #tpu.memory_space<vmem>>
    %dma_wait3A_218 = tpu.memref_squeeze %dma_wait3A_217 : memref<1x128x128xf32, #tpu.memory_space<vmem>> -> memref<128x128xf32, #tpu.memory_space<vmem>>
    %dma_wait3A_219 = arith.constant 0 : i32
    %dma_wait3A_220 = tpu.memref_slice %arg6[%add3A_200, %dma_wait3A_219] : memref<163840x128xf32, #tpu.memory_space<hbm>> -> memref<128x128xf32, #tpu.memory_space<hbm>>
    %dma_wait3A_221 = arith.constant 0 : i32
    %dma_wait3A_222 = tpu.memref_slice %arg6[%add3A_200, %dma_wait3A_221] : memref<163840x128xf32, #tpu.memory_space<hbm>> -> memref<128x128xf32, #tpu.memory_space<hbm>>
    %dma_wait3A_223 = arith.constant 0 : i32
    %dma_wait3A_224 = arith.constant 0 : i32
    %dma_wait3A_225 = tpu.memref_slice %arg10[%dma_wait3A_214, %dma_wait3A_223, %dma_wait3A_224] : memref<2x128x128xf32, #tpu.memory_space<vmem>> -> memref<1x128x128xf32, #tpu.memory_space<vmem>>
    %dma_wait3A_226 = tpu.memref_squeeze %dma_wait3A_225 : memref<1x128x128xf32, #tpu.memory_space<vmem>> -> memref<128x128xf32, #tpu.memory_space<vmem>>
    tpu.wait_dma2 semaphore(%arg16 : memref<!tpu.dma_semaphore, #tpu.memory_space<semaphore_mem>>) src(%dma_wait3A_226 : memref<128x128xf32, #tpu.memory_space<vmem>>) dst(%dma_wait3A_222 : memref<128x128xf32, #tpu.memory_space<hbm>>)
    %sub3A_227 = arith.constant 2 : i32
    %sub3A_228 = arith.subi %select_n3A, %sub3A_227 : i32
    %add3A_229 = arith.constant 1 : i32
    %add3A_230 = arith.addi %sub3A_228, %add3A_229 : i32
    %mul3A_231 = arith.constant 128 : i32
    %mul3A_232 = arith.muli %add3A_230, %mul3A_231 : i32
    %add3A_233 = arith.addi %mul3A_6, %mul3A_232 : i32
    %dma_wait3A_234 = arith.constant 1 : i32
    %dma_wait3A_235 = arith.constant 0 : i32
    %dma_wait3A_236 = arith.constant 0 : i32
    %dma_wait3A_237 = tpu.memref_slice %arg9[%dma_wait3A_234, %dma_wait3A_235, %dma_wait3A_236] : memref<2x128x128xf32, #tpu.memory_space<vmem>> -> memref<1x128x128xf32, #tpu.memory_space<vmem>>
    %dma_wait3A_238 = tpu.memref_squeeze %dma_wait3A_237 : memref<1x128x128xf32, #tpu.memory_space<vmem>> -> memref<128x128xf32, #tpu.memory_space<vmem>>
    %dma_wait3A_239 = arith.constant 0 : i32
    %dma_wait3A_240 = tpu.memref_slice %arg5[%add3A_233, %dma_wait3A_239] : memref<163840x128xf32, #tpu.memory_space<hbm>> -> memref<128x128xf32, #tpu.memory_space<hbm>>
    %dma_wait3A_241 = arith.constant 0 : i32
    %dma_wait3A_242 = tpu.memref_slice %arg5[%add3A_233, %dma_wait3A_241] : memref<163840x128xf32, #tpu.memory_space<hbm>> -> memref<128x128xf32, #tpu.memory_space<hbm>>
    %dma_wait3A_243 = arith.constant 0 : i32
    %dma_wait3A_244 = arith.constant 0 : i32
    %dma_wait3A_245 = tpu.memref_slice %arg9[%dma_wait3A_234, %dma_wait3A_243, %dma_wait3A_244] : memref<2x128x128xf32, #tpu.memory_space<vmem>> -> memref<1x128x128xf32, #tpu.memory_space<vmem>>
    %dma_wait3A_246 = tpu.memref_squeeze %dma_wait3A_245 : memref<1x128x128xf32, #tpu.memory_space<vmem>> -> memref<128x128xf32, #tpu.memory_space<vmem>>
    tpu.wait_dma2 semaphore(%arg17 : memref<!tpu.dma_semaphore, #tpu.memory_space<semaphore_mem>>) src(%dma_wait3A_246 : memref<128x128xf32, #tpu.memory_space<vmem>>) dst(%dma_wait3A_242 : memref<128x128xf32, #tpu.memory_space<hbm>>)
    %dma_wait3A_247 = arith.constant 1 : i32
    %dma_wait3A_248 = arith.constant 0 : i32
    %dma_wait3A_249 = arith.constant 0 : i32
    %dma_wait3A_250 = tpu.memref_slice %arg10[%dma_wait3A_247, %dma_wait3A_248, %dma_wait3A_249] : memref<2x128x128xf32, #tpu.memory_space<vmem>> -> memref<1x128x128xf32, #tpu.memory_space<vmem>>
    %dma_wait3A_251 = tpu.memref_squeeze %dma_wait3A_250 : memref<1x128x128xf32, #tpu.memory_space<vmem>> -> memref<128x128xf32, #tpu.memory_space<vmem>>
    %dma_wait3A_252 = arith.constant 0 : i32
    %dma_wait3A_253 = tpu.memref_slice %arg6[%add3A_233, %dma_wait3A_252] : memref<163840x128xf32, #tpu.memory_space<hbm>> -> memref<128x128xf32, #tpu.memory_space<hbm>>
    %dma_wait3A_254 = arith.constant 0 : i32
    %dma_wait3A_255 = tpu.memref_slice %arg6[%add3A_233, %dma_wait3A_254] : memref<163840x128xf32, #tpu.memory_space<hbm>> -> memref<128x128xf32, #tpu.memory_space<hbm>>
    %dma_wait3A_256 = arith.constant 0 : i32
    %dma_wait3A_257 = arith.constant 0 : i32
    %dma_wait3A_258 = tpu.memref_slice %arg10[%dma_wait3A_247, %dma_wait3A_256, %dma_wait3A_257] : memref<2x128x128xf32, #tpu.memory_space<vmem>> -> memref<1x128x128xf32, #tpu.memory_space<vmem>>
    %dma_wait3A_259 = tpu.memref_squeeze %dma_wait3A_258 : memref<1x128x128xf32, #tpu.memory_space<vmem>> -> memref<128x128xf32, #tpu.memory_space<vmem>>
    tpu.wait_dma2 semaphore(%arg18 : memref<!tpu.dma_semaphore, #tpu.memory_space<semaphore_mem>>) src(%dma_wait3A_259 : memref<128x128xf32, #tpu.memory_space<vmem>>) dst(%dma_wait3A_255 : memref<128x128xf32, #tpu.memory_space<hbm>>)
    return
  }
}

module attributes {stable_mosaic.version = 14 : i64} {
  func.func @_init_body(%arg0: i32, %arg1: memref<400x2xf32, #tpu.memory_space<vmem>>, %arg2: memref<2x128xf32, #tpu.memory_space<vmem>>, %arg3: memref<1x128xf32, #tpu.memory_space<vmem>>, %arg4: memref<128x64xf32, #tpu.memory_space<vmem>>, %arg5: memref<1x64xf32, #tpu.memory_space<vmem>>, %arg6: memref<400x64xf32, #tpu.memory_space<vmem>>, %arg7: memref<400x128xf32, #tpu.memory_space<vmem>>) attributes {dimension_semantics = [#tpu.dimension_semantics<arbitrary>], iteration_bounds = array<i64: 25>, scalar_prefetch = 0 : i64, scratch_operands = 0 : i64, tpu.core_type = #tpu.core_type<tc>, window_params = [{transform_indices = @transform_0, window_bounds = array<i64: 400, 2>}, {pipeline_mode = #tpu.pipeline_mode<synchronous>, transform_indices = @transform_1, window_bounds = array<i64: 2, 128>}, {pipeline_mode = #tpu.pipeline_mode<synchronous>, transform_indices = @transform_2, window_bounds = array<i64: 1, 128>}, {pipeline_mode = #tpu.pipeline_mode<synchronous>, transform_indices = @transform_3, window_bounds = array<i64: 128, 64>}, {pipeline_mode = #tpu.pipeline_mode<synchronous>, transform_indices = @transform_4, window_bounds = array<i64: 1, 64>}, {transform_indices = @transform_5, window_bounds = array<i64: 400, 64>}, {transform_indices = @transform_6, window_bounds = array<i64: 400, 128>}]} {
    %get3A = arith.constant 0 : index
    %get3A_0 = arith.constant 0 : index
    %get3A_1 = vector.load %arg1[%get3A, %get3A_0] : memref<400x2xf32, #tpu.memory_space<vmem>>, vector<400x2xf32>
    %get3A_2 = arith.constant 0 : index
    %get3A_3 = arith.constant 0 : index
    %get3A_4 = vector.load %arg2[%get3A_2, %get3A_3] : memref<2x128xf32, #tpu.memory_space<vmem>>, vector<2x128xf32>
    %dot_general3A = arith.constant dense<0.000000e+00> : vector<400x128xf32>
    %dot_general3A_5 = tpu.matmul %get3A_1, %get3A_4, %dot_general3A {dimension_numbers = #tpu.dot_dimension_numbers<[1], [0], [0], [1], [0, 0, 1, 1], [], []>, transpose_lhs_hint = false} : vector<400x2xf32>, vector<2x128xf32>, vector<400x128xf32> -> vector<400x128xf32>
    %get3A_6 = arith.constant 0 : index
    %get3A_7 = arith.constant 0 : index
    %get3A_8 = vector.load %arg3[%get3A_6, %get3A_7] : memref<1x128xf32, #tpu.memory_space<vmem>>, vector<1x128xf32>
    %add3A = vector.broadcast %get3A_8 : vector<1x128xf32> to vector<400x128xf32>
    %add3A_9 = arith.addf %dot_general3A_5, %add3A : vector<400x128xf32>
    %max3A = arith.constant 0.000000e+00 : f32
    %max3A_10 = vector.broadcast %max3A : f32 to vector<400x128xf32>
    %max3A_11 = arith.maximumf %add3A_9, %max3A_10 : vector<400x128xf32>
    %get3A_12 = arith.constant 0 : index
    %get3A_13 = arith.constant 0 : index
    %get3A_14 = vector.load %arg4[%get3A_12, %get3A_13] : memref<128x64xf32, #tpu.memory_space<vmem>>, vector<128x64xf32>
    %dot_general3A_15 = arith.constant dense<0.000000e+00> : vector<400x64xf32>
    %dot_general3A_16 = tpu.matmul %max3A_11, %get3A_14, %dot_general3A_15 {dimension_numbers = #tpu.dot_dimension_numbers<[1], [0], [0], [1], [0, 0, 1, 1], [], []>, transpose_lhs_hint = false} : vector<400x128xf32>, vector<128x64xf32>, vector<400x64xf32> -> vector<400x64xf32>
    %get3A_17 = arith.constant 0 : index
    %get3A_18 = arith.constant 0 : index
    %get3A_19 = vector.load %arg5[%get3A_17, %get3A_18] : memref<1x64xf32, #tpu.memory_space<vmem>>, vector<1x64xf32>
    %add3A_20 = vector.broadcast %get3A_19 : vector<1x64xf32> to vector<400x64xf32>
    %add3A_21 = arith.addf %dot_general3A_16, %add3A_20 : vector<400x64xf32>
    %max3A_22 = arith.constant 0.000000e+00 : f32
    %max3A_23 = vector.broadcast %max3A_22 : f32 to vector<400x64xf32>
    %max3A_24 = arith.maximumf %add3A_21, %max3A_23 : vector<400x64xf32>
    %swap3A = arith.constant 0 : index
    %swap3A_25 = arith.constant 0 : index
    %swap3A_26 = vector.load %arg6[%swap3A, %swap3A_25] : memref<400x64xf32, #tpu.memory_space<vmem>>, vector<400x64xf32>
    tpu.vector_store %arg6[%swap3A, %swap3A_25], %max3A_24 {strides = array<i32>} : memref<400x64xf32, #tpu.memory_space<vmem>>, vector<400x64xf32>,
    %broadcast_in_dim3A = arith.constant 0.000000e+00 : f32
    %broadcast_in_dim3A_27 = vector.broadcast %broadcast_in_dim3A : f32 to vector<400x62xf32>
    %concatenate3A = tpu.concatenate %get3A_1, %max3A_24, %broadcast_in_dim3A_27 in 1 : vector<400x2xf32>, vector<400x64xf32>, vector<400x62xf32> -> vector<400x128xf32>
    %swap3A_28 = arith.constant 0 : index
    %swap3A_29 = arith.constant 0 : index
    %swap3A_30 = vector.load %arg7[%swap3A_28, %swap3A_29] : memref<400x128xf32, #tpu.memory_space<vmem>>, vector<400x128xf32>
    tpu.vector_store %arg7[%swap3A_28, %swap3A_29], %concatenate3A {strides = array<i32>} : memref<400x128xf32, #tpu.memory_space<vmem>>, vector<400x128xf32>,
    return
  }
  func.func @transform_0(%arg0: i32) -> (i32, i32) {
    %c0_i32 = arith.constant 0 : i32
    %c0_i32_0 = arith.constant 0 : i32
    return %arg0, %c0_i32 : i32, i32
  }
  func.func @transform_1(%arg0: i32) -> (i32, i32) {
    %c0_i32 = arith.constant 0 : i32
    %c0_i32_0 = arith.constant 0 : i32
    %c0_i32_1 = arith.constant 0 : i32
    return %c0_i32, %c0_i32_0 : i32, i32
  }
  func.func @transform_2(%arg0: i32) -> (i32, i32) {
    %c0_i32 = arith.constant 0 : i32
    %c0_i32_0 = arith.constant 0 : i32
    %c0_i32_1 = arith.constant 0 : i32
    return %c0_i32, %c0_i32_0 : i32, i32
  }
  func.func @transform_3(%arg0: i32) -> (i32, i32) {
    %c0_i32 = arith.constant 0 : i32
    %c0_i32_0 = arith.constant 0 : i32
    %c0_i32_1 = arith.constant 0 : i32
    return %c0_i32, %c0_i32_0 : i32, i32
  }
  func.func @transform_4(%arg0: i32) -> (i32, i32) {
    %c0_i32 = arith.constant 0 : i32
    %c0_i32_0 = arith.constant 0 : i32
    %c0_i32_1 = arith.constant 0 : i32
    return %c0_i32, %c0_i32_0 : i32, i32
  }
  func.func @transform_5(%arg0: i32) -> (i32, i32) {
    %c0_i32 = arith.constant 0 : i32
    %c0_i32_0 = arith.constant 0 : i32
    return %arg0, %c0_i32 : i32, i32
  }
  func.func @transform_6(%arg0: i32) -> (i32, i32) {
    %c0_i32 = arith.constant 0 : i32
    %c0_i32_0 = arith.constant 0 : i32
    return %arg0, %c0_i32 : i32, i32
  }
}

module attributes {stable_mosaic.version = 14 : i64} {
  func.func @_edge_body(%arg0: i32, %arg1: memref<1600x128xf32, #tpu.memory_space<vmem>>, %arg2: memref<1600x128xf32, #tpu.memory_space<vmem>>, %arg3: memref<1600x1xf32, #tpu.memory_space<vmem>>, %arg4: memref<133x128xf32, #tpu.memory_space<vmem>>, %arg5: memref<1x128xf32, #tpu.memory_space<vmem>>, %arg6: memref<128x64xf32, #tpu.memory_space<vmem>>, %arg7: memref<1x64xf32, #tpu.memory_space<vmem>>, %arg8: memref<1600x64xf32, #tpu.memory_space<vmem>>) attributes {dimension_semantics = [#tpu.dimension_semantics<arbitrary>], iteration_bounds = array<i64: 100>, scalar_prefetch = 0 : i64, scratch_operands = 0 : i64, tpu.core_type = #tpu.core_type<tc>, window_params = [{transform_indices = @transform_0, window_bounds = array<i64: 1600, 128>}, {transform_indices = @transform_1, window_bounds = array<i64: 1600, 128>}, {transform_indices = @transform_2, window_bounds = array<i64: 1600, 1>}, {pipeline_mode = #tpu.pipeline_mode<synchronous>, transform_indices = @transform_3, window_bounds = array<i64: 133, 128>}, {pipeline_mode = #tpu.pipeline_mode<synchronous>, transform_indices = @transform_4, window_bounds = array<i64: 1, 128>}, {pipeline_mode = #tpu.pipeline_mode<synchronous>, transform_indices = @transform_5, window_bounds = array<i64: 128, 64>}, {pipeline_mode = #tpu.pipeline_mode<synchronous>, transform_indices = @transform_6, window_bounds = array<i64: 1, 64>}, {transform_indices = @transform_7, window_bounds = array<i64: 1600, 64>}]} {
    %get3A = arith.constant 0 : index
    %get3A_0 = arith.constant 0 : index
    %get3A_1 = vector.load %arg1[%get3A, %get3A_0] : memref<1600x128xf32, #tpu.memory_space<vmem>>, vector<1600x66xf32>
    %get3A_2 = arith.constant 0 : index
    %get3A_3 = arith.constant 0 : index
    %get3A_4 = vector.load %arg2[%get3A_2, %get3A_3] : memref<1600x128xf32, #tpu.memory_space<vmem>>, vector<1600x66xf32>
    %get3A_5 = arith.constant 0 : index
    %get3A_6 = arith.constant 0 : index
    %get3A_7 = vector.load %arg3[%get3A_5, %get3A_6] : memref<1600x1xf32, #tpu.memory_space<vmem>>, vector<1600x1xf32>
    %concatenate3A = tpu.concatenate %get3A_1, %get3A_4, %get3A_7 in 1 : vector<1600x66xf32>, vector<1600x66xf32>, vector<1600x1xf32> -> vector<1600x133xf32>
    %get3A_8 = arith.constant 0 : index
    %get3A_9 = arith.constant 0 : index
    %get3A_10 = vector.load %arg4[%get3A_8, %get3A_9] : memref<133x128xf32, #tpu.memory_space<vmem>>, vector<133x128xf32>
    %dot_general3A = arith.constant dense<0.000000e+00> : vector<1600x128xf32>
    %dot_general3A_11 = tpu.matmul %concatenate3A, %get3A_10, %dot_general3A {dimension_numbers = #tpu.dot_dimension_numbers<[1], [0], [0], [1], [0, 0, 1, 1], [], []>, transpose_lhs_hint = false} : vector<1600x133xf32>, vector<133x128xf32>, vector<1600x128xf32> -> vector<1600x128xf32>
    %get3A_12 = arith.constant 0 : index
    %get3A_13 = arith.constant 0 : index
    %get3A_14 = vector.load %arg5[%get3A_12, %get3A_13] : memref<1x128xf32, #tpu.memory_space<vmem>>, vector<1x128xf32>
    %add3A = vector.broadcast %get3A_14 : vector<1x128xf32> to vector<1600x128xf32>
    %add3A_15 = arith.addf %dot_general3A_11, %add3A : vector<1600x128xf32>
    %max3A = arith.constant 0.000000e+00 : f32
    %max3A_16 = vector.broadcast %max3A : f32 to vector<1600x128xf32>
    %max3A_17 = arith.maximumf %add3A_15, %max3A_16 : vector<1600x128xf32>
    %get3A_18 = arith.constant 0 : index
    %get3A_19 = arith.constant 0 : index
    %get3A_20 = vector.load %arg6[%get3A_18, %get3A_19] : memref<128x64xf32, #tpu.memory_space<vmem>>, vector<128x64xf32>
    %dot_general3A_21 = arith.constant dense<0.000000e+00> : vector<1600x64xf32>
    %dot_general3A_22 = tpu.matmul %max3A_17, %get3A_20, %dot_general3A_21 {dimension_numbers = #tpu.dot_dimension_numbers<[1], [0], [0], [1], [0, 0, 1, 1], [], []>, transpose_lhs_hint = false} : vector<1600x128xf32>, vector<128x64xf32>, vector<1600x64xf32> -> vector<1600x64xf32>
    %get3A_23 = arith.constant 0 : index
    %get3A_24 = arith.constant 0 : index
    %get3A_25 = vector.load %arg7[%get3A_23, %get3A_24] : memref<1x64xf32, #tpu.memory_space<vmem>>, vector<1x64xf32>
    %add3A_26 = vector.broadcast %get3A_25 : vector<1x64xf32> to vector<1600x64xf32>
    %add3A_27 = arith.addf %dot_general3A_22, %add3A_26 : vector<1600x64xf32>
    %max3A_28 = arith.constant 0.000000e+00 : f32
    %max3A_29 = vector.broadcast %max3A_28 : f32 to vector<1600x64xf32>
    %max3A_30 = arith.maximumf %add3A_27, %max3A_29 : vector<1600x64xf32>
    %swap3A = arith.constant 0 : index
    %swap3A_31 = arith.constant 0 : index
    %swap3A_32 = vector.load %arg8[%swap3A, %swap3A_31] : memref<1600x64xf32, #tpu.memory_space<vmem>>, vector<1600x64xf32>
    tpu.vector_store %arg8[%swap3A, %swap3A_31], %max3A_30 {strides = array<i32>} : memref<1600x64xf32, #tpu.memory_space<vmem>>, vector<1600x64xf32>,
    return
  }
  func.func @transform_0(%arg0: i32) -> (i32, i32) {
    %c0_i32 = arith.constant 0 : i32
    %c0_i32_0 = arith.constant 0 : i32
    return %arg0, %c0_i32 : i32, i32
  }
  func.func @transform_1(%arg0: i32) -> (i32, i32) {
    %c0_i32 = arith.constant 0 : i32
    %c0_i32_0 = arith.constant 0 : i32
    return %arg0, %c0_i32 : i32, i32
  }
  func.func @transform_2(%arg0: i32) -> (i32, i32) {
    %c0_i32 = arith.constant 0 : i32
    %c0_i32_0 = arith.constant 0 : i32
    return %arg0, %c0_i32 : i32, i32
  }
  func.func @transform_3(%arg0: i32) -> (i32, i32) {
    %c0_i32 = arith.constant 0 : i32
    %c0_i32_0 = arith.constant 0 : i32
    %c0_i32_1 = arith.constant 0 : i32
    return %c0_i32, %c0_i32_0 : i32, i32
  }
  func.func @transform_4(%arg0: i32) -> (i32, i32) {
    %c0_i32 = arith.constant 0 : i32
    %c0_i32_0 = arith.constant 0 : i32
    %c0_i32_1 = arith.constant 0 : i32
    return %c0_i32, %c0_i32_0 : i32, i32
  }
  func.func @transform_5(%arg0: i32) -> (i32, i32) {
    %c0_i32 = arith.constant 0 : i32
    %c0_i32_0 = arith.constant 0 : i32
    %c0_i32_1 = arith.constant 0 : i32
    return %c0_i32, %c0_i32_0 : i32, i32
  }
  func.func @transform_6(%arg0: i32) -> (i32, i32) {
    %c0_i32 = arith.constant 0 : i32
    %c0_i32_0 = arith.constant 0 : i32
    %c0_i32_1 = arith.constant 0 : i32
    return %c0_i32, %c0_i32_0 : i32, i32
  }
  func.func @transform_7(%arg0: i32) -> (i32, i32) {
    %c0_i32 = arith.constant 0 : i32
    %c0_i32_0 = arith.constant 0 : i32
    return %arg0, %c0_i32 : i32, i32
  }
}

module attributes {stable_mosaic.version = 14 : i64} {
  func.func @_node_body(%arg0: i32, %arg1: memref<400x64xf32, #tpu.memory_space<vmem>>, %arg2: memref<400x2xf32, #tpu.memory_space<vmem>>, %arg3: memref<400x64xf32, #tpu.memory_space<vmem>>, %arg4: memref<130x128xf32, #tpu.memory_space<vmem>>, %arg5: memref<1x128xf32, #tpu.memory_space<vmem>>, %arg6: memref<128x64xf32, #tpu.memory_space<vmem>>, %arg7: memref<1x64xf32, #tpu.memory_space<vmem>>, %arg8: memref<400x64xf32, #tpu.memory_space<vmem>>, %arg9: memref<400x128xf32, #tpu.memory_space<vmem>>) attributes {dimension_semantics = [#tpu.dimension_semantics<arbitrary>], iteration_bounds = array<i64: 25>, scalar_prefetch = 0 : i64, scratch_operands = 0 : i64, tpu.core_type = #tpu.core_type<tc>, window_params = [{transform_indices = @transform_0, window_bounds = array<i64: 400, 64>}, {transform_indices = @transform_1, window_bounds = array<i64: 400, 2>}, {transform_indices = @transform_2, window_bounds = array<i64: 400, 64>}, {pipeline_mode = #tpu.pipeline_mode<synchronous>, transform_indices = @transform_3, window_bounds = array<i64: 130, 128>}, {pipeline_mode = #tpu.pipeline_mode<synchronous>, transform_indices = @transform_4, window_bounds = array<i64: 1, 128>}, {pipeline_mode = #tpu.pipeline_mode<synchronous>, transform_indices = @transform_5, window_bounds = array<i64: 128, 64>}, {pipeline_mode = #tpu.pipeline_mode<synchronous>, transform_indices = @transform_6, window_bounds = array<i64: 1, 64>}, {transform_indices = @transform_7, window_bounds = array<i64: 400, 64>}, {transform_indices = @transform_8, window_bounds = array<i64: 400, 128>}]} {
    %get3A = arith.constant 0 : index
    %get3A_0 = arith.constant 0 : index
    %get3A_1 = vector.load %arg2[%get3A, %get3A_0] : memref<400x2xf32, #tpu.memory_space<vmem>>, vector<400x2xf32>
    %get3A_2 = arith.constant 0 : index
    %get3A_3 = arith.constant 0 : index
    %get3A_4 = vector.load %arg1[%get3A_2, %get3A_3] : memref<400x64xf32, #tpu.memory_space<vmem>>, vector<400x64xf32>
    %get3A_5 = arith.constant 0 : index
    %get3A_6 = arith.constant 0 : index
    %get3A_7 = vector.load %arg3[%get3A_5, %get3A_6] : memref<400x64xf32, #tpu.memory_space<vmem>>, vector<400x64xf32>
    %concatenate3A = tpu.concatenate %get3A_4, %get3A_1, %get3A_7 in 1 : vector<400x64xf32>, vector<400x2xf32>, vector<400x64xf32> -> vector<400x130xf32>
    %get3A_8 = arith.constant 0 : index
    %get3A_9 = arith.constant 0 : index
    %get3A_10 = vector.load %arg4[%get3A_8, %get3A_9] : memref<130x128xf32, #tpu.memory_space<vmem>>, vector<130x128xf32>
    %dot_general3A = arith.constant dense<0.000000e+00> : vector<400x128xf32>
    %dot_general3A_11 = tpu.matmul %concatenate3A, %get3A_10, %dot_general3A {dimension_numbers = #tpu.dot_dimension_numbers<[1], [0], [0], [1], [0, 0, 1, 1], [], []>, transpose_lhs_hint = false} : vector<400x130xf32>, vector<130x128xf32>, vector<400x128xf32> -> vector<400x128xf32>
    %get3A_12 = arith.constant 0 : index
    %get3A_13 = arith.constant 0 : index
    %get3A_14 = vector.load %arg5[%get3A_12, %get3A_13] : memref<1x128xf32, #tpu.memory_space<vmem>>, vector<1x128xf32>
    %add3A = vector.broadcast %get3A_14 : vector<1x128xf32> to vector<400x128xf32>
    %add3A_15 = arith.addf %dot_general3A_11, %add3A : vector<400x128xf32>
    %max3A = arith.constant 0.000000e+00 : f32
    %max3A_16 = vector.broadcast %max3A : f32 to vector<400x128xf32>
    %max3A_17 = arith.maximumf %add3A_15, %max3A_16 : vector<400x128xf32>
    %get3A_18 = arith.constant 0 : index
    %get3A_19 = arith.constant 0 : index
    %get3A_20 = vector.load %arg6[%get3A_18, %get3A_19] : memref<128x64xf32, #tpu.memory_space<vmem>>, vector<128x64xf32>
    %dot_general3A_21 = arith.constant dense<0.000000e+00> : vector<400x64xf32>
    %dot_general3A_22 = tpu.matmul %max3A_17, %get3A_20, %dot_general3A_21 {dimension_numbers = #tpu.dot_dimension_numbers<[1], [0], [0], [1], [0, 0, 1, 1], [], []>, transpose_lhs_hint = false} : vector<400x128xf32>, vector<128x64xf32>, vector<400x64xf32> -> vector<400x64xf32>
    %get3A_23 = arith.constant 0 : index
    %get3A_24 = arith.constant 0 : index
    %get3A_25 = vector.load %arg7[%get3A_23, %get3A_24] : memref<1x64xf32, #tpu.memory_space<vmem>>, vector<1x64xf32>
    %add3A_26 = vector.broadcast %get3A_25 : vector<1x64xf32> to vector<400x64xf32>
    %add3A_27 = arith.addf %dot_general3A_22, %add3A_26 : vector<400x64xf32>
    %max3A_28 = arith.constant 0.000000e+00 : f32
    %max3A_29 = vector.broadcast %max3A_28 : f32 to vector<400x64xf32>
    %max3A_30 = arith.maximumf %add3A_27, %max3A_29 : vector<400x64xf32>
    %swap3A = arith.constant 0 : index
    %swap3A_31 = arith.constant 0 : index
    %swap3A_32 = vector.load %arg8[%swap3A, %swap3A_31] : memref<400x64xf32, #tpu.memory_space<vmem>>, vector<400x64xf32>
    tpu.vector_store %arg8[%swap3A, %swap3A_31], %max3A_30 {strides = array<i32>} : memref<400x64xf32, #tpu.memory_space<vmem>>, vector<400x64xf32>,
    %broadcast_in_dim3A = arith.constant 0.000000e+00 : f32
    %broadcast_in_dim3A_33 = vector.broadcast %broadcast_in_dim3A : f32 to vector<400x62xf32>
    %concatenate3A_34 = tpu.concatenate %get3A_1, %max3A_30, %broadcast_in_dim3A_33 in 1 : vector<400x2xf32>, vector<400x64xf32>, vector<400x62xf32> -> vector<400x128xf32>
    %swap3A_35 = arith.constant 0 : index
    %swap3A_36 = arith.constant 0 : index
    %swap3A_37 = vector.load %arg9[%swap3A_35, %swap3A_36] : memref<400x128xf32, #tpu.memory_space<vmem>>, vector<400x128xf32>
    tpu.vector_store %arg9[%swap3A_35, %swap3A_36], %concatenate3A_34 {strides = array<i32>} : memref<400x128xf32, #tpu.memory_space<vmem>>, vector<400x128xf32>,
    return
  }
  func.func @transform_0(%arg0: i32) -> (i32, i32) {
    %c0_i32 = arith.constant 0 : i32
    %c0_i32_0 = arith.constant 0 : i32
    return %arg0, %c0_i32 : i32, i32
  }
  func.func @transform_1(%arg0: i32) -> (i32, i32) {
    %c0_i32 = arith.constant 0 : i32
    %c0_i32_0 = arith.constant 0 : i32
    return %arg0, %c0_i32 : i32, i32
  }
  func.func @transform_2(%arg0: i32) -> (i32, i32) {
    %c0_i32 = arith.constant 0 : i32
    %c0_i32_0 = arith.constant 0 : i32
    return %arg0, %c0_i32 : i32, i32
  }
  func.func @transform_3(%arg0: i32) -> (i32, i32) {
    %c0_i32 = arith.constant 0 : i32
    %c0_i32_0 = arith.constant 0 : i32
    %c0_i32_1 = arith.constant 0 : i32
    return %c0_i32, %c0_i32_0 : i32, i32
  }
  func.func @transform_4(%arg0: i32) -> (i32, i32) {
    %c0_i32 = arith.constant 0 : i32
    %c0_i32_0 = arith.constant 0 : i32
    %c0_i32_1 = arith.constant 0 : i32
    return %c0_i32, %c0_i32_0 : i32, i32
  }
  func.func @transform_5(%arg0: i32) -> (i32, i32) {
    %c0_i32 = arith.constant 0 : i32
    %c0_i32_0 = arith.constant 0 : i32
    %c0_i32_1 = arith.constant 0 : i32
    return %c0_i32, %c0_i32_0 : i32, i32
  }
  func.func @transform_6(%arg0: i32) -> (i32, i32) {
    %c0_i32 = arith.constant 0 : i32
    %c0_i32_0 = arith.constant 0 : i32
    %c0_i32_1 = arith.constant 0 : i32
    return %c0_i32, %c0_i32_0 : i32, i32
  }
  func.func @transform_7(%arg0: i32) -> (i32, i32) {
    %c0_i32 = arith.constant 0 : i32
    %c0_i32_0 = arith.constant 0 : i32
    return %arg0, %c0_i32 : i32, i32
  }
  func.func @transform_8(%arg0: i32) -> (i32, i32) {
    %c0_i32 = arith.constant 0 : i32
    %c0_i32_0 = arith.constant 0 : i32
    return %arg0, %c0_i32 : i32, i32
  }
}

module attributes {stable_mosaic.version = 14 : i64} {
  func.func @_head_body(%arg0: i32, %arg1: memref<1600x128xf32, #tpu.memory_space<vmem>>, %arg2: memref<1600x128xf32, #tpu.memory_space<vmem>>, %arg3: memref<1600x1xf32, #tpu.memory_space<vmem>>, %arg4: memref<133x64xf32, #tpu.memory_space<vmem>>, %arg5: memref<1x64xf32, #tpu.memory_space<vmem>>, %arg6: memref<64x1xf32, #tpu.memory_space<vmem>>, %arg7: memref<1x1xf32, #tpu.memory_space<vmem>>, %arg8: memref<1600x1xf32, #tpu.memory_space<vmem>>) attributes {dimension_semantics = [#tpu.dimension_semantics<arbitrary>], iteration_bounds = array<i64: 100>, scalar_prefetch = 0 : i64, scratch_operands = 0 : i64, tpu.core_type = #tpu.core_type<tc>, window_params = [{transform_indices = @transform_0, window_bounds = array<i64: 1600, 128>}, {transform_indices = @transform_1, window_bounds = array<i64: 1600, 128>}, {transform_indices = @transform_2, window_bounds = array<i64: 1600, 1>}, {pipeline_mode = #tpu.pipeline_mode<synchronous>, transform_indices = @transform_3, window_bounds = array<i64: 133, 64>}, {pipeline_mode = #tpu.pipeline_mode<synchronous>, transform_indices = @transform_4, window_bounds = array<i64: 1, 64>}, {pipeline_mode = #tpu.pipeline_mode<synchronous>, transform_indices = @transform_5, window_bounds = array<i64: 64, 1>}, {pipeline_mode = #tpu.pipeline_mode<synchronous>, transform_indices = @transform_6, window_bounds = array<i64: 1, 1>}, {transform_indices = @transform_7, window_bounds = array<i64: 1600, 1>}]} {
    %get3A = arith.constant 0 : index
    %get3A_0 = arith.constant 0 : index
    %get3A_1 = vector.load %arg1[%get3A, %get3A_0] : memref<1600x128xf32, #tpu.memory_space<vmem>>, vector<1600x66xf32>
    %get3A_2 = arith.constant 0 : index
    %get3A_3 = arith.constant 0 : index
    %get3A_4 = vector.load %arg2[%get3A_2, %get3A_3] : memref<1600x128xf32, #tpu.memory_space<vmem>>, vector<1600x66xf32>
    %get3A_5 = arith.constant 0 : index
    %get3A_6 = arith.constant 0 : index
    %get3A_7 = vector.load %arg3[%get3A_5, %get3A_6] : memref<1600x1xf32, #tpu.memory_space<vmem>>, vector<1600x1xf32>
    %concatenate3A = tpu.concatenate %get3A_1, %get3A_4, %get3A_7 in 1 : vector<1600x66xf32>, vector<1600x66xf32>, vector<1600x1xf32> -> vector<1600x133xf32>
    %get3A_8 = arith.constant 0 : index
    %get3A_9 = arith.constant 0 : index
    %get3A_10 = vector.load %arg4[%get3A_8, %get3A_9] : memref<133x64xf32, #tpu.memory_space<vmem>>, vector<133x64xf32>
    %dot_general3A = arith.constant dense<0.000000e+00> : vector<1600x64xf32>
    %dot_general3A_11 = tpu.matmul %concatenate3A, %get3A_10, %dot_general3A {dimension_numbers = #tpu.dot_dimension_numbers<[1], [0], [0], [1], [0, 0, 1, 1], [], []>, transpose_lhs_hint = false} : vector<1600x133xf32>, vector<133x64xf32>, vector<1600x64xf32> -> vector<1600x64xf32>
    %get3A_12 = arith.constant 0 : index
    %get3A_13 = arith.constant 0 : index
    %get3A_14 = vector.load %arg5[%get3A_12, %get3A_13] : memref<1x64xf32, #tpu.memory_space<vmem>>, vector<1x64xf32>
    %add3A = vector.broadcast %get3A_14 : vector<1x64xf32> to vector<1600x64xf32>
    %add3A_15 = arith.addf %dot_general3A_11, %add3A : vector<1600x64xf32>
    %max3A = arith.constant 0.000000e+00 : f32
    %max3A_16 = vector.broadcast %max3A : f32 to vector<1600x64xf32>
    %max3A_17 = arith.maximumf %add3A_15, %max3A_16 : vector<1600x64xf32>
    %get3A_18 = arith.constant 0 : index
    %get3A_19 = arith.constant 0 : index
    %get3A_20 = vector.load %arg6[%get3A_18, %get3A_19] : memref<64x1xf32, #tpu.memory_space<vmem>>, vector<64x1xf32>
    %dot_general3A_21 = arith.constant dense<0.000000e+00> : vector<1600x1xf32>
    %dot_general3A_22 = tpu.matmul %max3A_17, %get3A_20, %dot_general3A_21 {dimension_numbers = #tpu.dot_dimension_numbers<[1], [0], [0], [1], [0, 0, 1, 1], [], []>, transpose_lhs_hint = false} : vector<1600x64xf32>, vector<64x1xf32>, vector<1600x1xf32> -> vector<1600x1xf32>
    %get3A_23 = arith.constant 0 : index
    %get3A_24 = arith.constant 0 : index
    %get3A_25 = vector.load %arg7[%get3A_23, %get3A_24] : memref<1x1xf32, #tpu.memory_space<vmem>>, vector<1x1xf32>
    %add3A_26 = vector.broadcast %get3A_25 : vector<1x1xf32> to vector<1600x1xf32>
    %add3A_27 = arith.addf %dot_general3A_22, %add3A_26 : vector<1600x1xf32>
    %logistic3A = arith.negf %add3A_27 : vector<1600x1xf32>
    %logistic3A_28 = math.exp %logistic3A : vector<1600x1xf32>
    %logistic3A_29 = arith.constant 1.000000e+00 : f32
    %logistic3A_30 = vector.broadcast %logistic3A_29 : f32 to vector<1600x1xf32>
    %logistic3A_31 = arith.addf %logistic3A_30, %logistic3A_28 : vector<1600x1xf32>
    %logistic3A_32 = arith.divf %logistic3A_30, %logistic3A_31 : vector<1600x1xf32>
    %swap3A = arith.constant 0 : index
    %swap3A_33 = arith.constant 0 : index
    %swap3A_34 = vector.load %arg8[%swap3A, %swap3A_33] : memref<1600x1xf32, #tpu.memory_space<vmem>>, vector<1600x1xf32>
    tpu.vector_store %arg8[%swap3A, %swap3A_33], %logistic3A_32 {strides = array<i32>} : memref<1600x1xf32, #tpu.memory_space<vmem>>, vector<1600x1xf32>,
    return
  }
  func.func @transform_0(%arg0: i32) -> (i32, i32) {
    %c0_i32 = arith.constant 0 : i32
    %c0_i32_0 = arith.constant 0 : i32
    return %arg0, %c0_i32 : i32, i32
  }
  func.func @transform_1(%arg0: i32) -> (i32, i32) {
    %c0_i32 = arith.constant 0 : i32
    %c0_i32_0 = arith.constant 0 : i32
    return %arg0, %c0_i32 : i32, i32
  }
  func.func @transform_2(%arg0: i32) -> (i32, i32) {
    %c0_i32 = arith.constant 0 : i32
    %c0_i32_0 = arith.constant 0 : i32
    return %arg0, %c0_i32 : i32, i32
  }
  func.func @transform_3(%arg0: i32) -> (i32, i32) {
    %c0_i32 = arith.constant 0 : i32
    %c0_i32_0 = arith.constant 0 : i32
    %c0_i32_1 = arith.constant 0 : i32
    return %c0_i32, %c0_i32_0 : i32, i32
  }
  func.func @transform_4(%arg0: i32) -> (i32, i32) {
    %c0_i32 = arith.constant 0 : i32
    %c0_i32_0 = arith.constant 0 : i32
    %c0_i32_1 = arith.constant 0 : i32
    return %c0_i32, %c0_i32_0 : i32, i32
  }
  func.func @transform_5(%arg0: i32) -> (i32, i32) {
    %c0_i32 = arith.constant 0 : i32
    %c0_i32_0 = arith.constant 0 : i32
    %c0_i32_1 = arith.constant 0 : i32
    return %c0_i32, %c0_i32_0 : i32, i32
  }
  func.func @transform_6(%arg0: i32) -> (i32, i32) {
    %c0_i32 = arith.constant 0 : i32
    %c0_i32_0 = arith.constant 0 : i32
    %c0_i32_1 = arith.constant 0 : i32
    return %c0_i32, %c0_i32_0 : i32, i32
  }
  func.func @transform_7(%arg0: i32) -> (i32, i32) {
    %c0_i32 = arith.constant 0 : i32
    %c0_i32_0 = arith.constant 0 : i32
    return %arg0, %c0_i32 : i32, i32
  }
}

</mosaic_0001>

<sc_bundles>
// kernel: sc_gather_packed.6.cloned.1.call-start
scs
__scs_entry_jumppad:
0x0: {  	(pc) =	sbr.rel $0x88, $3  }
0x1: {  	(tag) =	ssettag $0x0;
	lr =	simm.s32 $0x1  }
0x2: {  	[smem:$0x3F8E] =	sst lr;
	_ =	strace $0xD0000000  }
0x3: {  	_ = 	snop  }
0x4: {  	_ = 	snop  }
0x5: {  	_ = 	snop  }
0x6: {  	_ = 	snop  }
0x7: {  	_ = 	snop  }
__scs_overlays_trampoline_lowered:
0x8: {  	[smem:$0x3F9D] =	sst s0  }
0x9: {  	[smem:$0x3F9E] =	sst s1  }
0xa: {  	[smem:$0x3F9F] =	sst s2  }
0xb: {  	[smem:$0x3FA0] =	sst s3  }
0xc: {  	[smem:$0x3FA1] =	sst s4  }
0xd: {  	[smem:$0x3FA2] =	sst s5  }
0xe: {  	[smem:$0x3FA3] =	sst s6  }
0xf: {  	[smem:$0x3FA4] =	sst s7  }
0x10: {  	[smem:$0x3FA5] =	sst s8  }
0x11: {  	[smem:$0x3FA6] =	sst s9;
	s0 =	simm.s32 @!p0 $0x0  }
0x12: {  	s1 =	sld [smem:$0x3F8C];
	s0 =	simm.s32 @p0 $0x1  }
0x13: {  	[smem:$0x3FA7] =	sst s0;
	s0 =	simm.s32 @!p1 $0x0  }
0x14: {  	s2 =	sld [smem:$0x3F8B];
	s0 =	simm.s32 @p1 $0x1  }
0x15: {  	[smem:$0x3FA8] =	sst s0;
	s0 =	simm.s32 @!p2 $0x0  }
0x16: {  	s3 =	sld [smem:$0x3FDB];
	s0 =	simm.s32 @p2 $0x1  }
0x17: {  	s4 =	simm.s32 $0x1BF5;
	[smem:$0x3FAA] =	sst s0  }
0x18: {  	s0 =	sld [smem:$0x3F8D];
	_ =	swait.ge [sflag:s4], $0x0  }
0x19: {  	s7 =	sld [smem:$0x3F8E]  }
0x1a: {  	s8 =	sadd.s32 $0xFFFFE003, lr  }
0x1b: {  	s9 =	sadd.s32 $0xFFFFFEF7, lr;
	s5 =	simm.s32 $0xFFFFFFFF;
	p2 =	slt.u32 s8, $0xFFFFF086  }
0x1c: {  	p1 =	slt.u32 s9, $0xF7A;
	s5 =	simm.s32 @!p2 $0x0  }
0x1d: {  	s5 =	simm.s32 @p1 $0x1;
	p0 =	seq.s32 s7, s2  }
0x1e: {  	s7 =	smul.u32 @!p0 $0xF7A, s2;
	p2 =	seq.s32 @!p0 s5, $0x0  }
0x1f: {  	s9 =	smul.u32 $0xF7A, s1;
	s8 =	simm.s32 @!p0 $0x1BF5;
	p2 =	por !p2, p0  }
0x20: {  	[sflag:s8] =	ssyncset.s32 @!p0 $0xFFFFF086;
	s6 =	sadd.s32 @!p0 s3, s7;
	s7 =	simm.s32 @!p0 $0x108  }
0x21: {  	s3 =	sadd.s32 s3, s9;
	s6 =	sadd.s32 @!p0 $0x88, s6;
	s7 =	simm.s32 @p2 $0x1082  }
0x22: {  	[simem:s7], [sflag:s8] =	dma.local @!p0 [hbm:s6], $0xF7A  }
0x23: {  	s9 =	sor.u32 $0xD0000000, s2;
	s6 =	simm.s32 $0x108;
	_ =	swait.ge @!p0 [sflag:s8], $0x0  }
0x24: {  	s3 =	sadd.s32 $0x88, s3;
	s6 =	simm.s32 @!p1 $0x1082;
	[sflag:s4] =	ssyncset.s32 $0xFFFFF086  }
0x25: {  	[simem:s6], [sflag:s4] =	dma.local [hbm:s3], $0xF7A  }
0x26: {  	[smem:$0x3F8E] =	sst s1;
	(tag) =	ssettag s2;
	_ =	strace s9  }
0x27: {  	s1 =	sld [smem:$0x3F9E]  }
0x28: {  	s2 =	sld [smem:$0x3F9F]  }
0x29: {  	s4 =	sld [smem:$0x3FA1]  }
0x2a: {  	p0 =	seq.s32 s5, $0x0;
	s5 =	sld [smem:$0x3FA2]  }
0x2b: {  	s6 =	sld [smem:$0x3FA3]  }
0x2c: {  	s7 =	sld [smem:$0x3FA4]  }
0x2d: {  	s3 =	simm.s32 $0x108;
	s8 =	sld [smem:$0x3FA5]  }
0x2e: {  	s3 =	simm.s32 @!p0 $0x1082;
	s9 =	sld [smem:$0x3FA6]  }
0x2f: {  	lr =	sadd.s32 s0, s3;
	s0 =	sld [smem:$0x3F9D]  }
0x30: {  	s3 =	sld [smem:$0x3FA0]  }
0x31: {  	[smem:$0x3FA9] =	sst s10  }
0x32: {  	s10 =	sld [smem:$0x3FA7];
	_ =	sdelay $0x3  }
0x33: {  	p0 =	seq.s32 s10, $0x1;
	s10 =	sld [smem:$0x3FA9];
	_ =	sdelay $0x3  }
0x34: {  	[smem:$0x3FA9] =	sst s10  }
0x35: {  	s10 =	sld [smem:$0x3FA8];
	_ =	sdelay $0x3  }
0x36: {  	p1 =	seq.s32 s10, $0x1;
	s10 =	sld [smem:$0x3FA9];
	_ =	sdelay $0x3  }
0x37: {  	[smem:$0x3FA9] =	sst s10  }
0x38: {  	s10 =	sld [smem:$0x3FAA]  }
0x39: {  	_ = 	snop;
	(pc) =	sbr.ind lr, $3  }
0x3a: {  	_ = 	snop  }
0x3b: {  	_ = 	snop  }
0x3c: {  	p2 =	seq.s32 s10, $0x1;
	s10 =	sld [smem:$0x3FA9]  }
0x3d: {  	_ =	shalt  }
0x3e: {  	_ =	shalt  }
0x3f: {  	_ =	shalt  }
0x40: {  	_ =	shalt  }
0x41: {  	_ =	shalt  }
0x42: {  	_ =	shalt  }
0x43: {  	_ =	shalt  }
0x44: {  	_ =	shalt  }
0x45: {  	_ =	shalt  }
0x46: {  	_ =	shalt  }
0x47: {  	_ =	shalt  }
0x48: {  	_ =	shalt  }
0x49: {  	_ =	shalt  }
0x4a: {  	_ =	shalt  }
0x4b: {  	_ =	shalt  }
0x4c: {  	_ =	shalt  }
0x4d: {  	_ =	shalt  }
0x4e: {  	_ =	shalt  }
0x4f: {  	_ =	shalt  }
0x50: {  	_ =	shalt  }
0x51: {  	_ =	shalt  }
0x52: {  	_ =	shalt  }
0x53: {  	_ =	shalt  }
0x54: {  	_ =	shalt  }
0x55: {  	_ =	shalt  }
0x56: {  	_ =	shalt  }
0x57: {  	_ =	shalt  }
0x58: {  	_ =	shalt  }
0x59: {  	_ =	shalt  }
0x5a: {  	_ =	shalt  }
0x5b: {  	_ =	shalt  }
0x5c: {  	_ =	shalt  }
0x5d: {  	_ =	shalt  }
0x5e: {  	_ =	shalt  }
0x5f: {  	_ =	shalt  }
0x60: {  	_ =	shalt  }
0x61: {  	_ =	shalt  }
0x62: {  	_ =	shalt  }
0x63: {  	_ =	shalt  }
0x64: {  	_ =	shalt  }
0x65: {  	_ =	shalt  }
0x66: {  	_ =	shalt  }
0x67: {  	_ =	shalt  }
0x68: {  	_ =	shalt  }
0x69: {  	_ =	shalt  }
0x6a: {  	_ =	shalt  }
0x6b: {  	_ =	shalt  }
0x6c: {  	_ =	shalt  }
0x6d: {  	_ =	shalt  }
0x6e: {  	_ =	shalt  }
0x6f: {  	_ =	shalt  }
0x70: {  	_ =	shalt  }
0x71: {  	_ =	shalt  }
0x72: {  	_ =	shalt  }
0x73: {  	_ =	shalt  }
0x74: {  	_ =	shalt  }
0x75: {  	_ =	shalt  }
0x76: {  	_ =	shalt  }
0x77: {  	_ =	shalt  }
0x78: {  	_ =	shalt  }
0x79: {  	_ =	shalt  }
0x7a: {  	_ =	shalt  }
0x7b: {  	_ =	shalt  }
0x7c: {  	_ =	shalt  }
0x7d: {  	_ =	shalt  }
0x7e: {  	_ =	shalt  }
0x7f: {  	_ =	shalt  }
0x80: {  	_ =	shalt  }
0x81: {  	_ =	shalt  }
0x82: {  	_ =	shalt  }
0x83: {  	_ =	shalt  }
0x84: {  	_ =	shalt  }
0x85: {  	_ =	shalt  }
0x86: {  	_ =	shalt  }
0x87: {  	_ =	shalt  }
.Lfunc_end0:
.L_simem_size_0:
called_computation.1_lowered:
.L_overlay_start_0:
0x88: {  	s2 =	sld [smem:$0x3FD9]  }
0x89: {  	s3 =	sld [smem:$0x3FFE];
	_ =	sdelay $0x1  }
0x8a: {  	s1 =	srdreg.scid  }
0x8b: {  	s0 =	sand.u32 $0x1, s1  }
0x8c: {  	s16 =	sshll.u32 s0, $0xA;
	s2 =	sadd.s32 s3, s2  }
0x8d: {  	s2 =	sadd.s32 s2, s16  }
0x8e: {  	[smem:$0x3FB5] =	sst s2  }
0x8f: {  	_ = 	snop  }
0x90: {  	(tm) =	ssettm $0x1  }
0x91: {  	s17 =	sld [smem:$0x3FFB];
	_ =	sdelay $0x3  }
0x92: {  	_ =	strace s17  }
0x93: {  	s2 =	sld [smem:$0x3FFC];
	_ =	sdelay $0x3  }
0x94: {  	_ =	strace s2  }
0x95: {  	s2 =	sld [smem:$0x3FFD];
	_ =	sdelay $0x3  }
0x96: {  	_ =	strace s2  }
0x97: {  	_ =	strace $0x8FFFFFFF  }
0x98: {  	s18 =	sld [smem:$0x3FDB];
	_ =	sdelay $0x1  }
0x99: {  	s19 =	simm.s32 $_scs_section_size  }
0x9a: {  	s4 =	simm.s32 $_size__tile_overlayer_lowered;
	s5 =	simm.s32 $_tile_overlayer_lowered  }
0x9b: {  	s22 =	simm.s32 $0x1BFF;
	s21 =	sshll.u32 s5, $0x1;
	s2 =	sadd.s32 s19, s18  }
0x9c: {  	s6 =	simm.s32 $0x0;
	s20 =	sshll.u32 s4, $0x1;
	s4 =	sadd.s32 s21, s2  }
0x9d: {  	[timem:s6], [sflag:s22] =	dma.local [hbm:s4], s20  }
0x9e: {  	_ =	swait.ge [sflag:s22], s20  }
0x9f: {  	s3 =	ssub.s32 $0x0, s20;
	[sflag:s22] =	ssyncset.done $0x0  }
0xa0: {  	[sflag:s22] =	ssyncadd.s32 s3;
	_ =	sdelay $0x1  }
0xa1: {  	s23 =	simm.s32 $0x1B8B  }
0xa2: {  	_ =	swait.ge [sflag:s23], $0x1  }
0xa3: {  	[sflag:s23] =	ssyncset.done $0x0  }
0xa4: {  	s25 =	simm.s32 $0x1B8E;
	s24 =	sld [smem:$0x3FFE];
	[sflag:s23] =	ssyncadd.s32 $0xFFFFFFFF  }
0xa5: {  	s26 =	simm.s32 $execute0_lowered;
	[smem:$0x3FD2] =	sst s25  }
0xa6: {  	s4 =	sshll.u32 s26, $0x1;
	_ =	strace $0x80000049;
	[dreg:$0x1] =	wrdreg $0xFFFFFFFF  }
0xa7: {  	s28 =	simm.s32 $_size_execute0_lowered;
	s2 =	sadd.s32 s2, s4;
	[dreg:$0x0] =	wrdreg $0x0  }
0xa8: {  	s4 =	sshll.u32 s28, $0x1;
	[dreg:$0x2] =	wrdreg s2  }
0xa9: {  	[dreg:$0x3] =	wrdreg s4  }
0xaa: {  	[dreg:$0x4] =	wrdreg $0xC0  }
0xab: {  	_ =	task [dreg:s6], $0x5FFFF  }
0xac: {  	[dreg:$0x1] =	wrdreg $0xFFFFFFFF  }
0xad: {  	[dreg:$0x0] =	wrdreg $0x60  }
0xae: {  	[dreg:$0x2] =	wrdreg s24  }
0xaf: {  	[dreg:$0x3] =	wrdreg $0x9  }
0xb0: {  	_ =	task.clear_ibuf [dreg:s6], $0x4FFFF;
	_ =	strace $0x90000049  }
0xb1: {  	s29 =	simm.s32 $0x9;
	_ =	strace $0x8000004B  }
0xb2: {  	_ =	swait.ge [sflag:s29], $0x1  }
0xb3: {  	[sflag:s29] =	ssyncadd.s32 $0xFFFFFFFF  }
0xb4: {  	_ =	strace $0x9000004B  }
0xb5: {  	_ =	sfence  }
0xb6: {  	s30 =	sld [smem:$0x0];
	_ =	sdelay $0x2  }
0xb7: {  	s31 =	sshll.u32 s1, $0xD;
	s1 =	sshrl.u32 s1, $0x2  }
0xb8: {  	s3 =	sand.u32 $0x4000, s31;
	s1 =	sadd.s32 s1, s30  }
0xb9: {  	s0 =	sor.u32 s3, s0;
	s1 =	sshll.u32 s1, $0x11  }
0xba: {  	s0 =	sor.u32 s1, s0  }
0xbb: {  	s0 =	sadd.s32 $0x8F2B, s0  }
0xbc: {  	[sflag:s0] =	ssyncadd.remote.s32 $0x1  }
0xbd: {  	_ =	sfence.sel $0xFFFF  }
0xbe: {  	[dreg:$0x0] =	wrdreg $0xFFFFFFFF;
	(pc) =	sbr.abs _section_cstart, $3  }
0xbf: {  	[dreg:$0x1] =	wrdreg $0xFFFFFFFF  }
0xc0: {  	_ =	task.clear_ibuf [dreg:s6], $0x2FFFF;
	_ =	strace $0x9FFFFFFF  }
0xc1: {  	(tm) =	ssettm $0x7FFFFFFF  }
tec
execute0_lowered:
.L_overlay_start_1:
0x0: {  	(tag) =	ssettag $0x1  }
0x1: {  	s0 =	srdreg.scid  }
0x2: {  	s13 =	stileid.u32;
	s1 =	rddreg [dreg:$0x0];
	s2 =	simm.s32 $0x0  }
0x3: {  	s10 =	simm.s32 $0x38;
	s15 =	simm.s32 $0x9;
	s16 =	simm.s32 $0x1C00  }
0x4: {  	s17 =	simm.s32 $0x80;
	s18 =	simm.s32 $0x3800;
	s19 =	simm.s32 $0xB800  }
0x5: {  	s28 =	simm.s32 $0x5;
	s29 =	simm.s32 $0x6;
	s30 =	simm.s32 $0x7  }
0x6: {  	s0 =	sand.u32 $0x1, s0;
	s4 =	smul.u32 $0x50, s13;
	s3 =	sadd.s32 $0x2D1800, s1  }
0x7: {  	[smem:$0x7FF] =	sst s2;
	s12 =	sadd.s32 $0x2F8A00, s1;
	s13 =	smul.u32 $0x28000, s13  }
0x8: {  	s31 =	simm.s32 $0x8;
	s5 =	smul.u32 $0x38, s0;
	_ =	strace $0x8000004A  }
0x9: {  	p0 =	seq.s32 s0, $0x0;
	s6 =	ssub.s32 $0x2, s0;
	s0 =	smul.u32 $0x1C000, s0  }
0xa: {  	s10 =	simm.s32 @!p0 $0x18;
	s9 =	sshrl.u32 s6, $0x1;
	s26 =	sadd.s32 s13, s12  }
0xb: {  	s4 =	sadd.s32 s5, s4;
	s8 =	sshll.u32 s10, $0x7;
	s11 =	ssub.s32 s6, s9  }
0xc: {  	s25 =	sshll.u32 s10, $0xB;
	s5 =	sshll.u32 s4, $0x4;
	s7 =	sshll.u32 s4, $0x7  }
0xd: {  	s10 =	smax.u32 s11, $0x1;
	s4 =	sshll.u32 s4, $0xB;
	s5 =	sadd.s32 s5, s1  }
0xe: {  	s1 =	sadd.s32 $0x578A00, s1;
	s7 =	sadd.s32 s7, s8;
	s20 =	sadd.s32 $0x2EA00, s5  }
0xf: {  	s21 =	sshll.u32 s7, $0x4;
	s5 =	sadd.s32 $0x33C00, s5;
	[dreg:$0x3] =	wrdreg s20  }
0x10: {  	s11 =	sadd.s32 s4, s1;
	[dreg:$0x4] =	wrdreg s5;
	s22 =	sadd.s32 $0xFFFFF000, s21  }
0x11: {  	s23 =	sadd.s32 $0xFFFFF800, s21;
	s5 =	sadd.s32 $0xFFFFF000, s25;
	s20 =	simm.s32 $0x7800  }
0x12: {  	s25 =	simm.s32 $0x3;
	s24 =	sadd.s32 s12, s22;
	s7 =	sadd.s32 s1, s22  }
0x13: {  	s8 =	sadd.s32 s12, s23;
	s9 =	sadd.s32 s1, s23;
	[dreg:$0x2] =	wrdreg s5  }
0x14: {  	s5 =	sadd.s32 s0, s26;
	s1 =	sadd.s32 s13, s1;
	s12 =	sadd.s32 s4, s12  }
0x15: {  	s22 =	simm.s32 $0xF800;
	s23 =	simm.s32 $0x1;
	s26 =	simm.s32 $0x4  }
0x16: {  	[dreg:$0x5] =	wrdreg s24;
	s13 =	sadd.s32 $0x800, s5;
	s0 =	sadd.s32 s0, s1  }
0x17: {  	s24 =	simm.s32 $0x2;
	s1 =	simm.s32 $0x0;
	s14 =	sadd.s32 $0x800, s0  }
.LBB2_1:
0x18: {  	s0 =	rddreg [dreg:$0x3]  }
0x19: {  	[tilespmem:s2], [sflag:$0x9] =	stream.linear.gather [hbm4b:s0+s2], $0x1C00, $0x38;
	[tilespmem:$0x13800] =	vst v63  }
0x1a: {  	_ =	swait.ge [sflag:s15], $0x1C00  }
0x1b: {  	[sflag:s15] =	ssyncset.done $0x0  }
0x1c: {  	s21 =	rddreg [dreg:$0x4];
	[sflag:s15] =	ssyncadd.s32 $0xFFFFE400  }
0x1d: {  	[tilespmem:s16], [sflag:$0x9] =	stream.linear.gather [hbm4b:s21+s2], $0x1C00, $0x38;
	[tilespmem:$0x13800] =	vst v63  }
0x1e: {  	_ =	swait.ge [sflag:s15], $0x1C00  }
0x1f: {  	[sflag:s15] =	ssyncset.done $0x0  }
0x20: {  	[sflag:s15] =	ssyncadd.s32 $0xFFFFE400  }
0x21: {  	[tilespmem:s18], [sflag:$0x1] =	stream.indirect.gather [hbm4b:s3+s17], $0x80, s2, s17, $0xb8;
	[tilespmem:$0x13800] =	vst v63  }
0x22: {  	_ = 	snop  }
0x23: {  	[tilespmem:s19], [sflag:$0x2] =	stream.indirect.gather [hbm4b:s3+s17], $0x80, s16, s17, $0xb8;
	[tilespmem:$0x13800] =	vst v63  }
0x24: {  	_ = 	snop  }
0x25: {  	[tilespmem:s20], [sflag:$0x3] =	stream.indirect.gather [hbm4b:s3+s17], $0x80, s17, s17, $0xb8;
	[tilespmem:$0x13800] =	vst v63  }
0x26: {  	s4 =	simm.s32 $0x1C80  }
0x27: {  	[tilespmem:s22], [sflag:$0x4] =	stream.indirect.gather [hbm4b:s3+s17], $0x80, s4, s17, $0xb8;
	[tilespmem:$0x13800] =	vst v63  }
0x28: {  	_ =	swait.ge [sflag:s23], $0x4000  }
0x29: {  	[sflag:s23] =	ssyncset.done $0x0  }
0x2a: {  	[sflag:s23] =	ssyncadd.s32 $0xFFFFC000  }
0x2b: {  	_ =	swait.ge [sflag:s24], $0x4000  }
0x2c: {  	[sflag:s24] =	ssyncset.done $0x0  }
0x2d: {  	s5 =	sadd.s32 $0x0, s12;
	[sflag:s24] =	ssyncadd.s32 $0xFFFFC000  }
0x2e: {  	[hbm4b:s5+s2] =	stream.linear.scatter [tilespmem:s18], [sflag:$0x5], $0x4000, $0x38;
	[tilespmem:$0x13800] =	vst v63  }
0x2f: {  	s6 =	sadd.s32 $0x0, s11  }
0x30: {  	[hbm4b:s6+s2] =	stream.linear.scatter [tilespmem:s19], [sflag:$0x6], $0x4000, $0x38;
	[tilespmem:$0x13800] =	vst v63  }
0x31: {  	_ =	swait.ge [sflag:s25], $0x4000  }
0x32: {  	[sflag:s25] =	ssyncset.done $0x0  }
0x33: {  	[sflag:s25] =	ssyncadd.s32 $0xFFFFC000  }
0x34: {  	_ =	swait.ge [sflag:s26], $0x4000  }
0x35: {  	[sflag:s26] =	ssyncset.done $0x0  }
0x36: {  	s21 =	sadd.s32 $0x0, s13;
	[sflag:s26] =	ssyncadd.s32 $0xFFFFC000  }
0x37: {  	[hbm4b:s21+s2] =	stream.linear.scatter [tilespmem:s20], [sflag:$0x7], $0x4000, $0x38;
	[tilespmem:$0x13800] =	vst v63  }
0x38: {  	s4 =	sadd.s32 $0x0, s14  }
0x39: {  	[hbm4b:s4+s2] =	stream.linear.scatter [tilespmem:s22], [sflag:$0x8], $0x4000, $0x38;
	[tilespmem:$0x13800] =	vst v63  }
0x3a: {  	_ =	swait.ge [sflag:s28], $0x4000  }
0x3b: {  	[sflag:s28] =	ssyncset.done $0x0  }
0x3c: {  	[sflag:s28] =	ssyncadd.s32 $0xFFFFC000  }
0x3d: {  	_ =	swait.ge [sflag:s29], $0x4000  }
0x3e: {  	[sflag:s29] =	ssyncset.done $0x0  }
0x3f: {  	s5 =	simm.s32 $0x100;
	[sflag:s29] =	ssyncadd.s32 $0xFFFFC000  }
0x40: {  	[tilespmem:s18], [sflag:$0x1] =	stream.indirect.gather [hbm4b:s3+s17], $0x80, s5, s17, $0xb8;
	[tilespmem:$0x13800] =	vst v63  }
0x41: {  	s6 =	simm.s32 $0x1D00  }
0x42: {  	[tilespmem:s19], [sflag:$0x2] =	stream.indirect.gather [hbm4b:s3+s17], $0x80, s6, s17, $0xb8;
	[tilespmem:$0x13800] =	vst v63  }
0x43: {  	_ =	swait.ge [sflag:s30], $0x4000  }
0x44: {  	[sflag:s30] =	ssyncset.done $0x0  }
0x45: {  	[sflag:s30] =	ssyncadd.s32 $0xFFFFC000  }
0x46: {  	_ =	swait.ge [sflag:s31], $0x4000  }
0x47: {  	s4 =	rddreg [dreg:$0x2]  }
0x48: {  	p0 =	sne.s32 s4, $0x1000  }
.Ltmp0:
0x49: {  	_ = 	snop;
	(pc) =	sbr.rel @!p0 .LBB2_3-.Ltmp0, $4  }
0x4a: {  	[sflag:s31] =	ssyncset.done $0x0  }
0x4b: {  	s0 =	simm.s32 $0x1000;
	s21 =	simm.s32 $0x180;
	[sflag:s31] =	ssyncadd.s32 $0xFFFFC000  }
0x4c: {  	[tilespmem:s20], [sflag:$0x3] =	stream.indirect.gather [hbm4b:s3+s17], $0x80, s21, s17, $0xb8;
	[tilespmem:$0x13800] =	vst v63  }
0x4d: {  	s5 =	simm.s32 $0x1D80;
	s4 =	simm.s32 $0x1E00;
	s21 =	simm.s32 $0x200  }
.LBB2_2:
0x4e: {  	[tilespmem:s22], [sflag:$0x4] =	stream.indirect.gather [hbm4b:s3+s17], $0x80, s5, s17, $0xb8;
	[tilespmem:$0x13800] =	vst v63  }
0x4f: {  	_ =	swait.ge [sflag:s23], $0x4000  }
0x50: {  	[sflag:s23] =	ssyncset.done $0x0  }
0x51: {  	[sflag:s23] =	ssyncadd.s32 $0xFFFFC000  }
0x52: {  	_ =	swait.ge [sflag:s24], $0x4000  }
0x53: {  	s5 =	smov.u32 s0;
	[sflag:s24] =	ssyncset.done $0x0  }
0x54: {  	s6 =	sadd.s32 s5, s12;
	[sflag:s24] =	ssyncadd.s32 $0xFFFFC000  }
0x55: {  	[hbm4b:s6+s2] =	stream.linear.scatter [tilespmem:s18], [sflag:$0x5], $0x4000, $0x38;
	[tilespmem:$0x13800] =	vst v63  }
0x56: {  	s6 =	sadd.s32 s5, s11  }
0x57: {  	[hbm4b:s6+s2] =	stream.linear.scatter [tilespmem:s19], [sflag:$0x6], $0x4000, $0x38;
	[tilespmem:$0x13800] =	vst v63  }
0x58: {  	_ =	swait.ge [sflag:s25], $0x4000  }
0x59: {  	[sflag:s25] =	ssyncset.done $0x0  }
0x5a: {  	[sflag:s25] =	ssyncadd.s32 $0xFFFFC000  }
0x5b: {  	_ =	swait.ge [sflag:s26], $0x4000  }
0x5c: {  	[sflag:s26] =	ssyncset.done $0x0  }
0x5d: {  	s6 =	sadd.s32 s5, s13;
	[sflag:s26] =	ssyncadd.s32 $0xFFFFC000  }
0x5e: {  	[hbm4b:s6+s2] =	stream.linear.scatter [tilespmem:s20], [sflag:$0x7], $0x4000, $0x38;
	[tilespmem:$0x13800] =	vst v63  }
0x5f: {  	s5 =	sadd.s32 s5, s14  }
0x60: {  	[hbm4b:s5+s2] =	stream.linear.scatter [tilespmem:s22], [sflag:$0x8], $0x4000, $0x38;
	[tilespmem:$0x13800] =	vst v63  }
0x61: {  	_ =	swait.ge [sflag:s28], $0x4000  }
0x62: {  	[sflag:s28] =	ssyncset.done $0x0  }
0x63: {  	[sflag:s28] =	ssyncadd.s32 $0xFFFFC000  }
0x64: {  	_ =	swait.ge [sflag:s29], $0x4000  }
0x65: {  	[sflag:s29] =	ssyncset.done $0x0  }
0x66: {  	[sflag:s29] =	ssyncadd.s32 $0xFFFFC000  }
0x67: {  	[tilespmem:s18], [sflag:$0x1] =	stream.indirect.gather [hbm4b:s3+s17], $0x80, s21, s17, $0xb8;
	[tilespmem:$0x13800] =	vst v63  }
0x68: {  	_ = 	snop  }
0x69: {  	[tilespmem:s19], [sflag:$0x2] =	stream.indirect.gather [hbm4b:s3+s17], $0x80, s4, s17, $0xb8;
	[tilespmem:$0x13800] =	vst v63  }
0x6a: {  	_ =	swait.ge [sflag:s30], $0x4000  }
0x6b: {  	[sflag:s30] =	ssyncset.done $0x0  }
0x6c: {  	[sflag:s30] =	ssyncadd.s32 $0xFFFFC000  }
0x6d: {  	_ =	swait.ge [sflag:s31], $0x4000  }
0x6e: {  	s0 =	sadd.s32 $0x1000, s0;
	s6 =	rddreg [dreg:$0x2]  }
0x6f: {  	p0 =	sne.s32 s6, s0  }
.Ltmp1:
0x70: {  	_ = 	snop;
	(pc) =	sbr.rel @p0 .LBB2_2-.Ltmp1, $4  }
0x71: {  	[sflag:s31] =	ssyncset.done $0x0  }
0x72: {  	s5 =	sadd.s32 $0x80, s21;
	[sflag:s31] =	ssyncadd.s32 $0xFFFFC000  }
0x73: {  	[tilespmem:s20], [sflag:$0x3] =	stream.indirect.gather [hbm4b:s3+s17], $0x80, s5, s17, $0xb8;
	[tilespmem:$0x13800] =	vst v63  }
0x74: {  	s21 =	sadd.s32 $0x100, s21;
	s5 =	sadd.s32 $0x80, s4;
	s4 =	sadd.s32 $0x100, s4  }
.LBB2_3:
0x75: {  	[tilespmem:s22], [sflag:$0x4] =	stream.indirect.gather [hbm4b:s3+s17], $0x80, s5, s17, $0xb8;
	[tilespmem:$0x13800] =	vst v63  }
0x76: {  	_ =	swait.ge [sflag:s23], $0x4000  }
0x77: {  	[sflag:s23] =	ssyncset.done $0x0  }
0x78: {  	[sflag:s23] =	ssyncadd.s32 $0xFFFFC000  }
0x79: {  	_ =	swait.ge [sflag:s24], $0x4000  }
0x7a: {  	[sflag:s24] =	ssyncset.done $0x0  }
0x7b: {  	s0 =	rddreg [dreg:$0x5];
	[sflag:s24] =	ssyncadd.s32 $0xFFFFC000  }
0x7c: {  	[hbm4b:s0+s2] =	stream.linear.scatter [tilespmem:s18], [sflag:$0x5], $0x4000, $0x38;
	[tilespmem:$0x13800] =	vst v63  }
0x7d: {  	_ = 	snop  }
0x7e: {  	[hbm4b:s7+s2] =	stream.linear.scatter [tilespmem:s19], [sflag:$0x6], $0x4000, $0x38;
	[tilespmem:$0x13800] =	vst v63  }
0x7f: {  	_ =	swait.ge [sflag:s25], $0x4000  }
0x80: {  	[sflag:s25] =	ssyncset.done $0x0  }
0x81: {  	[sflag:s25] =	ssyncadd.s32 $0xFFFFC000  }
0x82: {  	_ =	swait.ge [sflag:s26], $0x4000  }
0x83: {  	[sflag:s26] =	ssyncset.done $0x0  }
0x84: {  	[sflag:s26] =	ssyncadd.s32 $0xFFFFC000  }
0x85: {  	[hbm4b:s8+s2] =	stream.linear.scatter [tilespmem:s20], [sflag:$0x7], $0x4000, $0x38;
	[tilespmem:$0x13800] =	vst v63  }
0x86: {  	_ = 	snop  }
0x87: {  	[hbm4b:s9+s2] =	stream.linear.scatter [tilespmem:s22], [sflag:$0x8], $0x4000, $0x38;
	[tilespmem:$0x13800] =	vst v63  }
0x88: {  	_ =	swait.ge [sflag:s28], $0x4000  }
0x89: {  	[sflag:s28] =	ssyncset.done $0x0  }
0x8a: {  	[sflag:s28] =	ssyncadd.s32 $0xFFFFC000  }
0x8b: {  	_ =	swait.ge [sflag:s29], $0x4000  }
0x8c: {  	[sflag:s29] =	ssyncset.done $0x0  }
0x8d: {  	s1 =	sadd.s32 $0x1, s1;
	[sflag:s29] =	ssyncadd.s32 $0xFFFFC000  }
0x8e: {  	p0 =	sne.s32 s1, s10;
	_ =	swait.ge [sflag:s30], $0x4000  }
.Ltmp2:
0x8f: {  	[sflag:s30] =	ssyncset.done $0x0;
	(pc) =	sbr.rel @p0 .LBB2_1-.Ltmp2, $4  }
0x90: {  	[sflag:s30] =	ssyncadd.s32 $0xFFFFC000  }
0x91: {  	_ =	swait.ge [sflag:s31], $0x4000  }
0x92: {  	[sflag:s31] =	ssyncset.done $0x0  }
0x93: {  	[sflag:s31] =	ssyncadd.s32 $0xFFFFC000  }
0x94: {  	_ =	sfence.sel $0x180000  }
0x95: {  	[bflag:$0x0] =	sbarrier.arrive $0xFFFF  }
0x96: {  	_ =	strace $0x9000004A  }
0x97: {  	s0 =	stileid.u32;
	[bflag:$0x2] =	sbarrier.arrive $0xFFFF  }
0x98: {  	p0 =	sne.s32 s0, $0x0;
	s0 =	rddreg [dreg:$0x1]  }
0x99: {  	s0 =	sadd.s32 @!p0 $0x100000, s0  }
0x9a: {  	[sflag:s0] =	ssyncadd.tile.s32 @!p0 $0x1;
	_ =	shalt  }
.Lfunc_end2:
_tile_overlayer_lowered:
.L_overlay_start_2:
0x9b: {  	(tag) =	ssettag $0x2  }
0x9c: {  	s0 =	rddreg [dreg:$0x0];
	s2 =	stileid.u32  }
0x9d: {  	s1 =	rddreg [dreg:$0x1];
	p0 =	sne.s32 s2, $0x0  }
0x9e: {  	s3 =	rddreg [dreg:$0x2];
	[bflag:$0x3] =	sbarrier.arrive $0xFFFF;
	s2 =	simm.s32 @!p0 $0x1C09  }
0x9f: {  	[timem:s3], [sflag:s2] =	dma.local @!p0 [hbm:s0], s1  }
0xa0: {  	s0 =	simm.s32 @!p0 $0x9  }
0xa1: {  	_ =	swait.ge @!p0 [sflag:s0], s1  }
0xa2: {  	s1 =	ssub.s32 @!p0 $0x0, s1;
	[sflag:s0] =	ssyncset.done @!p0 $0x0  }
0xa3: {  	[sflag:s0] =	ssyncadd.s32 @!p0 s1  }
0xa4: {  	[bflag:$0x3] =	sbarrier.arrive $0xFFFF  }
0xa5: {  	_ =	shalt  }

// kernel: sc_gather_packed.9.cloned.1.call-start
scs
__scs_entry_jumppad:
0x0: {  	(pc) =	sbr.rel $0x88, $3  }
0x1: {  	(tag) =	ssettag $0x0;
	lr =	simm.s32 $0x1  }
0x2: {  	[smem:$0x3F8E] =	sst lr;
	_ =	strace $0xD0000000  }
0x3: {  	_ = 	snop  }
0x4: {  	_ = 	snop  }
0x5: {  	_ = 	snop  }
0x6: {  	_ = 	snop  }
0x7: {  	_ = 	snop  }
__scs_overlays_trampoline_lowered:
0x8: {  	[smem:$0x3F9D] =	sst s0  }
0x9: {  	[smem:$0x3F9E] =	sst s1  }
0xa: {  	[smem:$0x3F9F] =	sst s2  }
0xb: {  	[smem:$0x3FA0] =	sst s3  }
0xc: {  	[smem:$0x3FA1] =	sst s4  }
0xd: {  	[smem:$0x3FA2] =	sst s5  }
0xe: {  	[smem:$0x3FA3] =	sst s6  }
0xf: {  	[smem:$0x3FA4] =	sst s7  }
0x10: {  	[smem:$0x3FA5] =	sst s8  }
0x11: {  	[smem:$0x3FA6] =	sst s9;
	s0 =	simm.s32 @!p0 $0x0  }
0x12: {  	s1 =	sld [smem:$0x3F8C];
	s0 =	simm.s32 @p0 $0x1  }
0x13: {  	[smem:$0x3FA7] =	sst s0;
	s0 =	simm.s32 @!p1 $0x0  }
0x14: {  	s2 =	sld [smem:$0x3F8B];
	s0 =	simm.s32 @p1 $0x1  }
0x15: {  	[smem:$0x3FA8] =	sst s0;
	s0 =	simm.s32 @!p2 $0x0  }
0x16: {  	s3 =	sld [smem:$0x3FDB];
	s0 =	simm.s32 @p2 $0x1  }
0x17: {  	s4 =	simm.s32 $0x1BF5;
	[smem:$0x3FAA] =	sst s0  }
0x18: {  	s0 =	sld [smem:$0x3F8D];
	_ =	swait.ge [sflag:s4], $0x0  }
0x19: {  	s7 =	sld [smem:$0x3F8E]  }
0x1a: {  	s8 =	sadd.s32 $0xFFFFE003, lr  }
0x1b: {  	s9 =	sadd.s32 $0xFFFFFEF7, lr;
	s5 =	simm.s32 $0xFFFFFFFF;
	p2 =	slt.u32 s8, $0xFFFFF086  }
0x1c: {  	p1 =	slt.u32 s9, $0xF7A;
	s5 =	simm.s32 @!p2 $0x0  }
0x1d: {  	s5 =	simm.s32 @p1 $0x1;
	p0 =	seq.s32 s7, s2  }
0x1e: {  	s7 =	smul.u32 @!p0 $0xF7A, s2;
	p2 =	seq.s32 @!p0 s5, $0x0  }
0x1f: {  	s9 =	smul.u32 $0xF7A, s1;
	s8 =	simm.s32 @!p0 $0x1BF5;
	p2 =	por !p2, p0  }
0x20: {  	[sflag:s8] =	ssyncset.s32 @!p0 $0xFFFFF086;
	s6 =	sadd.s32 @!p0 s3, s7;
	s7 =	simm.s32 @!p0 $0x108  }
0x21: {  	s3 =	sadd.s32 s3, s9;
	s6 =	sadd.s32 @!p0 $0x88, s6;
	s7 =	simm.s32 @p2 $0x1082  }
0x22: {  	[simem:s7], [sflag:s8] =	dma.local @!p0 [hbm:s6], $0xF7A  }
0x23: {  	s9 =	sor.u32 $0xD0000000, s2;
	s6 =	simm.s32 $0x108;
	_ =	swait.ge @!p0 [sflag:s8], $0x0  }
0x24: {  	s3 =	sadd.s32 $0x88, s3;
	s6 =	simm.s32 @!p1 $0x1082;
	[sflag:s4] =	ssyncset.s32 $0xFFFFF086  }
0x25: {  	[simem:s6], [sflag:s4] =	dma.local [hbm:s3], $0xF7A  }
0x26: {  	[smem:$0x3F8E] =	sst s1;
	(tag) =	ssettag s2;
	_ =	strace s9  }
0x27: {  	s1 =	sld [smem:$0x3F9E]  }
0x28: {  	s2 =	sld [smem:$0x3F9F]  }
0x29: {  	s4 =	sld [smem:$0x3FA1]  }
0x2a: {  	p0 =	seq.s32 s5, $0x0;
	s5 =	sld [smem:$0x3FA2]  }
0x2b: {  	s6 =	sld [smem:$0x3FA3]  }
0x2c: {  	s7 =	sld [smem:$0x3FA4]  }
0x2d: {  	s3 =	simm.s32 $0x108;
	s8 =	sld [smem:$0x3FA5]  }
0x2e: {  	s3 =	simm.s32 @!p0 $0x1082;
	s9 =	sld [smem:$0x3FA6]  }
0x2f: {  	lr =	sadd.s32 s0, s3;
	s0 =	sld [smem:$0x3F9D]  }
0x30: {  	s3 =	sld [smem:$0x3FA0]  }
0x31: {  	[smem:$0x3FA9] =	sst s10  }
0x32: {  	s10 =	sld [smem:$0x3FA7];
	_ =	sdelay $0x3  }
0x33: {  	p0 =	seq.s32 s10, $0x1;
	s10 =	sld [smem:$0x3FA9];
	_ =	sdelay $0x3  }
0x34: {  	[smem:$0x3FA9] =	sst s10  }
0x35: {  	s10 =	sld [smem:$0x3FA8];
	_ =	sdelay $0x3  }
0x36: {  	p1 =	seq.s32 s10, $0x1;
	s10 =	sld [smem:$0x3FA9];
	_ =	sdelay $0x3  }
0x37: {  	[smem:$0x3FA9] =	sst s10  }
0x38: {  	s10 =	sld [smem:$0x3FAA]  }
0x39: {  	_ = 	snop;
	(pc) =	sbr.ind lr, $3  }
0x3a: {  	_ = 	snop  }
0x3b: {  	_ = 	snop  }
0x3c: {  	p2 =	seq.s32 s10, $0x1;
	s10 =	sld [smem:$0x3FA9]  }
0x3d: {  	_ =	shalt  }
0x3e: {  	_ =	shalt  }
0x3f: {  	_ =	shalt  }
0x40: {  	_ =	shalt  }
0x41: {  	_ =	shalt  }
0x42: {  	_ =	shalt  }
0x43: {  	_ =	shalt  }
0x44: {  	_ =	shalt  }
0x45: {  	_ =	shalt  }
0x46: {  	_ =	shalt  }
0x47: {  	_ =	shalt  }
0x48: {  	_ =	shalt  }
0x49: {  	_ =	shalt  }
0x4a: {  	_ =	shalt  }
0x4b: {  	_ =	shalt  }
0x4c: {  	_ =	shalt  }
0x4d: {  	_ =	shalt  }
0x4e: {  	_ =	shalt  }
0x4f: {  	_ =	shalt  }
0x50: {  	_ =	shalt  }
0x51: {  	_ =	shalt  }
0x52: {  	_ =	shalt  }
0x53: {  	_ =	shalt  }
0x54: {  	_ =	shalt  }
0x55: {  	_ =	shalt  }
0x56: {  	_ =	shalt  }
0x57: {  	_ =	shalt  }
0x58: {  	_ =	shalt  }
0x59: {  	_ =	shalt  }
0x5a: {  	_ =	shalt  }
0x5b: {  	_ =	shalt  }
0x5c: {  	_ =	shalt  }
0x5d: {  	_ =	shalt  }
0x5e: {  	_ =	shalt  }
0x5f: {  	_ =	shalt  }
0x60: {  	_ =	shalt  }
0x61: {  	_ =	shalt  }
0x62: {  	_ =	shalt  }
0x63: {  	_ =	shalt  }
0x64: {  	_ =	shalt  }
0x65: {  	_ =	shalt  }
0x66: {  	_ =	shalt  }
0x67: {  	_ =	shalt  }
0x68: {  	_ =	shalt  }
0x69: {  	_ =	shalt  }
0x6a: {  	_ =	shalt  }
0x6b: {  	_ =	shalt  }
0x6c: {  	_ =	shalt  }
0x6d: {  	_ =	shalt  }
0x6e: {  	_ =	shalt  }
0x6f: {  	_ =	shalt  }
0x70: {  	_ =	shalt  }
0x71: {  	_ =	shalt  }
0x72: {  	_ =	shalt  }
0x73: {  	_ =	shalt  }
0x74: {  	_ =	shalt  }
0x75: {  	_ =	shalt  }
0x76: {  	_ =	shalt  }
0x77: {  	_ =	shalt  }
0x78: {  	_ =	shalt  }
0x79: {  	_ =	shalt  }
0x7a: {  	_ =	shalt  }
0x7b: {  	_ =	shalt  }
0x7c: {  	_ =	shalt  }
0x7d: {  	_ =	shalt  }
0x7e: {  	_ =	shalt  }
0x7f: {  	_ =	shalt  }
0x80: {  	_ =	shalt  }
0x81: {  	_ =	shalt  }
0x82: {  	_ =	shalt  }
0x83: {  	_ =	shalt  }
0x84: {  	_ =	shalt  }
0x85: {  	_ =	shalt  }
0x86: {  	_ =	shalt  }
0x87: {  	_ =	shalt  }
.Lfunc_end0:
.L_simem_size_0:
called_computation.2_lowered:
.L_overlay_start_0:
0x88: {  	s2 =	sld [smem:$0x3FD9]  }
0x89: {  	s3 =	sld [smem:$0x3FFE];
	_ =	sdelay $0x1  }
0x8a: {  	s1 =	srdreg.scid  }
0x8b: {  	s0 =	sand.u32 $0x1, s1  }
0x8c: {  	s16 =	sshll.u32 s0, $0xA;
	s2 =	sadd.s32 s3, s2  }
0x8d: {  	s2 =	sadd.s32 s2, s16  }
0x8e: {  	[smem:$0x3FB5] =	sst s2  }
0x8f: {  	_ = 	snop  }
0x90: {  	(tm) =	ssettm $0x1  }
0x91: {  	s17 =	sld [smem:$0x3FFB];
	_ =	sdelay $0x3  }
0x92: {  	_ =	strace s17  }
0x93: {  	s2 =	sld [smem:$0x3FFC];
	_ =	sdelay $0x3  }
0x94: {  	_ =	strace s2  }
0x95: {  	s2 =	sld [smem:$0x3FFD];
	_ =	sdelay $0x3  }
0x96: {  	_ =	strace s2  }
0x97: {  	_ =	strace $0x8FFFFFFF  }
0x98: {  	s18 =	sld [smem:$0x3FDB];
	_ =	sdelay $0x1  }
0x99: {  	s19 =	simm.s32 $_scs_section_size  }
0x9a: {  	s4 =	simm.s32 $_size__tile_overlayer_lowered;
	s5 =	simm.s32 $_tile_overlayer_lowered  }
0x9b: {  	s22 =	simm.s32 $0x1BFF;
	s21 =	sshll.u32 s5, $0x1;
	s2 =	sadd.s32 s19, s18  }
0x9c: {  	s6 =	simm.s32 $0x0;
	s20 =	sshll.u32 s4, $0x1;
	s4 =	sadd.s32 s21, s2  }
0x9d: {  	[timem:s6], [sflag:s22] =	dma.local [hbm:s4], s20  }
0x9e: {  	_ =	swait.ge [sflag:s22], s20  }
0x9f: {  	s3 =	ssub.s32 $0x0, s20;
	[sflag:s22] =	ssyncset.done $0x0  }
0xa0: {  	[sflag:s22] =	ssyncadd.s32 s3;
	_ =	sdelay $0x1  }
0xa1: {  	s23 =	simm.s32 $0x1B8B  }
0xa2: {  	_ =	swait.ge [sflag:s23], $0x1  }
0xa3: {  	[sflag:s23] =	ssyncset.done $0x0  }
0xa4: {  	s25 =	simm.s32 $0x1B8E;
	s24 =	sld [smem:$0x3FFE];
	[sflag:s23] =	ssyncadd.s32 $0xFFFFFFFF  }
0xa5: {  	s26 =	simm.s32 $execute0_lowered;
	[smem:$0x3FD2] =	sst s25  }
0xa6: {  	s4 =	sshll.u32 s26, $0x1;
	_ =	strace $0x80000046;
	[dreg:$0x1] =	wrdreg $0xFFFFFFFF  }
0xa7: {  	s28 =	simm.s32 $_size_execute0_lowered;
	s2 =	sadd.s32 s2, s4;
	[dreg:$0x0] =	wrdreg $0x0  }
0xa8: {  	s4 =	sshll.u32 s28, $0x1;
	[dreg:$0x2] =	wrdreg s2  }
0xa9: {  	[dreg:$0x3] =	wrdreg s4  }
0xaa: {  	[dreg:$0x4] =	wrdreg $0xC0  }
0xab: {  	_ =	task [dreg:s6], $0x5FFFF  }
0xac: {  	[dreg:$0x1] =	wrdreg $0xFFFFFFFF  }
0xad: {  	[dreg:$0x0] =	wrdreg $0x60  }
0xae: {  	[dreg:$0x2] =	wrdreg s24  }
0xaf: {  	[dreg:$0x3] =	wrdreg $0x9  }
0xb0: {  	_ =	task.clear_ibuf [dreg:s6], $0x4FFFF;
	_ =	strace $0x90000046  }
0xb1: {  	s29 =	simm.s32 $0x9;
	_ =	strace $0x80000048  }
0xb2: {  	_ =	swait.ge [sflag:s29], $0x1  }
0xb3: {  	[sflag:s29] =	ssyncadd.s32 $0xFFFFFFFF  }
0xb4: {  	_ =	strace $0x90000048  }
0xb5: {  	_ =	sfence  }
0xb6: {  	s30 =	sld [smem:$0x0];
	_ =	sdelay $0x2  }
0xb7: {  	s31 =	sshll.u32 s1, $0xD;
	s1 =	sshrl.u32 s1, $0x2  }
0xb8: {  	s3 =	sand.u32 $0x4000, s31;
	s1 =	sadd.s32 s1, s30  }
0xb9: {  	s0 =	sor.u32 s3, s0;
	s1 =	sshll.u32 s1, $0x11  }
0xba: {  	s0 =	sor.u32 s1, s0  }
0xbb: {  	s0 =	sadd.s32 $0x8F2B, s0  }
0xbc: {  	[sflag:s0] =	ssyncadd.remote.s32 $0x1  }
0xbd: {  	_ =	sfence.sel $0xFFFF  }
0xbe: {  	[dreg:$0x0] =	wrdreg $0xFFFFFFFF;
	(pc) =	sbr.abs _section_cstart, $3  }
0xbf: {  	[dreg:$0x1] =	wrdreg $0xFFFFFFFF  }
0xc0: {  	_ =	task.clear_ibuf [dreg:s6], $0x2FFFF;
	_ =	strace $0x9FFFFFFF  }
0xc1: {  	(tm) =	ssettm $0x7FFFFFFF  }
tec
execute0_lowered:
.L_overlay_start_1:
0x0: {  	(tag) =	ssettag $0x1  }
0x1: {  	s0 =	srdreg.scid  }
0x2: {  	s13 =	stileid.u32;
	s1 =	rddreg [dreg:$0x0];
	s2 =	simm.s32 $0x0  }
0x3: {  	s10 =	simm.s32 $0x38;
	s15 =	simm.s32 $0x9;
	s16 =	simm.s32 $0x1C00  }
0x4: {  	s17 =	simm.s32 $0x80;
	s18 =	simm.s32 $0x3800;
	s19 =	simm.s32 $0xB800  }
0x5: {  	s28 =	simm.s32 $0x5;
	s29 =	simm.s32 $0x6;
	s30 =	simm.s32 $0x7  }
0x6: {  	s0 =	sand.u32 $0x1, s0;
	s4 =	smul.u32 $0x50, s13;
	s3 =	sadd.s32 $0x2D1800, s1  }
0x7: {  	[smem:$0x7FF] =	sst s2;
	s12 =	sadd.s32 $0x2F8A00, s1;
	s13 =	smul.u32 $0x28000, s13  }
0x8: {  	s31 =	simm.s32 $0x8;
	s5 =	smul.u32 $0x38, s0;
	_ =	strace $0x80000047  }
0x9: {  	p0 =	seq.s32 s0, $0x0;
	s6 =	ssub.s32 $0x2, s0;
	s0 =	smul.u32 $0x1C000, s0  }
0xa: {  	s10 =	simm.s32 @!p0 $0x18;
	s9 =	sshrl.u32 s6, $0x1;
	s26 =	sadd.s32 s13, s12  }
0xb: {  	s4 =	sadd.s32 s5, s4;
	s8 =	sshll.u32 s10, $0x7;
	s11 =	ssub.s32 s6, s9  }
0xc: {  	s25 =	sshll.u32 s10, $0xB;
	s5 =	sshll.u32 s4, $0x4;
	s7 =	sshll.u32 s4, $0x7  }
0xd: {  	s10 =	smax.u32 s11, $0x1;
	s4 =	sshll.u32 s4, $0xB;
	s5 =	sadd.s32 s5, s1  }
0xe: {  	s1 =	sadd.s32 $0x578A00, s1;
	s7 =	sadd.s32 s7, s8;
	s20 =	sadd.s32 $0x2EA00, s5  }
0xf: {  	s21 =	sshll.u32 s7, $0x4;
	s5 =	sadd.s32 $0x33C00, s5;
	[dreg:$0x3] =	wrdreg s20  }
0x10: {  	s11 =	sadd.s32 s4, s1;
	[dreg:$0x4] =	wrdreg s5;
	s22 =	sadd.s32 $0xFFFFF000, s21  }
0x11: {  	s23 =	sadd.s32 $0xFFFFF800, s21;
	s5 =	sadd.s32 $0xFFFFF000, s25;
	s20 =	simm.s32 $0x7800  }
0x12: {  	s25 =	simm.s32 $0x3;
	s24 =	sadd.s32 s12, s22;
	s7 =	sadd.s32 s1, s22  }
0x13: {  	s8 =	sadd.s32 s12, s23;
	s9 =	sadd.s32 s1, s23;
	[dreg:$0x2] =	wrdreg s5  }
0x14: {  	s5 =	sadd.s32 s0, s26;
	s1 =	sadd.s32 s13, s1;
	s12 =	sadd.s32 s4, s12  }
0x15: {  	s22 =	simm.s32 $0xF800;
	s23 =	simm.s32 $0x1;
	s26 =	simm.s32 $0x4  }
0x16: {  	[dreg:$0x5] =	wrdreg s24;
	s13 =	sadd.s32 $0x800, s5;
	s0 =	sadd.s32 s0, s1  }
0x17: {  	s24 =	simm.s32 $0x2;
	s1 =	simm.s32 $0x0;
	s14 =	sadd.s32 $0x800, s0  }
.LBB2_1:
0x18: {  	s0 =	rddreg [dreg:$0x3]  }
0x19: {  	[tilespmem:s2], [sflag:$0x9] =	stream.linear.gather [hbm4b:s0+s2], $0x1C00, $0x38;
	[tilespmem:$0x13800] =	vst v63  }
0x1a: {  	_ =	swait.ge [sflag:s15], $0x1C00  }
0x1b: {  	[sflag:s15] =	ssyncset.done $0x0  }
0x1c: {  	s21 =	rddreg [dreg:$0x4];
	[sflag:s15] =	ssyncadd.s32 $0xFFFFE400  }
0x1d: {  	[tilespmem:s16], [sflag:$0x9] =	stream.linear.gather [hbm4b:s21+s2], $0x1C00, $0x38;
	[tilespmem:$0x13800] =	vst v63  }
0x1e: {  	_ =	swait.ge [sflag:s15], $0x1C00  }
0x1f: {  	[sflag:s15] =	ssyncset.done $0x0  }
0x20: {  	[sflag:s15] =	ssyncadd.s32 $0xFFFFE400  }
0x21: {  	[tilespmem:s18], [sflag:$0x1] =	stream.indirect.gather [hbm4b:s3+s17], $0x80, s2, s17, $0xb8;
	[tilespmem:$0x13800] =	vst v63  }
0x22: {  	_ = 	snop  }
0x23: {  	[tilespmem:s19], [sflag:$0x2] =	stream.indirect.gather [hbm4b:s3+s17], $0x80, s16, s17, $0xb8;
	[tilespmem:$0x13800] =	vst v63  }
0x24: {  	_ = 	snop  }
0x25: {  	[tilespmem:s20], [sflag:$0x3] =	stream.indirect.gather [hbm4b:s3+s17], $0x80, s17, s17, $0xb8;
	[tilespmem:$0x13800] =	vst v63  }
0x26: {  	s4 =	simm.s32 $0x1C80  }
0x27: {  	[tilespmem:s22], [sflag:$0x4] =	stream.indirect.gather [hbm4b:s3+s17], $0x80, s4, s17, $0xb8;
	[tilespmem:$0x13800] =	vst v63  }
0x28: {  	_ =	swait.ge [sflag:s23], $0x4000  }
0x29: {  	[sflag:s23] =	ssyncset.done $0x0  }
0x2a: {  	[sflag:s23] =	ssyncadd.s32 $0xFFFFC000  }
0x2b: {  	_ =	swait.ge [sflag:s24], $0x4000  }
0x2c: {  	[sflag:s24] =	ssyncset.done $0x0  }
0x2d: {  	s5 =	sadd.s32 $0x0, s12;
	[sflag:s24] =	ssyncadd.s32 $0xFFFFC000  }
0x2e: {  	[hbm4b:s5+s2] =	stream.linear.scatter [tilespmem:s18], [sflag:$0x5], $0x4000, $0x38;
	[tilespmem:$0x13800] =	vst v63  }
0x2f: {  	s6 =	sadd.s32 $0x0, s11  }
0x30: {  	[hbm4b:s6+s2] =	stream.linear.scatter [tilespmem:s19], [sflag:$0x6], $0x4000, $0x38;
	[tilespmem:$0x13800] =	vst v63  }
0x31: {  	_ =	swait.ge [sflag:s25], $0x4000  }
0x32: {  	[sflag:s25] =	ssyncset.done $0x0  }
0x33: {  	[sflag:s25] =	ssyncadd.s32 $0xFFFFC000  }
0x34: {  	_ =	swait.ge [sflag:s26], $0x4000  }
0x35: {  	[sflag:s26] =	ssyncset.done $0x0  }
0x36: {  	s21 =	sadd.s32 $0x0, s13;
	[sflag:s26] =	ssyncadd.s32 $0xFFFFC000  }
0x37: {  	[hbm4b:s21+s2] =	stream.linear.scatter [tilespmem:s20], [sflag:$0x7], $0x4000, $0x38;
	[tilespmem:$0x13800] =	vst v63  }
0x38: {  	s4 =	sadd.s32 $0x0, s14  }
0x39: {  	[hbm4b:s4+s2] =	stream.linear.scatter [tilespmem:s22], [sflag:$0x8], $0x4000, $0x38;
	[tilespmem:$0x13800] =	vst v63  }
0x3a: {  	_ =	swait.ge [sflag:s28], $0x4000  }
0x3b: {  	[sflag:s28] =	ssyncset.done $0x0  }
0x3c: {  	[sflag:s28] =	ssyncadd.s32 $0xFFFFC000  }
0x3d: {  	_ =	swait.ge [sflag:s29], $0x4000  }
0x3e: {  	[sflag:s29] =	ssyncset.done $0x0  }
0x3f: {  	s5 =	simm.s32 $0x100;
	[sflag:s29] =	ssyncadd.s32 $0xFFFFC000  }
0x40: {  	[tilespmem:s18], [sflag:$0x1] =	stream.indirect.gather [hbm4b:s3+s17], $0x80, s5, s17, $0xb8;
	[tilespmem:$0x13800] =	vst v63  }
0x41: {  	s6 =	simm.s32 $0x1D00  }
0x42: {  	[tilespmem:s19], [sflag:$0x2] =	stream.indirect.gather [hbm4b:s3+s17], $0x80, s6, s17, $0xb8;
	[tilespmem:$0x13800] =	vst v63  }
0x43: {  	_ =	swait.ge [sflag:s30], $0x4000  }
0x44: {  	[sflag:s30] =	ssyncset.done $0x0  }
0x45: {  	[sflag:s30] =	ssyncadd.s32 $0xFFFFC000  }
0x46: {  	_ =	swait.ge [sflag:s31], $0x4000  }
0x47: {  	s4 =	rddreg [dreg:$0x2]  }
0x48: {  	p0 =	sne.s32 s4, $0x1000  }
.Ltmp0:
0x49: {  	_ = 	snop;
	(pc) =	sbr.rel @!p0 .LBB2_3-.Ltmp0, $4  }
0x4a: {  	[sflag:s31] =	ssyncset.done $0x0  }
0x4b: {  	s0 =	simm.s32 $0x1000;
	s21 =	simm.s32 $0x180;
	[sflag:s31] =	ssyncadd.s32 $0xFFFFC000  }
0x4c: {  	[tilespmem:s20], [sflag:$0x3] =	stream.indirect.gather [hbm4b:s3+s17], $0x80, s21, s17, $0xb8;
	[tilespmem:$0x13800] =	vst v63  }
0x4d: {  	s5 =	simm.s32 $0x1D80;
	s4 =	simm.s32 $0x1E00;
	s21 =	simm.s32 $0x200  }
.LBB2_2:
0x4e: {  	[tilespmem:s22], [sflag:$0x4] =	stream.indirect.gather [hbm4b:s3+s17], $0x80, s5, s17, $0xb8;
	[tilespmem:$0x13800] =	vst v63  }
0x4f: {  	_ =	swait.ge [sflag:s23], $0x4000  }
0x50: {  	[sflag:s23] =	ssyncset.done $0x0  }
0x51: {  	[sflag:s23] =	ssyncadd.s32 $0xFFFFC000  }
0x52: {  	_ =	swait.ge [sflag:s24], $0x4000  }
0x53: {  	s5 =	smov.u32 s0;
	[sflag:s24] =	ssyncset.done $0x0  }
0x54: {  	s6 =	sadd.s32 s5, s12;
	[sflag:s24] =	ssyncadd.s32 $0xFFFFC000  }
0x55: {  	[hbm4b:s6+s2] =	stream.linear.scatter [tilespmem:s18], [sflag:$0x5], $0x4000, $0x38;
	[tilespmem:$0x13800] =	vst v63  }
0x56: {  	s6 =	sadd.s32 s5, s11  }
0x57: {  	[hbm4b:s6+s2] =	stream.linear.scatter [tilespmem:s19], [sflag:$0x6], $0x4000, $0x38;
	[tilespmem:$0x13800] =	vst v63  }
0x58: {  	_ =	swait.ge [sflag:s25], $0x4000  }
0x59: {  	[sflag:s25] =	ssyncset.done $0x0  }
0x5a: {  	[sflag:s25] =	ssyncadd.s32 $0xFFFFC000  }
0x5b: {  	_ =	swait.ge [sflag:s26], $0x4000  }
0x5c: {  	[sflag:s26] =	ssyncset.done $0x0  }
0x5d: {  	s6 =	sadd.s32 s5, s13;
	[sflag:s26] =	ssyncadd.s32 $0xFFFFC000  }
0x5e: {  	[hbm4b:s6+s2] =	stream.linear.scatter [tilespmem:s20], [sflag:$0x7], $0x4000, $0x38;
	[tilespmem:$0x13800] =	vst v63  }
0x5f: {  	s5 =	sadd.s32 s5, s14  }
0x60: {  	[hbm4b:s5+s2] =	stream.linear.scatter [tilespmem:s22], [sflag:$0x8], $0x4000, $0x38;
	[tilespmem:$0x13800] =	vst v63  }
0x61: {  	_ =	swait.ge [sflag:s28], $0x4000  }
0x62: {  	[sflag:s28] =	ssyncset.done $0x0  }
0x63: {  	[sflag:s28] =	ssyncadd.s32 $0xFFFFC000  }
0x64: {  	_ =	swait.ge [sflag:s29], $0x4000  }
0x65: {  	[sflag:s29] =	ssyncset.done $0x0  }
0x66: {  	[sflag:s29] =	ssyncadd.s32 $0xFFFFC000  }
0x67: {  	[tilespmem:s18], [sflag:$0x1] =	stream.indirect.gather [hbm4b:s3+s17], $0x80, s21, s17, $0xb8;
	[tilespmem:$0x13800] =	vst v63  }
0x68: {  	_ = 	snop  }
0x69: {  	[tilespmem:s19], [sflag:$0x2] =	stream.indirect.gather [hbm4b:s3+s17], $0x80, s4, s17, $0xb8;
	[tilespmem:$0x13800] =	vst v63  }
0x6a: {  	_ =	swait.ge [sflag:s30], $0x4000  }
0x6b: {  	[sflag:s30] =	ssyncset.done $0x0  }
0x6c: {  	[sflag:s30] =	ssyncadd.s32 $0xFFFFC000  }
0x6d: {  	_ =	swait.ge [sflag:s31], $0x4000  }
0x6e: {  	s0 =	sadd.s32 $0x1000, s0;
	s6 =	rddreg [dreg:$0x2]  }
0x6f: {  	p0 =	sne.s32 s6, s0  }
.Ltmp1:
0x70: {  	_ = 	snop;
	(pc) =	sbr.rel @p0 .LBB2_2-.Ltmp1, $4  }
0x71: {  	[sflag:s31] =	ssyncset.done $0x0  }
0x72: {  	s5 =	sadd.s32 $0x80, s21;
	[sflag:s31] =	ssyncadd.s32 $0xFFFFC000  }
0x73: {  	[tilespmem:s20], [sflag:$0x3] =	stream.indirect.gather [hbm4b:s3+s17], $0x80, s5, s17, $0xb8;
	[tilespmem:$0x13800] =	vst v63  }
0x74: {  	s21 =	sadd.s32 $0x100, s21;
	s5 =	sadd.s32 $0x80, s4;
	s4 =	sadd.s32 $0x100, s4  }
.LBB2_3:
0x75: {  	[tilespmem:s22], [sflag:$0x4] =	stream.indirect.gather [hbm4b:s3+s17], $0x80, s5, s17, $0xb8;
	[tilespmem:$0x13800] =	vst v63  }
0x76: {  	_ =	swait.ge [sflag:s23], $0x4000  }
0x77: {  	[sflag:s23] =	ssyncset.done $0x0  }
0x78: {  	[sflag:s23] =	ssyncadd.s32 $0xFFFFC000  }
0x79: {  	_ =	swait.ge [sflag:s24], $0x4000  }
0x7a: {  	[sflag:s24] =	ssyncset.done $0x0  }
0x7b: {  	s0 =	rddreg [dreg:$0x5];
	[sflag:s24] =	ssyncadd.s32 $0xFFFFC000  }
0x7c: {  	[hbm4b:s0+s2] =	stream.linear.scatter [tilespmem:s18], [sflag:$0x5], $0x4000, $0x38;
	[tilespmem:$0x13800] =	vst v63  }
0x7d: {  	_ = 	snop  }
0x7e: {  	[hbm4b:s7+s2] =	stream.linear.scatter [tilespmem:s19], [sflag:$0x6], $0x4000, $0x38;
	[tilespmem:$0x13800] =	vst v63  }
0x7f: {  	_ =	swait.ge [sflag:s25], $0x4000  }
0x80: {  	[sflag:s25] =	ssyncset.done $0x0  }
0x81: {  	[sflag:s25] =	ssyncadd.s32 $0xFFFFC000  }
0x82: {  	_ =	swait.ge [sflag:s26], $0x4000  }
0x83: {  	[sflag:s26] =	ssyncset.done $0x0  }
0x84: {  	[sflag:s26] =	ssyncadd.s32 $0xFFFFC000  }
0x85: {  	[hbm4b:s8+s2] =	stream.linear.scatter [tilespmem:s20], [sflag:$0x7], $0x4000, $0x38;
	[tilespmem:$0x13800] =	vst v63  }
0x86: {  	_ = 	snop  }
0x87: {  	[hbm4b:s9+s2] =	stream.linear.scatter [tilespmem:s22], [sflag:$0x8], $0x4000, $0x38;
	[tilespmem:$0x13800] =	vst v63  }
0x88: {  	_ =	swait.ge [sflag:s28], $0x4000  }
0x89: {  	[sflag:s28] =	ssyncset.done $0x0  }
0x8a: {  	[sflag:s28] =	ssyncadd.s32 $0xFFFFC000  }
0x8b: {  	_ =	swait.ge [sflag:s29], $0x4000  }
0x8c: {  	[sflag:s29] =	ssyncset.done $0x0  }
0x8d: {  	s1 =	sadd.s32 $0x1, s1;
	[sflag:s29] =	ssyncadd.s32 $0xFFFFC000  }
0x8e: {  	p0 =	sne.s32 s1, s10;
	_ =	swait.ge [sflag:s30], $0x4000  }
.Ltmp2:
0x8f: {  	[sflag:s30] =	ssyncset.done $0x0;
	(pc) =	sbr.rel @p0 .LBB2_1-.Ltmp2, $4  }
0x90: {  	[sflag:s30] =	ssyncadd.s32 $0xFFFFC000  }
0x91: {  	_ =	swait.ge [sflag:s31], $0x4000  }
0x92: {  	[sflag:s31] =	ssyncset.done $0x0  }
0x93: {  	[sflag:s31] =	ssyncadd.s32 $0xFFFFC000  }
0x94: {  	_ =	sfence.sel $0x180000  }
0x95: {  	[bflag:$0x0] =	sbarrier.arrive $0xFFFF  }
0x96: {  	_ =	strace $0x90000047  }
0x97: {  	s0 =	stileid.u32;
	[bflag:$0x2] =	sbarrier.arrive $0xFFFF  }
0x98: {  	p0 =	sne.s32 s0, $0x0;
	s0 =	rddreg [dreg:$0x1]  }
0x99: {  	s0 =	sadd.s32 @!p0 $0x100000, s0  }
0x9a: {  	[sflag:s0] =	ssyncadd.tile.s32 @!p0 $0x1;
	_ =	shalt  }
.Lfunc_end2:
_tile_overlayer_lowered:
.L_overlay_start_2:
0x9b: {  	(tag) =	ssettag $0x2  }
0x9c: {  	s0 =	rddreg [dreg:$0x0];
	s2 =	stileid.u32  }
0x9d: {  	s1 =	rddreg [dreg:$0x1];
	p0 =	sne.s32 s2, $0x0  }
0x9e: {  	s3 =	rddreg [dreg:$0x2];
	[bflag:$0x3] =	sbarrier.arrive $0xFFFF;
	s2 =	simm.s32 @!p0 $0x1C09  }
0x9f: {  	[timem:s3], [sflag:s2] =	dma.local @!p0 [hbm:s0], s1  }
0xa0: {  	s0 =	simm.s32 @!p0 $0x9  }
0xa1: {  	_ =	swait.ge @!p0 [sflag:s0], s1  }
0xa2: {  	s1 =	ssub.s32 @!p0 $0x0, s1;
	[sflag:s0] =	ssyncset.done @!p0 $0x0  }
0xa3: {  	[sflag:s0] =	ssyncadd.s32 @!p0 s1  }
0xa4: {  	[bflag:$0x3] =	sbarrier.arrive $0xFFFF  }
0xa5: {  	_ =	shalt  }

// kernel: scatter_offload_async_start.2
scs
__scs_entry_jumppad:
0x0: {  	(pc) =	sbr.rel $0x88, $3  }
0x1: {  	(tag) =	ssettag $0x0;
	lr =	simm.s32 $0x1  }
0x2: {  	[smem:$0x3F8E] =	sst lr;
	_ =	strace $0xD0000000  }
0x3: {  	_ = 	snop  }
0x4: {  	_ = 	snop  }
0x5: {  	_ = 	snop  }
0x6: {  	_ = 	snop  }
0x7: {  	_ = 	snop  }
__scs_overlays_trampoline_lowered:
0x8: {  	[smem:$0x3F9D] =	sst s0  }
0x9: {  	[smem:$0x3F9E] =	sst s1  }
0xa: {  	[smem:$0x3F9F] =	sst s2  }
0xb: {  	[smem:$0x3FA0] =	sst s3  }
0xc: {  	[smem:$0x3FA1] =	sst s4  }
0xd: {  	[smem:$0x3FA2] =	sst s5  }
0xe: {  	[smem:$0x3FA3] =	sst s6  }
0xf: {  	[smem:$0x3FA4] =	sst s7  }
0x10: {  	[smem:$0x3FA5] =	sst s8  }
0x11: {  	[smem:$0x3FA6] =	sst s9;
	s0 =	simm.s32 @!p0 $0x0  }
0x12: {  	s1 =	sld [smem:$0x3F8C];
	s0 =	simm.s32 @p0 $0x1  }
0x13: {  	[smem:$0x3FA7] =	sst s0;
	s0 =	simm.s32 @!p1 $0x0  }
0x14: {  	s2 =	sld [smem:$0x3F8B];
	s0 =	simm.s32 @p1 $0x1  }
0x15: {  	[smem:$0x3FA8] =	sst s0;
	s0 =	simm.s32 @!p2 $0x0  }
0x16: {  	s3 =	sld [smem:$0x3FDB];
	s0 =	simm.s32 @p2 $0x1  }
0x17: {  	s4 =	simm.s32 $0x1BF5;
	[smem:$0x3FAA] =	sst s0  }
0x18: {  	s0 =	sld [smem:$0x3F8D];
	_ =	swait.ge [sflag:s4], $0x0  }
0x19: {  	s7 =	sld [smem:$0x3F8E]  }
0x1a: {  	s8 =	sadd.s32 $0xFFFFE003, lr  }
0x1b: {  	s9 =	sadd.s32 $0xFFFFFEF7, lr;
	s5 =	simm.s32 $0xFFFFFFFF;
	p2 =	slt.u32 s8, $0xFFFFF086  }
0x1c: {  	p1 =	slt.u32 s9, $0xF7A;
	s5 =	simm.s32 @!p2 $0x0  }
0x1d: {  	s5 =	simm.s32 @p1 $0x1;
	p0 =	seq.s32 s7, s2  }
0x1e: {  	s7 =	smul.u32 @!p0 $0xF7A, s2;
	p2 =	seq.s32 @!p0 s5, $0x0  }
0x1f: {  	s9 =	smul.u32 $0xF7A, s1;
	s8 =	simm.s32 @!p0 $0x1BF5;
	p2 =	por !p2, p0  }
0x20: {  	[sflag:s8] =	ssyncset.s32 @!p0 $0xFFFFF086;
	s6 =	sadd.s32 @!p0 s3, s7;
	s7 =	simm.s32 @!p0 $0x108  }
0x21: {  	s3 =	sadd.s32 s3, s9;
	s6 =	sadd.s32 @!p0 $0x88, s6;
	s7 =	simm.s32 @p2 $0x1082  }
0x22: {  	[simem:s7], [sflag:s8] =	dma.local @!p0 [hbm:s6], $0xF7A  }
0x23: {  	s9 =	sor.u32 $0xD0000000, s2;
	s6 =	simm.s32 $0x108;
	_ =	swait.ge @!p0 [sflag:s8], $0x0  }
0x24: {  	s3 =	sadd.s32 $0x88, s3;
	s6 =	simm.s32 @!p1 $0x1082;
	[sflag:s4] =	ssyncset.s32 $0xFFFFF086  }
0x25: {  	[simem:s6], [sflag:s4] =	dma.local [hbm:s3], $0xF7A  }
0x26: {  	[smem:$0x3F8E] =	sst s1;
	(tag) =	ssettag s2;
	_ =	strace s9  }
0x27: {  	s1 =	sld [smem:$0x3F9E]  }
0x28: {  	s2 =	sld [smem:$0x3F9F]  }
0x29: {  	s4 =	sld [smem:$0x3FA1]  }
0x2a: {  	p0 =	seq.s32 s5, $0x0;
	s5 =	sld [smem:$0x3FA2]  }
0x2b: {  	s6 =	sld [smem:$0x3FA3]  }
0x2c: {  	s7 =	sld [smem:$0x3FA4]  }
0x2d: {  	s3 =	simm.s32 $0x108;
	s8 =	sld [smem:$0x3FA5]  }
0x2e: {  	s3 =	simm.s32 @!p0 $0x1082;
	s9 =	sld [smem:$0x3FA6]  }
0x2f: {  	lr =	sadd.s32 s0, s3;
	s0 =	sld [smem:$0x3F9D]  }
0x30: {  	s3 =	sld [smem:$0x3FA0]  }
0x31: {  	[smem:$0x3FA9] =	sst s10  }
0x32: {  	s10 =	sld [smem:$0x3FA7];
	_ =	sdelay $0x3  }
0x33: {  	p0 =	seq.s32 s10, $0x1;
	s10 =	sld [smem:$0x3FA9];
	_ =	sdelay $0x3  }
0x34: {  	[smem:$0x3FA9] =	sst s10  }
0x35: {  	s10 =	sld [smem:$0x3FA8];
	_ =	sdelay $0x3  }
0x36: {  	p1 =	seq.s32 s10, $0x1;
	s10 =	sld [smem:$0x3FA9];
	_ =	sdelay $0x3  }
0x37: {  	[smem:$0x3FA9] =	sst s10  }
0x38: {  	s10 =	sld [smem:$0x3FAA]  }
0x39: {  	_ = 	snop;
	(pc) =	sbr.ind lr, $3  }
0x3a: {  	_ = 	snop  }
0x3b: {  	_ = 	snop  }
0x3c: {  	p2 =	seq.s32 s10, $0x1;
	s10 =	sld [smem:$0x3FA9]  }
0x3d: {  	_ =	shalt  }
0x3e: {  	_ =	shalt  }
0x3f: {  	_ =	shalt  }
0x40: {  	_ =	shalt  }
0x41: {  	_ =	shalt  }
0x42: {  	_ =	shalt  }
0x43: {  	_ =	shalt  }
0x44: {  	_ =	shalt  }
0x45: {  	_ =	shalt  }
0x46: {  	_ =	shalt  }
0x47: {  	_ =	shalt  }
0x48: {  	_ =	shalt  }
0x49: {  	_ =	shalt  }
0x4a: {  	_ =	shalt  }
0x4b: {  	_ =	shalt  }
0x4c: {  	_ =	shalt  }
0x4d: {  	_ =	shalt  }
0x4e: {  	_ =	shalt  }
0x4f: {  	_ =	shalt  }
0x50: {  	_ =	shalt  }
0x51: {  	_ =	shalt  }
0x52: {  	_ =	shalt  }
0x53: {  	_ =	shalt  }
0x54: {  	_ =	shalt  }
0x55: {  	_ =	shalt  }
0x56: {  	_ =	shalt  }
0x57: {  	_ =	shalt  }
0x58: {  	_ =	shalt  }
0x59: {  	_ =	shalt  }
0x5a: {  	_ =	shalt  }
0x5b: {  	_ =	shalt  }
0x5c: {  	_ =	shalt  }
0x5d: {  	_ =	shalt  }
0x5e: {  	_ =	shalt  }
0x5f: {  	_ =	shalt  }
0x60: {  	_ =	shalt  }
0x61: {  	_ =	shalt  }
0x62: {  	_ =	shalt  }
0x63: {  	_ =	shalt  }
0x64: {  	_ =	shalt  }
0x65: {  	_ =	shalt  }
0x66: {  	_ =	shalt  }
0x67: {  	_ =	shalt  }
0x68: {  	_ =	shalt  }
0x69: {  	_ =	shalt  }
0x6a: {  	_ =	shalt  }
0x6b: {  	_ =	shalt  }
0x6c: {  	_ =	shalt  }
0x6d: {  	_ =	shalt  }
0x6e: {  	_ =	shalt  }
0x6f: {  	_ =	shalt  }
0x70: {  	_ =	shalt  }
0x71: {  	_ =	shalt  }
0x72: {  	_ =	shalt  }
0x73: {  	_ =	shalt  }
0x74: {  	_ =	shalt  }
0x75: {  	_ =	shalt  }
0x76: {  	_ =	shalt  }
0x77: {  	_ =	shalt  }
0x78: {  	_ =	shalt  }
0x79: {  	_ =	shalt  }
0x7a: {  	_ =	shalt  }
0x7b: {  	_ =	shalt  }
0x7c: {  	_ =	shalt  }
0x7d: {  	_ =	shalt  }
0x7e: {  	_ =	shalt  }
0x7f: {  	_ =	shalt  }
0x80: {  	_ =	shalt  }
0x81: {  	_ =	shalt  }
0x82: {  	_ =	shalt  }
0x83: {  	_ =	shalt  }
0x84: {  	_ =	shalt  }
0x85: {  	_ =	shalt  }
0x86: {  	_ =	shalt  }
0x87: {  	_ =	shalt  }
.Lfunc_end0:
.L_simem_size_0:
called_computation_lowered:
.L_overlay_start_0:
0x88: {  	s2 =	sld [smem:$0x3FD9]  }
0x89: {  	s3 =	sld [smem:$0x3FFE];
	_ =	sdelay $0x1  }
0x8a: {  	s1 =	srdreg.scid  }
0x8b: {  	s0 =	sand.u32 $0x1, s1  }
0x8c: {  	s15 =	sshll.u32 s0, $0xA;
	s2 =	sadd.s32 s3, s2  }
0x8d: {  	s2 =	sadd.s32 s2, s15  }
0x8e: {  	[smem:$0x3FB5] =	sst s2  }
0x8f: {  	_ = 	snop  }
0x90: {  	(tm) =	ssettm $0x1  }
0x91: {  	s16 =	sld [smem:$0x3FFB];
	_ =	sdelay $0x3  }
0x92: {  	_ =	strace s16  }
0x93: {  	s2 =	sld [smem:$0x3FFC];
	_ =	sdelay $0x3  }
0x94: {  	_ =	strace s2  }
0x95: {  	s2 =	sld [smem:$0x3FFD];
	_ =	sdelay $0x3  }
0x96: {  	_ =	strace s2  }
0x97: {  	_ =	strace $0x8FFFFFFF  }
0x98: {  	s17 =	sld [smem:$0x3FDB];
	_ =	sdelay $0x1  }
0x99: {  	s18 =	simm.s32 $_scs_section_size  }
0x9a: {  	s4 =	simm.s32 $_size__tile_overlayer_lowered;
	s5 =	simm.s32 $_tile_overlayer_lowered  }
0x9b: {  	s21 =	simm.s32 $0x1BFF;
	s20 =	sshll.u32 s5, $0x1;
	s2 =	sadd.s32 s18, s17  }
0x9c: {  	s6 =	simm.s32 $0x0;
	s19 =	sshll.u32 s4, $0x1;
	s4 =	sadd.s32 s20, s2  }
0x9d: {  	[timem:s6], [sflag:s21] =	dma.local [hbm:s4], s19  }
0x9e: {  	_ =	swait.ge [sflag:s21], s19  }
0x9f: {  	s3 =	ssub.s32 $0x0, s19;
	[sflag:s21] =	ssyncset.done $0x0  }
0xa0: {  	[sflag:s21] =	ssyncadd.s32 s3;
	_ =	sdelay $0x1  }
0xa1: {  	s22 =	simm.s32 $0x1B8B  }
0xa2: {  	_ =	swait.ge [sflag:s22], $0x1  }
0xa3: {  	[sflag:s22] =	ssyncset.done $0x0  }
0xa4: {  	s23 =	sld [smem:$0x3FFE];
	[sflag:s22] =	ssyncadd.s32 $0xFFFFFFFF  }
0xa5: {  	s25 =	simm.s32 $0x1B8E;
	s24 =	sld [smem:$0x0]  }
0xa6: {  	s26 =	simm.s32 $execute0_lowered;
	[smem:$0x3FD2] =	sst s25  }
0xa7: {  	s5 =	sshll.u32 s26, $0x1;
	_ =	strace $0x8000004C;
	[dreg:$0x1] =	wrdreg $0xFFFFFFFF  }
0xa8: {  	s28 =	simm.s32 $_size_execute0_lowered;
	s2 =	sadd.s32 s2, s5;
	[dreg:$0x0] =	wrdreg $0x0  }
0xa9: {  	s5 =	sshll.u32 s28, $0x1;
	[dreg:$0x2] =	wrdreg s2  }
0xaa: {  	[dreg:$0x3] =	wrdreg s5  }
0xab: {  	[dreg:$0x4] =	wrdreg $0xC0  }
0xac: {  	_ =	task [dreg:s6], $0x5FFFF  }
0xad: {  	[dreg:$0x1] =	wrdreg $0xFFFFFFFF  }
0xae: {  	[dreg:$0x0] =	wrdreg $0x60  }
0xaf: {  	[dreg:$0x2] =	wrdreg s23  }
0xb0: {  	[dreg:$0x3] =	wrdreg s1  }
0xb1: {  	[dreg:$0x4] =	wrdreg s24  }
0xb2: {  	[dreg:$0x5] =	wrdreg $0x9  }
0xb3: {  	_ =	task.clear_ibuf [dreg:s6], $0x6FFFF;
	_ =	strace $0x9000004C  }
0xb4: {  	s29 =	simm.s32 $0x9;
	_ =	strace $0x8000004E  }
0xb5: {  	_ =	swait.ge [sflag:s29], $0x1  }
0xb6: {  	[sflag:s29] =	ssyncadd.s32 $0xFFFFFFFF  }
0xb7: {  	_ =	strace $0x9000004E  }
0xb8: {  	_ =	sfence  }
0xb9: {  	s30 =	sld [smem:$0x0];
	_ =	sdelay $0x2  }
0xba: {  	s31 =	sshll.u32 s1, $0xD;
	s1 =	sshrl.u32 s1, $0x2  }
0xbb: {  	s3 =	sand.u32 $0x4000, s31;
	s1 =	sadd.s32 s1, s30  }
0xbc: {  	s0 =	sor.u32 s3, s0;
	s1 =	sshll.u32 s1, $0x11  }
0xbd: {  	s0 =	sor.u32 s1, s0  }
0xbe: {  	s0 =	sadd.s32 $0x8F2B, s0  }
0xbf: {  	[sflag:s0] =	ssyncadd.remote.s32 $0x1  }
0xc0: {  	_ =	sfence.sel $0xFFFF  }
0xc1: {  	[dreg:$0x0] =	wrdreg $0xFFFFFFFF;
	(pc) =	sbr.abs _section_cstart, $3  }
0xc2: {  	[dreg:$0x1] =	wrdreg $0xFFFFFFFF  }
0xc3: {  	_ =	task.clear_ibuf [dreg:s6], $0x2FFFF;
	_ =	strace $0x9FFFFFFF  }
0xc4: {  	(tm) =	ssettm $0x7FFFFFFF  }
0xc5: {  	_ =	shalt  }
tec
execute0_lowered:
.L_overlay_start_1:
0x0: {  	(tag) =	ssettag $0x1  }
0x1: {  	s2 =	rddreg [dreg:$0x0]  }
0x2: {  	s4 =	rddreg [dreg:$0x1];
	_ =	strace $0x8000004D;
	s0 =	simm.s32 $0x1  }
0x3: {  	s3 =	simm.s32 $0x88;
	v0 =	vimm.s32 $0x0;
	[sflag:s0] =	ssyncpa.u1 $0x0  }
0x4: {  	s1 =	sadd.s32 $0x2F8A00, s2;
	[tilespmem:s3+$0x30] =	vst v0  }
0x5: {  	s0 =	sadd.s32 $0x7F8A00, s2;
	s6 =	sadd.s32 $0x802A00, s2;
	[tilespmem:s3+$0x20] =	vst v0  }
0x6: {  	s2 =	sadd.s32 $0x7FDA00, s2;
	s7 =	sand.u32 $0x1, s4;
	s4 =	simm.s32 $0x40;
	[tilespmem:s3+$0x10] =	vst v0  }
.LBB2_1:
0x7: {  	s4 =	sadd.s32 $0x40, s4  }
0x8: {  	[tilespmem:s3+$0x0] =	vst v0;
	s3 =	sadd.s32 $0x40, s3;
	p0 =	slt.u32 s4, $0x5040  }
.Ltmp0:
0x9: {  	(pc) =	sbr.rel @p0 .LBB2_1-.Ltmp0, $4  }
0xa: {  	_ = 	snop  }
0xb: {  	[tilespmem:s3+$0x30] =	vst v0  }
0xc: {  	[tilespmem:s3+$0x20] =	vst v0  }
0xd: {  	[tilespmem:s3+$0x10] =	vst v0  }
0xe: {  	s8 =	stileid.u32  }
0xf: {  	s4 =	smul.u32 $0xF, s8  }
0x10: {  	s5 =	smin.u32 s8, $0xA  }
0x11: {  	s4 =	sadd.s32 s5, s4  }
0x12: {  	p0 =	slt.u32 s8, $0xA;
	s12 =	smul.u32 $0x140, s4;
	s4 =	simm.s32 $0x1400  }
0x13: {  	s4 =	simm.s32 @!p0 $0x12C0  }
0x14: {  	s25 =	simm.s32 $0x2;
	s4 =	sadd.s32 s4, s12  }
0x15: {  	s28 =	simm.s32 $0x9;
	s9 =	simm.s32 $0xA;
	s14 =	smin.u32 s4, $0x13880  }
0x16: {  	s30 =	simm.s32 $0xB;
	[dreg:$0x4] =	wrdreg s7;
	s4 =	ssub.s32 s14, s12  }
0x17: {  	s31 =	smul.u32 $0x2710, s7;
	s13 =	simm.s32 $0x1;
	p0 =	sgt.s32 s4, $0x0  }
0x18: {  	s19 =	simm.s32 $0x0;
	s20 =	simm.s32 $0xA808;
	s4 =	simm.s32 @!p0 $0x0  }
0x19: {  	s21 =	simm.s32 $0xFFFFFFFF;
	p1 =	por $0x0, $0x0;
	s26 =	smulhi.u32 $0x66666667, s4  }
0x1a: {  	[tilespmem:s3+$0x0] =	vst v0;
	s23 =	simm.s32 $0x0;
	[sflag:s25] =	ssyncpa.u1 $0x0;
	s18 =	sshll.u32 s8, $0x7  }
0x1b: {  	s0 =	sadd.s32 s31, s0;
	[dreg:$0xa] =	wrdreg s18;
	s3 =	sshrl.u32 s26, $0x7  }
0x1c: {  	v0 =	vimm.s32 $0xFFFFFFFF;
	s17 =	sadd.s32 s31, s2;
	[dreg:$0x9] =	wrdreg s0;
	s29 =	smul.u32 $0x140, s3  }
0x1d: {  	s25 =	simm.s32 $0x0;
	[tilespmem:$0xA108] =	vst v0;
	[sflag:s28] =	ssyncpa.u1 $0x0;
	[dreg:$0x8] =	wrdreg s17  }
.Ltmp1:
0x1e: {  	p0 =	sne.s32 s4, s29;
	s4 =	simm.s32 $0x1;
	(pc) =	sbr.rel .LBB2_3-.Ltmp1, $4  }
0x1f: {  	[sflag:s9] =	ssyncpa.u1 $0x0;
	[dreg:$0x5] =	wrdreg s12;
	s4 =	simm.s32 @!p0 $0x0  }
0x20: {  	[sflag:s30] =	ssyncpa.u1 $0x0;
	[dreg:$0x6] =	wrdreg s14;
	s15 =	sadd.s32 s4, s3  }
0x21: {  	s24 =	smov.u32 s12;
	s22 =	sadd.s32 $0x1, s15;
	[dreg:$0x7] =	wrdreg s15  }
0x22: {  	v0 =	vlaneseq.u32;
	s26 =	simm.s32 $0x0;
	p0 =	por $0x1, $0x1;
	[dreg:$0xb] =	wrdreg s22  }
.LBB2_22:
0x23: {  	s0 =	sshrl.u32 s3, $0x2  }
.LBB2_24:
0x24: {  	s3 =	simm.s32 $0xC  }
0x25: {  	_ =	swait.ge [sflag:s3], s0  }
0x26: {  	s31 =	ssub.s32 $0x0, s0;
	v1 =	vmov s4;
	vm0 =	veq.s32 v0, $0x0;
	[sflag:s3] =	ssyncset.done $0x0  }
0x27: {  	vm15 =	veq.s32 v0, $0x2;
	v1 =	vsel vm0, s2, v1;
	[sflag:s3] =	ssyncadd.s32 s31  }
0x28: {  	v1 =	vsel vm15, s26, v1;
	[sflag:s3] =	ssyncpa.u1 $0x1  }
0x29: {  	[tilespmem:$0xA108] =	vst v1  }
.LBB2_25:
0x2a: {  	s0 =	sadd.s32 $0x140, s24  }
0x2b: {  	s2 =	smov.u32 s12;
	p2 =	slt.s32 s0, s14  }
0x2c: {  	s2 =	smov.u32 @p2 s0;
	p2 =	sne.s32 s25, s22  }
.Ltmp2:
0x2d: {  	_ = 	snop;
	(pc) =	sbr.rel @!p2 .LBB2_26-.Ltmp2, $4  }
0x2e: {  	_ = 	snop  }
0x2f: {  	s26 =	smov.u32 s23;
	s31 =	sadd.s32 $0x1, s25;
	p0 =	por !p0, !p0  }
0x30: {  	s23 =	smov.u32 s24;
	s20 =	sadd.s32 $0x140, s20;
	s21 =	sadd.s32 $0x1, s21  }
0x31: {  	p1 =	por !p1, !p1;
	s25 =	smov.u32 s31;
	s24 =	smov.u32 s2  }
.LBB2_3:
0x32: {  	p2 =	sge.u32 s25, s15  }
0x33: {  	s0 =	smulhi.u32 @!p2 $0xAAAAAAAB, s25  }
0x34: {  	s2 =	smov.u32 s24;
	p3 =	sgt.s32 @!p2 s24, $0x13740  }
0x35: {  	s3 =	sshra.s32 @!p2 s24, $0x1F;
	p3 =	por !p3, p2;
	s0 =	sshrl.u32 @!p2 s0, $0x1  }
0x36: {  	s3 =	sand.u32 @!p2 s3, s24;
	s2 =	simm.s32 @p3 $0x13740;
	s0 =	smul.u32 @!p2 $0x3, s0  }
0x37: {  	s2 =	ssub.s32 @!p2 s2, s3  }
0x38: {  	s2 =	sadd.s32 @!p2 $0xFFFEC8C0, s2;
	s0 =	ssub.s32 @!p2 s25, s0  }
0x39: {  	s3 =	sshll.u32 @!p2 s2, $0x2;
	p3 =	sgt.s32 @!p2 s2, $0x13F;
	s0 =	smul.u32 @!p2 $0x500, s0  }
0x3a: {  	s4 =	sand.u32 @!p2 $0x7, s24;
	s2 =	ssub.s32 @!p2 $0x500, s3;
	p3 =	por !p3, p2  }
0x3b: {  	s3 =	sshrl.u32 @!p2 s24, $0x3;
	s2 =	sshrl.u32 @!p2 s2, $0x2;
	s0 =	sshrl.u32 @!p2 s0, $0x2  }
0x3c: {  	s3 =	sadd.s32 @!p2 s3, s17;
	s2 =	simm.s32 @!p3 $0x0;
	s0 =	sadd.s32 @!p2 $0xA948, s0  }
0x3d: {  	[tilespmem:s0], [sflag:$0xA] =	stream.linear.gather @!p2 [hbm4b:s3+s4], s2, $0x38;
	[tilespmem:$0x1EF88] =	vst v63  }
0x3e: {  	s0 =	sadd.s32 $0xFFFFFFFF, s25  }
0x3f: {  	p2 =	sge.u32 s0, s15  }
.Ltmp3:
0x40: {  	_ = 	snop;
	(pc) =	sbr.rel @p2 .LBB2_7-.Ltmp3, $1  }
0x41: {  	_ =	sdelay $0x3  }
0x42: {  	p2 =	sgt.s32 s23, $0x13740;
	s2 =	smov.u32 s23;
	s3 =	sshra.s32 s23, $0x1F  }
0x43: {  	s2 =	simm.s32 @!p2 $0x13740;
	s3 =	sand.u32 s3, s23  }
0x44: {  	s17 =	smulhi.u32 $0xAAAAAAAB, s21;
	s2 =	ssub.s32 s2, s3  }
0x45: {  	s0 =	sand.u32 $0x1, s0;
	s2 =	sadd.s32 $0xFFFEC8C0, s2  }
0x46: {  	s5 =	simm.s32 $0xA;
	s3 =	sshrl.u32 s17, $0x1;
	s4 =	sshll.u32 s2, $0x2  }
0x47: {  	s7 =	sshrl.u32 s23, $0x3;
	s3 =	smul.u32 $0xFFFFF100, s3;
	s4 =	ssub.s32 $0x500, s4  }
0x48: {  	s18 =	smul.u32 $0x500, s0;
	p2 =	sgt.s32 s2, $0x13F;
	s2 =	sshrl.u32 s4, $0x2  }
0x49: {  	s9 =	sand.u32 $0x7, s23;
	s3 =	sshra.s32 s3, $0x2;
	s2 =	simm.s32 @p2 $0x0  }
0x4a: {  	s0 =	sadd.s32 s3, s20;
	s4 =	sshrl.u32 s18, $0x2;
	_ =	swait.ge [sflag:s5], s2  }
0x4b: {  	s22 =	ssub.s32 $0x0, s2;
	[sflag:s5] =	ssyncset.done $0x0;
	s8 =	rddreg [dreg:$0x9]  }
0x4c: {  	s4 =	sadd.s32 $0xAD08, s4;
	[sflag:s5] =	ssyncadd.s32 s22;
	s3 =	sadd.s32 s7, s8  }
0x4d: {  	[tilespmem:s4], [sflag:$0xB] =	stream.linear.gather [hbm4b:s3+s9], s2, $0x38;
	[tilespmem:$0x1EF88] =	vst v63  }
0x4e: {  	v1 =	vld.msk [tilespmem:s0+$0x0], $0xffff;
	_ =	sdelay $0x4  }
0x4f: {  	v1 =	vshll.u32 v1, $0x4  }
0x50: {  	(v2sf) =	vpush v1, $0x0  }
0x51: {  	(v2sf) =	vpush v1, $0x1  }
0x52: {  	(v2sf) =	vpush v1, $0x2;
	_ =	sdelay $0x3  }
0x53: {  	(v2sf) =	vpush v1, $0x3;
	_ =	sdelay $0x1  }
0x54: {  	(v2sf) =	vpush v1, $0x4  }
0x55: {  	s2 =	simm.s32 $0x1;
	(v2sf) =	vpush v1, $0x5  }
0x56: {  	s2 =	simm.s32 @!p0 $0x0  }
0x57: {  	s2 =	smul.u32 $0x28000, s2;
	(v2sf) =	vpush v1, $0x6;
	_ =	sdelay $0x1  }
0x58: {  	s2 =	sshrl.u32 s2, $0x2  }
0x59: {  	s28 =	sadd.s32 $0xB708, s2  }
0x5a: {  	s12 =	sadd.s32 $0xFFFFF880, s28;
	s17 =	sadd.s32 $0xFFFFF900, s28;
	s10 =	spop (v2sf);
	(v2sf) =	vpush v1, $0x7  }
0x5b: {  	s18 =	sadd.s32 $0xFFFFF980, s28;
	s11 =	sand.u32 $0x1FFFFFF0, s10;
	s14 =	spop (v2sf)  }
0x5c: {  	(v2sf) =	vpush v1, $0x8;
	s2 =	sadd.s32 s6, s11;
	s15 =	sand.u32 $0x1FFFFFF0, s14;
	s16 =	spop (v2sf)  }
0x5d: {  	[tilespmem:s12], [sflag:$0x9] =	stream.linear.gather [hbm4b:s2+s19], $0x40, $0x38;
	[tilespmem:$0x1EF88] =	vst v63  }
0x5e: {  	s5 =	sadd.s32 $0xFFFFFA00, s28;
	s2 =	sadd.s32 s6, s15;
	s3 =	sand.u32 $0x1FFFFFF0, s16  }
0x5f: {  	(v2sf) =	vpush v1, $0x9;
	[tilespmem:s17], [sflag:$0x9] =	stream.linear.gather [hbm4b:s2+s19], $0x40, $0x38;
	[tilespmem:$0x1EF88] =	vst v63  }
0x60: {  	s7 =	sadd.s32 $0xFFFFFA80, s28;
	s22 =	spop (v2sf);
	s3 =	sadd.s32 s6, s3  }
0x61: {  	(v2sf) =	vpush v1, $0xA;
	[tilespmem:s18], [sflag:$0x9] =	stream.linear.gather [hbm4b:s3+s19], $0x40, $0x38;
	[tilespmem:$0x1EF88] =	vst v63  }
0x62: {  	s11 =	sadd.s32 $0xFFFFFB00, s28;
	s4 =	spop (v2sf);
	(v2sf) =	vpush v1, $0xB;
	s3 =	sand.u32 $0x1FFFFFF0, s22  }
0x63: {  	s8 =	spop (v2sf);
	s2 =	sadd.s32 s6, s3;
	s3 =	sand.u32 $0x1FFFFFF0, s4  }
0x64: {  	(v2sf) =	vpush v1, $0xC;
	[tilespmem:s5], [sflag:$0x9] =	stream.linear.gather [hbm4b:s2+s19], $0x40, $0x38;
	[tilespmem:$0x1EF88] =	vst v63  }
0x65: {  	s9 =	sand.u32 $0x1FFFFFF0, s8;
	s10 =	spop (v2sf);
	s3 =	sadd.s32 s6, s3  }
0x66: {  	(v2sf) =	vpush v1, $0xD;
	[tilespmem:s7], [sflag:$0x9] =	stream.linear.gather [hbm4b:s3+s19], $0x40, $0x38;
	[tilespmem:$0x1EF88] =	vst v63  }
0x67: {  	s12 =	sadd.s32 $0xFFFFFB80, s28;
	s2 =	sadd.s32 s6, s9;
	s3 =	sand.u32 $0x1FFFFFF0, s10  }
0x68: {  	[tilespmem:s11], [sflag:$0x9] =	stream.linear.gather [hbm4b:s2+s19], $0x40, $0x38;
	[tilespmem:$0x1EF88] =	vst v63  }
0x69: {  	s17 =	sadd.s32 $0xFFFFFC00, s28;
	s3 =	sadd.s32 s6, s3;
	s14 =	spop (v2sf)  }
0x6a: {  	[tilespmem:s12], [sflag:$0x9] =	stream.linear.gather [hbm4b:s3+s19], $0x40, $0x38;
	(v2sf) =	vpush v1, $0xE;
	[tilespmem:$0x1EF88] =	vst v63  }
0x6b: {  	s18 =	sadd.s32 $0xFFFFFC80, s28;
	s15 =	sand.u32 $0x1FFFFFF0, s14;
	s16 =	spop (v2sf)  }
0x6c: {  	s5 =	sadd.s32 $0xFFFFFD00, s28;
	(v2sf) =	vpush v1, $0xF;
	s2 =	sadd.s32 s6, s15;
	s3 =	sand.u32 $0x1FFFFFF0, s16  }
0x6d: {  	[tilespmem:s17], [sflag:$0x9] =	stream.linear.gather [hbm4b:s2+s19], $0x40, $0x38;
	[tilespmem:$0x1EF88] =	vst v63  }
0x6e: {  	s7 =	sadd.s32 $0xFFFFFD80, s28;
	s22 =	spop (v2sf);
	s3 =	sadd.s32 s6, s3  }
0x6f: {  	[tilespmem:s18], [sflag:$0x9] =	stream.linear.gather [hbm4b:s3+s19], $0x40, $0x38;
	[tilespmem:$0x1EF88] =	vst v63  }
0x70: {  	s11 =	sadd.s32 $0xFFFFFE00, s28;
	s4 =	spop (v2sf);
	s3 =	sand.u32 $0x1FFFFFF0, s22  }
0x71: {  	s8 =	spop (v2sf);
	s2 =	sadd.s32 s6, s3;
	s3 =	sand.u32 $0x1FFFFFF0, s4  }
0x72: {  	[tilespmem:s5], [sflag:$0x9] =	stream.linear.gather [hbm4b:s2+s19], $0x40, $0x38;
	[tilespmem:$0x1EF88] =	vst v63  }
0x73: {  	s9 =	sand.u32 $0x1FFFFFF0, s8;
	s10 =	spop (v2sf);
	s3 =	sadd.s32 s6, s3  }
0x74: {  	[tilespmem:s7], [sflag:$0x9] =	stream.linear.gather [hbm4b:s3+s19], $0x40, $0x38;
	[tilespmem:$0x1EF88] =	vst v63  }
0x75: {  	s14 =	spop (v2sf);
	s2 =	sadd.s32 s6, s9;
	s3 =	sand.u32 $0x1FFFFFF0, s10  }
0x76: {  	[tilespmem:s11], [sflag:$0x9] =	stream.linear.gather [hbm4b:s2+s19], $0x40, $0x38;
	[tilespmem:$0x1EF88] =	vst v63  }
0x77: {  	s12 =	sadd.s32 $0xFFFFFE80, s28;
	s15 =	sand.u32 $0x1FFFFFF0, s14;
	s3 =	sadd.s32 s6, s3  }
0x78: {  	[tilespmem:s12], [sflag:$0x9] =	stream.linear.gather [hbm4b:s3+s19], $0x40, $0x38;
	[tilespmem:$0x1EF88] =	vst v63  }
0x79: {  	s17 =	sadd.s32 $0xFFFFFF00, s28;
	s2 =	sadd.s32 s6, s15;
	s16 =	spop (v2sf)  }
0x7a: {  	[tilespmem:s17], [sflag:$0x9] =	stream.linear.gather [hbm4b:s2+s19], $0x40, $0x38;
	[tilespmem:$0x1EF88] =	vst v63  }
0x7b: {  	s29 =	simm.s32 $0x0;
	s3 =	sand.u32 $0x1FFFFFF0, s16;
	s18 =	spop (v2sf)  }
0x7c: {  	s22 =	sadd.s32 $0xFFFFFF80, s28;
	s3 =	sadd.s32 s6, s3;
	s2 =	sand.u32 $0x1FFFFFF0, s18  }
0x7d: {  	[tilespmem:s22], [sflag:$0x9] =	stream.linear.gather [hbm4b:s3+s19], $0x40, $0x38;
	[tilespmem:$0x1EF88] =	vst v63  }
0x7e: {  	s31 =	sadd.s32 $0x10, s0;
	s30 =	sadd.s32 $0x800, s28;
	s2 =	sadd.s32 s6, s2  }
.LBB2_5:
0x7f: {  	[tilespmem:s28], [sflag:$0x9] =	stream.linear.gather [hbm4b:s2+s19], $0x40, $0x38;
	[tilespmem:$0x1EF88] =	vst v63  }
0x80: {  	s29 =	sadd.s32 $0x10, s29;
	s28 =	smov.u32 s30  }
0x81: {  	p2 =	slt.u32 s29, $0x130;
	v1 =	vld.msk [tilespmem:s31+$0x0], $0xffff;
	_ =	sdelay $0x4  }
0x82: {  	v1 =	vshll.u32 v1, $0x4  }
0x83: {  	(v2sf) =	vpush v1, $0x0  }
0x84: {  	(v2sf) =	vpush v1, $0x1  }
0x85: {  	(v2sf) =	vpush v1, $0x2;
	_ =	sdelay $0x1  }
0x86: {  	(v2sf) =	vpush v1, $0x3;
	_ =	sdelay $0x1  }
0x87: {  	(v2sf) =	vpush v1, $0x4;
	_ =	sdelay $0x1  }
0x88: {  	(v2sf) =	vpush v1, $0x5;
	_ =	sdelay $0x1  }
0x89: {  	(v2sf) =	vpush v1, $0x6  }
0x8a: {  	s4 =	sadd.s32 $0xFFFFFE80, s30;
	s0 =	sadd.s32 $0xFFFFFF00, s30  }
0x8b: {  	s3 =	sadd.s32 $0xFFFFFD00, s30;
	s2 =	sadd.s32 $0xFFFFFD80, s30;
	s5 =	sadd.s32 $0xFFFFFE00, s30;
	(v2sf) =	vpush v1, $0x7  }
0x8c: {  	s10 =	sadd.s32 $0xFFFFFB80, s30;
	s9 =	sadd.s32 $0xFFFFFC00, s30;
	s16 =	sadd.s32 $0xFFFFFC80, s30  }
0x8d: {  	s11 =	sadd.s32 $0xFFFFFA00, s30;
	s12 =	sadd.s32 $0xFFFFFA80, s30;
	s15 =	sadd.s32 $0xFFFFFB00, s30;
	(v2sf) =	vpush v1, $0x8  }
0x8e: {  	s18 =	sadd.s32 $0xFFFFF900, s30;
	s7 =	sadd.s32 $0xFFFFF980, s30;
	s22 =	spop (v2sf)  }
0x8f: {  	s8 =	sadd.s32 $0xFFFFF880, s30;
	s22 =	sand.u32 $0x1FFFFFF0, s22;
	s14 =	spop (v2sf);
	(v2sf) =	vpush v1, $0x9  }
0x90: {  	s22 =	sadd.s32 s6, s22;
	s14 =	sand.u32 $0x1FFFFFF0, s14;
	s17 =	spop (v2sf)  }
0x91: {  	[tilespmem:s8], [sflag:$0x9] =	stream.linear.gather [hbm4b:s22+s19], $0x40, $0x38;
	(v2sf) =	vpush v1, $0xA;
	[tilespmem:$0x1EF88] =	vst v63  }
0x92: {  	s8 =	sadd.s32 s6, s14;
	s14 =	sand.u32 $0x1FFFFFF0, s17;
	s17 =	spop (v2sf)  }
0x93: {  	[tilespmem:s18], [sflag:$0x9] =	stream.linear.gather [hbm4b:s8+s19], $0x40, $0x38;
	(v2sf) =	vpush v1, $0xB;
	[tilespmem:$0x1EF88] =	vst v63  }
0x94: {  	s8 =	sadd.s32 s6, s14;
	s14 =	sand.u32 $0x1FFFFFF0, s17;
	s17 =	spop (v2sf)  }
0x95: {  	[tilespmem:s7], [sflag:$0x9] =	stream.linear.gather [hbm4b:s8+s19], $0x40, $0x38;
	(v2sf) =	vpush v1, $0xC;
	[tilespmem:$0x1EF88] =	vst v63  }
0x96: {  	s7 =	sadd.s32 s6, s14;
	s8 =	sand.u32 $0x1FFFFFF0, s17;
	s14 =	spop (v2sf)  }
0x97: {  	[tilespmem:s11], [sflag:$0x9] =	stream.linear.gather [hbm4b:s7+s19], $0x40, $0x38;
	(v2sf) =	vpush v1, $0xD;
	[tilespmem:$0x1EF88] =	vst v63  }
0x98: {  	s7 =	sadd.s32 s6, s8;
	s8 =	sand.u32 $0x1FFFFFF0, s14;
	s11 =	spop (v2sf)  }
0x99: {  	[tilespmem:s12], [sflag:$0x9] =	stream.linear.gather [hbm4b:s7+s19], $0x40, $0x38;
	(v2sf) =	vpush v1, $0xE;
	[tilespmem:$0x1EF88] =	vst v63  }
0x9a: {  	s7 =	sadd.s32 s6, s8;
	s8 =	sand.u32 $0x1FFFFFF0, s11;
	s11 =	spop (v2sf)  }
0x9b: {  	[tilespmem:s15], [sflag:$0x9] =	stream.linear.gather [hbm4b:s7+s19], $0x40, $0x38;
	(v2sf) =	vpush v1, $0xF;
	[tilespmem:$0x1EF88] =	vst v63  }
0x9c: {  	s7 =	sadd.s32 s6, s8;
	s8 =	sand.u32 $0x1FFFFFF0, s11;
	s11 =	spop (v2sf)  }
0x9d: {  	[tilespmem:s10], [sflag:$0x9] =	stream.linear.gather [hbm4b:s7+s19], $0x40, $0x38;
	[tilespmem:$0x1EF88] =	vst v63  }
0x9e: {  	s7 =	sadd.s32 s6, s8;
	s8 =	sand.u32 $0x1FFFFFF0, s11;
	s10 =	spop (v2sf)  }
0x9f: {  	[tilespmem:s9], [sflag:$0x9] =	stream.linear.gather [hbm4b:s7+s19], $0x40, $0x38;
	[tilespmem:$0x1EF88] =	vst v63  }
0xa0: {  	s7 =	sadd.s32 s6, s8;
	s8 =	sand.u32 $0x1FFFFFF0, s10;
	s9 =	spop (v2sf)  }
0xa1: {  	[tilespmem:s16], [sflag:$0x9] =	stream.linear.gather [hbm4b:s7+s19], $0x40, $0x38;
	[tilespmem:$0x1EF88] =	vst v63  }
0xa2: {  	s7 =	sadd.s32 s6, s8;
	s8 =	sand.u32 $0x1FFFFFF0, s9;
	s9 =	spop (v2sf)  }
0xa3: {  	[tilespmem:s3], [sflag:$0x9] =	stream.linear.gather [hbm4b:s7+s19], $0x40, $0x38;
	[tilespmem:$0x1EF88] =	vst v63  }
0xa4: {  	s3 =	sadd.s32 s6, s8;
	s7 =	sand.u32 $0x1FFFFFF0, s9;
	s8 =	spop (v2sf)  }
0xa5: {  	[tilespmem:s2], [sflag:$0x9] =	stream.linear.gather [hbm4b:s3+s19], $0x40, $0x38;
	[tilespmem:$0x1EF88] =	vst v63  }
0xa6: {  	s2 =	sadd.s32 s6, s7;
	s3 =	sand.u32 $0x1FFFFFF0, s8;
	s7 =	spop (v2sf)  }
0xa7: {  	[tilespmem:s5], [sflag:$0x9] =	stream.linear.gather [hbm4b:s2+s19], $0x40, $0x38;
	[tilespmem:$0x1EF88] =	vst v63  }
0xa8: {  	s2 =	sadd.s32 s6, s3;
	s3 =	sand.u32 $0x1FFFFFF0, s7;
	s5 =	spop (v2sf)  }
0xa9: {  	[tilespmem:s4], [sflag:$0x9] =	stream.linear.gather [hbm4b:s2+s19], $0x40, $0x38;
	[tilespmem:$0x1EF88] =	vst v63  }
0xaa: {  	s2 =	sadd.s32 s6, s3  }
.Ltmp4:
0xab: {  	s3 =	sand.u32 $0x1FFFFFF0, s5;
	s4 =	spop (v2sf);
	(pc) =	sbr.rel @p2 .LBB2_5-.Ltmp4, $4  }
0xac: {  	[tilespmem:s0], [sflag:$0x9] =	stream.linear.gather [hbm4b:s2+s19], $0x40, $0x38;
	[tilespmem:$0x1EF88] =	vst v63  }
0xad: {  	s0 =	sadd.s32 s6, s3;
	s2 =	sadd.s32 $0xFFFFFF80, s30;
	s3 =	sand.u32 $0x1FFFFFF0, s4  }
0xae: {  	[tilespmem:s2], [sflag:$0x9] =	stream.linear.gather [hbm4b:s0+s19], $0x40, $0x38;
	[tilespmem:$0x1EF88] =	vst v63  }
0xaf: {  	s31 =	sadd.s32 $0x10, s31;
	s30 =	sadd.s32 $0x800, s30;
	s2 =	sadd.s32 s6, s3  }
0xb0: {  	[tilespmem:s28], [sflag:$0x9] =	stream.linear.gather [hbm4b:s2+s19], $0x40, $0x38;
	[tilespmem:$0x1EF88] =	vst v63  }
0xb1: {  	s12 =	rddreg [dreg:$0x5]  }
0xb2: {  	s14 =	rddreg [dreg:$0x6]  }
0xb3: {  	s15 =	rddreg [dreg:$0x7]  }
0xb4: {  	s17 =	rddreg [dreg:$0x8]  }
0xb5: {  	s18 =	rddreg [dreg:$0xa]  }
0xb6: {  	s22 =	rddreg [dreg:$0xb]  }
.LBB2_7:
0xb7: {  	p2 =	slt.u32 s25, $0x2  }
.Ltmp5:
0xb8: {  	_ = 	snop;
	(pc) =	sbr.rel @p2 .LBB2_25-.Ltmp5, $1  }
0xb9: {  	_ =	sdelay $0x3  }
0xba: {  	p2 =	sgt.s32 s26, $0x13740;
	s0 =	smov.u32 s26;
	s2 =	sshra.s32 s26, $0x1F  }
0xbb: {  	s0 =	simm.s32 @!p2 $0x13740;
	s2 =	sand.u32 s2, s26  }
0xbc: {  	s0 =	ssub.s32 s0, s2  }
0xbd: {  	s0 =	sadd.s32 $0xFFFEC8C0, s0  }
0xbe: {  	s3 =	simm.s32 $0x9;
	s29 =	sshll.u32 s0, $0x2  }
0xbf: {  	_ =	swait.ge [sflag:s3], $0x5000;
	s2 =	ssub.s32 $0x500, s29  }
0xc0: {  	[sflag:s3] =	ssyncset.done $0x0;
	p2 =	sgt.s32 s0, $0x13F;
	s0 =	sshrl.u32 s2, $0x2  }
0xc1: {  	s30 =	simm.s32 $0xB;
	[sflag:s3] =	ssyncadd.s32 $0xFFFFB000;
	s0 =	simm.s32 @p2 $0x0  }
0xc2: {  	_ =	swait.ge [sflag:s30], s0  }
0xc3: {  	s0 =	ssub.s32 $0x0, s0;
	[sflag:s30] =	ssyncset.done $0x0  }
0xc4: {  	[sflag:s30] =	ssyncadd.s32 s0  }
0xc5: {  	v1 =	vld [tilespmem:$0xA108];
	_ =	sdelay $0x4  }
0xc6: {  	(v2sf) =	vpush v1, $0x0  }
0xc7: {  	(v2sf) =	vpush v1, $0x1  }
0xc8: {  	(v2sf) =	vpush v1, $0x2;
	_ =	sdelay $0x3  }
0xc9: {  	s0 =	sadd.s32 $0x140, s26  }
0xca: {  	s4 =	ssub.s32 $0x27100, s26;
	p2 =	slt.s32 s14, s0  }
0xcb: {  	s0 =	smov.u32 @p2 s14;
	p2 =	sgt.s32 s4, $0x0  }
0xcc: {  	s0 =	ssub.s32 s0, s26;
	s4 =	simm.s32 @!p2 $0x0  }
0xcd: {  	p2 =	slt.s32 s4, s0  }
0xce: {  	s0 =	smov.u32 @p2 s4  }
0xcf: {  	s2 =	simm.s32 $0x1;
	p2 =	slt.s32 s0, $0x1  }
.Ltmp6:
0xd0: {  	s2 =	simm.s32 @!p1 $0x0;
	(pc) =	sbr.rel @p2 .LBB2_12-.Ltmp6, $4  }
0xd1: {  	s7 =	smul.u32 $0x500, s2  }
0xd2: {  	s3 =	spop (v2sf)  }
0xd3: {  	s31 =	sshrl.u32 s7, $0x2;
	s5 =	spop (v2sf)  }
0xd4: {  	s28 =	sadd.s32 $0xAD08, s31;
	s26 =	spop (v2sf)  }
0xd5: {  	s4 =	smin.u32 s0, $0x10  }
0xd6: {  	v1 =	vmov s4  }
0xd7: {  	p3 =	sgt.s32 s0, $0x10;
	vm1 =	vgt.u32 v1, v0  }
.Ltmp7:
0xd8: {  	_ = 	snop;
	(pc) =	sbr.rel @!p3 .LBB2_11-.Ltmp7, $2  }
0xd9: {  	_ =	sdelay $0x2  }
0xda: {  	s9 =	simm.s32 $0x10;
	s10 =	sadd.s32 $0xFFFFFFF0, s0;
	s4 =	smov.u32 s28;
	vm0 =	vmmov vm1  }
.LBB2_10:
0xdb: {  	s7 =	smin.u32 s10, $0x10;
	s9 =	sadd.s32 $0x10, s9;
	v1 =	vld.msk [tilespmem:s4+$0x0 ss:$0x1], vm1  }
0xdc: {  	v2 =	vmov s7;
	p3 =	slt.s32 s9, s0  }
0xdd: {  	vm1 =	vgt.u32 v2, v0  }
.Ltmp8:
0xde: {  	(pc) =	sbr.rel @p3 .LBB2_10-.Ltmp8, $3  }
0xdf: {  	_ =	sdelay $0x1  }
0xe0: {  	v1 =	vshll.u32 v1, $0x4  }
0xe1: {  	s10 =	sadd.s32 $0xFFFFFFF0, s10;
	[tilespmem:s4+$0x0] =	vst.msk vm0, v1;
	s4 =	sadd.s32 $0x10, s4;
	vm0 =	vmmov vm1  }
.LBB2_11:
0xe2: {  	_ =	sdelay $0x4  }
0xe3: {  	v1 =	vld.msk [tilespmem:s4+$0x0 ss:$0x1], vm1;
	_ =	sdelay $0x4  }
0xe4: {  	v1 =	vshll.u32 v1, $0x4  }
0xe5: {  	[tilespmem:s4+$0x0] =	vst.msk vm0, v1  }
.LBB2_12:
0xe6: {  	s4 =	sand.u32 $0x1, s25  }
0xe7: {  	s4 =	smul.u32 $0x140, s4  }
0xe8: {  	p3 =	sne.s32 s5, $0xFFFFFFFF  }
0xe9: {  	v1 =	vld.msk @!p3 [tilespmem:s4+$0xAD08], $0x1;
	_ =	sdelay $0x4  }
0xea: {  	(v2sf) =	vpush @!p3 v1, $0x0;
	_ =	sdelay $0xc  }
.Ltmp9:
0xeb: {  	_ = 	snop;
	(pc) =	sbr.rel @p2 .LBB2_23-.Ltmp9, $4  }
0xec: {  	_ = 	snop  }
0xed: {  	s29 =	spop @!p3 (v2sf)  }
0xee: {  	s31 =	simm.s32 $0xC;
	s26 =	simm.s32 @!p3 $0x0;
	s4 =	smov.u32 s29  }
0xef: {  	[sflag:s31] =	ssyncpa.u1 $0x0;
	s29 =	smov.u32 @p3 s3;
	s4 =	smov.u32 @p3 s5  }
0xf0: {  	v1 =	vld.msk [tilespmem:s28+$0x0], $0x1;
	_ =	sdelay $0x4  }
0xf1: {  	(v2sf) =	vpush v1, $0x0;
	_ =	sdelay $0xe  }
0xf2: {  	s2 =	smul.u32 $0x28000, s2;
	s5 =	spop (v2sf)  }
0xf3: {  	s31 =	ssub.s32 $0x0, s0;
	p2 =	seq.s32 s29, s5  }
0xf4: {  	s3 =	smov.u32 s29;
	s2 =	sshrl.u32 s2, $0x2;
	p3 =	sgt.s32 @!p2 s29, $0x0  }
0xf5: {  	s30 =	sadd.s32 $0xAFA8, s2;
	s2 =	sadd.s32 $0x1, s31;
	p3 =	por !p3, p2  }
0xf6: {  	s3 =	simm.s32 @p3 $0x0;
	p3 =	seq.s32 s2, $0x0  }
.Ltmp10:
0xf7: {  	_ = 	snop;
	(pc) =	sbr.rel @p3 .LBB2_15-.Ltmp10, $4  }
0xf8: {  	_ = 	snop  }
0xf9: {  	s0 =	simm.s32 $0x0;
	s9 =	simm.s32 @!p2 $0x1;
	s3 =	smin.u32 @!p2 s3, $0x270F8  }
0xfa: {  	s10 =	simm.s32 @!p2 $0x50C8;
	s9 =	smov.u32 @p2 s0;
	s7 =	sand.u32 @!p2 $0x3FFF8, s3  }
0xfb: {  	s16 =	sand.u32 @!p2 $0x7, s3;
	s3 =	sadd.s32 $0x1, s28;
	s11 =	sadd.s32 @!p2 s1, s7  }
.LBB2_14:
0xfc: {  	s7 =	smov.u32 s9  }
0xfd: {  	[tilespmem:s10], [sflag:$0x2] =	stream.linear.gather @!p2 [hbm4b:s11+s16], $0x40, $0x38;
	[tilespmem:$0x1EF88] =	vst v63  }
0xfe: {  	s2 =	sadd.s32 $0x1, s2;
	s8 =	smov.u32 s5;
	v1 =	vld.msk [tilespmem:s3+$0x0], $0x1  }
0xff: {  	p3 =	seq.s32 s2, $0x0;
	_ =	sdelay $0x3  }
0x100: {  	(v2sf) =	vpush v1, $0x0;
	_ =	sdelay $0xe  }
0x101: {  	s5 =	spop (v2sf)  }
0x102: {  	p2 =	seq.s32 s8, s5  }
0x103: {  	p4 =	sgt.s32 @!p2 s8, $0x0;
	s10 =	sshll.u32 @!p2 s9, $0x8;
	s9 =	sadd.s32 @!p2 $0x1, s9  }
.Ltmp11:
0x104: {  	p4 =	por !p4, p2;
	s10 =	sshra.s32 @!p2 s10, $0x2;
	(pc) =	sbr.rel @!p3 .LBB2_14-.Ltmp11, $4  }
0x105: {  	s9 =	smov.u32 @p2 s7;
	s8 =	simm.s32 @p4 $0x0;
	s10 =	sadd.s32 @!p2 $0x50C8, s10  }
0x106: {  	s7 =	smin.u32 @!p2 s8, $0x270F8  }
0x107: {  	s8 =	sand.u32 @!p2 $0x3FFF8, s7;
	s16 =	sand.u32 @!p2 $0x7, s7  }
0x108: {  	s3 =	sadd.s32 $0x1, s3;
	s11 =	sadd.s32 @!p2 s1, s8  }
.LBB2_15:
0x109: {  	[tilespmem:s10], [sflag:$0x2] =	stream.linear.gather @!p2 [hbm4b:s11+s16], $0x40, $0x38;
	[tilespmem:$0x1EF88] =	vst v63  }
.Ltmp12:
0x10a: {  	s2 =	sshll.u32 s9, $0x6;
	(pc) =	sbr.rel .LBB2_16-.Ltmp12, $4  }
0x10b: {  	s3 =	simm.s32 $0x2;
	s2 =	sand.u32 $0x3FFFFFC0, s2  }
0x10c: {  	_ =	swait.ge [sflag:s3], s2  }
0x10d: {  	s2 =	ssub.s32 $0x0, s2;
	[sflag:s3] =	ssyncset.done $0x0  }
0x10e: {  	[sflag:s3] =	ssyncadd.s32 s2;
	s3 =	simm.s32 $0x0  }
.LBB2_17:
0x10f: {  	v1 =	vld [tilespmem:s30+$0xFFFFFFE0];
	_ =	sdelay $0x4  }
0x110: {  	[tilespmem:s5+$0x88] =	vst.add.f32.msk $0xffff, v1  }
0x111: {  	v1 =	vld [tilespmem:s30+$0xFFFFFFF0];
	_ =	sdelay $0x4  }
0x112: {  	[tilespmem:s5+$0x98] =	vst.add.f32.msk $0xffff, v1  }
0x113: {  	v1 =	vld [tilespmem:s30+$0x0];
	_ =	sdelay $0x4  }
0x114: {  	[tilespmem:s5+$0xA8] =	vst.add.f32.msk $0xffff, v1  }
0x115: {  	v1 =	vld [tilespmem:s30+$0x10];
	_ =	sdelay $0x4  }
0x116: {  	[tilespmem:s5+$0xB8] =	vst.add.f32.msk $0xffff, v1  }
.LBB2_21:
0x117: {  	s31 =	sadd.s32 $0x1, s31  }
0x118: {  	p2 =	seq.s32 s31, $0x0  }
.Ltmp13:
0x119: {  	_ = 	snop;
	(pc) =	sbr.rel @p2 .LBB2_22-.Ltmp13, $2  }
0x11a: {  	_ =	sdelay $0x2  }
0x11b: {  	s30 =	sadd.s32 $0x80, s30;
	s28 =	sadd.s32 $0x1, s28;
	s29 =	smov.u32 s2  }
.LBB2_16:
0x11c: {  	v1 =	vld.msk [tilespmem:s28+$0x0], $0x1;
	_ =	sdelay $0x4  }
0x11d: {  	(v2sf) =	vpush v1, $0x0;
	_ =	sdelay $0xe  }
0x11e: {  	s2 =	spop (v2sf)  }
0x11f: {  	p2 =	sne.s32 s29, s2  }
.Ltmp14:
0x120: {  	_ = 	snop;
	(pc) =	sbr.rel @!p2 .LBB2_17-.Ltmp14, $3  }
0x121: {  	_ =	sdelay $0x1  }
0x122: {  	s5 =	sshll.u32 s26, $0x8  }
0x123: {  	s5 =	sshra.s32 s5, $0x2  }
0x124: {  	p2 =	seq.s32 s29, s4  }
.Ltmp15:
0x125: {  	_ = 	snop;
	(pc) =	sbr.rel @!p2 .LBB2_19-.Ltmp15, $1  }
0x126: {  	_ =	sdelay $0x3  }
.Ltmp16:
0x127: {  	s5 =	sadd.s32 $0x88, s5;
	(pc) =	sbr.rel .LBB2_20-.Ltmp16, $4  }
0x128: {  	[spmem:s18] =	stream.linear.scatter [tilespmem:s5], [sflag:$0x1], $0x40, $0x38;
	[tilespmem:$0x1EF88] =	vst v63  }
0x129: {  	_ =	swait.ge [sflag:s13], $0x40  }
0x12a: {  	[sflag:s13] =	ssyncset.done $0x0  }
0x12b: {  	[sflag:s13] =	ssyncadd.s32 $0xFFFFFFC0  }
.LBB2_19:
0x12c: {  	s7 =	sshll.u32 s0, $0x8  }
0x12d: {  	s7 =	sshra.s32 s7, $0x2  }
0x12e: {  	v1 =	vld [tilespmem:s7+$0x50C8];
	_ =	sdelay $0x4  }
0x12f: {  	[tilespmem:s5+$0x88] =	vst.add.f32.msk $0xffff, v1  }
0x130: {  	v1 =	vld [tilespmem:s7+$0x50D8];
	_ =	sdelay $0x4  }
0x131: {  	[tilespmem:s5+$0x98] =	vst.add.f32.msk $0xffff, v1  }
0x132: {  	v1 =	vld [tilespmem:s7+$0x50E8];
	_ =	sdelay $0x4  }
0x133: {  	[tilespmem:s5+$0xA8] =	vst.add.f32.msk $0xffff, v1  }
0x134: {  	v1 =	vld [tilespmem:s7+$0x50F8];
	_ =	sdelay $0x2  }
0x135: {  	p2 =	sgt.u32 s29, $0x270F8  }
0x136: {  	s7 =	sand.u32 @!p2 $0x3FFF8, s29  }
0x137: {  	s8 =	sadd.s32 $0x88, s5;
	[tilespmem:s5+$0xB8] =	vst.add.f32.msk $0xffff, v1;
	s5 =	sadd.s32 @!p2 s1, s7;
	s7 =	sand.u32 @!p2 $0x7, s29  }
0x138: {  	[hbm4b:s5+s7] =	stream.linear.scatter @!p2 [tilespmem:s8], [sflag:$0xC], $0x40, $0x38;
	[tilespmem:$0x1EF88] =	vst v63  }
0x139: {  	s5 =	simm.s32 $0x0  }
0x13a: {  	s5 =	simm.s32 @!p2 $0x100  }
0x13b: {  	s3 =	sadd.s32 s5, s3  }
.LBB2_20:
0x13c: {  	s5 =	sadd.s32 $0x1, s26  }
0x13d: {  	s7 =	smulhi.u32 $0xCCCCCCCD, s5;
	_ =	sdelay $0x1  }
0x13e: {  	v1 =	vld [tilespmem:s30+$0xFFFFFFE0];
	s7 =	sshrl.u32 s7, $0x8  }
0x13f: {  	s7 =	smul.u32 $0x140, s7;
	_ =	sdelay $0x1  }
0x140: {  	s26 =	ssub.s32 s5, s7  }
0x141: {  	s5 =	sshll.u32 s26, $0x6  }
0x142: {  	[tilespmem:s5+$0x88] =	vst v1  }
0x143: {  	v1 =	vld [tilespmem:s30+$0xFFFFFFF0];
	_ =	sdelay $0x4  }
0x144: {  	[tilespmem:s5+$0x98] =	vst v1  }
0x145: {  	v1 =	vld [tilespmem:s30+$0x0];
	_ =	sdelay $0x4  }
0x146: {  	[tilespmem:s5+$0xA8] =	vst v1  }
0x147: {  	v1 =	vld [tilespmem:s30+$0x10]  }
.Ltmp17:
0x148: {  	_ = 	snop;
	(pc) =	sbr.rel .LBB2_21-.Ltmp17, $2  }
0x149: {  	_ =	sdelay $0x2  }
0x14a: {  	s0 =	sadd.s32 $0x1, s0;
	[tilespmem:s5+$0xB8] =	vst v1  }
.LBB2_23:
.Ltmp18:
0x14b: {  	(pc) =	sbr.rel .LBB2_24-.Ltmp18, $4  }
0x14c: {  	_ = 	snop  }
0x14d: {  	s0 =	simm.s32 $0x2  }
0x14e: {  	_ =	swait.ge [sflag:s0], $0x0  }
0x14f: {  	s2 =	smov.u32 s29;
	[sflag:s0] =	ssyncset.done $0x0;
	s0 =	simm.s32 $0x0  }
.LBB2_26:
0x150: {  	_ =	sfence.sel $0x180000  }
0x151: {  	s0 =	simm.s32 $0x9;
	[bflag:$0x0] =	sbarrier.arrive $0xFFFF  }
0x152: {  	s24 =	simm.s32 $0xA;
	[sflag:s0] =	ssyncpa.u1 $0x1  }
0x153: {  	s25 =	simm.s32 $0xB;
	[sflag:s24] =	ssyncpa.u1 $0x1  }
0x154: {  	s26 =	simm.s32 $0x2;
	[sflag:s25] =	ssyncpa.u1 $0x1  }
0x155: {  	[sflag:s26] =	ssyncpa.u1 $0x1  }
0x156: {  	v0 =	vld [tilespmem:$0xA108];
	_ =	sdelay $0x4  }
0x157: {  	(v2sf) =	vpush v0, $0x0  }
0x158: {  	(v2sf) =	vpush v0, $0x1;
	_ =	sdelay $0x1  }
0x159: {  	(v2sf) =	vpush v0, $0x2;
	_ =	sdelay $0xb  }
0x15a: {  	s0 =	spop (v2sf)  }
0x15b: {  	s2 =	spop (v2sf)  }
0x15c: {  	s3 =	smov.u32 s0;
	p0 =	sne.s32 s0, s2  }
0x15d: {  	s4 =	spop (v2sf);
	s3 =	simm.s32 @!p0 $0xFFFFFFFF  }
0x15e: {  	v2 =	vimm.s32 $0x1;
	v3 =	vlaneseq.u32;
	p0 =	seq.s32 s4, $0xFFFFFFFF;
	v1 =	vmov s3  }
0x15f: {  	s14 =	stileid.u32;
	v0 =	vperm.xlane v0, v2;
	p1 =	sne.s32 @!p0 s0, s2;
	v1 =	vperm.xlane v1, v3  }
0x160: {  	vm0 =	vcmask $0x3F04;
	s6 =	simm.s32 $0xA108;
	s0 =	simm.s32 @!p0 $0x1;
	p1 =	por !p1, p0  }
0x161: {  	s3 =	sshll.u32 s14, $0x1;
	s2 =	sshll.u32 @!p0 s4, $0x8;
	s0 =	simm.s32 @p1 $0x0;
	v0 =	vsel vm0, v1, v0  }
0x162: {  	s5 =	sor.u32 $0x800, s3;
	s2 =	sshra.s32 @!p0 s2, $0x2;
	s0 =	sor.u32 @!p0 s0, s3;
	[tilespmem:$0xA108] =	vst v0  }
0x163: {  	[spmem:s5] =	stream.linear.scatter [tilespmem:s6], [sflag:$0x1], $0x2, $0x38;
	[tilespmem:$0x1EF88] =	vst v63  }
0x164: {  	s2 =	sadd.s32 @!p0 $0x88, s2;
	s0 =	sshll.u32 @!p0 s0, $0x6  }
0x165: {  	[spmem:s0] =	stream.linear.scatter @!p0 [tilespmem:s2], [sflag:$0x1], $0x40, $0x38;
	[tilespmem:$0x1EF88] =	vst v63  }
0x166: {  	s0 =	simm.s32 @!p0 $0x42  }
0x167: {  	s28 =	simm.s32 $0x1;
	s0 =	simm.s32 @p0 $0x2  }
0x168: {  	_ =	swait.ge [sflag:s28], s0  }
0x169: {  	s0 =	ssub.s32 $0x0, s0;
	[sflag:s28] =	ssyncset.done $0x0  }
0x16a: {  	p0 =	sne.s32 s14, $0x0;
	[sflag:s28] =	ssyncadd.s32 s0  }
.Ltmp19:
0x16b: {  	_ =	sfence.stream.spmem;
	(pc) =	sbr.rel @p0 .LBB2_43-.Ltmp19, $4  }
0x16c: {  	s29 =	simm.s32 $0x3;
	[bflag:$0x0] =	sbarrier.arrive $0xFFFF  }
0x16d: {  	s30 =	simm.s32 $0x4;
	[sflag:s29] =	ssyncpa.u1 $0x1  }
0x16e: {  	s31 =	simm.s32 $0x3C;
	[sflag:s30] =	ssyncpa.u1 $0x1  }
0x16f: {  	s13 =	rddreg [dreg:$0x4];
	[sflag:s31] =	ssyncpa.u1 $0x1  }
0x170: {  	_ =	sfence.stream.spmem;
	s0 =	simm.s32 $0x5  }
0x171: {  	s2 =	simm.s32 $0x800;
	s3 =	simm.s32 $0xA118;
	[sflag:s0] =	ssyncpa.u1 $0x0  }
0x172: {  	[tilespmem:s3], [sflag:$0x5] =	stream.linear.gather [spmem:s2], $0x20, $0x38;
	[tilespmem:$0x1EF88] =	vst v63  }
0x173: {  	s26 =	simm.s32 $0x0;
	s28 =	simm.s32 $0xA138  }
0x174: {  	[tilespmem:s28], [sflag:$0x5] =	stream.linear.gather [spmem:s26], $0x800, $0x38;
	[tilespmem:$0x1EF88] =	vst v63  }
0x175: {  	_ =	swait.ge [sflag:s0], $0x820  }
0x176: {  	[sflag:s0] =	ssyncset.done $0x0  }
0x177: {  	s29 =	simm.s32 $0x0;
	[sflag:s0] =	ssyncadd.s32 $0xFFFFF7E0  }
0x178: {  	v0 =	vld.msk [tilespmem:s29+$0xA118], $0x1;
	_ =	sdelay $0x1  }
0x179: {  	s30 =	simm.s32 $0x1  }
0x17a: {  	v1 =	vld.msk [tilespmem:s30+$0xA118], $0x1;
	_ =	sdelay $0x1  }
0x17b: {  	(v2sf) =	vpush v0, $0x0;
	_ =	sdelay $0x2  }
0x17c: {  	(v2sf) =	vpush v1, $0x0;
	_ =	sdelay $0x2  }
0x17d: {  	s31 =	simm.s32 $0x2  }
0x17e: {  	v0 =	vld.msk [tilespmem:s31+$0xA118], $0x1;
	_ =	sdelay $0x2  }
0x17f: {  	s2 =	simm.s32 $0xFFFFFFFF;
	s3 =	simm.s32 $0xFFFFFFFF;
	s0 =	simm.s32 $0xC  }
.LBB2_28:
0x180: {  	s4 =	smov.u32 s3;
	s5 =	smov.u32 s2  }
0x181: {  	s2 =	sshra.s32 s0, $0x2;
	p1 =	sne.s32 s0, $0x7C;
	s0 =	sadd.s32 $0x4, s0;
	(v2sf) =	vpush v0, $0x0  }
0x182: {  	v0 =	vld.msk [tilespmem:s2+$0xA118], $0x1  }
.Ltmp20:
0x183: {  	(pc) =	sbr.rel @p1 .LBB2_28-.Ltmp20, $4  }
0x184: {  	s3 =	spop (v2sf)  }
0x185: {  	p2 =	sne.s32 s5, $0xFFFFFFFF;
	s2 =	smov.u32 s3  }
0x186: {  	p3 =	seq.s32 s3, $0xFFFFFFFF;
	s2 =	smov.u32 @p2 s5  }
0x187: {  	s3 =	smov.u32 @p3 s4;
	s2 =	smov.u32 @p3 s5  }
0x188: {  	(v2sf) =	vpush v0, $0x0;
	_ =	sdelay $0x8  }
0x189: {  	s0 =	spop (v2sf)  }
0x18a: {  	p1 =	sne.s32 s2, $0xFFFFFFFF;
	s4 =	smov.u32 s0  }
0x18b: {  	s6 =	simm.s32 $0x0;
	p2 =	seq.s32 s0, $0xFFFFFFFF;
	s4 =	smov.u32 @p1 s2  }
0x18c: {  	s9 =	simm.s32 $0xA0C8;
	s4 =	smov.u32 @p2 s2;
	s2 =	spop (v2sf)  }
0x18d: {  	s0 =	smov.u32 @p2 s3;
	p1 =	sne.s32 s4, $0xFFFFFFFF;
	s5 =	smov.u32 s2  }
.Ltmp21:
0x18e: {  	p2 =	seq.s32 s2, $0xFFFFFFFF;
	s5 =	smov.u32 @p1 s4;
	(pc) =	sbr.rel .LBB2_30-.Ltmp21, $4  }
0x18f: {  	s10 =	simm.s32 $0x0;
	s5 =	smov.u32 @p2 s4;
	s7 =	spop (v2sf)  }
0x190: {  	s2 =	smov.u32 @p2 s0;
	p1 =	sne.s32 s5, $0xFFFFFFFF;
	s8 =	smov.u32 s7  }
0x191: {  	s0 =	simm.s32 $0x6;
	p2 =	seq.s32 s7, $0xFFFFFFFF;
	s8 =	smov.u32 @p1 s5  }
0x192: {  	[sflag:s0] =	ssyncpa.u1 $0x0;
	s7 =	smov.u32 @p2 s2;
	s8 =	smov.u32 @p2 s5  }
.LBB2_36:
0x193: {  	p1 =	sgt.u32 s2, $0x270F8  }
0x194: {  	p2 =	seq.s32 @!p1 s2, s8  }
0x195: {  	p1 =	por p1, p2  }
0x196: {  	p2 =	sne.s32 @!p1 s2, s7  }
0x197: {  	p1 =	por p1, !p2  }
0x198: {  	s2 =	sshll.u32 @p1 s10, $0x8  }
0x199: {  	s3 =	sand.u32 @!p1 $0x3FFF8, s2  }
0x19a: {  	s2 =	sand.u32 @!p1 $0x7, s2;
	s3 =	sadd.s32 @!p1 s1, s3  }
0x19b: {  	[tilespmem:s9], [sflag:$0x6] =	stream.linear.gather @!p1 [hbm4b:s3+s2], $0x40, $0x38;
	[tilespmem:$0x1EF88] =	vst v63  }
0x19c: {  	_ =	swait.ge @!p1 [sflag:s0], $0x40  }
0x19d: {  	[sflag:s0] =	ssyncset.done @!p1 $0x0  }
0x19e: {  	[sflag:s0] =	ssyncadd.s32 @!p1 $0xFFFFFFC0  }
0x19f: {  	v1 =	vld @!p1 [tilespmem:$0xA0C8];
	_ =	sdelay $0x2  }
0x1a0: {  	s2 =	sshll.u32 @!p1 s10, $0x8  }
0x1a1: {  	s3 =	sshrl.u32 @!p1 s2, $0x2  }
0x1a2: {  	[tilespmem:s3+$0xA138] =	vst.add.f32.msk @!p1 $0xffff, v1  }
0x1a3: {  	v1 =	vld @!p1 [tilespmem:$0xA0D8];
	_ =	sdelay $0x4  }
0x1a4: {  	[tilespmem:s3+$0xA148] =	vst.add.f32.msk @!p1 $0xffff, v1  }
0x1a5: {  	v1 =	vld @!p1 [tilespmem:$0xA0E8];
	_ =	sdelay $0x4  }
0x1a6: {  	[tilespmem:s3+$0xA158] =	vst.add.f32.msk @!p1 $0xffff, v1  }
0x1a7: {  	v1 =	vld @!p1 [tilespmem:$0xA0F8];
	_ =	sdelay $0x4  }
0x1a8: {  	[tilespmem:s3+$0xA168] =	vst.add.f32.msk @!p1 $0xffff, v1  }
0x1a9: {  	s2 =	sshrl.u32 s2, $0x2;
	[tilespmem:s6+$0xA118] =	vst.msk $0x1, v0  }
0x1aa: {  	v0 =	vld [tilespmem:s2+$0xA138];
	_ =	sdelay $0x2  }
0x1ab: {  	s31 =	sshll.u32 s6, $0x8  }
0x1ac: {  	s3 =	sshra.s32 s31, $0x2  }
0x1ad: {  	[tilespmem:s3+$0xA138] =	vst v0  }
0x1ae: {  	v0 =	vld [tilespmem:s2+$0xA148];
	_ =	sdelay $0x4  }
0x1af: {  	[tilespmem:s3+$0xA148] =	vst v0  }
0x1b0: {  	v0 =	vld [tilespmem:s2+$0xA158];
	_ =	sdelay $0x4  }
0x1b1: {  	[tilespmem:s3+$0xA158] =	vst v0  }
0x1b2: {  	v0 =	vld [tilespmem:s2+$0xA168];
	_ =	sdelay $0x4  }
0x1b3: {  	s6 =	sadd.s32 $0x1, s6;
	[tilespmem:s3+$0xA168] =	vst v0  }
.LBB2_37:
0x1b4: {  	s10 =	sadd.s32 $0x1, s10  }
0x1b5: {  	p1 =	sne.s32 s10, $0x20  }
.Ltmp22:
0x1b6: {  	_ = 	snop;
	(pc) =	sbr.rel @!p1 .LBB2_38-.Ltmp22, $1  }
0x1b7: {  	_ =	sdelay $0x3  }
.LBB2_30:
0x1b8: {  	v0 =	vld.msk [tilespmem:s10+$0xA118], $0x1;
	_ =	sdelay $0x4  }
0x1b9: {  	(v2sf) =	vpush v0, $0x0;
	_ =	sdelay $0xe  }
0x1ba: {  	s2 =	spop (v2sf)  }
0x1bb: {  	p1 =	seq.s32 s2, $0xFFFFFFFF  }
.Ltmp23:
0x1bc: {  	_ = 	snop;
	(pc) =	sbr.rel @p1 .LBB2_37-.Ltmp23, $1  }
0x1bd: {  	_ =	sdelay $0x3  }
0x1be: {  	p1 =	slt.s32 s6, $0x1  }
.Ltmp24:
0x1bf: {  	_ = 	snop;
	(pc) =	sbr.rel @p1 .LBB2_36-.Ltmp24, $1  }
0x1c0: {  	_ =	sdelay $0x3  }
0x1c1: {  	s3 =	simm.s32 $0xA118;
	p1 =	por $0x0, $0x0  }
0x1c2: {  	v1 =	vld.msk @!p1 [tilespmem:s3+$0x0], $0x1;
	_ =	sdelay $0x4  }
0x1c3: {  	(v2sf) =	vpush @!p1 v1, $0x0;
	_ =	sdelay $0xd  }
0x1c4: {  	p3 =	sne.s32 s6, $0x1  }
.Ltmp25:
0x1c5: {  	s4 =	spop @!p1 (v2sf);
	(pc) =	sbr.rel @!p3 .LBB2_34-.Ltmp25, $4  }
0x1c6: {  	p2 =	seq.s32 @!p1 s2, s4  }
0x1c7: {  	s4 =	simm.s32 $0x0;
	p2 =	por !p2, p1  }
0x1c8: {  	s11 =	simm.s32 $0xFFFFFFFF;
	s4 =	simm.s32 @p2 $0xFFFFFFFF  }
0x1c9: {  	s5 =	simm.s32 $0x1;
	s4 =	smov.u32 @p1 s11  }
.LBB2_33:
0x1ca: {  	s11 =	smov.u32 s4;
	p1 =	sne.s32 s4, $0xFFFFFFFF  }
0x1cb: {  	s3 =	sadd.s32 $0x1, s3;
	s4 =	smov.u32 s5;
	s5 =	sadd.s32 $0x1, s5  }
0x1cc: {  	p2 =	sne.s32 s6, s5;
	v1 =	vld.msk @!p1 [tilespmem:s3+$0x0], $0x1;
	_ =	sdelay $0x4  }
0x1cd: {  	(v2sf) =	vpush @!p1 v1, $0x0;
	_ =	sdelay $0xe  }
.Ltmp26:
0x1ce: {  	s12 =	spop @!p1 (v2sf);
	(pc) =	sbr.rel @p2 .LBB2_33-.Ltmp26, $4  }
0x1cf: {  	p3 =	seq.s32 @!p1 s2, s12  }
0x1d0: {  	p3 =	por !p3, p1  }
0x1d1: {  	s4 =	simm.s32 @p3 $0xFFFFFFFF  }
0x1d2: {  	s4 =	smov.u32 @p1 s11  }
.LBB2_34:
0x1d3: {  	p1 =	seq.s32 s4, $0xFFFFFFFF  }
.Ltmp27:
0x1d4: {  	_ = 	snop;
	(pc) =	sbr.rel @p1 .LBB2_36-.Ltmp27, $1  }
0x1d5: {  	_ =	sdelay $0x3  }
0x1d6: {  	s2 =	sshll.u32 s10, $0x6  }
0x1d7: {  	s2 =	sand.u32 $0x3FFFFFC0, s2  }
0x1d8: {  	v0 =	vld [tilespmem:s2+$0xA138];
	_ =	sdelay $0x2  }
0x1d9: {  	s3 =	sshll.u32 s4, $0x8  }
0x1da: {  	s3 =	sshra.s32 s3, $0x2  }
0x1db: {  	[tilespmem:s3+$0xA138] =	vst.add.f32.msk $0xffff, v0  }
0x1dc: {  	v0 =	vld [tilespmem:s2+$0xA148];
	_ =	sdelay $0x4  }
0x1dd: {  	[tilespmem:s3+$0xA148] =	vst.add.f32.msk $0xffff, v0  }
0x1de: {  	v0 =	vld [tilespmem:s2+$0xA158];
	_ =	sdelay $0x4  }
0x1df: {  	[tilespmem:s3+$0xA158] =	vst.add.f32.msk $0xffff, v0  }
0x1e0: {  	v0 =	vld [tilespmem:s2+$0xA168]  }
.Ltmp28:
0x1e1: {  	_ = 	snop;
	(pc) =	sbr.rel .LBB2_37-.Ltmp28, $2  }
0x1e2: {  	_ =	sdelay $0x2  }
0x1e3: {  	[tilespmem:s3+$0xA168] =	vst.add.f32.msk $0xffff, v0  }
.LBB2_38:
0x1e4: {  	s0 =	simm.s32 $0x6;
	p1 =	seq.s32 s6, $0x0  }
0x1e5: {  	[sflag:s0] =	ssyncpa.u1 $0x1;
	v0 =	vimm.s32 @p1 $0xFFFFFFFF  }
0x1e6: {  	s0 =	sadd.s32 $0xFFFFFFFF, s6;
	[tilespmem:$0xA938] =	vst @p1 v0  }
0x1e7: {  	v0 =	vld.msk @!p1 [tilespmem:s0+$0xA118], $0x1;
	_ =	sdelay $0x1  }
0x1e8: {  	v1 =	vld.msk @!p1 [tilespmem:$0xA118], $0x1;
	_ =	sdelay $0x2  }
0x1e9: {  	p2 =	seq.s32 @!p1 s0, $0x0;
	v0 =	vbroadcast @!p1 v0, $0x0  }
0x1ea: {  	vm0 =	vmmov @!p1 $0x1;
	p2 =	por !p2, p1  }
0x1eb: {  	v1 =	vnsel @!p1 vm0, $0xFFFFFFFF, v1;
	vm0 =	vcmask @!p1 $0x308;
	v0 =	vpsel !p2, $0xFFFFFFFF, v0  }
0x1ec: {  	p2 =	sne.s32 @!p1 s8, s7;
	v0 =	vsel @!p1 vm0, v1, v0  }
0x1ed: {  	s2 =	simm.s32 @!p1 $0xA138;
	s3 =	simm.s32 @!p1 $0x0;
	p3 =	por !p2, p1;
	[tilespmem:$0xA938] =	vst @!p1 v0  }
0x1ee: {  	[spmem:s3] =	stream.linear.scatter @!p1 [tilespmem:s2], [sflag:$0x1], $0x40, $0x38;
	[tilespmem:$0x1EF88] =	vst v63  }
0x1ef: {  	s2 =	sshll.u32 @!p3 s0, $0x8  }
0x1f0: {  	s2 =	sshra.s32 @!p3 s2, $0x2  }
0x1f1: {  	s3 =	simm.s32 @!p3 $0x40;
	s2 =	sadd.s32 @!p3 $0xA138, s2  }
0x1f2: {  	[spmem:s3] =	stream.linear.scatter @!p3 [tilespmem:s2], [sflag:$0x1], $0x40, $0x38;
	[tilespmem:$0x1EF88] =	vst v63  }
0x1f3: {  	s2 =	simm.s32 @!p3 $0x1  }
0x1f4: {  	_ =	swait.ge @!p3 [sflag:s2], $0x80  }
0x1f5: {  	p1 =	por p2, p1;
	[sflag:s2] =	ssyncset.done @!p3 $0x0  }
0x1f6: {  	[sflag:s2] =	ssyncadd.s32 @!p3 $0xFFFFFF80;
	s2 =	simm.s32 @!p1 $0x1  }
0x1f7: {  	_ =	swait.ge @!p1 [sflag:s2], $0x40  }
0x1f8: {  	s29 =	simm.s32 $0xA938;
	[sflag:s2] =	ssyncset.done @!p1 $0x0  }
0x1f9: {  	s30 =	simm.s32 $0x800;
	s31 =	simm.s32 $0x1;
	[sflag:s2] =	ssyncadd.s32 @!p1 $0xFFFFFFC0  }
0x1fa: {  	[spmem:s30] =	stream.linear.scatter [tilespmem:s29], [sflag:$0x1], $0x10, $0x38;
	[tilespmem:$0x1EF88] =	vst v63  }
0x1fb: {  	_ =	swait.ge [sflag:s31], $0x10  }
0x1fc: {  	[sflag:s31] =	ssyncset.done $0x0  }
0x1fd: {  	p1 =	seq.s32 s13, $0x0;
	s9 =	rddreg [dreg:$0x1];
	[sflag:s31] =	ssyncadd.s32 $0xFFFFFFF0  }
0x1fe: {  	s3 =	sshll.u32 @p1 s9, $0xE;
	s8 =	rddreg [dreg:$0x2]  }
0x1ff: {  	s2 =	sadd.s32 @p1 $0x15C3C, s3;
	s3 =	sshll.u32 @p1 s8, $0x11  }
0x200: {  	_ =	sfence.stream.spmem;
	s2 =	sor.u32 @p1 s3, s2  }
0x201: {  	[sflag:s2] =	ssyncadd.remote.s32 @p1 $0x1;
	s2 =	simm.s32 @p1 $0x4  }
0x202: {  	s4 =	simm.s32 @!p1 $0x3C;
	s3 =	sand.u32 $0xFFFFFFFE, s9;
	_ =	swait.ge @p1 [sflag:s2], $0x12  }
0x203: {  	s5 =	simm.s32 @!p1 $0x0;
	s3 =	sadd.s32 @!p1 $0x4, s3;
	[sflag:s2] =	ssyncset.done @p1 $0x0  }
0x204: {  	s7 =	simm.s32 @!p1 $0x80;
	[sflag:s2] =	ssyncadd.s32 @p1 $0xFFFFFFEE;
	s2 =	sshll.u32 @!p1 s3, $0x1A  }
0x205: {  	s3 =	sshll.u32 @!p1 s3, $0xD;
	s2 =	sor.u32 @!p1 s2, s8;
	_ =	swait.eq @!p1 [sflag:s4], $0x1  }
0x206: {  	s3 =	sor.u32 @!p1 $0x1C04, s3;
	s4 =	simm.s32 @!p1 $0x1C03;
	s2 =	sor.u32 @!p1 $0x80004000, s2  }
0x207: {  	[spmem:s7], [sflag:s3] =	dma.general @!p1 [spmem:s5], [sflag:s4], length:$0x10, [dreg:$0x0], stride_count:$0x0, ici_dest:s2, dma_misc:DstOpCode:WRITE  }
0x208: {  	p2 =	slt.s32 s0, $0x2;
	s5 =	simm.s32 @!p1 $0x100;
	s7 =	simm.s32 @!p1 $0x102  }
0x209: {  	[spmem:s7], [sflag:s3] =	dma.general @!p1 [spmem:s5], [sflag:s4], length:$0x2, [dreg:$0x0], stride_count:$0x0, ici_dest:s2, dma_misc:DstOpCode:WRITE  }
.Ltmp29:
0x20a: {  	s2 =	simm.s32 @!p1 $0x3;
	(pc) =	sbr.rel @p2 .LBB2_42-.Ltmp29, $4  }
0x20b: {  	s3 =	sshll.u32 @!p1 s9, $0xE;
	_ =	swait.ge @!p1 [sflag:s2], $0x12  }
0x20c: {  	s4 =	sshll.u32 @!p1 s8, $0x11;
	s3 =	sadd.s32 @!p1 $0x11C3C, s3;
	[sflag:s2] =	ssyncset.done @!p1 $0x0  }
0x20d: {  	[sflag:s2] =	ssyncadd.s32 @!p1 $0xFFFFFFEE;
	s2 =	sor.u32 @!p1 s4, s3  }
0x20e: {  	s0 =	simm.s32 $0x0;
	[sflag:s2] =	ssyncadd.remote.s32 @!p1 $0xFFFFFFFF  }
0x20f: {  	s0 =	simm.s32 $0xA119  }
0x210: {  	v0 =	vld.msk [tilespmem:s0+$0x0], $0x1;
	_ =	sdelay $0x4  }
0x211: {  	(v2sf) =	vpush v0, $0x0;
	_ =	sdelay $0xc  }
0x212: {  	s2 =	sadd.s32 $0xFFFFFFFE, s6  }
0x213: {  	s2 =	sadd.s32 $0xFFFFFFFF, s2  }
0x214: {  	p2 =	sne.s32 s2, $0x0;
	s3 =	spop (v2sf)  }
.Ltmp30:
0x215: {  	p1 =	sgt.u32 s3, $0x270F8;
	(pc) =	sbr.rel @!p2 .LBB2_41-.Ltmp30, $4  }
0x216: {  	s5 =	simm.s32 $0x0;
	s4 =	sand.u32 @!p1 $0x3FFF8, s3  }
0x217: {  	s0 =	simm.s32 $0xA178;
	s3 =	sand.u32 @!p1 $0x7, s3;
	s4 =	sadd.s32 @!p1 s1, s4  }
0x218: {  	[hbm4b:s4+s3] =	stream.linear.scatter @!p1 [tilespmem:s0], [sflag:$0x5], $0x40, $0x38;
	[tilespmem:$0x1EF88] =	vst v63  }
0x219: {  	s5 =	simm.s32 @!p1 $0x100;
	s3 =	simm.s32 $0x0;
	s4 =	simm.s32 $0xA11A  }
.LBB2_40:
0x21a: {  	v0 =	vld.msk [tilespmem:s4+$0x0], $0x1;
	s2 =	sadd.s32 $0xFFFFFFFF, s2;
	s3 =	sadd.s32 s3, s5  }
0x21b: {  	p1 =	sne.s32 s2, $0x0;
	_ =	sdelay $0x3  }
0x21c: {  	(v2sf) =	vpush v0, $0x0;
	_ =	sdelay $0xe  }
.Ltmp31:
0x21d: {  	s6 =	spop (v2sf);
	(pc) =	sbr.rel @p1 .LBB2_40-.Ltmp31, $4  }
0x21e: {  	s5 =	simm.s32 $0x0;
	p2 =	sgt.u32 s6, $0x270F8  }
0x21f: {  	s0 =	sadd.s32 $0x40, s0;
	s5 =	simm.s32 @!p2 $0x100;
	s7 =	sand.u32 @!p2 $0x3FFF8, s6  }
0x220: {  	s4 =	sadd.s32 $0x1, s4;
	s6 =	sand.u32 @!p2 $0x7, s6;
	s7 =	sadd.s32 @!p2 s1, s7  }
0x221: {  	[hbm4b:s7+s6] =	stream.linear.scatter @!p2 [tilespmem:s0], [sflag:$0x5], $0x40, $0x38;
	[tilespmem:$0x1EF88] =	vst v63  }
.LBB2_41:
0x222: {  	s0 =	sadd.s32 s3, s5  }
0x223: {  	s0 =	sshrl.u32 s0, $0x2  }
.LBB2_42:
0x224: {  	s2 =	simm.s32 $0x5  }
0x225: {  	_ =	swait.ge [sflag:s2], s0  }
0x226: {  	s31 =	ssub.s32 $0x0, s0;
	[sflag:s2] =	ssyncset.done $0x0  }
0x227: {  	[sflag:s2] =	ssyncadd.s32 s31  }
0x228: {  	[sflag:s2] =	ssyncpa.u1 $0x1  }
.LBB2_43:
0x229: {  	s0 =	sor.u32 s13, s14  }
0x22a: {  	p1 =	sne.s32 s0, $0x0  }
.Ltmp32:
0x22b: {  	_ = 	snop;
	(pc) =	sbr.rel @p1 .LBB2_58-.Ltmp32, $3  }
0x22c: {  	_ =	sdelay $0x1  }
0x22d: {  	[bflag:$0x0] =	sbarrier.arrive $0xFFFF  }
0x22e: {  	_ =	sfence  }
0x22f: {  	s2 =	simm.s32 $0x7  }
0x230: {  	s0 =	simm.s32 $0x800;
	s3 =	simm.s32 $0xA118;
	[sflag:s2] =	ssyncpa.u1 $0x0  }
0x231: {  	[tilespmem:s3], [sflag:$0x7] =	stream.linear.gather [spmem:s0], $0x20, $0x38;
	[tilespmem:$0x1EF88] =	vst v63  }
0x232: {  	s30 =	simm.s32 $0xA138;
	s0 =	simm.s32 $0x0  }
0x233: {  	[tilespmem:s30], [sflag:$0x7] =	stream.linear.gather [spmem:s0], $0x800, $0x38;
	[tilespmem:$0x1EF88] =	vst v63  }
.Ltmp33:
0x234: {  	_ = 	snop;
	(pc) =	sbr.rel .LBB2_45-.Ltmp33, $4  }
0x235: {  	_ =	swait.ge [sflag:s2], $0x820  }
0x236: {  	[sflag:s2] =	ssyncset.done $0x0  }
0x237: {  	s31 =	simm.s32 $0x8;
	[sflag:s2] =	ssyncadd.s32 $0xFFFFF7E0  }
0x238: {  	s2 =	simm.s32 $0x0;
	[sflag:s31] =	ssyncpa.u1 $0x0  }
.LBB2_51:
0x239: {  	p1 =	slt.u32 s3, $0x270F9  }
0x23a: {  	s4 =	sand.u32 @p1 $0x3FFF8, s3  }
0x23b: {  	s3 =	sand.u32 @p1 $0x7, s3;
	s5 =	simm.s32 @p1 $0xA0C8;
	s4 =	sadd.s32 @p1 s1, s4  }
0x23c: {  	[tilespmem:s5], [sflag:$0x8] =	stream.linear.gather @p1 [hbm4b:s4+s3], $0x40, $0x38;
	[tilespmem:$0x1EF88] =	vst v63  }
0x23d: {  	s3 =	simm.s32 @p1 $0x8  }
0x23e: {  	_ =	swait.ge @p1 [sflag:s3], $0x40  }
0x23f: {  	[sflag:s3] =	ssyncset.done @p1 $0x0  }
0x240: {  	[sflag:s3] =	ssyncadd.s32 @p1 $0xFFFFFFC0  }
0x241: {  	v1 =	vld @p1 [tilespmem:$0xA0C8];
	_ =	sdelay $0x2  }
0x242: {  	s3 =	sshll.u32 @p1 s2, $0x8  }
0x243: {  	s4 =	sshrl.u32 @p1 s3, $0x2  }
0x244: {  	[tilespmem:s4+$0xA138] =	vst.add.f32.msk @p1 $0xffff, v1  }
0x245: {  	v1 =	vld @p1 [tilespmem:$0xA0D8];
	_ =	sdelay $0x4  }
0x246: {  	[tilespmem:s4+$0xA148] =	vst.add.f32.msk @p1 $0xffff, v1  }
0x247: {  	v1 =	vld @p1 [tilespmem:$0xA0E8];
	_ =	sdelay $0x4  }
0x248: {  	[tilespmem:s4+$0xA158] =	vst.add.f32.msk @p1 $0xffff, v1  }
0x249: {  	v1 =	vld @p1 [tilespmem:$0xA0F8];
	_ =	sdelay $0x3  }
0x24a: {  	s5 =	sshll.u32 @!p1 s2, $0x8  }
0x24b: {  	s5 =	smov.u32 @p1 s3;
	[tilespmem:s4+$0xA168] =	vst.add.f32.msk @p1 $0xffff, v1  }
0x24c: {  	s3 =	sshrl.u32 s5, $0x2;
	[tilespmem:s0+$0xA118] =	vst.msk $0x1, v0  }
0x24d: {  	v0 =	vld [tilespmem:s3+$0xA138];
	_ =	sdelay $0x2  }
0x24e: {  	s31 =	sshll.u32 s0, $0x8  }
0x24f: {  	s4 =	sshra.s32 s31, $0x2  }
0x250: {  	[tilespmem:s4+$0xA138] =	vst v0  }
0x251: {  	v0 =	vld [tilespmem:s3+$0xA148];
	_ =	sdelay $0x4  }
0x252: {  	[tilespmem:s4+$0xA148] =	vst v0  }
0x253: {  	v0 =	vld [tilespmem:s3+$0xA158];
	_ =	sdelay $0x4  }
0x254: {  	[tilespmem:s4+$0xA158] =	vst v0  }
0x255: {  	v0 =	vld [tilespmem:s3+$0xA168];
	_ =	sdelay $0x4  }
0x256: {  	s0 =	sadd.s32 $0x1, s0;
	[tilespmem:s4+$0xA168] =	vst v0  }
.LBB2_52:
0x257: {  	s2 =	sadd.s32 $0x1, s2  }
0x258: {  	p1 =	sne.s32 s2, $0x20  }
.Ltmp34:
0x259: {  	_ = 	snop;
	(pc) =	sbr.rel @!p1 .LBB2_53-.Ltmp34, $1  }
0x25a: {  	_ =	sdelay $0x3  }
.LBB2_45:
0x25b: {  	v0 =	vld.msk [tilespmem:s2+$0xA118], $0x1;
	_ =	sdelay $0x4  }
0x25c: {  	(v2sf) =	vpush v0, $0x0;
	_ =	sdelay $0xe  }
0x25d: {  	s3 =	spop (v2sf)  }
0x25e: {  	p1 =	seq.s32 s3, $0xFFFFFFFF  }
.Ltmp35:
0x25f: {  	_ = 	snop;
	(pc) =	sbr.rel @p1 .LBB2_52-.Ltmp35, $1  }
0x260: {  	_ =	sdelay $0x3  }
0x261: {  	p1 =	slt.s32 s0, $0x1  }
.Ltmp36:
0x262: {  	_ = 	snop;
	(pc) =	sbr.rel @p1 .LBB2_51-.Ltmp36, $1  }
0x263: {  	_ =	sdelay $0x3  }
0x264: {  	s4 =	simm.s32 $0xA118;
	p1 =	por $0x0, $0x0  }
0x265: {  	v1 =	vld.msk @!p1 [tilespmem:s4+$0x0], $0x1;
	_ =	sdelay $0x4  }
0x266: {  	(v2sf) =	vpush @!p1 v1, $0x0;
	_ =	sdelay $0xd  }
0x267: {  	p3 =	sne.s32 s0, $0x1  }
.Ltmp37:
0x268: {  	s5 =	spop @!p1 (v2sf);
	(pc) =	sbr.rel @!p3 .LBB2_49-.Ltmp37, $4  }
0x269: {  	p2 =	seq.s32 @!p1 s3, s5  }
0x26a: {  	s5 =	simm.s32 $0x0;
	p2 =	por !p2, p1  }
0x26b: {  	s7 =	simm.s32 $0xFFFFFFFF;
	s5 =	simm.s32 @p2 $0xFFFFFFFF  }
0x26c: {  	s6 =	simm.s32 $0x1;
	s5 =	smov.u32 @p1 s7  }
.LBB2_48:
0x26d: {  	s7 =	smov.u32 s5;
	p1 =	sne.s32 s5, $0xFFFFFFFF  }
0x26e: {  	s4 =	sadd.s32 $0x1, s4;
	s5 =	smov.u32 s6;
	s6 =	sadd.s32 $0x1, s6  }
0x26f: {  	p2 =	sne.s32 s0, s6;
	v1 =	vld.msk @!p1 [tilespmem:s4+$0x0], $0x1;
	_ =	sdelay $0x4  }
0x270: {  	(v2sf) =	vpush @!p1 v1, $0x0;
	_ =	sdelay $0xe  }
.Ltmp38:
0x271: {  	s8 =	spop @!p1 (v2sf);
	(pc) =	sbr.rel @p2 .LBB2_48-.Ltmp38, $4  }
0x272: {  	p3 =	seq.s32 @!p1 s3, s8  }
0x273: {  	p3 =	por !p3, p1  }
0x274: {  	s5 =	simm.s32 @p3 $0xFFFFFFFF  }
0x275: {  	s5 =	smov.u32 @p1 s7  }
.LBB2_49:
0x276: {  	p1 =	seq.s32 s5, $0xFFFFFFFF  }
.Ltmp39:
0x277: {  	_ = 	snop;
	(pc) =	sbr.rel @p1 .LBB2_51-.Ltmp39, $1  }
0x278: {  	_ =	sdelay $0x3  }
0x279: {  	s3 =	sshll.u32 s2, $0x6  }
0x27a: {  	s3 =	sand.u32 $0x3FFFFFC0, s3  }
0x27b: {  	v0 =	vld [tilespmem:s3+$0xA138];
	_ =	sdelay $0x2  }
0x27c: {  	s4 =	sshll.u32 s5, $0x8  }
0x27d: {  	s4 =	sshra.s32 s4, $0x2  }
0x27e: {  	[tilespmem:s4+$0xA138] =	vst.add.f32.msk $0xffff, v0  }
0x27f: {  	v0 =	vld [tilespmem:s3+$0xA148];
	_ =	sdelay $0x4  }
0x280: {  	[tilespmem:s4+$0xA148] =	vst.add.f32.msk $0xffff, v0  }
0x281: {  	v0 =	vld [tilespmem:s3+$0xA158];
	_ =	sdelay $0x4  }
0x282: {  	[tilespmem:s4+$0xA158] =	vst.add.f32.msk $0xffff, v0  }
0x283: {  	v0 =	vld [tilespmem:s3+$0xA168]  }
.Ltmp40:
0x284: {  	_ = 	snop;
	(pc) =	sbr.rel .LBB2_52-.Ltmp40, $2  }
0x285: {  	_ =	sdelay $0x2  }
0x286: {  	[tilespmem:s4+$0xA168] =	vst.add.f32.msk $0xffff, v0  }
.LBB2_53:
0x287: {  	p1 =	slt.s32 s0, $0x1  }
.Ltmp41:
0x288: {  	_ = 	snop;
	(pc) =	sbr.rel @p1 .LBB2_57-.Ltmp41, $3  }
0x289: {  	_ =	sdelay $0x1  }
0x28a: {  	s2 =	simm.s32 $0x8  }
0x28b: {  	[sflag:s2] =	ssyncpa.u1 $0x1;
	s2 =	simm.s32 $0x0  }
0x28c: {  	s3 =	simm.s32 $0xA118  }
0x28d: {  	v0 =	vld.msk [tilespmem:s3+$0x0], $0x1;
	_ =	sdelay $0x4  }
0x28e: {  	(v2sf) =	vpush v0, $0x0;
	_ =	sdelay $0xe  }
0x28f: {  	s0 =	sadd.s32 $0xFFFFFFFF, s0;
	s4 =	spop (v2sf)  }
0x290: {  	p2 =	sne.s32 s0, $0x0;
	p1 =	sgt.u32 s4, $0x270F8  }
.Ltmp42:
0x291: {  	s5 =	sand.u32 @!p1 $0x3FFF8, s4;
	(pc) =	sbr.rel @!p2 .LBB2_56-.Ltmp42, $4  }
0x292: {  	s3 =	simm.s32 $0xA138;
	s4 =	sand.u32 @!p1 $0x7, s4;
	s5 =	sadd.s32 @!p1 s1, s5  }
0x293: {  	[hbm4b:s5+s4] =	stream.linear.scatter @!p1 [tilespmem:s3], [sflag:$0x7], $0x40, $0x38;
	[tilespmem:$0x1EF88] =	vst v63  }
0x294: {  	s5 =	simm.s32 $0x0  }
0x295: {  	s4 =	simm.s32 $0xA119;
	s5 =	simm.s32 @!p1 $0x100  }
.LBB2_55:
0x296: {  	v0 =	vld.msk [tilespmem:s4+$0x0], $0x1;
	s0 =	sadd.s32 $0xFFFFFFFF, s0;
	s2 =	sadd.s32 s2, s5  }
0x297: {  	p1 =	sne.s32 s0, $0x0;
	_ =	sdelay $0x3  }
0x298: {  	(v2sf) =	vpush v0, $0x0;
	_ =	sdelay $0xe  }
.Ltmp43:
0x299: {  	s6 =	spop (v2sf);
	(pc) =	sbr.rel @p1 .LBB2_55-.Ltmp43, $4  }
0x29a: {  	s5 =	simm.s32 $0x0;
	p2 =	sgt.u32 s6, $0x270F8  }
0x29b: {  	s3 =	sadd.s32 $0x40, s3;
	s5 =	simm.s32 @!p2 $0x100;
	s7 =	sand.u32 @!p2 $0x3FFF8, s6  }
0x29c: {  	s4 =	sadd.s32 $0x1, s4;
	s6 =	sand.u32 @!p2 $0x7, s6;
	s7 =	sadd.s32 @!p2 s1, s7  }
0x29d: {  	[hbm4b:s7+s6] =	stream.linear.scatter @!p2 [tilespmem:s3], [sflag:$0x7], $0x40, $0x38;
	[tilespmem:$0x1EF88] =	vst v63  }
.LBB2_56:
0x29e: {  	s0 =	sadd.s32 s2, s5  }
0x29f: {  	s2 =	sshrl.u32 s0, $0x2  }
.LBB2_57:
0x2a0: {  	s0 =	simm.s32 $0x7  }
0x2a1: {  	_ =	swait.ge [sflag:s0], s2  }
0x2a2: {  	s1 =	ssub.s32 $0x0, s2;
	[sflag:s0] =	ssyncset.done $0x0  }
0x2a3: {  	[sflag:s0] =	ssyncadd.s32 s1  }
0x2a4: {  	[sflag:s0] =	ssyncpa.u1 $0x1  }
.LBB2_58:
0x2a5: {  	_ =	sfence;
	s0 =	simm.s32 $0x1  }
0x2a6: {  	[sflag:s0] =	ssyncpa.u1 $0x1  }
0x2a7: {  	_ =	strace $0x9000004D  }
0x2a8: {  	[bflag:$0x2] =	sbarrier.arrive $0xFFFF  }
0x2a9: {  	s0 =	rddreg [dreg:$0x3]  }
0x2aa: {  	s0 =	sadd.s32 @!p0 $0x100000, s0  }
0x2ab: {  	[sflag:s0] =	ssyncadd.tile.s32 @!p0 $0x1;
	_ =	shalt  }
.Lfunc_end2:
_tile_overlayer_lowered:
.L_overlay_start_2:
0x2ac: {  	(tag) =	ssettag $0x2  }
0x2ad: {  	s0 =	rddreg [dreg:$0x0];
	s2 =	stileid.u32  }
0x2ae: {  	s1 =	rddreg [dreg:$0x1];
	p0 =	sne.s32 s2, $0x0  }
0x2af: {  	s3 =	rddreg [dreg:$0x2];
	[bflag:$0x3] =	sbarrier.arrive $0xFFFF;
	s2 =	simm.s32 @!p0 $0x1C01  }
0x2b0: {  	[timem:s3], [sflag:s2] =	dma.local @!p0 [hbm:s0], s1  }
0x2b1: {  	s0 =	simm.s32 @!p0 $0x1  }
0x2b2: {  	_ =	swait.ge @!p0 [sflag:s0], s1  }
0x2b3: {  	s1 =	ssub.s32 @!p0 $0x0, s1;
	[sflag:s0] =	ssyncset.done @!p0 $0x0  }
0x2b4: {  	[sflag:s0] =	ssyncadd.s32 @!p0 s1  }
0x2b5: {  	[bflag:$0x3] =	sbarrier.arrive $0xFFFF  }
0x2b6: {  	_ =	shalt  }

</sc_bundles>
